<compile_context>
chip_gen: v7x
topology: tpu7x:2x2x1
jax: 0.10.2.dev20260603
libtpu: 0.0.44.dev20260713+nightly
codegen_flags: <defaults>
</compile_context>

<pallas_src>
import functools

import jax
import jax.numpy as jnp
from jax import lax
from jax.experimental import pallas as pl
from jax.experimental.pallas import tpu as pltpu
from jax.experimental.pallas import tpu_sc as plsc


_UNT_BV = 16384


def _untile_body(tt_ref, out_ref):
    d, bv = tt_ref.shape
    m = (bv * d) // 128
    out_ref[...] = jnp.concatenate(
        [tt_ref[:, q * m:(q + 1) * m].T for q in range(128 // d)], axis=1
    )


@functools.lru_cache(maxsize=None)
def _build_untile(V, D):
    bv = _UNT_BV
    grid = (V + bv - 1) // bv
    m = (bv * D) // 128
    return pl.pallas_call(
        _untile_body,
        grid=(grid,),
        in_specs=[pl.BlockSpec((D, bv), lambda i: (0, i))],
        out_specs=pl.BlockSpec((m, 128), lambda i: (i, 0)),
        out_shape=jax.ShapeDtypeStruct((grid * m, 128), jnp.float32),
    )

NC = 2
NS = 16
NW = NC * NS
LANES = 16
BLK = 128
NBUF = 4
PREF = 2


def _tanh16(v):
    e = jnp.exp(jnp.minimum(-2.0 * v, 20.0))
    return (1.0 - e) / (1.0 + e)


@functools.lru_cache(maxsize=None)
def _build(B, S, V, D):
    QW = NBUF * BLK
    DT = D // 8
    mb = (_UNT_BV * D) // 128
    qn = 128 // D
    msh = mb.bit_length() - 1
    mesh = plsc.VectorSubcoreMesh(core_axis_name="c", subcore_axis_name="s")

    @functools.partial(
        pl.kernel,
        out_type=jax.ShapeDtypeStruct((S, DT, B // BLK, 8, BLK), jnp.float32),
        mesh=mesh,
        scratch_types=[
            pltpu.VMEM((QW, S), jnp.int32),
            pltpu.VMEM((S, QW), jnp.int32),
            pltpu.VMEM((NBUF, BLK, D), jnp.float32),
            pltpu.VMEM((NBUF, D, BLK + 1), jnp.float32),
            pltpu.SemaphoreType.DMA((NBUF,)),
            pltpu.SemaphoreType.DMA((NBUF,)),
        ],
        compiler_params=pltpu.CompilerParams(
            use_tc_tiling_on_sc=False, needs_layout_passes=False
        ),
    )
    def k(x_hbm, table_hbm, y_hbm, xbuf, idx_v, gbuf, obuf, gsem, ssem):
        wid = lax.axis_index("s") * NC + lax.axis_index("c")
        q0 = wid * QW
        lane = lax.iota(jnp.int32, LANES)

        pltpu.sync_copy(x_hbm.at[pl.ds(q0, QW)], xbuf)

        @plsc.parallel_loop(0, S * (QW // LANES), unroll=4)
        def _tr(i):
            s = i // (QW // LANES)
            r16 = i % (QW // LANES)
            rows = r16 * LANES + lane
            cols = jnp.full((LANES,), s, jnp.int32)
            v = plsc.load_gather(xbuf, [rows, cols])
            g = (v & -_UNT_BV) + ((v & (mb - 1)) * qn) + ((v >> msh) & (qn - 1))
            idx_v[s, pl.ds(r16 * LANES, LANES)] = g

        dg_rows = [jnp.full((LANES,), dg * LANES, jnp.int32) + lane
                   for dg in range(D // LANES)]

        def gather(s, u):
            pltpu.async_copy(
                table_hbm.at[idx_v.at[s, pl.ds(u * BLK, BLK)]],
                gbuf.at[u],
                gsem.at[u],
            )


        for u in range(PREF):
            gather(0, u)

        def s_body(s, carry):
            for u in range(NBUF):
                tc = wid * NBUF + u
                nu = (u + PREF) % NBUF
                ns = s + (u + PREF) // NBUF

                @pl.when(ns < S)
                def _():
                    gather(ns, nu)

                pltpu.make_async_copy(
                    table_hbm.at[idx_v.at[s, pl.ds(u * BLK, BLK)]],
                    gbuf.at[u],
                    gsem.at[u],
                ).wait()

                @pl.when(s > 0)
                def _():
                    for tr in range(DT):
                        pltpu.make_async_copy(
                            obuf.at[u, pl.ds(tr * 8, 8), pl.ds(0, BLK)],
                            y_hbm.at[s - 1, tr, tc],
                            ssem.at[u],
                        ).wait()

                @plsc.parallel_loop(0, BLK, unroll=4)
                def _cols(c):
                    cvec = jnp.full((LANES,), c, jnp.int32)
                    for dg in range(D // LANES):
                        v = gbuf[u, c, pl.ds(dg * LANES, LANES)]
                        plsc.store_scatter(
                            obuf.at[u], [dg_rows[dg], cvec], _tanh16(v)
                        )

                for tr in range(DT):
                    pltpu.async_copy(
                        obuf.at[u, pl.ds(tr * 8, 8), pl.ds(0, BLK)],
                        y_hbm.at[s, tr, tc],
                        ssem.at[u],
                    )
            return carry

        lax.fori_loop(0, S, s_body, 0)
        for u in range(NBUF):
            for tr in range(DT):
                pltpu.make_async_copy(
                    obuf.at[u, pl.ds(tr * 8, 8), pl.ds(0, BLK)],
                    y_hbm.at[S - 1, tr, wid * NBUF + u],
                    ssem.at[u],
                ).wait()

    return k


def kernel(x, table):
    B, S = x.shape
    V, D = table.shape
    lin = _build_untile(V, D)(table.T).reshape(-1, D)
    y = _build(B, S, V, D)(x.astype(jnp.int32), lin)
    return y.transpose(2, 4, 0, 1, 3).reshape(B, S, D)

# --- scband reference (transcript-rebuilt; emitter-appended) ---
"""Pipeline reference for scband-question-embedding-69810398429370 (READ-ONLY COPY).

The authoritative reference and input builder live on the scoring server;
editing this copy changes nothing except your own understanding.
"""

import jax, jax.numpy as jnp
import numpy as np

VOCAB = 1000000
EMBED = 32

def setup_inputs(seed: int = 0) -> dict:
    key = jax.random.key(seed)
    k1, k2 = jax.random.split(key)
    x = jax.random.randint(k1, (16384, 50), 0, VOCAB)
    table = jax.random.normal(k2, (VOCAB, EMBED), dtype=jnp.float32)
    return {"x": x, "table": table}

def reference(x, table):
    # embedding lookup (gather)
    emb = jnp.take(table, x, axis=0)
    # dropout is identity at inference; tanh activation
    return jnp.tanh(emb)

if __name__ == "__main__":
    import jax
    _d = setup_inputs()
    print(jax.jit(kernel)(*tuple(_d.values())))

</pallas_src>

<mosaic_0001>
#map = affine_map<(d0, d1) -> (0, 0)>
#map1 = affine_map<(d0, d1) -> (0, 0, 0, 0, 0)>
module attributes {stable_mosaic.version = 14 : i64} {
  func.func @k(%arg0: i32, %arg1: i32, %arg2: memref<16384x50xi32, #tpu.memory_space<hbm>>, %arg3: memref<1015808x32xf32, #tpu.memory_space<hbm>>, %arg4: memref<50x4x128x8x128xf32, #tpu.memory_space<hbm>>, %arg5: memref<512x50xi32, #tpu.memory_space<vmem>>, %arg6: memref<50x512xi32, #tpu.memory_space<vmem>>, %arg7: memref<4x128x32xf32, #tpu.memory_space<vmem>>, %arg8: memref<4x32x129xf32, #tpu.memory_space<vmem>>, %arg9: memref<4x!tpu.dma_semaphore, #tpu.memory_space<semaphore_mem>>, %arg10: memref<4x!tpu.dma_semaphore, #tpu.memory_space<semaphore_mem>>) attributes {dimension_semantics = [#tpu.dimension_semantics<core_parallel>, #tpu.dimension_semantics<subcore_parallel>], iteration_bounds = array<i64: 2, 16>, scalar_prefetch = 0 : i64, scratch_operands = 6 : i64, tpu.core_type = #tpu.core_type<sc_vector_subcore>, window_params = [{transform_indices = #map}, {transform_indices = #map}, {transform_indices = #map1}]} {
    %mul3A = arith.constant 2 : i32
    %mul3A_0 = arith.muli %arg1, %mul3A : i32
    %add3A = arith.addi %mul3A_0, %arg0 : i32
    %mul3A_1 = arith.constant 512 : i32
    %mul3A_2 = arith.muli %add3A, %mul3A_1 : i32
    %iota3A = tpu.iota {dimensions = array<i32: 0>} : vector<16xi32>
    "tpu.region"() ({
      %run_scoped3A = tpu.sem_alloc : memref<!tpu.dma_semaphore, #tpu.memory_space<semaphore_mem>>
      %dma_start3A_459 = arith.constant 0 : i32
      %dma_start3A_460 = tpu.memref_slice %arg2[%mul3A_2, %dma_start3A_459] : memref<16384x50xi32, #tpu.memory_space<hbm>> -> memref<512x50xi32, #tpu.memory_space<hbm>>
      %dma_start3A_461 = arith.constant 0 : i32
      %dma_start3A_462 = tpu.memref_slice %arg2[%mul3A_2, %dma_start3A_461] : memref<16384x50xi32, #tpu.memory_space<hbm>> -> memref<512x50xi32, #tpu.memory_space<hbm>>
      tpu.enqueue_dma source(%dma_start3A_462 : memref<512x50xi32, #tpu.memory_space<hbm>>) target(%arg5 : memref<512x50xi32, #tpu.memory_space<vmem>>) target_semaphore(%run_scoped3A : memref<!tpu.dma_semaphore, #tpu.memory_space<semaphore_mem>>)
      %dma_wait3A_463 = arith.constant 0 : i32
      %dma_wait3A_464 = tpu.memref_slice %arg2[%mul3A_2, %dma_wait3A_463] : memref<16384x50xi32, #tpu.memory_space<hbm>> -> memref<512x50xi32, #tpu.memory_space<hbm>>
      %dma_wait3A_465 = arith.constant 0 : i32
      %dma_wait3A_466 = tpu.memref_slice %arg2[%mul3A_2, %dma_wait3A_465] : memref<16384x50xi32, #tpu.memory_space<hbm>> -> memref<512x50xi32, #tpu.memory_space<hbm>>
      tpu.wait_dma2 semaphore(%run_scoped3A : memref<!tpu.dma_semaphore, #tpu.memory_space<semaphore_mem>>) src(%dma_wait3A_466 : memref<512x50xi32, #tpu.memory_space<hbm>>) dst(%arg5 : memref<512x50xi32, #tpu.memory_space<vmem>>)
      tpu.yield
    }) : () -> ()
    %parallel_loop3A = arith.constant 0 : i32
    %parallel_loop3A_3 = arith.constant 1600 : i32
    %parallel_loop3A_4 = arith.constant 1 : i32
    scf.for %parallel_loop3A_459 = %parallel_loop3A to %parallel_loop3A_3 step %parallel_loop3A_4  : i32 {
      %parallel_loop3A_460 = arith.constant 32 : i32
      %parallel_loop3A_461 = arith.divsi %parallel_loop3A_459, %parallel_loop3A_460 : i32
      %parallel_loop3A_462 = arith.constant 0 : i32
      %parallel_loop3A_463 = arith.cmpi sgt, %parallel_loop3A_459, %parallel_loop3A_462 : i32
      %parallel_loop3A_464 = arith.extui %parallel_loop3A_463 : i1 to i32
      %parallel_loop3A_465 = arith.constant 0 : i32
      %parallel_loop3A_466 = arith.cmpi slt, %parallel_loop3A_459, %parallel_loop3A_465 : i32
      %parallel_loop3A_467 = arith.extui %parallel_loop3A_466 : i1 to i32
      %parallel_loop3A_468 = arith.subi %parallel_loop3A_464, %parallel_loop3A_467 : i32
      %parallel_loop3A_469 = arith.constant 0 : i32
      %parallel_loop3A_470 = arith.cmpi sgt, %parallel_loop3A_460, %parallel_loop3A_469 : i32
      %parallel_loop3A_471 = arith.extui %parallel_loop3A_470 : i1 to i32
      %parallel_loop3A_472 = arith.constant 0 : i32
      %parallel_loop3A_473 = arith.cmpi slt, %parallel_loop3A_460, %parallel_loop3A_472 : i32
      %parallel_loop3A_474 = arith.extui %parallel_loop3A_473 : i1 to i32
      %parallel_loop3A_475 = arith.subi %parallel_loop3A_471, %parallel_loop3A_474 : i32
      %parallel_loop3A_476 = arith.cmpi ne, %parallel_loop3A_468, %parallel_loop3A_475 : i32
      %parallel_loop3A_477 = arith.remsi %parallel_loop3A_459, %parallel_loop3A_460 : i32
      %parallel_loop3A_478 = arith.constant 0 : i32
      %parallel_loop3A_479 = arith.cmpi ne, %parallel_loop3A_477, %parallel_loop3A_478 : i32
      %parallel_loop3A_480 = arith.andi %parallel_loop3A_476, %parallel_loop3A_479 : i1
      %parallel_loop3A_481 = arith.constant 1 : i32
      %parallel_loop3A_482 = arith.subi %parallel_loop3A_461, %parallel_loop3A_481 : i32
      %parallel_loop3A_483 = arith.select %parallel_loop3A_480, %parallel_loop3A_482, %parallel_loop3A_461 : i32
      %parallel_loop3A_484 = arith.constant 32 : i32
      %parallel_loop3A_485 = arith.constant 0 : i32
      %parallel_loop3A_486 = arith.cmpi eq, %parallel_loop3A_484, %parallel_loop3A_485 : i32
      %parallel_loop3A_487 = arith.constant 1 : i32
      %parallel_loop3A_488 = arith.select %parallel_loop3A_486, %parallel_loop3A_487, %parallel_loop3A_484 : i32
      %parallel_loop3A_489 = arith.remsi %parallel_loop3A_459, %parallel_loop3A_488 : i32
      %parallel_loop3A_490 = arith.constant 0 : i32
      %parallel_loop3A_491 = arith.cmpi ne, %parallel_loop3A_489, %parallel_loop3A_490 : i32
      %parallel_loop3A_492 = arith.constant 0 : i32
      %parallel_loop3A_493 = arith.cmpi slt, %parallel_loop3A_489, %parallel_loop3A_492 : i32
      %parallel_loop3A_494 = arith.constant 0 : i32
      %parallel_loop3A_495 = arith.cmpi slt, %parallel_loop3A_488, %parallel_loop3A_494 : i32
      %parallel_loop3A_496 = arith.xori %parallel_loop3A_493, %parallel_loop3A_495 : i1
      %parallel_loop3A_497 = arith.andi %parallel_loop3A_496, %parallel_loop3A_491 : i1
      %parallel_loop3A_498 = arith.addi %parallel_loop3A_489, %parallel_loop3A_488 : i32
      %parallel_loop3A_499 = arith.select %parallel_loop3A_497, %parallel_loop3A_498, %parallel_loop3A_489 : i32
      %parallel_loop3A_500 = arith.constant 16 : i32
      %parallel_loop3A_501 = arith.muli %parallel_loop3A_499, %parallel_loop3A_500 : i32
      %parallel_loop3A_502 = vector.broadcast %parallel_loop3A_501 : i32 to vector<16xi32>
      %parallel_loop3A_503 = arith.addi %parallel_loop3A_502, %iota3A : vector<16xi32>
      %parallel_loop3A_504 = vector.broadcast %parallel_loop3A_483 : i32 to vector<16xi32>
      %parallel_loop3A_505 = tpu.vector_load_idx %arg5[%parallel_loop3A_503, %parallel_loop3A_504] : memref<512x50xi32, #tpu.memory_space<vmem>>[vector<16xi32>, vector<16xi32>], vector<16xi32>,
      %parallel_loop3A_506 = arith.constant -16384 : i32
      %parallel_loop3A_507 = vector.broadcast %parallel_loop3A_506 : i32 to vector<16xi32>
      %parallel_loop3A_508 = arith.andi %parallel_loop3A_505, %parallel_loop3A_507 : vector<16xi32>
      %parallel_loop3A_509 = arith.constant 4095 : i32
      %parallel_loop3A_510 = vector.broadcast %parallel_loop3A_509 : i32 to vector<16xi32>
      %parallel_loop3A_511 = arith.andi %parallel_loop3A_505, %parallel_loop3A_510 : vector<16xi32>
      %parallel_loop3A_512 = arith.constant 4 : i32
      %parallel_loop3A_513 = vector.broadcast %parallel_loop3A_512 : i32 to vector<16xi32>
      %parallel_loop3A_514 = arith.muli %parallel_loop3A_511, %parallel_loop3A_513 : vector<16xi32>
      %parallel_loop3A_515 = arith.addi %parallel_loop3A_508, %parallel_loop3A_514 : vector<16xi32>
      %parallel_loop3A_516 = arith.constant 12 : i32
      %parallel_loop3A_517 = vector.broadcast %parallel_loop3A_516 : i32 to vector<16xi32>
      %parallel_loop3A_518 = arith.shrsi %parallel_loop3A_505, %parallel_loop3A_517 : vector<16xi32>
      %parallel_loop3A_519 = arith.constant 3 : i32
      %parallel_loop3A_520 = vector.broadcast %parallel_loop3A_519 : i32 to vector<16xi32>
      %parallel_loop3A_521 = arith.andi %parallel_loop3A_518, %parallel_loop3A_520 : vector<16xi32>
      %parallel_loop3A_522 = arith.addi %parallel_loop3A_515, %parallel_loop3A_521 : vector<16xi32>
      %parallel_loop3A_523 = arith.constant 16 : i32
      %parallel_loop3A_524 = arith.muli %parallel_loop3A_499, %parallel_loop3A_523 : i32
      %parallel_loop3A_525 = arith.index_cast %parallel_loop3A_483 : i32 to index
      %parallel_loop3A_526 = arith.index_cast %parallel_loop3A_524 : i32 to index
      %parallel_loop3A_527 = tpu.vector_load %arg6[%parallel_loop3A_525, %parallel_loop3A_526] {strides = array<i32>} : memref<50x512xi32, #tpu.memory_space<vmem>>, vector<16xi32>,
      tpu.vector_store %arg6[%parallel_loop3A_525, %parallel_loop3A_526], %parallel_loop3A_522 {strides = array<i32>} : memref<50x512xi32, #tpu.memory_space<vmem>>, vector<16xi32>,
    } {sc.loop_unroll_factor = 4 : i64, sc.parallel_access}
    %broadcast_in_dim3A = arith.constant 0 : i32
    %broadcast_in_dim3A_5 = vector.broadcast %broadcast_in_dim3A : i32 to vector<16xi32>
    %add3A_6 = arith.addi %broadcast_in_dim3A_5, %iota3A : vector<16xi32>
    %broadcast_in_dim3A_7 = arith.constant 16 : i32
    %broadcast_in_dim3A_8 = vector.broadcast %broadcast_in_dim3A_7 : i32 to vector<16xi32>
    %add3A_9 = arith.addi %broadcast_in_dim3A_8, %iota3A : vector<16xi32>
    %dma_start3A = arith.constant 0 : i32
    %dma_start3A_10 = arith.constant 0 : i32
    %dma_start3A_11 = arith.constant 0 : i32
    %dma_start3A_12 = arith.constant 0 : i32
    %dma_start3A_13 = arith.constant 0 : i32
    %dma_start3A_14 = tpu.memref_slice %arg7[%dma_start3A_10, %dma_start3A_12, %dma_start3A_13] : memref<4x128x32xf32, #tpu.memory_space<vmem>> -> memref<1x128x32xf32, #tpu.memory_space<vmem>>
    %dma_start3A_15 = tpu.memref_squeeze %dma_start3A_14 : memref<1x128x32xf32, #tpu.memory_space<vmem>> -> memref<128x32xf32, #tpu.memory_space<vmem>>
    %dma_start3A_16 = arith.constant 0 : i32
    %dma_start3A_17 = tpu.memref_slice %arg6[%dma_start3A, %dma_start3A_16] : memref<50x512xi32, #tpu.memory_space<vmem>> -> memref<1x128xi32, #tpu.memory_space<vmem>>
    %dma_start3A_18 = tpu.memref_squeeze %dma_start3A_17 : memref<1x128xi32, #tpu.memory_space<vmem>> -> memref<128xi32, #tpu.memory_space<vmem>>
    %dma_start3A_19 = arith.constant 0 : i32
    %dma_start3A_20 = arith.constant 0 : i32
    %dma_start3A_21 = tpu.memref_slice %arg3[%dma_start3A_19, %dma_start3A_20] : memref<1015808x32xf32, #tpu.memory_space<hbm>> -> memref<1015808x32xf32, #tpu.memory_space<hbm>>
    %dma_start3A_22 = tpu.memref_slice %arg9[%dma_start3A_11] : memref<4x!tpu.dma_semaphore, #tpu.memory_space<semaphore_mem>> -> memref<1x!tpu.dma_semaphore, #tpu.memory_space<semaphore_mem>>
    %dma_start3A_23 = tpu.memref_squeeze %dma_start3A_22 : memref<1x!tpu.dma_semaphore, #tpu.memory_space<semaphore_mem>> -> memref<!tpu.dma_semaphore, #tpu.memory_space<semaphore_mem>>
    tpu.enqueue_indirect_dma source(%dma_start3A_21 : memref<1015808x32xf32, #tpu.memory_space<hbm>>) target(%dma_start3A_15 : memref<128x32xf32, #tpu.memory_space<vmem>>) offsets(%dma_start3A_18 : memref<128xi32, #tpu.memory_space<vmem>>) semaphore(%dma_start3A_23 : memref<!tpu.dma_semaphore, #tpu.memory_space<semaphore_mem>>)
    %dma_start3A_24 = arith.constant 0 : i32
    %dma_start3A_25 = arith.constant 1 : i32
    %dma_start3A_26 = arith.constant 1 : i32
    %dma_start3A_27 = arith.constant 0 : i32
    %dma_start3A_28 = arith.constant 0 : i32
    %dma_start3A_29 = tpu.memref_slice %arg7[%dma_start3A_25, %dma_start3A_27, %dma_start3A_28] : memref<4x128x32xf32, #tpu.memory_space<vmem>> -> memref<1x128x32xf32, #tpu.memory_space<vmem>>
    %dma_start3A_30 = tpu.memref_squeeze %dma_start3A_29 : memref<1x128x32xf32, #tpu.memory_space<vmem>> -> memref<128x32xf32, #tpu.memory_space<vmem>>
    %dma_start3A_31 = arith.constant 128 : i32
    %dma_start3A_32 = tpu.memref_slice %arg6[%dma_start3A_24, %dma_start3A_31] : memref<50x512xi32, #tpu.memory_space<vmem>> -> memref<1x128xi32, #tpu.memory_space<vmem>>
    %dma_start3A_33 = tpu.memref_squeeze %dma_start3A_32 : memref<1x128xi32, #tpu.memory_space<vmem>> -> memref<128xi32, #tpu.memory_space<vmem>>
    %dma_start3A_34 = arith.constant 0 : i32
    %dma_start3A_35 = arith.constant 0 : i32
    %dma_start3A_36 = tpu.memref_slice %arg3[%dma_start3A_34, %dma_start3A_35] : memref<1015808x32xf32, #tpu.memory_space<hbm>> -> memref<1015808x32xf32, #tpu.memory_space<hbm>>
    %dma_start3A_37 = tpu.memref_slice %arg9[%dma_start3A_26] : memref<4x!tpu.dma_semaphore, #tpu.memory_space<semaphore_mem>> -> memref<1x!tpu.dma_semaphore, #tpu.memory_space<semaphore_mem>>
    %dma_start3A_38 = tpu.memref_squeeze %dma_start3A_37 : memref<1x!tpu.dma_semaphore, #tpu.memory_space<semaphore_mem>> -> memref<!tpu.dma_semaphore, #tpu.memory_space<semaphore_mem>>
    tpu.enqueue_indirect_dma source(%dma_start3A_36 : memref<1015808x32xf32, #tpu.memory_space<hbm>>) target(%dma_start3A_30 : memref<128x32xf32, #tpu.memory_space<vmem>>) offsets(%dma_start3A_33 : memref<128xi32, #tpu.memory_space<vmem>>) semaphore(%dma_start3A_38 : memref<!tpu.dma_semaphore, #tpu.memory_space<semaphore_mem>>)
    %scan3A = arith.constant 0 : i32
    %scan3A_39 = arith.constant 0 : i32
    %scan3A_40 = arith.constant 50 : i32
    %scan3A_41 = arith.addi %scan3A_39, %scan3A_40 : i32
    %scan3A_42 = arith.constant 1 : i32
    scf.for %scan3A_459 = %scan3A_39 to %scan3A_41 step %scan3A_42  : i32 {
      %mul3A_460 = arith.constant 4 : i32
      %mul3A_461 = arith.muli %add3A, %mul3A_460 : i32
      %add3A_462 = arith.constant 0 : i32
      %add3A_463 = arith.addi %mul3A_461, %add3A_462 : i32
      %add3A_464 = arith.constant 0 : i32
      %add3A_465 = arith.addi %scan3A_459, %add3A_464 : i32
      %lt3A = arith.constant 50 : i32
      %lt3A_466 = arith.cmpi slt, %add3A_465, %lt3A : i32
      %convert_element_type3A = arith.extui %lt3A_466 : i1 to i32
      %cond3A = arith.constant 0 : i32
      %cond3A_467 = arith.cmpi ne, %convert_element_type3A, %cond3A : i32
      scf.if %cond3A_467 {
        %dma_start3A_924 = arith.constant 2 : i32
        %dma_start3A_925 = arith.constant 2 : i32
        %dma_start3A_926 = arith.constant 0 : i32
        %dma_start3A_927 = arith.constant 0 : i32
        %dma_start3A_928 = tpu.memref_slice %arg7[%dma_start3A_924, %dma_start3A_926, %dma_start3A_927] : memref<4x128x32xf32, #tpu.memory_space<vmem>> -> memref<1x128x32xf32, #tpu.memory_space<vmem>>
        %dma_start3A_929 = tpu.memref_squeeze %dma_start3A_928 : memref<1x128x32xf32, #tpu.memory_space<vmem>> -> memref<128x32xf32, #tpu.memory_space<vmem>>
        %dma_start3A_930 = arith.constant 256 : i32
        %dma_start3A_931 = tpu.memref_slice %arg6[%add3A_465, %dma_start3A_930] : memref<50x512xi32, #tpu.memory_space<vmem>> -> memref<1x128xi32, #tpu.memory_space<vmem>>
        %dma_start3A_932 = tpu.memref_squeeze %dma_start3A_931 : memref<1x128xi32, #tpu.memory_space<vmem>> -> memref<128xi32, #tpu.memory_space<vmem>>
        %dma_start3A_933 = arith.constant 0 : i32
        %dma_start3A_934 = arith.constant 0 : i32
        %dma_start3A_935 = tpu.memref_slice %arg3[%dma_start3A_933, %dma_start3A_934] : memref<1015808x32xf32, #tpu.memory_space<hbm>> -> memref<1015808x32xf32, #tpu.memory_space<hbm>>
        %dma_start3A_936 = tpu.memref_slice %arg9[%dma_start3A_925] : memref<4x!tpu.dma_semaphore, #tpu.memory_space<semaphore_mem>> -> memref<1x!tpu.dma_semaphore, #tpu.memory_space<semaphore_mem>>
        %dma_start3A_937 = tpu.memref_squeeze %dma_start3A_936 : memref<1x!tpu.dma_semaphore, #tpu.memory_space<semaphore_mem>> -> memref<!tpu.dma_semaphore, #tpu.memory_space<semaphore_mem>>
        tpu.enqueue_indirect_dma source(%dma_start3A_935 : memref<1015808x32xf32, #tpu.memory_space<hbm>>) target(%dma_start3A_929 : memref<128x32xf32, #tpu.memory_space<vmem>>) offsets(%dma_start3A_932 : memref<128xi32, #tpu.memory_space<vmem>>) semaphore(%dma_start3A_937 : memref<!tpu.dma_semaphore, #tpu.memory_space<semaphore_mem>>)
      } else {
      }
      %dma_wait3A_468 = arith.constant 0 : i32
      %dma_wait3A_469 = arith.constant 0 : i32
      %dma_wait3A_470 = arith.constant 0 : i32
      %dma_wait3A_471 = arith.constant 0 : i32
      %dma_wait3A_472 = tpu.memref_slice %arg7[%dma_wait3A_468, %dma_wait3A_470, %dma_wait3A_471] : memref<4x128x32xf32, #tpu.memory_space<vmem>> -> memref<1x128x32xf32, #tpu.memory_space<vmem>>
      %dma_wait3A_473 = tpu.memref_squeeze %dma_wait3A_472 : memref<1x128x32xf32, #tpu.memory_space<vmem>> -> memref<128x32xf32, #tpu.memory_space<vmem>>
      %dma_wait3A_474 = arith.constant 0 : i32
      %dma_wait3A_475 = tpu.memref_slice %arg6[%scan3A_459, %dma_wait3A_474] : memref<50x512xi32, #tpu.memory_space<vmem>> -> memref<1x128xi32, #tpu.memory_space<vmem>>
      %dma_wait3A_476 = tpu.memref_squeeze %dma_wait3A_475 : memref<1x128xi32, #tpu.memory_space<vmem>> -> memref<128xi32, #tpu.memory_space<vmem>>
      %dma_wait3A_477 = arith.constant 0 : i32
      %dma_wait3A_478 = arith.constant 0 : i32
      %dma_wait3A_479 = tpu.memref_slice %arg3[%dma_wait3A_477, %dma_wait3A_478] : memref<1015808x32xf32, #tpu.memory_space<hbm>> -> memref<1015808x32xf32, #tpu.memory_space<hbm>>
      %dma_wait3A_480 = tpu.memref_slice %arg9[%dma_wait3A_469] : memref<4x!tpu.dma_semaphore, #tpu.memory_space<semaphore_mem>> -> memref<1x!tpu.dma_semaphore, #tpu.memory_space<semaphore_mem>>
      %dma_wait3A_481 = tpu.memref_squeeze %dma_wait3A_480 : memref<1x!tpu.dma_semaphore, #tpu.memory_space<semaphore_mem>> -> memref<!tpu.dma_semaphore, #tpu.memory_space<semaphore_mem>>
      tpu.wait_indirect_dma semaphore(%dma_wait3A_481 : memref<!tpu.dma_semaphore, #tpu.memory_space<semaphore_mem>>) src(%dma_wait3A_479 : memref<1015808x32xf32, #tpu.memory_space<hbm>>) dst(%dma_wait3A_473 : memref<128x32xf32, #tpu.memory_space<vmem>>)
      %gt3A = arith.constant 0 : i32
      %gt3A_482 = arith.cmpi sgt, %scan3A_459, %gt3A : i32
      %convert_element_type3A_483 = arith.extui %gt3A_482 : i1 to i32
      %cond3A_484 = arith.constant 0 : i32
      %cond3A_485 = arith.cmpi ne, %convert_element_type3A_483, %cond3A_484 : i32
      scf.if %cond3A_485 {
        %sub3A = arith.constant 1 : i32
        %sub3A_924 = arith.subi %scan3A_459, %sub3A : i32
        %dma_wait3A_925 = arith.constant 0 : i32
        %dma_wait3A_926 = arith.constant 0 : i32
        %dma_wait3A_927 = arith.constant 0 : i32
        %dma_wait3A_928 = arith.constant 0 : i32
        %dma_wait3A_929 = arith.constant 0 : i32
        %dma_wait3A_930 = tpu.memref_slice %arg8[%dma_wait3A_925, %dma_wait3A_928, %dma_wait3A_929] : memref<4x32x129xf32, #tpu.memory_space<vmem>> -> memref<1x8x128xf32, #tpu.memory_space<vmem>>
        %dma_wait3A_931 = tpu.memref_squeeze %dma_wait3A_930 : memref<1x8x128xf32, #tpu.memory_space<vmem>> -> memref<8x128xf32, #tpu.memory_space<vmem>>
        %dma_wait3A_932 = arith.constant 0 : i32
        %dma_wait3A_933 = arith.constant 0 : i32
        %dma_wait3A_934 = tpu.memref_slice %arg4[%sub3A_924, %dma_wait3A_926, %add3A_463, %dma_wait3A_932, %dma_wait3A_933] : memref<50x4x128x8x128xf32, #tpu.memory_space<hbm>> -> memref<1x1x1x8x128xf32, #tpu.memory_space<hbm>>
        %dma_wait3A_935 = tpu.memref_squeeze %dma_wait3A_934 : memref<1x1x1x8x128xf32, #tpu.memory_space<hbm>> -> memref<8x128xf32, #tpu.memory_space<hbm>>
        %dma_wait3A_936 = tpu.memref_slice %arg10[%dma_wait3A_927] : memref<4x!tpu.dma_semaphore, #tpu.memory_space<semaphore_mem>> -> memref<1x!tpu.dma_semaphore, #tpu.memory_space<semaphore_mem>>
        %dma_wait3A_937 = tpu.memref_squeeze %dma_wait3A_936 : memref<1x!tpu.dma_semaphore, #tpu.memory_space<semaphore_mem>> -> memref<!tpu.dma_semaphore, #tpu.memory_space<semaphore_mem>>
        %dma_wait3A_938 = arith.constant 0 : i32
        %dma_wait3A_939 = arith.constant 0 : i32
        %dma_wait3A_940 = tpu.memref_slice %arg4[%sub3A_924, %dma_wait3A_926, %add3A_463, %dma_wait3A_938, %dma_wait3A_939] : memref<50x4x128x8x128xf32, #tpu.memory_space<hbm>> -> memref<1x1x1x8x128xf32, #tpu.memory_space<hbm>>
        %dma_wait3A_941 = tpu.memref_squeeze %dma_wait3A_940 : memref<1x1x1x8x128xf32, #tpu.memory_space<hbm>> -> memref<8x128xf32, #tpu.memory_space<hbm>>
        %dma_wait3A_942 = arith.constant 0 : i32
        %dma_wait3A_943 = arith.constant 0 : i32
        %dma_wait3A_944 = tpu.memref_slice %arg8[%dma_wait3A_925, %dma_wait3A_942, %dma_wait3A_943] : memref<4x32x129xf32, #tpu.memory_space<vmem>> -> memref<1x8x128xf32, #tpu.memory_space<vmem>>
        %dma_wait3A_945 = tpu.memref_squeeze %dma_wait3A_944 : memref<1x8x128xf32, #tpu.memory_space<vmem>> -> memref<8x128xf32, #tpu.memory_space<vmem>>
        tpu.wait_dma2 semaphore(%dma_wait3A_937 : memref<!tpu.dma_semaphore, #tpu.memory_space<semaphore_mem>>) src(%dma_wait3A_945 : memref<8x128xf32, #tpu.memory_space<vmem>>) dst(%dma_wait3A_941 : memref<8x128xf32, #tpu.memory_space<hbm>>)
        %sub3A_946 = arith.constant 1 : i32
        %sub3A_947 = arith.subi %scan3A_459, %sub3A_946 : i32
        %dma_wait3A_948 = arith.constant 0 : i32
        %dma_wait3A_949 = arith.constant 1 : i32
        %dma_wait3A_950 = arith.constant 0 : i32
        %dma_wait3A_951 = arith.constant 8 : i32
        %dma_wait3A_952 = arith.constant 0 : i32
        %dma_wait3A_953 = tpu.memref_slice %arg8[%dma_wait3A_948, %dma_wait3A_951, %dma_wait3A_952] : memref<4x32x129xf32, #tpu.memory_space<vmem>> -> memref<1x8x128xf32, #tpu.memory_space<vmem>>
        %dma_wait3A_954 = tpu.memref_squeeze %dma_wait3A_953 : memref<1x8x128xf32, #tpu.memory_space<vmem>> -> memref<8x128xf32, #tpu.memory_space<vmem>>
        %dma_wait3A_955 = arith.constant 0 : i32
        %dma_wait3A_956 = arith.constant 0 : i32
        %dma_wait3A_957 = tpu.memref_slice %arg4[%sub3A_947, %dma_wait3A_949, %add3A_463, %dma_wait3A_955, %dma_wait3A_956] : memref<50x4x128x8x128xf32, #tpu.memory_space<hbm>> -> memref<1x1x1x8x128xf32, #tpu.memory_space<hbm>>
        %dma_wait3A_958 = tpu.memref_squeeze %dma_wait3A_957 : memref<1x1x1x8x128xf32, #tpu.memory_space<hbm>> -> memref<8x128xf32, #tpu.memory_space<hbm>>
        %dma_wait3A_959 = tpu.memref_slice %arg10[%dma_wait3A_950] : memref<4x!tpu.dma_semaphore, #tpu.memory_space<semaphore_mem>> -> memref<1x!tpu.dma_semaphore, #tpu.memory_space<semaphore_mem>>
        %dma_wait3A_960 = tpu.memref_squeeze %dma_wait3A_959 : memref<1x!tpu.dma_semaphore, #tpu.memory_space<semaphore_mem>> -> memref<!tpu.dma_semaphore, #tpu.memory_space<semaphore_mem>>
        %dma_wait3A_961 = arith.constant 0 : i32
        %dma_wait3A_962 = arith.constant 0 : i32
        %dma_wait3A_963 = tpu.memref_slice %arg4[%sub3A_947, %dma_wait3A_949, %add3A_463, %dma_wait3A_961, %dma_wait3A_962] : memref<50x4x128x8x128xf32, #tpu.memory_space<hbm>> -> memref<1x1x1x8x128xf32, #tpu.memory_space<hbm>>
        %dma_wait3A_964 = tpu.memref_squeeze %dma_wait3A_963 : memref<1x1x1x8x128xf32, #tpu.memory_space<hbm>> -> memref<8x128xf32, #tpu.memory_space<hbm>>
        %dma_wait3A_965 = arith.constant 8 : i32
        %dma_wait3A_966 = arith.constant 0 : i32
        %dma_wait3A_967 = tpu.memref_slice %arg8[%dma_wait3A_948, %dma_wait3A_965, %dma_wait3A_966] : memref<4x32x129xf32, #tpu.memory_space<vmem>> -> memref<1x8x128xf32, #tpu.memory_space<vmem>>
        %dma_wait3A_968 = tpu.memref_squeeze %dma_wait3A_967 : memref<1x8x128xf32, #tpu.memory_space<vmem>> -> memref<8x128xf32, #tpu.memory_space<vmem>>
        tpu.wait_dma2 semaphore(%dma_wait3A_960 : memref<!tpu.dma_semaphore, #tpu.memory_space<semaphore_mem>>) src(%dma_wait3A_968 : memref<8x128xf32, #tpu.memory_space<vmem>>) dst(%dma_wait3A_964 : memref<8x128xf32, #tpu.memory_space<hbm>>)
        %sub3A_969 = arith.constant 1 : i32
        %sub3A_970 = arith.subi %scan3A_459, %sub3A_969 : i32
        %dma_wait3A_971 = arith.constant 0 : i32
        %dma_wait3A_972 = arith.constant 2 : i32
        %dma_wait3A_973 = arith.constant 0 : i32
        %dma_wait3A_974 = arith.constant 16 : i32
        %dma_wait3A_975 = arith.constant 0 : i32
        %dma_wait3A_976 = tpu.memref_slice %arg8[%dma_wait3A_971, %dma_wait3A_974, %dma_wait3A_975] : memref<4x32x129xf32, #tpu.memory_space<vmem>> -> memref<1x8x128xf32, #tpu.memory_space<vmem>>
        %dma_wait3A_977 = tpu.memref_squeeze %dma_wait3A_976 : memref<1x8x128xf32, #tpu.memory_space<vmem>> -> memref<8x128xf32, #tpu.memory_space<vmem>>
        %dma_wait3A_978 = arith.constant 0 : i32
        %dma_wait3A_979 = arith.constant 0 : i32
        %dma_wait3A_980 = tpu.memref_slice %arg4[%sub3A_970, %dma_wait3A_972, %add3A_463, %dma_wait3A_978, %dma_wait3A_979] : memref<50x4x128x8x128xf32, #tpu.memory_space<hbm>> -> memref<1x1x1x8x128xf32, #tpu.memory_space<hbm>>
        %dma_wait3A_981 = tpu.memref_squeeze %dma_wait3A_980 : memref<1x1x1x8x128xf32, #tpu.memory_space<hbm>> -> memref<8x128xf32, #tpu.memory_space<hbm>>
        %dma_wait3A_982 = tpu.memref_slice %arg10[%dma_wait3A_973] : memref<4x!tpu.dma_semaphore, #tpu.memory_space<semaphore_mem>> -> memref<1x!tpu.dma_semaphore, #tpu.memory_space<semaphore_mem>>
        %dma_wait3A_983 = tpu.memref_squeeze %dma_wait3A_982 : memref<1x!tpu.dma_semaphore, #tpu.memory_space<semaphore_mem>> -> memref<!tpu.dma_semaphore, #tpu.memory_space<semaphore_mem>>
        %dma_wait3A_984 = arith.constant 0 : i32
        %dma_wait3A_985 = arith.constant 0 : i32
        %dma_wait3A_986 = tpu.memref_slice %arg4[%sub3A_970, %dma_wait3A_972, %add3A_463, %dma_wait3A_984, %dma_wait3A_985] : memref<50x4x128x8x128xf32, #tpu.memory_space<hbm>> -> memref<1x1x1x8x128xf32, #tpu.memory_space<hbm>>
        %dma_wait3A_987 = tpu.memref_squeeze %dma_wait3A_986 : memref<1x1x1x8x128xf32, #tpu.memory_space<hbm>> -> memref<8x128xf32, #tpu.memory_space<hbm>>
        %dma_wait3A_988 = arith.constant 16 : i32
        %dma_wait3A_989 = arith.constant 0 : i32
        %dma_wait3A_990 = tpu.memref_slice %arg8[%dma_wait3A_971, %dma_wait3A_988, %dma_wait3A_989] : memref<4x32x129xf32, #tpu.memory_space<vmem>> -> memref<1x8x128xf32, #tpu.memory_space<vmem>>
        %dma_wait3A_991 = tpu.memref_squeeze %dma_wait3A_990 : memref<1x8x128xf32, #tpu.memory_space<vmem>> -> memref<8x128xf32, #tpu.memory_space<vmem>>
        tpu.wait_dma2 semaphore(%dma_wait3A_983 : memref<!tpu.dma_semaphore, #tpu.memory_space<semaphore_mem>>) src(%dma_wait3A_991 : memref<8x128xf32, #tpu.memory_space<vmem>>) dst(%dma_wait3A_987 : memref<8x128xf32, #tpu.memory_space<hbm>>)
        %sub3A_992 = arith.constant 1 : i32
        %sub3A_993 = arith.subi %scan3A_459, %sub3A_992 : i32
        %dma_wait3A_994 = arith.constant 0 : i32
        %dma_wait3A_995 = arith.constant 3 : i32
        %dma_wait3A_996 = arith.constant 0 : i32
        %dma_wait3A_997 = arith.constant 24 : i32
        %dma_wait3A_998 = arith.constant 0 : i32
        %dma_wait3A_999 = tpu.memref_slice %arg8[%dma_wait3A_994, %dma_wait3A_997, %dma_wait3A_998] : memref<4x32x129xf32, #tpu.memory_space<vmem>> -> memref<1x8x128xf32, #tpu.memory_space<vmem>>
        %dma_wait3A_1000 = tpu.memref_squeeze %dma_wait3A_999 : memref<1x8x128xf32, #tpu.memory_space<vmem>> -> memref<8x128xf32, #tpu.memory_space<vmem>>
        %dma_wait3A_1001 = arith.constant 0 : i32
        %dma_wait3A_1002 = arith.constant 0 : i32
        %dma_wait3A_1003 = tpu.memref_slice %arg4[%sub3A_993, %dma_wait3A_995, %add3A_463, %dma_wait3A_1001, %dma_wait3A_1002] : memref<50x4x128x8x128xf32, #tpu.memory_space<hbm>> -> memref<1x1x1x8x128xf32, #tpu.memory_space<hbm>>
        %dma_wait3A_1004 = tpu.memref_squeeze %dma_wait3A_1003 : memref<1x1x1x8x128xf32, #tpu.memory_space<hbm>> -> memref<8x128xf32, #tpu.memory_space<hbm>>
        %dma_wait3A_1005 = tpu.memref_slice %arg10[%dma_wait3A_996] : memref<4x!tpu.dma_semaphore, #tpu.memory_space<semaphore_mem>> -> memref<1x!tpu.dma_semaphore, #tpu.memory_space<semaphore_mem>>
        %dma_wait3A_1006 = tpu.memref_squeeze %dma_wait3A_1005 : memref<1x!tpu.dma_semaphore, #tpu.memory_space<semaphore_mem>> -> memref<!tpu.dma_semaphore, #tpu.memory_space<semaphore_mem>>
        %dma_wait3A_1007 = arith.constant 0 : i32
        %dma_wait3A_1008 = arith.constant 0 : i32
        %dma_wait3A_1009 = tpu.memref_slice %arg4[%sub3A_993, %dma_wait3A_995, %add3A_463, %dma_wait3A_1007, %dma_wait3A_1008] : memref<50x4x128x8x128xf32, #tpu.memory_space<hbm>> -> memref<1x1x1x8x128xf32, #tpu.memory_space<hbm>>
        %dma_wait3A_1010 = tpu.memref_squeeze %dma_wait3A_1009 : memref<1x1x1x8x128xf32, #tpu.memory_space<hbm>> -> memref<8x128xf32, #tpu.memory_space<hbm>>
        %dma_wait3A_1011 = arith.constant 24 : i32
        %dma_wait3A_1012 = arith.constant 0 : i32
        %dma_wait3A_1013 = tpu.memref_slice %arg8[%dma_wait3A_994, %dma_wait3A_1011, %dma_wait3A_1012] : memref<4x32x129xf32, #tpu.memory_space<vmem>> -> memref<1x8x128xf32, #tpu.memory_space<vmem>>
        %dma_wait3A_1014 = tpu.memref_squeeze %dma_wait3A_1013 : memref<1x8x128xf32, #tpu.memory_space<vmem>> -> memref<8x128xf32, #tpu.memory_space<vmem>>
        tpu.wait_dma2 semaphore(%dma_wait3A_1006 : memref<!tpu.dma_semaphore, #tpu.memory_space<semaphore_mem>>) src(%dma_wait3A_1014 : memref<8x128xf32, #tpu.memory_space<vmem>>) dst(%dma_wait3A_1010 : memref<8x128xf32, #tpu.memory_space<hbm>>)
      } else {
      }
      %parallel_loop3A_486 = arith.constant 0 : i32
      %parallel_loop3A_487 = arith.constant 128 : i32
      %parallel_loop3A_488 = arith.constant 1 : i32
      scf.for %parallel_loop3A_924 = %parallel_loop3A_486 to %parallel_loop3A_487 step %parallel_loop3A_488  : i32 {
        %parallel_loop3A_925 = vector.broadcast %parallel_loop3A_924 : i32 to vector<16xi32>
        %parallel_loop3A_926 = arith.constant 0 : i32
        %parallel_loop3A_927 = arith.index_cast %parallel_loop3A_926 : i32 to index
        %parallel_loop3A_928 = arith.index_cast %parallel_loop3A_924 : i32 to index
        %parallel_loop3A_929 = arith.constant 0 : index
        %parallel_loop3A_930 = tpu.vector_load %arg7[%parallel_loop3A_927, %parallel_loop3A_928, %parallel_loop3A_929] {strides = array<i32>} : memref<4x128x32xf32, #tpu.memory_space<vmem>>, vector<16xf32>,
        %parallel_loop3A_931 = arith.constant -2.000000e+00 : f32
        %parallel_loop3A_932 = vector.broadcast %parallel_loop3A_931 : f32 to vector<16xf32>
        %parallel_loop3A_933 = arith.mulf %parallel_loop3A_932, %parallel_loop3A_930 : vector<16xf32>
        %parallel_loop3A_934 = arith.constant 2.000000e+01 : f32
        %parallel_loop3A_935 = vector.broadcast %parallel_loop3A_934 : f32 to vector<16xf32>
        %parallel_loop3A_936 = arith.minimumf %parallel_loop3A_933, %parallel_loop3A_935 : vector<16xf32>
        %parallel_loop3A_937 = math.exp %parallel_loop3A_936 : vector<16xf32>
        %parallel_loop3A_938 = arith.constant 1.000000e+00 : f32
        %parallel_loop3A_939 = vector.broadcast %parallel_loop3A_938 : f32 to vector<16xf32>
        %parallel_loop3A_940 = arith.subf %parallel_loop3A_939, %parallel_loop3A_937 : vector<16xf32>
        %parallel_loop3A_941 = arith.constant 1.000000e+00 : f32
        %parallel_loop3A_942 = vector.broadcast %parallel_loop3A_941 : f32 to vector<16xf32>
        %parallel_loop3A_943 = arith.addf %parallel_loop3A_942, %parallel_loop3A_937 : vector<16xf32>
        %parallel_loop3A_944 = arith.divf %parallel_loop3A_940, %parallel_loop3A_943 : vector<16xf32>
        %parallel_loop3A_945 = arith.constant 0 : i32
        %parallel_loop3A_946 = arith.constant 0 : i32
        %parallel_loop3A_947 = arith.constant 0 : i32
        %parallel_loop3A_948 = tpu.memref_slice %arg8[%parallel_loop3A_945, %parallel_loop3A_946, %parallel_loop3A_947] : memref<4x32x129xf32, #tpu.memory_space<vmem>> -> memref<1x32x129xf32, #tpu.memory_space<vmem>>
        %parallel_loop3A_949 = tpu.memref_squeeze %parallel_loop3A_948 : memref<1x32x129xf32, #tpu.memory_space<vmem>> -> memref<32x129xf32, #tpu.memory_space<vmem>>
        tpu.vector_store_idx %parallel_loop3A_949[%add3A_6, %parallel_loop3A_925], %parallel_loop3A_944 : memref<32x129xf32, #tpu.memory_space<vmem>>[vector<16xi32>, vector<16xi32>], vector<16xf32>,
        %parallel_loop3A_950 = arith.constant 0 : i32
        %parallel_loop3A_951 = arith.index_cast %parallel_loop3A_950 : i32 to index
        %parallel_loop3A_952 = arith.index_cast %parallel_loop3A_924 : i32 to index
        %parallel_loop3A_953 = arith.constant 16 : index
        %parallel_loop3A_954 = tpu.vector_load %arg7[%parallel_loop3A_951, %parallel_loop3A_952, %parallel_loop3A_953] {strides = array<i32>} : memref<4x128x32xf32, #tpu.memory_space<vmem>>, vector<16xf32>,
        %parallel_loop3A_955 = arith.constant -2.000000e+00 : f32
        %parallel_loop3A_956 = vector.broadcast %parallel_loop3A_955 : f32 to vector<16xf32>
        %parallel_loop3A_957 = arith.mulf %parallel_loop3A_956, %parallel_loop3A_954 : vector<16xf32>
        %parallel_loop3A_958 = arith.constant 2.000000e+01 : f32
        %parallel_loop3A_959 = vector.broadcast %parallel_loop3A_958 : f32 to vector<16xf32>
        %parallel_loop3A_960 = arith.minimumf %parallel_loop3A_957, %parallel_loop3A_959 : vector<16xf32>
        %parallel_loop3A_961 = math.exp %parallel_loop3A_960 : vector<16xf32>
        %parallel_loop3A_962 = arith.constant 1.000000e+00 : f32
        %parallel_loop3A_963 = vector.broadcast %parallel_loop3A_962 : f32 to vector<16xf32>
        %parallel_loop3A_964 = arith.subf %parallel_loop3A_963, %parallel_loop3A_961 : vector<16xf32>
        %parallel_loop3A_965 = arith.constant 1.000000e+00 : f32
        %parallel_loop3A_966 = vector.broadcast %parallel_loop3A_965 : f32 to vector<16xf32>
        %parallel_loop3A_967 = arith.addf %parallel_loop3A_966, %parallel_loop3A_961 : vector<16xf32>
        %parallel_loop3A_968 = arith.divf %parallel_loop3A_964, %parallel_loop3A_967 : vector<16xf32>
        %parallel_loop3A_969 = arith.constant 0 : i32
        %parallel_loop3A_970 = arith.constant 0 : i32
        %parallel_loop3A_971 = arith.constant 0 : i32
        %parallel_loop3A_972 = tpu.memref_slice %arg8[%parallel_loop3A_969, %parallel_loop3A_970, %parallel_loop3A_971] : memref<4x32x129xf32, #tpu.memory_space<vmem>> -> memref<1x32x129xf32, #tpu.memory_space<vmem>>
        %parallel_loop3A_973 = tpu.memref_squeeze %parallel_loop3A_972 : memref<1x32x129xf32, #tpu.memory_space<vmem>> -> memref<32x129xf32, #tpu.memory_space<vmem>>
        tpu.vector_store_idx %parallel_loop3A_973[%add3A_9, %parallel_loop3A_925], %parallel_loop3A_968 : memref<32x129xf32, #tpu.memory_space<vmem>>[vector<16xi32>, vector<16xi32>], vector<16xf32>,
      } {sc.loop_unroll_factor = 4 : i64, sc.parallel_access}
      %dma_start3A_489 = arith.constant 0 : i32
      %dma_start3A_490 = arith.constant 0 : i32
      %dma_start3A_491 = arith.constant 0 : i32
      %dma_start3A_492 = arith.constant 0 : i32
      %dma_start3A_493 = arith.constant 0 : i32
      %dma_start3A_494 = tpu.memref_slice %arg8[%dma_start3A_489, %dma_start3A_492, %dma_start3A_493] : memref<4x32x129xf32, #tpu.memory_space<vmem>> -> memref<1x8x128xf32, #tpu.memory_space<vmem>>
      %dma_start3A_495 = tpu.memref_squeeze %dma_start3A_494 : memref<1x8x128xf32, #tpu.memory_space<vmem>> -> memref<8x128xf32, #tpu.memory_space<vmem>>
      %dma_start3A_496 = arith.constant 0 : i32
      %dma_start3A_497 = arith.constant 0 : i32
      %dma_start3A_498 = tpu.memref_slice %arg4[%scan3A_459, %dma_start3A_490, %add3A_463, %dma_start3A_496, %dma_start3A_497] : memref<50x4x128x8x128xf32, #tpu.memory_space<hbm>> -> memref<1x1x1x8x128xf32, #tpu.memory_space<hbm>>
      %dma_start3A_499 = tpu.memref_squeeze %dma_start3A_498 : memref<1x1x1x8x128xf32, #tpu.memory_space<hbm>> -> memref<8x128xf32, #tpu.memory_space<hbm>>
      %dma_start3A_500 = tpu.memref_slice %arg10[%dma_start3A_491] : memref<4x!tpu.dma_semaphore, #tpu.memory_space<semaphore_mem>> -> memref<1x!tpu.dma_semaphore, #tpu.memory_space<semaphore_mem>>
      %dma_start3A_501 = tpu.memref_squeeze %dma_start3A_500 : memref<1x!tpu.dma_semaphore, #tpu.memory_space<semaphore_mem>> -> memref<!tpu.dma_semaphore, #tpu.memory_space<semaphore_mem>>
      %dma_start3A_502 = arith.constant 0 : i32
      %dma_start3A_503 = arith.constant 0 : i32
      %dma_start3A_504 = tpu.memref_slice %arg4[%scan3A_459, %dma_start3A_490, %add3A_463, %dma_start3A_502, %dma_start3A_503] : memref<50x4x128x8x128xf32, #tpu.memory_space<hbm>> -> memref<1x1x1x8x128xf32, #tpu.memory_space<hbm>>
      %dma_start3A_505 = tpu.memref_squeeze %dma_start3A_504 : memref<1x1x1x8x128xf32, #tpu.memory_space<hbm>> -> memref<8x128xf32, #tpu.memory_space<hbm>>
      %dma_start3A_506 = arith.constant 0 : i32
      %dma_start3A_507 = arith.constant 0 : i32
      %dma_start3A_508 = tpu.memref_slice %arg8[%dma_start3A_489, %dma_start3A_506, %dma_start3A_507] : memref<4x32x129xf32, #tpu.memory_space<vmem>> -> memref<1x8x128xf32, #tpu.memory_space<vmem>>
      %dma_start3A_509 = tpu.memref_squeeze %dma_start3A_508 : memref<1x8x128xf32, #tpu.memory_space<vmem>> -> memref<8x128xf32, #tpu.memory_space<vmem>>
      tpu.enqueue_dma source(%dma_start3A_509 : memref<8x128xf32, #tpu.memory_space<vmem>>) target(%dma_start3A_505 : memref<8x128xf32, #tpu.memory_space<hbm>>) target_semaphore(%dma_start3A_501 : memref<!tpu.dma_semaphore, #tpu.memory_space<semaphore_mem>>)
      %dma_start3A_510 = arith.constant 0 : i32
      %dma_start3A_511 = arith.constant 1 : i32
      %dma_start3A_512 = arith.constant 0 : i32
      %dma_start3A_513 = arith.constant 8 : i32
      %dma_start3A_514 = arith.constant 0 : i32
      %dma_start3A_515 = tpu.memref_slice %arg8[%dma_start3A_510, %dma_start3A_513, %dma_start3A_514] : memref<4x32x129xf32, #tpu.memory_space<vmem>> -> memref<1x8x128xf32, #tpu.memory_space<vmem>>
      %dma_start3A_516 = tpu.memref_squeeze %dma_start3A_515 : memref<1x8x128xf32, #tpu.memory_space<vmem>> -> memref<8x128xf32, #tpu.memory_space<vmem>>
      %dma_start3A_517 = arith.constant 0 : i32
      %dma_start3A_518 = arith.constant 0 : i32
      %dma_start3A_519 = tpu.memref_slice %arg4[%scan3A_459, %dma_start3A_511, %add3A_463, %dma_start3A_517, %dma_start3A_518] : memref<50x4x128x8x128xf32, #tpu.memory_space<hbm>> -> memref<1x1x1x8x128xf32, #tpu.memory_space<hbm>>
      %dma_start3A_520 = tpu.memref_squeeze %dma_start3A_519 : memref<1x1x1x8x128xf32, #tpu.memory_space<hbm>> -> memref<8x128xf32, #tpu.memory_space<hbm>>
      %dma_start3A_521 = tpu.memref_slice %arg10[%dma_start3A_512] : memref<4x!tpu.dma_semaphore, #tpu.memory_space<semaphore_mem>> -> memref<1x!tpu.dma_semaphore, #tpu.memory_space<semaphore_mem>>
      %dma_start3A_522 = tpu.memref_squeeze %dma_start3A_521 : memref<1x!tpu.dma_semaphore, #tpu.memory_space<semaphore_mem>> -> memref<!tpu.dma_semaphore, #tpu.memory_space<semaphore_mem>>
      %dma_start3A_523 = arith.constant 0 : i32
      %dma_start3A_524 = arith.constant 0 : i32
      %dma_start3A_525 = tpu.memref_slice %arg4[%scan3A_459, %dma_start3A_511, %add3A_463, %dma_start3A_523, %dma_start3A_524] : memref<50x4x128x8x128xf32, #tpu.memory_space<hbm>> -> memref<1x1x1x8x128xf32, #tpu.memory_space<hbm>>
      %dma_start3A_526 = tpu.memref_squeeze %dma_start3A_525 : memref<1x1x1x8x128xf32, #tpu.memory_space<hbm>> -> memref<8x128xf32, #tpu.memory_space<hbm>>
      %dma_start3A_527 = arith.constant 8 : i32
      %dma_start3A_528 = arith.constant 0 : i32
      %dma_start3A_529 = tpu.memref_slice %arg8[%dma_start3A_510, %dma_start3A_527, %dma_start3A_528] : memref<4x32x129xf32, #tpu.memory_space<vmem>> -> memref<1x8x128xf32, #tpu.memory_space<vmem>>
      %dma_start3A_530 = tpu.memref_squeeze %dma_start3A_529 : memref<1x8x128xf32, #tpu.memory_space<vmem>> -> memref<8x128xf32, #tpu.memory_space<vmem>>
      tpu.enqueue_dma source(%dma_start3A_530 : memref<8x128xf32, #tpu.memory_space<vmem>>) target(%dma_start3A_526 : memref<8x128xf32, #tpu.memory_space<hbm>>) target_semaphore(%dma_start3A_522 : memref<!tpu.dma_semaphore, #tpu.memory_space<semaphore_mem>>)
      %dma_start3A_531 = arith.constant 0 : i32
      %dma_start3A_532 = arith.constant 2 : i32
      %dma_start3A_533 = arith.constant 0 : i32
      %dma_start3A_534 = arith.constant 16 : i32
      %dma_start3A_535 = arith.constant 0 : i32
      %dma_start3A_536 = tpu.memref_slice %arg8[%dma_start3A_531, %dma_start3A_534, %dma_start3A_535] : memref<4x32x129xf32, #tpu.memory_space<vmem>> -> memref<1x8x128xf32, #tpu.memory_space<vmem>>
      %dma_start3A_537 = tpu.memref_squeeze %dma_start3A_536 : memref<1x8x128xf32, #tpu.memory_space<vmem>> -> memref<8x128xf32, #tpu.memory_space<vmem>>
      %dma_start3A_538 = arith.constant 0 : i32
      %dma_start3A_539 = arith.constant 0 : i32
      %dma_start3A_540 = tpu.memref_slice %arg4[%scan3A_459, %dma_start3A_532, %add3A_463, %dma_start3A_538, %dma_start3A_539] : memref<50x4x128x8x128xf32, #tpu.memory_space<hbm>> -> memref<1x1x1x8x128xf32, #tpu.memory_space<hbm>>
      %dma_start3A_541 = tpu.memref_squeeze %dma_start3A_540 : memref<1x1x1x8x128xf32, #tpu.memory_space<hbm>> -> memref<8x128xf32, #tpu.memory_space<hbm>>
      %dma_start3A_542 = tpu.memref_slice %arg10[%dma_start3A_533] : memref<4x!tpu.dma_semaphore, #tpu.memory_space<semaphore_mem>> -> memref<1x!tpu.dma_semaphore, #tpu.memory_space<semaphore_mem>>
      %dma_start3A_543 = tpu.memref_squeeze %dma_start3A_542 : memref<1x!tpu.dma_semaphore, #tpu.memory_space<semaphore_mem>> -> memref<!tpu.dma_semaphore, #tpu.memory_space<semaphore_mem>>
      %dma_start3A_544 = arith.constant 0 : i32
      %dma_start3A_545 = arith.constant 0 : i32
      %dma_start3A_546 = tpu.memref_slice %arg4[%scan3A_459, %dma_start3A_532, %add3A_463, %dma_start3A_544, %dma_start3A_545] : memref<50x4x128x8x128xf32, #tpu.memory_space<hbm>> -> memref<1x1x1x8x128xf32, #tpu.memory_space<hbm>>
      %dma_start3A_547 = tpu.memref_squeeze %dma_start3A_546 : memref<1x1x1x8x128xf32, #tpu.memory_space<hbm>> -> memref<8x128xf32, #tpu.memory_space<hbm>>
      %dma_start3A_548 = arith.constant 16 : i32
      %dma_start3A_549 = arith.constant 0 : i32
      %dma_start3A_550 = tpu.memref_slice %arg8[%dma_start3A_531, %dma_start3A_548, %dma_start3A_549] : memref<4x32x129xf32, #tpu.memory_space<vmem>> -> memref<1x8x128xf32, #tpu.memory_space<vmem>>
      %dma_start3A_551 = tpu.memref_squeeze %dma_start3A_550 : memref<1x8x128xf32, #tpu.memory_space<vmem>> -> memref<8x128xf32, #tpu.memory_space<vmem>>
      tpu.enqueue_dma source(%dma_start3A_551 : memref<8x128xf32, #tpu.memory_space<vmem>>) target(%dma_start3A_547 : memref<8x128xf32, #tpu.memory_space<hbm>>) target_semaphore(%dma_start3A_543 : memref<!tpu.dma_semaphore, #tpu.memory_space<semaphore_mem>>)
      %dma_start3A_552 = arith.constant 0 : i32
      %dma_start3A_553 = arith.constant 3 : i32
      %dma_start3A_554 = arith.constant 0 : i32
      %dma_start3A_555 = arith.constant 24 : i32
      %dma_start3A_556 = arith.constant 0 : i32
      %dma_start3A_557 = tpu.memref_slice %arg8[%dma_start3A_552, %dma_start3A_555, %dma_start3A_556] : memref<4x32x129xf32, #tpu.memory_space<vmem>> -> memref<1x8x128xf32, #tpu.memory_space<vmem>>
      %dma_start3A_558 = tpu.memref_squeeze %dma_start3A_557 : memref<1x8x128xf32, #tpu.memory_space<vmem>> -> memref<8x128xf32, #tpu.memory_space<vmem>>
      %dma_start3A_559 = arith.constant 0 : i32
      %dma_start3A_560 = arith.constant 0 : i32
      %dma_start3A_561 = tpu.memref_slice %arg4[%scan3A_459, %dma_start3A_553, %add3A_463, %dma_start3A_559, %dma_start3A_560] : memref<50x4x128x8x128xf32, #tpu.memory_space<hbm>> -> memref<1x1x1x8x128xf32, #tpu.memory_space<hbm>>
      %dma_start3A_562 = tpu.memref_squeeze %dma_start3A_561 : memref<1x1x1x8x128xf32, #tpu.memory_space<hbm>> -> memref<8x128xf32, #tpu.memory_space<hbm>>
      %dma_start3A_563 = tpu.memref_slice %arg10[%dma_start3A_554] : memref<4x!tpu.dma_semaphore, #tpu.memory_space<semaphore_mem>> -> memref<1x!tpu.dma_semaphore, #tpu.memory_space<semaphore_mem>>
      %dma_start3A_564 = tpu.memref_squeeze %dma_start3A_563 : memref<1x!tpu.dma_semaphore, #tpu.memory_space<semaphore_mem>> -> memref<!tpu.dma_semaphore, #tpu.memory_space<semaphore_mem>>
      %dma_start3A_565 = arith.constant 0 : i32
      %dma_start3A_566 = arith.constant 0 : i32
      %dma_start3A_567 = tpu.memref_slice %arg4[%scan3A_459, %dma_start3A_553, %add3A_463, %dma_start3A_565, %dma_start3A_566] : memref<50x4x128x8x128xf32, #tpu.memory_space<hbm>> -> memref<1x1x1x8x128xf32, #tpu.memory_space<hbm>>
      %dma_start3A_568 = tpu.memref_squeeze %dma_start3A_567 : memref<1x1x1x8x128xf32, #tpu.memory_space<hbm>> -> memref<8x128xf32, #tpu.memory_space<hbm>>
      %dma_start3A_569 = arith.constant 24 : i32
      %dma_start3A_570 = arith.constant 0 : i32
      %dma_start3A_571 = tpu.memref_slice %arg8[%dma_start3A_552, %dma_start3A_569, %dma_start3A_570] : memref<4x32x129xf32, #tpu.memory_space<vmem>> -> memref<1x8x128xf32, #tpu.memory_space<vmem>>
      %dma_start3A_572 = tpu.memref_squeeze %dma_start3A_571 : memref<1x8x128xf32, #tpu.memory_space<vmem>> -> memref<8x128xf32, #tpu.memory_space<vmem>>
      tpu.enqueue_dma source(%dma_start3A_572 : memref<8x128xf32, #tpu.memory_space<vmem>>) target(%dma_start3A_568 : memref<8x128xf32, #tpu.memory_space<hbm>>) target_semaphore(%dma_start3A_564 : memref<!tpu.dma_semaphore, #tpu.memory_space<semaphore_mem>>)
      %mul3A_573 = arith.constant 4 : i32
      %mul3A_574 = arith.muli %add3A, %mul3A_573 : i32
      %add3A_575 = arith.constant 1 : i32
      %add3A_576 = arith.addi %mul3A_574, %add3A_575 : i32
      %add3A_577 = arith.constant 0 : i32
      %add3A_578 = arith.addi %scan3A_459, %add3A_577 : i32
      %lt3A_579 = arith.constant 50 : i32
      %lt3A_580 = arith.cmpi slt, %add3A_578, %lt3A_579 : i32
      %convert_element_type3A_581 = arith.extui %lt3A_580 : i1 to i32
      %cond3A_582 = arith.constant 0 : i32
      %cond3A_583 = arith.cmpi ne, %convert_element_type3A_581, %cond3A_582 : i32
      scf.if %cond3A_583 {
        %dma_start3A_924 = arith.constant 3 : i32
        %dma_start3A_925 = arith.constant 3 : i32
        %dma_start3A_926 = arith.constant 0 : i32
        %dma_start3A_927 = arith.constant 0 : i32
        %dma_start3A_928 = tpu.memref_slice %arg7[%dma_start3A_924, %dma_start3A_926, %dma_start3A_927] : memref<4x128x32xf32, #tpu.memory_space<vmem>> -> memref<1x128x32xf32, #tpu.memory_space<vmem>>
        %dma_start3A_929 = tpu.memref_squeeze %dma_start3A_928 : memref<1x128x32xf32, #tpu.memory_space<vmem>> -> memref<128x32xf32, #tpu.memory_space<vmem>>
        %dma_start3A_930 = arith.constant 384 : i32
        %dma_start3A_931 = tpu.memref_slice %arg6[%add3A_578, %dma_start3A_930] : memref<50x512xi32, #tpu.memory_space<vmem>> -> memref<1x128xi32, #tpu.memory_space<vmem>>
        %dma_start3A_932 = tpu.memref_squeeze %dma_start3A_931 : memref<1x128xi32, #tpu.memory_space<vmem>> -> memref<128xi32, #tpu.memory_space<vmem>>
        %dma_start3A_933 = arith.constant 0 : i32
        %dma_start3A_934 = arith.constant 0 : i32
        %dma_start3A_935 = tpu.memref_slice %arg3[%dma_start3A_933, %dma_start3A_934] : memref<1015808x32xf32, #tpu.memory_space<hbm>> -> memref<1015808x32xf32, #tpu.memory_space<hbm>>
        %dma_start3A_936 = tpu.memref_slice %arg9[%dma_start3A_925] : memref<4x!tpu.dma_semaphore, #tpu.memory_space<semaphore_mem>> -> memref<1x!tpu.dma_semaphore, #tpu.memory_space<semaphore_mem>>
        %dma_start3A_937 = tpu.memref_squeeze %dma_start3A_936 : memref<1x!tpu.dma_semaphore, #tpu.memory_space<semaphore_mem>> -> memref<!tpu.dma_semaphore, #tpu.memory_space<semaphore_mem>>
        tpu.enqueue_indirect_dma source(%dma_start3A_935 : memref<1015808x32xf32, #tpu.memory_space<hbm>>) target(%dma_start3A_929 : memref<128x32xf32, #tpu.memory_space<vmem>>) offsets(%dma_start3A_932 : memref<128xi32, #tpu.memory_space<vmem>>) semaphore(%dma_start3A_937 : memref<!tpu.dma_semaphore, #tpu.memory_space<semaphore_mem>>)
      } else {
      }
      %dma_wait3A_584 = arith.constant 1 : i32
      %dma_wait3A_585 = arith.constant 1 : i32
      %dma_wait3A_586 = arith.constant 0 : i32
      %dma_wait3A_587 = arith.constant 0 : i32
      %dma_wait3A_588 = tpu.memref_slice %arg7[%dma_wait3A_584, %dma_wait3A_586, %dma_wait3A_587] : memref<4x128x32xf32, #tpu.memory_space<vmem>> -> memref<1x128x32xf32, #tpu.memory_space<vmem>>
      %dma_wait3A_589 = tpu.memref_squeeze %dma_wait3A_588 : memref<1x128x32xf32, #tpu.memory_space<vmem>> -> memref<128x32xf32, #tpu.memory_space<vmem>>
      %dma_wait3A_590 = arith.constant 128 : i32
      %dma_wait3A_591 = tpu.memref_slice %arg6[%scan3A_459, %dma_wait3A_590] : memref<50x512xi32, #tpu.memory_space<vmem>> -> memref<1x128xi32, #tpu.memory_space<vmem>>
      %dma_wait3A_592 = tpu.memref_squeeze %dma_wait3A_591 : memref<1x128xi32, #tpu.memory_space<vmem>> -> memref<128xi32, #tpu.memory_space<vmem>>
      %dma_wait3A_593 = arith.constant 0 : i32
      %dma_wait3A_594 = arith.constant 0 : i32
      %dma_wait3A_595 = tpu.memref_slice %arg3[%dma_wait3A_593, %dma_wait3A_594] : memref<1015808x32xf32, #tpu.memory_space<hbm>> -> memref<1015808x32xf32, #tpu.memory_space<hbm>>
      %dma_wait3A_596 = tpu.memref_slice %arg9[%dma_wait3A_585] : memref<4x!tpu.dma_semaphore, #tpu.memory_space<semaphore_mem>> -> memref<1x!tpu.dma_semaphore, #tpu.memory_space<semaphore_mem>>
      %dma_wait3A_597 = tpu.memref_squeeze %dma_wait3A_596 : memref<1x!tpu.dma_semaphore, #tpu.memory_space<semaphore_mem>> -> memref<!tpu.dma_semaphore, #tpu.memory_space<semaphore_mem>>
      tpu.wait_indirect_dma semaphore(%dma_wait3A_597 : memref<!tpu.dma_semaphore, #tpu.memory_space<semaphore_mem>>) src(%dma_wait3A_595 : memref<1015808x32xf32, #tpu.memory_space<hbm>>) dst(%dma_wait3A_589 : memref<128x32xf32, #tpu.memory_space<vmem>>)
      %gt3A_598 = arith.constant 0 : i32
      %gt3A_599 = arith.cmpi sgt, %scan3A_459, %gt3A_598 : i32
      %convert_element_type3A_600 = arith.extui %gt3A_599 : i1 to i32
      %cond3A_601 = arith.constant 0 : i32
      %cond3A_602 = arith.cmpi ne, %convert_element_type3A_600, %cond3A_601 : i32
      scf.if %cond3A_602 {
        %sub3A = arith.constant 1 : i32
        %sub3A_924 = arith.subi %scan3A_459, %sub3A : i32
        %dma_wait3A_925 = arith.constant 1 : i32
        %dma_wait3A_926 = arith.constant 0 : i32
        %dma_wait3A_927 = arith.constant 1 : i32
        %dma_wait3A_928 = arith.constant 0 : i32
        %dma_wait3A_929 = arith.constant 0 : i32
        %dma_wait3A_930 = tpu.memref_slice %arg8[%dma_wait3A_925, %dma_wait3A_928, %dma_wait3A_929] : memref<4x32x129xf32, #tpu.memory_space<vmem>> -> memref<1x8x128xf32, #tpu.memory_space<vmem>>
        %dma_wait3A_931 = tpu.memref_squeeze %dma_wait3A_930 : memref<1x8x128xf32, #tpu.memory_space<vmem>> -> memref<8x128xf32, #tpu.memory_space<vmem>>
        %dma_wait3A_932 = arith.constant 0 : i32
        %dma_wait3A_933 = arith.constant 0 : i32
        %dma_wait3A_934 = tpu.memref_slice %arg4[%sub3A_924, %dma_wait3A_926, %add3A_576, %dma_wait3A_932, %dma_wait3A_933] : memref<50x4x128x8x128xf32, #tpu.memory_space<hbm>> -> memref<1x1x1x8x128xf32, #tpu.memory_space<hbm>>
        %dma_wait3A_935 = tpu.memref_squeeze %dma_wait3A_934 : memref<1x1x1x8x128xf32, #tpu.memory_space<hbm>> -> memref<8x128xf32, #tpu.memory_space<hbm>>
        %dma_wait3A_936 = tpu.memref_slice %arg10[%dma_wait3A_927] : memref<4x!tpu.dma_semaphore, #tpu.memory_space<semaphore_mem>> -> memref<1x!tpu.dma_semaphore, #tpu.memory_space<semaphore_mem>>
        %dma_wait3A_937 = tpu.memref_squeeze %dma_wait3A_936 : memref<1x!tpu.dma_semaphore, #tpu.memory_space<semaphore_mem>> -> memref<!tpu.dma_semaphore, #tpu.memory_space<semaphore_mem>>
        %dma_wait3A_938 = arith.constant 0 : i32
        %dma_wait3A_939 = arith.constant 0 : i32
        %dma_wait3A_940 = tpu.memref_slice %arg4[%sub3A_924, %dma_wait3A_926, %add3A_576, %dma_wait3A_938, %dma_wait3A_939] : memref<50x4x128x8x128xf32, #tpu.memory_space<hbm>> -> memref<1x1x1x8x128xf32, #tpu.memory_space<hbm>>
        %dma_wait3A_941 = tpu.memref_squeeze %dma_wait3A_940 : memref<1x1x1x8x128xf32, #tpu.memory_space<hbm>> -> memref<8x128xf32, #tpu.memory_space<hbm>>
        %dma_wait3A_942 = arith.constant 0 : i32
        %dma_wait3A_943 = arith.constant 0 : i32
        %dma_wait3A_944 = tpu.memref_slice %arg8[%dma_wait3A_925, %dma_wait3A_942, %dma_wait3A_943] : memref<4x32x129xf32, #tpu.memory_space<vmem>> -> memref<1x8x128xf32, #tpu.memory_space<vmem>>
        %dma_wait3A_945 = tpu.memref_squeeze %dma_wait3A_944 : memref<1x8x128xf32, #tpu.memory_space<vmem>> -> memref<8x128xf32, #tpu.memory_space<vmem>>
        tpu.wait_dma2 semaphore(%dma_wait3A_937 : memref<!tpu.dma_semaphore, #tpu.memory_space<semaphore_mem>>) src(%dma_wait3A_945 : memref<8x128xf32, #tpu.memory_space<vmem>>) dst(%dma_wait3A_941 : memref<8x128xf32, #tpu.memory_space<hbm>>)
        %sub3A_946 = arith.constant 1 : i32
        %sub3A_947 = arith.subi %scan3A_459, %sub3A_946 : i32
        %dma_wait3A_948 = arith.constant 1 : i32
        %dma_wait3A_949 = arith.constant 1 : i32
        %dma_wait3A_950 = arith.constant 1 : i32
        %dma_wait3A_951 = arith.constant 8 : i32
        %dma_wait3A_952 = arith.constant 0 : i32
        %dma_wait3A_953 = tpu.memref_slice %arg8[%dma_wait3A_948, %dma_wait3A_951, %dma_wait3A_952] : memref<4x32x129xf32, #tpu.memory_space<vmem>> -> memref<1x8x128xf32, #tpu.memory_space<vmem>>
        %dma_wait3A_954 = tpu.memref_squeeze %dma_wait3A_953 : memref<1x8x128xf32, #tpu.memory_space<vmem>> -> memref<8x128xf32, #tpu.memory_space<vmem>>
        %dma_wait3A_955 = arith.constant 0 : i32
        %dma_wait3A_956 = arith.constant 0 : i32
        %dma_wait3A_957 = tpu.memref_slice %arg4[%sub3A_947, %dma_wait3A_949, %add3A_576, %dma_wait3A_955, %dma_wait3A_956] : memref<50x4x128x8x128xf32, #tpu.memory_space<hbm>> -> memref<1x1x1x8x128xf32, #tpu.memory_space<hbm>>
        %dma_wait3A_958 = tpu.memref_squeeze %dma_wait3A_957 : memref<1x1x1x8x128xf32, #tpu.memory_space<hbm>> -> memref<8x128xf32, #tpu.memory_space<hbm>>
        %dma_wait3A_959 = tpu.memref_slice %arg10[%dma_wait3A_950] : memref<4x!tpu.dma_semaphore, #tpu.memory_space<semaphore_mem>> -> memref<1x!tpu.dma_semaphore, #tpu.memory_space<semaphore_mem>>
        %dma_wait3A_960 = tpu.memref_squeeze %dma_wait3A_959 : memref<1x!tpu.dma_semaphore, #tpu.memory_space<semaphore_mem>> -> memref<!tpu.dma_semaphore, #tpu.memory_space<semaphore_mem>>
        %dma_wait3A_961 = arith.constant 0 : i32
        %dma_wait3A_962 = arith.constant 0 : i32
        %dma_wait3A_963 = tpu.memref_slice %arg4[%sub3A_947, %dma_wait3A_949, %add3A_576, %dma_wait3A_961, %dma_wait3A_962] : memref<50x4x128x8x128xf32, #tpu.memory_space<hbm>> -> memref<1x1x1x8x128xf32, #tpu.memory_space<hbm>>
        %dma_wait3A_964 = tpu.memref_squeeze %dma_wait3A_963 : memref<1x1x1x8x128xf32, #tpu.memory_space<hbm>> -> memref<8x128xf32, #tpu.memory_space<hbm>>
        %dma_wait3A_965 = arith.constant 8 : i32
        %dma_wait3A_966 = arith.constant 0 : i32
        %dma_wait3A_967 = tpu.memref_slice %arg8[%dma_wait3A_948, %dma_wait3A_965, %dma_wait3A_966] : memref<4x32x129xf32, #tpu.memory_space<vmem>> -> memref<1x8x128xf32, #tpu.memory_space<vmem>>
        %dma_wait3A_968 = tpu.memref_squeeze %dma_wait3A_967 : memref<1x8x128xf32, #tpu.memory_space<vmem>> -> memref<8x128xf32, #tpu.memory_space<vmem>>
        tpu.wait_dma2 semaphore(%dma_wait3A_960 : memref<!tpu.dma_semaphore, #tpu.memory_space<semaphore_mem>>) src(%dma_wait3A_968 : memref<8x128xf32, #tpu.memory_space<vmem>>) dst(%dma_wait3A_964 : memref<8x128xf32, #tpu.memory_space<hbm>>)
        %sub3A_969 = arith.constant 1 : i32
        %sub3A_970 = arith.subi %scan3A_459, %sub3A_969 : i32
        %dma_wait3A_971 = arith.constant 1 : i32
        %dma_wait3A_972 = arith.constant 2 : i32
        %dma_wait3A_973 = arith.constant 1 : i32
        %dma_wait3A_974 = arith.constant 16 : i32
        %dma_wait3A_975 = arith.constant 0 : i32
        %dma_wait3A_976 = tpu.memref_slice %arg8[%dma_wait3A_971, %dma_wait3A_974, %dma_wait3A_975] : memref<4x32x129xf32, #tpu.memory_space<vmem>> -> memref<1x8x128xf32, #tpu.memory_space<vmem>>
        %dma_wait3A_977 = tpu.memref_squeeze %dma_wait3A_976 : memref<1x8x128xf32, #tpu.memory_space<vmem>> -> memref<8x128xf32, #tpu.memory_space<vmem>>
        %dma_wait3A_978 = arith.constant 0 : i32
        %dma_wait3A_979 = arith.constant 0 : i32
        %dma_wait3A_980 = tpu.memref_slice %arg4[%sub3A_970, %dma_wait3A_972, %add3A_576, %dma_wait3A_978, %dma_wait3A_979] : memref<50x4x128x8x128xf32, #tpu.memory_space<hbm>> -> memref<1x1x1x8x128xf32, #tpu.memory_space<hbm>>
        %dma_wait3A_981 = tpu.memref_squeeze %dma_wait3A_980 : memref<1x1x1x8x128xf32, #tpu.memory_space<hbm>> -> memref<8x128xf32, #tpu.memory_space<hbm>>
        %dma_wait3A_982 = tpu.memref_slice %arg10[%dma_wait3A_973] : memref<4x!tpu.dma_semaphore, #tpu.memory_space<semaphore_mem>> -> memref<1x!tpu.dma_semaphore, #tpu.memory_space<semaphore_mem>>
        %dma_wait3A_983 = tpu.memref_squeeze %dma_wait3A_982 : memref<1x!tpu.dma_semaphore, #tpu.memory_space<semaphore_mem>> -> memref<!tpu.dma_semaphore, #tpu.memory_space<semaphore_mem>>
        %dma_wait3A_984 = arith.constant 0 : i32
        %dma_wait3A_985 = arith.constant 0 : i32
        %dma_wait3A_986 = tpu.memref_slice %arg4[%sub3A_970, %dma_wait3A_972, %add3A_576, %dma_wait3A_984, %dma_wait3A_985] : memref<50x4x128x8x128xf32, #tpu.memory_space<hbm>> -> memref<1x1x1x8x128xf32, #tpu.memory_space<hbm>>
        %dma_wait3A_987 = tpu.memref_squeeze %dma_wait3A_986 : memref<1x1x1x8x128xf32, #tpu.memory_space<hbm>> -> memref<8x128xf32, #tpu.memory_space<hbm>>
        %dma_wait3A_988 = arith.constant 16 : i32
        %dma_wait3A_989 = arith.constant 0 : i32
        %dma_wait3A_990 = tpu.memref_slice %arg8[%dma_wait3A_971, %dma_wait3A_988, %dma_wait3A_989] : memref<4x32x129xf32, #tpu.memory_space<vmem>> -> memref<1x8x128xf32, #tpu.memory_space<vmem>>
        %dma_wait3A_991 = tpu.memref_squeeze %dma_wait3A_990 : memref<1x8x128xf32, #tpu.memory_space<vmem>> -> memref<8x128xf32, #tpu.memory_space<vmem>>
        tpu.wait_dma2 semaphore(%dma_wait3A_983 : memref<!tpu.dma_semaphore, #tpu.memory_space<semaphore_mem>>) src(%dma_wait3A_991 : memref<8x128xf32, #tpu.memory_space<vmem>>) dst(%dma_wait3A_987 : memref<8x128xf32, #tpu.memory_space<hbm>>)
        %sub3A_992 = arith.constant 1 : i32
        %sub3A_993 = arith.subi %scan3A_459, %sub3A_992 : i32
        %dma_wait3A_994 = arith.constant 1 : i32
        %dma_wait3A_995 = arith.constant 3 : i32
        %dma_wait3A_996 = arith.constant 1 : i32
        %dma_wait3A_997 = arith.constant 24 : i32
        %dma_wait3A_998 = arith.constant 0 : i32
        %dma_wait3A_999 = tpu.memref_slice %arg8[%dma_wait3A_994, %dma_wait3A_997, %dma_wait3A_998] : memref<4x32x129xf32, #tpu.memory_space<vmem>> -> memref<1x8x128xf32, #tpu.memory_space<vmem>>
        %dma_wait3A_1000 = tpu.memref_squeeze %dma_wait3A_999 : memref<1x8x128xf32, #tpu.memory_space<vmem>> -> memref<8x128xf32, #tpu.memory_space<vmem>>
        %dma_wait3A_1001 = arith.constant 0 : i32
        %dma_wait3A_1002 = arith.constant 0 : i32
        %dma_wait3A_1003 = tpu.memref_slice %arg4[%sub3A_993, %dma_wait3A_995, %add3A_576, %dma_wait3A_1001, %dma_wait3A_1002] : memref<50x4x128x8x128xf32, #tpu.memory_space<hbm>> -> memref<1x1x1x8x128xf32, #tpu.memory_space<hbm>>
        %dma_wait3A_1004 = tpu.memref_squeeze %dma_wait3A_1003 : memref<1x1x1x8x128xf32, #tpu.memory_space<hbm>> -> memref<8x128xf32, #tpu.memory_space<hbm>>
        %dma_wait3A_1005 = tpu.memref_slice %arg10[%dma_wait3A_996] : memref<4x!tpu.dma_semaphore, #tpu.memory_space<semaphore_mem>> -> memref<1x!tpu.dma_semaphore, #tpu.memory_space<semaphore_mem>>
        %dma_wait3A_1006 = tpu.memref_squeeze %dma_wait3A_1005 : memref<1x!tpu.dma_semaphore, #tpu.memory_space<semaphore_mem>> -> memref<!tpu.dma_semaphore, #tpu.memory_space<semaphore_mem>>
        %dma_wait3A_1007 = arith.constant 0 : i32
        %dma_wait3A_1008 = arith.constant 0 : i32
        %dma_wait3A_1009 = tpu.memref_slice %arg4[%sub3A_993, %dma_wait3A_995, %add3A_576, %dma_wait3A_1007, %dma_wait3A_1008] : memref<50x4x128x8x128xf32, #tpu.memory_space<hbm>> -> memref<1x1x1x8x128xf32, #tpu.memory_space<hbm>>
        %dma_wait3A_1010 = tpu.memref_squeeze %dma_wait3A_1009 : memref<1x1x1x8x128xf32, #tpu.memory_space<hbm>> -> memref<8x128xf32, #tpu.memory_space<hbm>>
        %dma_wait3A_1011 = arith.constant 24 : i32
        %dma_wait3A_1012 = arith.constant 0 : i32
        %dma_wait3A_1013 = tpu.memref_slice %arg8[%dma_wait3A_994, %dma_wait3A_1011, %dma_wait3A_1012] : memref<4x32x129xf32, #tpu.memory_space<vmem>> -> memref<1x8x128xf32, #tpu.memory_space<vmem>>
        %dma_wait3A_1014 = tpu.memref_squeeze %dma_wait3A_1013 : memref<1x8x128xf32, #tpu.memory_space<vmem>> -> memref<8x128xf32, #tpu.memory_space<vmem>>
        tpu.wait_dma2 semaphore(%dma_wait3A_1006 : memref<!tpu.dma_semaphore, #tpu.memory_space<semaphore_mem>>) src(%dma_wait3A_1014 : memref<8x128xf32, #tpu.memory_space<vmem>>) dst(%dma_wait3A_1010 : memref<8x128xf32, #tpu.memory_space<hbm>>)
      } else {
      }
      %parallel_loop3A_603 = arith.constant 0 : i32
      %parallel_loop3A_604 = arith.constant 128 : i32
      %parallel_loop3A_605 = arith.constant 1 : i32
      scf.for %parallel_loop3A_924 = %parallel_loop3A_603 to %parallel_loop3A_604 step %parallel_loop3A_605  : i32 {
        %parallel_loop3A_925 = vector.broadcast %parallel_loop3A_924 : i32 to vector<16xi32>
        %parallel_loop3A_926 = arith.constant 1 : i32
        %parallel_loop3A_927 = arith.index_cast %parallel_loop3A_926 : i32 to index
        %parallel_loop3A_928 = arith.index_cast %parallel_loop3A_924 : i32 to index
        %parallel_loop3A_929 = arith.constant 0 : index
        %parallel_loop3A_930 = tpu.vector_load %arg7[%parallel_loop3A_927, %parallel_loop3A_928, %parallel_loop3A_929] {strides = array<i32>} : memref<4x128x32xf32, #tpu.memory_space<vmem>>, vector<16xf32>,
        %parallel_loop3A_931 = arith.constant -2.000000e+00 : f32
        %parallel_loop3A_932 = vector.broadcast %parallel_loop3A_931 : f32 to vector<16xf32>
        %parallel_loop3A_933 = arith.mulf %parallel_loop3A_932, %parallel_loop3A_930 : vector<16xf32>
        %parallel_loop3A_934 = arith.constant 2.000000e+01 : f32
        %parallel_loop3A_935 = vector.broadcast %parallel_loop3A_934 : f32 to vector<16xf32>
        %parallel_loop3A_936 = arith.minimumf %parallel_loop3A_933, %parallel_loop3A_935 : vector<16xf32>
        %parallel_loop3A_937 = math.exp %parallel_loop3A_936 : vector<16xf32>
        %parallel_loop3A_938 = arith.constant 1.000000e+00 : f32
        %parallel_loop3A_939 = vector.broadcast %parallel_loop3A_938 : f32 to vector<16xf32>
        %parallel_loop3A_940 = arith.subf %parallel_loop3A_939, %parallel_loop3A_937 : vector<16xf32>
        %parallel_loop3A_941 = arith.constant 1.000000e+00 : f32
        %parallel_loop3A_942 = vector.broadcast %parallel_loop3A_941 : f32 to vector<16xf32>
        %parallel_loop3A_943 = arith.addf %parallel_loop3A_942, %parallel_loop3A_937 : vector<16xf32>
        %parallel_loop3A_944 = arith.divf %parallel_loop3A_940, %parallel_loop3A_943 : vector<16xf32>
        %parallel_loop3A_945 = arith.constant 1 : i32
        %parallel_loop3A_946 = arith.constant 0 : i32
        %parallel_loop3A_947 = arith.constant 0 : i32
        %parallel_loop3A_948 = tpu.memref_slice %arg8[%parallel_loop3A_945, %parallel_loop3A_946, %parallel_loop3A_947] : memref<4x32x129xf32, #tpu.memory_space<vmem>> -> memref<1x32x129xf32, #tpu.memory_space<vmem>>
        %parallel_loop3A_949 = tpu.memref_squeeze %parallel_loop3A_948 : memref<1x32x129xf32, #tpu.memory_space<vmem>> -> memref<32x129xf32, #tpu.memory_space<vmem>>
        tpu.vector_store_idx %parallel_loop3A_949[%add3A_6, %parallel_loop3A_925], %parallel_loop3A_944 : memref<32x129xf32, #tpu.memory_space<vmem>>[vector<16xi32>, vector<16xi32>], vector<16xf32>,
        %parallel_loop3A_950 = arith.constant 1 : i32
        %parallel_loop3A_951 = arith.index_cast %parallel_loop3A_950 : i32 to index
        %parallel_loop3A_952 = arith.index_cast %parallel_loop3A_924 : i32 to index
        %parallel_loop3A_953 = arith.constant 16 : index
        %parallel_loop3A_954 = tpu.vector_load %arg7[%parallel_loop3A_951, %parallel_loop3A_952, %parallel_loop3A_953] {strides = array<i32>} : memref<4x128x32xf32, #tpu.memory_space<vmem>>, vector<16xf32>,
        %parallel_loop3A_955 = arith.constant -2.000000e+00 : f32
        %parallel_loop3A_956 = vector.broadcast %parallel_loop3A_955 : f32 to vector<16xf32>
        %parallel_loop3A_957 = arith.mulf %parallel_loop3A_956, %parallel_loop3A_954 : vector<16xf32>
        %parallel_loop3A_958 = arith.constant 2.000000e+01 : f32
        %parallel_loop3A_959 = vector.broadcast %parallel_loop3A_958 : f32 to vector<16xf32>
        %parallel_loop3A_960 = arith.minimumf %parallel_loop3A_957, %parallel_loop3A_959 : vector<16xf32>
        %parallel_loop3A_961 = math.exp %parallel_loop3A_960 : vector<16xf32>
        %parallel_loop3A_962 = arith.constant 1.000000e+00 : f32
        %parallel_loop3A_963 = vector.broadcast %parallel_loop3A_962 : f32 to vector<16xf32>
        %parallel_loop3A_964 = arith.subf %parallel_loop3A_963, %parallel_loop3A_961 : vector<16xf32>
        %parallel_loop3A_965 = arith.constant 1.000000e+00 : f32
        %parallel_loop3A_966 = vector.broadcast %parallel_loop3A_965 : f32 to vector<16xf32>
        %parallel_loop3A_967 = arith.addf %parallel_loop3A_966, %parallel_loop3A_961 : vector<16xf32>
        %parallel_loop3A_968 = arith.divf %parallel_loop3A_964, %parallel_loop3A_967 : vector<16xf32>
        %parallel_loop3A_969 = arith.constant 1 : i32
        %parallel_loop3A_970 = arith.constant 0 : i32
        %parallel_loop3A_971 = arith.constant 0 : i32
        %parallel_loop3A_972 = tpu.memref_slice %arg8[%parallel_loop3A_969, %parallel_loop3A_970, %parallel_loop3A_971] : memref<4x32x129xf32, #tpu.memory_space<vmem>> -> memref<1x32x129xf32, #tpu.memory_space<vmem>>
        %parallel_loop3A_973 = tpu.memref_squeeze %parallel_loop3A_972 : memref<1x32x129xf32, #tpu.memory_space<vmem>> -> memref<32x129xf32, #tpu.memory_space<vmem>>
        tpu.vector_store_idx %parallel_loop3A_973[%add3A_9, %parallel_loop3A_925], %parallel_loop3A_968 : memref<32x129xf32, #tpu.memory_space<vmem>>[vector<16xi32>, vector<16xi32>], vector<16xf32>,
      } {sc.loop_unroll_factor = 4 : i64, sc.parallel_access}
      %dma_start3A_606 = arith.constant 1 : i32
      %dma_start3A_607 = arith.constant 0 : i32
      %dma_start3A_608 = arith.constant 1 : i32
      %dma_start3A_609 = arith.constant 0 : i32
      %dma_start3A_610 = arith.constant 0 : i32
      %dma_start3A_611 = tpu.memref_slice %arg8[%dma_start3A_606, %dma_start3A_609, %dma_start3A_610] : memref<4x32x129xf32, #tpu.memory_space<vmem>> -> memref<1x8x128xf32, #tpu.memory_space<vmem>>
      %dma_start3A_612 = tpu.memref_squeeze %dma_start3A_611 : memref<1x8x128xf32, #tpu.memory_space<vmem>> -> memref<8x128xf32, #tpu.memory_space<vmem>>
      %dma_start3A_613 = arith.constant 0 : i32
      %dma_start3A_614 = arith.constant 0 : i32
      %dma_start3A_615 = tpu.memref_slice %arg4[%scan3A_459, %dma_start3A_607, %add3A_576, %dma_start3A_613, %dma_start3A_614] : memref<50x4x128x8x128xf32, #tpu.memory_space<hbm>> -> memref<1x1x1x8x128xf32, #tpu.memory_space<hbm>>
      %dma_start3A_616 = tpu.memref_squeeze %dma_start3A_615 : memref<1x1x1x8x128xf32, #tpu.memory_space<hbm>> -> memref<8x128xf32, #tpu.memory_space<hbm>>
      %dma_start3A_617 = tpu.memref_slice %arg10[%dma_start3A_608] : memref<4x!tpu.dma_semaphore, #tpu.memory_space<semaphore_mem>> -> memref<1x!tpu.dma_semaphore, #tpu.memory_space<semaphore_mem>>
      %dma_start3A_618 = tpu.memref_squeeze %dma_start3A_617 : memref<1x!tpu.dma_semaphore, #tpu.memory_space<semaphore_mem>> -> memref<!tpu.dma_semaphore, #tpu.memory_space<semaphore_mem>>
      %dma_start3A_619 = arith.constant 0 : i32
      %dma_start3A_620 = arith.constant 0 : i32
      %dma_start3A_621 = tpu.memref_slice %arg4[%scan3A_459, %dma_start3A_607, %add3A_576, %dma_start3A_619, %dma_start3A_620] : memref<50x4x128x8x128xf32, #tpu.memory_space<hbm>> -> memref<1x1x1x8x128xf32, #tpu.memory_space<hbm>>
      %dma_start3A_622 = tpu.memref_squeeze %dma_start3A_621 : memref<1x1x1x8x128xf32, #tpu.memory_space<hbm>> -> memref<8x128xf32, #tpu.memory_space<hbm>>
      %dma_start3A_623 = arith.constant 0 : i32
      %dma_start3A_624 = arith.constant 0 : i32
      %dma_start3A_625 = tpu.memref_slice %arg8[%dma_start3A_606, %dma_start3A_623, %dma_start3A_624] : memref<4x32x129xf32, #tpu.memory_space<vmem>> -> memref<1x8x128xf32, #tpu.memory_space<vmem>>
      %dma_start3A_626 = tpu.memref_squeeze %dma_start3A_625 : memref<1x8x128xf32, #tpu.memory_space<vmem>> -> memref<8x128xf32, #tpu.memory_space<vmem>>
      tpu.enqueue_dma source(%dma_start3A_626 : memref<8x128xf32, #tpu.memory_space<vmem>>) target(%dma_start3A_622 : memref<8x128xf32, #tpu.memory_space<hbm>>) target_semaphore(%dma_start3A_618 : memref<!tpu.dma_semaphore, #tpu.memory_space<semaphore_mem>>)
      %dma_start3A_627 = arith.constant 1 : i32
      %dma_start3A_628 = arith.constant 1 : i32
      %dma_start3A_629 = arith.constant 1 : i32
      %dma_start3A_630 = arith.constant 8 : i32
      %dma_start3A_631 = arith.constant 0 : i32
      %dma_start3A_632 = tpu.memref_slice %arg8[%dma_start3A_627, %dma_start3A_630, %dma_start3A_631] : memref<4x32x129xf32, #tpu.memory_space<vmem>> -> memref<1x8x128xf32, #tpu.memory_space<vmem>>
      %dma_start3A_633 = tpu.memref_squeeze %dma_start3A_632 : memref<1x8x128xf32, #tpu.memory_space<vmem>> -> memref<8x128xf32, #tpu.memory_space<vmem>>
      %dma_start3A_634 = arith.constant 0 : i32
      %dma_start3A_635 = arith.constant 0 : i32
      %dma_start3A_636 = tpu.memref_slice %arg4[%scan3A_459, %dma_start3A_628, %add3A_576, %dma_start3A_634, %dma_start3A_635] : memref<50x4x128x8x128xf32, #tpu.memory_space<hbm>> -> memref<1x1x1x8x128xf32, #tpu.memory_space<hbm>>
      %dma_start3A_637 = tpu.memref_squeeze %dma_start3A_636 : memref<1x1x1x8x128xf32, #tpu.memory_space<hbm>> -> memref<8x128xf32, #tpu.memory_space<hbm>>
      %dma_start3A_638 = tpu.memref_slice %arg10[%dma_start3A_629] : memref<4x!tpu.dma_semaphore, #tpu.memory_space<semaphore_mem>> -> memref<1x!tpu.dma_semaphore, #tpu.memory_space<semaphore_mem>>
      %dma_start3A_639 = tpu.memref_squeeze %dma_start3A_638 : memref<1x!tpu.dma_semaphore, #tpu.memory_space<semaphore_mem>> -> memref<!tpu.dma_semaphore, #tpu.memory_space<semaphore_mem>>
      %dma_start3A_640 = arith.constant 0 : i32
      %dma_start3A_641 = arith.constant 0 : i32
      %dma_start3A_642 = tpu.memref_slice %arg4[%scan3A_459, %dma_start3A_628, %add3A_576, %dma_start3A_640, %dma_start3A_641] : memref<50x4x128x8x128xf32, #tpu.memory_space<hbm>> -> memref<1x1x1x8x128xf32, #tpu.memory_space<hbm>>
      %dma_start3A_643 = tpu.memref_squeeze %dma_start3A_642 : memref<1x1x1x8x128xf32, #tpu.memory_space<hbm>> -> memref<8x128xf32, #tpu.memory_space<hbm>>
      %dma_start3A_644 = arith.constant 8 : i32
      %dma_start3A_645 = arith.constant 0 : i32
      %dma_start3A_646 = tpu.memref_slice %arg8[%dma_start3A_627, %dma_start3A_644, %dma_start3A_645] : memref<4x32x129xf32, #tpu.memory_space<vmem>> -> memref<1x8x128xf32, #tpu.memory_space<vmem>>
      %dma_start3A_647 = tpu.memref_squeeze %dma_start3A_646 : memref<1x8x128xf32, #tpu.memory_space<vmem>> -> memref<8x128xf32, #tpu.memory_space<vmem>>
      tpu.enqueue_dma source(%dma_start3A_647 : memref<8x128xf32, #tpu.memory_space<vmem>>) target(%dma_start3A_643 : memref<8x128xf32, #tpu.memory_space<hbm>>) target_semaphore(%dma_start3A_639 : memref<!tpu.dma_semaphore, #tpu.memory_space<semaphore_mem>>)
      %dma_start3A_648 = arith.constant 1 : i32
      %dma_start3A_649 = arith.constant 2 : i32
      %dma_start3A_650 = arith.constant 1 : i32
      %dma_start3A_651 = arith.constant 16 : i32
      %dma_start3A_652 = arith.constant 0 : i32
      %dma_start3A_653 = tpu.memref_slice %arg8[%dma_start3A_648, %dma_start3A_651, %dma_start3A_652] : memref<4x32x129xf32, #tpu.memory_space<vmem>> -> memref<1x8x128xf32, #tpu.memory_space<vmem>>
      %dma_start3A_654 = tpu.memref_squeeze %dma_start3A_653 : memref<1x8x128xf32, #tpu.memory_space<vmem>> -> memref<8x128xf32, #tpu.memory_space<vmem>>
      %dma_start3A_655 = arith.constant 0 : i32
      %dma_start3A_656 = arith.constant 0 : i32
      %dma_start3A_657 = tpu.memref_slice %arg4[%scan3A_459, %dma_start3A_649, %add3A_576, %dma_start3A_655, %dma_start3A_656] : memref<50x4x128x8x128xf32, #tpu.memory_space<hbm>> -> memref<1x1x1x8x128xf32, #tpu.memory_space<hbm>>
      %dma_start3A_658 = tpu.memref_squeeze %dma_start3A_657 : memref<1x1x1x8x128xf32, #tpu.memory_space<hbm>> -> memref<8x128xf32, #tpu.memory_space<hbm>>
      %dma_start3A_659 = tpu.memref_slice %arg10[%dma_start3A_650] : memref<4x!tpu.dma_semaphore, #tpu.memory_space<semaphore_mem>> -> memref<1x!tpu.dma_semaphore, #tpu.memory_space<semaphore_mem>>
      %dma_start3A_660 = tpu.memref_squeeze %dma_start3A_659 : memref<1x!tpu.dma_semaphore, #tpu.memory_space<semaphore_mem>> -> memref<!tpu.dma_semaphore, #tpu.memory_space<semaphore_mem>>
      %dma_start3A_661 = arith.constant 0 : i32
      %dma_start3A_662 = arith.constant 0 : i32
      %dma_start3A_663 = tpu.memref_slice %arg4[%scan3A_459, %dma_start3A_649, %add3A_576, %dma_start3A_661, %dma_start3A_662] : memref<50x4x128x8x128xf32, #tpu.memory_space<hbm>> -> memref<1x1x1x8x128xf32, #tpu.memory_space<hbm>>
      %dma_start3A_664 = tpu.memref_squeeze %dma_start3A_663 : memref<1x1x1x8x128xf32, #tpu.memory_space<hbm>> -> memref<8x128xf32, #tpu.memory_space<hbm>>
      %dma_start3A_665 = arith.constant 16 : i32
      %dma_start3A_666 = arith.constant 0 : i32
      %dma_start3A_667 = tpu.memref_slice %arg8[%dma_start3A_648, %dma_start3A_665, %dma_start3A_666] : memref<4x32x129xf32, #tpu.memory_space<vmem>> -> memref<1x8x128xf32, #tpu.memory_space<vmem>>
      %dma_start3A_668 = tpu.memref_squeeze %dma_start3A_667 : memref<1x8x128xf32, #tpu.memory_space<vmem>> -> memref<8x128xf32, #tpu.memory_space<vmem>>
      tpu.enqueue_dma source(%dma_start3A_668 : memref<8x128xf32, #tpu.memory_space<vmem>>) target(%dma_start3A_664 : memref<8x128xf32, #tpu.memory_space<hbm>>) target_semaphore(%dma_start3A_660 : memref<!tpu.dma_semaphore, #tpu.memory_space<semaphore_mem>>)
      %dma_start3A_669 = arith.constant 1 : i32
      %dma_start3A_670 = arith.constant 3 : i32
      %dma_start3A_671 = arith.constant 1 : i32
      %dma_start3A_672 = arith.constant 24 : i32
      %dma_start3A_673 = arith.constant 0 : i32
      %dma_start3A_674 = tpu.memref_slice %arg8[%dma_start3A_669, %dma_start3A_672, %dma_start3A_673] : memref<4x32x129xf32, #tpu.memory_space<vmem>> -> memref<1x8x128xf32, #tpu.memory_space<vmem>>
      %dma_start3A_675 = tpu.memref_squeeze %dma_start3A_674 : memref<1x8x128xf32, #tpu.memory_space<vmem>> -> memref<8x128xf32, #tpu.memory_space<vmem>>
      %dma_start3A_676 = arith.constant 0 : i32
      %dma_start3A_677 = arith.constant 0 : i32
      %dma_start3A_678 = tpu.memref_slice %arg4[%scan3A_459, %dma_start3A_670, %add3A_576, %dma_start3A_676, %dma_start3A_677] : memref<50x4x128x8x128xf32, #tpu.memory_space<hbm>> -> memref<1x1x1x8x128xf32, #tpu.memory_space<hbm>>
      %dma_start3A_679 = tpu.memref_squeeze %dma_start3A_678 : memref<1x1x1x8x128xf32, #tpu.memory_space<hbm>> -> memref<8x128xf32, #tpu.memory_space<hbm>>
      %dma_start3A_680 = tpu.memref_slice %arg10[%dma_start3A_671] : memref<4x!tpu.dma_semaphore, #tpu.memory_space<semaphore_mem>> -> memref<1x!tpu.dma_semaphore, #tpu.memory_space<semaphore_mem>>
      %dma_start3A_681 = tpu.memref_squeeze %dma_start3A_680 : memref<1x!tpu.dma_semaphore, #tpu.memory_space<semaphore_mem>> -> memref<!tpu.dma_semaphore, #tpu.memory_space<semaphore_mem>>
      %dma_start3A_682 = arith.constant 0 : i32
      %dma_start3A_683 = arith.constant 0 : i32
      %dma_start3A_684 = tpu.memref_slice %arg4[%scan3A_459, %dma_start3A_670, %add3A_576, %dma_start3A_682, %dma_start3A_683] : memref<50x4x128x8x128xf32, #tpu.memory_space<hbm>> -> memref<1x1x1x8x128xf32, #tpu.memory_space<hbm>>
      %dma_start3A_685 = tpu.memref_squeeze %dma_start3A_684 : memref<1x1x1x8x128xf32, #tpu.memory_space<hbm>> -> memref<8x128xf32, #tpu.memory_space<hbm>>
      %dma_start3A_686 = arith.constant 24 : i32
      %dma_start3A_687 = arith.constant 0 : i32
      %dma_start3A_688 = tpu.memref_slice %arg8[%dma_start3A_669, %dma_start3A_686, %dma_start3A_687] : memref<4x32x129xf32, #tpu.memory_space<vmem>> -> memref<1x8x128xf32, #tpu.memory_space<vmem>>
      %dma_start3A_689 = tpu.memref_squeeze %dma_start3A_688 : memref<1x8x128xf32, #tpu.memory_space<vmem>> -> memref<8x128xf32, #tpu.memory_space<vmem>>
      tpu.enqueue_dma source(%dma_start3A_689 : memref<8x128xf32, #tpu.memory_space<vmem>>) target(%dma_start3A_685 : memref<8x128xf32, #tpu.memory_space<hbm>>) target_semaphore(%dma_start3A_681 : memref<!tpu.dma_semaphore, #tpu.memory_space<semaphore_mem>>)
      %mul3A_690 = arith.constant 4 : i32
      %mul3A_691 = arith.muli %add3A, %mul3A_690 : i32
      %add3A_692 = arith.constant 2 : i32
      %add3A_693 = arith.addi %mul3A_691, %add3A_692 : i32
      %add3A_694 = arith.constant 1 : i32
      %add3A_695 = arith.addi %scan3A_459, %add3A_694 : i32
      %lt3A_696 = arith.constant 50 : i32
      %lt3A_697 = arith.cmpi slt, %add3A_695, %lt3A_696 : i32
      %convert_element_type3A_698 = arith.extui %lt3A_697 : i1 to i32
      %cond3A_699 = arith.constant 0 : i32
      %cond3A_700 = arith.cmpi ne, %convert_element_type3A_698, %cond3A_699 : i32
      scf.if %cond3A_700 {
        %dma_start3A_924 = arith.constant 0 : i32
        %dma_start3A_925 = arith.constant 0 : i32
        %dma_start3A_926 = arith.constant 0 : i32
        %dma_start3A_927 = arith.constant 0 : i32
        %dma_start3A_928 = tpu.memref_slice %arg7[%dma_start3A_924, %dma_start3A_926, %dma_start3A_927] : memref<4x128x32xf32, #tpu.memory_space<vmem>> -> memref<1x128x32xf32, #tpu.memory_space<vmem>>
        %dma_start3A_929 = tpu.memref_squeeze %dma_start3A_928 : memref<1x128x32xf32, #tpu.memory_space<vmem>> -> memref<128x32xf32, #tpu.memory_space<vmem>>
        %dma_start3A_930 = arith.constant 0 : i32
        %dma_start3A_931 = tpu.memref_slice %arg6[%add3A_695, %dma_start3A_930] : memref<50x512xi32, #tpu.memory_space<vmem>> -> memref<1x128xi32, #tpu.memory_space<vmem>>
        %dma_start3A_932 = tpu.memref_squeeze %dma_start3A_931 : memref<1x128xi32, #tpu.memory_space<vmem>> -> memref<128xi32, #tpu.memory_space<vmem>>
        %dma_start3A_933 = arith.constant 0 : i32
        %dma_start3A_934 = arith.constant 0 : i32
        %dma_start3A_935 = tpu.memref_slice %arg3[%dma_start3A_933, %dma_start3A_934] : memref<1015808x32xf32, #tpu.memory_space<hbm>> -> memref<1015808x32xf32, #tpu.memory_space<hbm>>
        %dma_start3A_936 = tpu.memref_slice %arg9[%dma_start3A_925] : memref<4x!tpu.dma_semaphore, #tpu.memory_space<semaphore_mem>> -> memref<1x!tpu.dma_semaphore, #tpu.memory_space<semaphore_mem>>
        %dma_start3A_937 = tpu.memref_squeeze %dma_start3A_936 : memref<1x!tpu.dma_semaphore, #tpu.memory_space<semaphore_mem>> -> memref<!tpu.dma_semaphore, #tpu.memory_space<semaphore_mem>>
        tpu.enqueue_indirect_dma source(%dma_start3A_935 : memref<1015808x32xf32, #tpu.memory_space<hbm>>) target(%dma_start3A_929 : memref<128x32xf32, #tpu.memory_space<vmem>>) offsets(%dma_start3A_932 : memref<128xi32, #tpu.memory_space<vmem>>) semaphore(%dma_start3A_937 : memref<!tpu.dma_semaphore, #tpu.memory_space<semaphore_mem>>)
      } else {
      }
      %dma_wait3A_701 = arith.constant 2 : i32
      %dma_wait3A_702 = arith.constant 2 : i32
      %dma_wait3A_703 = arith.constant 0 : i32
      %dma_wait3A_704 = arith.constant 0 : i32
      %dma_wait3A_705 = tpu.memref_slice %arg7[%dma_wait3A_701, %dma_wait3A_703, %dma_wait3A_704] : memref<4x128x32xf32, #tpu.memory_space<vmem>> -> memref<1x128x32xf32, #tpu.memory_space<vmem>>
      %dma_wait3A_706 = tpu.memref_squeeze %dma_wait3A_705 : memref<1x128x32xf32, #tpu.memory_space<vmem>> -> memref<128x32xf32, #tpu.memory_space<vmem>>
      %dma_wait3A_707 = arith.constant 256 : i32
      %dma_wait3A_708 = tpu.memref_slice %arg6[%scan3A_459, %dma_wait3A_707] : memref<50x512xi32, #tpu.memory_space<vmem>> -> memref<1x128xi32, #tpu.memory_space<vmem>>
      %dma_wait3A_709 = tpu.memref_squeeze %dma_wait3A_708 : memref<1x128xi32, #tpu.memory_space<vmem>> -> memref<128xi32, #tpu.memory_space<vmem>>
      %dma_wait3A_710 = arith.constant 0 : i32
      %dma_wait3A_711 = arith.constant 0 : i32
      %dma_wait3A_712 = tpu.memref_slice %arg3[%dma_wait3A_710, %dma_wait3A_711] : memref<1015808x32xf32, #tpu.memory_space<hbm>> -> memref<1015808x32xf32, #tpu.memory_space<hbm>>
      %dma_wait3A_713 = tpu.memref_slice %arg9[%dma_wait3A_702] : memref<4x!tpu.dma_semaphore, #tpu.memory_space<semaphore_mem>> -> memref<1x!tpu.dma_semaphore, #tpu.memory_space<semaphore_mem>>
      %dma_wait3A_714 = tpu.memref_squeeze %dma_wait3A_713 : memref<1x!tpu.dma_semaphore, #tpu.memory_space<semaphore_mem>> -> memref<!tpu.dma_semaphore, #tpu.memory_space<semaphore_mem>>
      tpu.wait_indirect_dma semaphore(%dma_wait3A_714 : memref<!tpu.dma_semaphore, #tpu.memory_space<semaphore_mem>>) src(%dma_wait3A_712 : memref<1015808x32xf32, #tpu.memory_space<hbm>>) dst(%dma_wait3A_706 : memref<128x32xf32, #tpu.memory_space<vmem>>)
      %gt3A_715 = arith.constant 0 : i32
      %gt3A_716 = arith.cmpi sgt, %scan3A_459, %gt3A_715 : i32
      %convert_element_type3A_717 = arith.extui %gt3A_716 : i1 to i32
      %cond3A_718 = arith.constant 0 : i32
      %cond3A_719 = arith.cmpi ne, %convert_element_type3A_717, %cond3A_718 : i32
      scf.if %cond3A_719 {
        %sub3A = arith.constant 1 : i32
        %sub3A_924 = arith.subi %scan3A_459, %sub3A : i32
        %dma_wait3A_925 = arith.constant 2 : i32
        %dma_wait3A_926 = arith.constant 0 : i32
        %dma_wait3A_927 = arith.constant 2 : i32
        %dma_wait3A_928 = arith.constant 0 : i32
        %dma_wait3A_929 = arith.constant 0 : i32
        %dma_wait3A_930 = tpu.memref_slice %arg8[%dma_wait3A_925, %dma_wait3A_928, %dma_wait3A_929] : memref<4x32x129xf32, #tpu.memory_space<vmem>> -> memref<1x8x128xf32, #tpu.memory_space<vmem>>
        %dma_wait3A_931 = tpu.memref_squeeze %dma_wait3A_930 : memref<1x8x128xf32, #tpu.memory_space<vmem>> -> memref<8x128xf32, #tpu.memory_space<vmem>>
        %dma_wait3A_932 = arith.constant 0 : i32
        %dma_wait3A_933 = arith.constant 0 : i32
        %dma_wait3A_934 = tpu.memref_slice %arg4[%sub3A_924, %dma_wait3A_926, %add3A_693, %dma_wait3A_932, %dma_wait3A_933] : memref<50x4x128x8x128xf32, #tpu.memory_space<hbm>> -> memref<1x1x1x8x128xf32, #tpu.memory_space<hbm>>
        %dma_wait3A_935 = tpu.memref_squeeze %dma_wait3A_934 : memref<1x1x1x8x128xf32, #tpu.memory_space<hbm>> -> memref<8x128xf32, #tpu.memory_space<hbm>>
        %dma_wait3A_936 = tpu.memref_slice %arg10[%dma_wait3A_927] : memref<4x!tpu.dma_semaphore, #tpu.memory_space<semaphore_mem>> -> memref<1x!tpu.dma_semaphore, #tpu.memory_space<semaphore_mem>>
        %dma_wait3A_937 = tpu.memref_squeeze %dma_wait3A_936 : memref<1x!tpu.dma_semaphore, #tpu.memory_space<semaphore_mem>> -> memref<!tpu.dma_semaphore, #tpu.memory_space<semaphore_mem>>
        %dma_wait3A_938 = arith.constant 0 : i32
        %dma_wait3A_939 = arith.constant 0 : i32
        %dma_wait3A_940 = tpu.memref_slice %arg4[%sub3A_924, %dma_wait3A_926, %add3A_693, %dma_wait3A_938, %dma_wait3A_939] : memref<50x4x128x8x128xf32, #tpu.memory_space<hbm>> -> memref<1x1x1x8x128xf32, #tpu.memory_space<hbm>>
        %dma_wait3A_941 = tpu.memref_squeeze %dma_wait3A_940 : memref<1x1x1x8x128xf32, #tpu.memory_space<hbm>> -> memref<8x128xf32, #tpu.memory_space<hbm>>
        %dma_wait3A_942 = arith.constant 0 : i32
        %dma_wait3A_943 = arith.constant 0 : i32
        %dma_wait3A_944 = tpu.memref_slice %arg8[%dma_wait3A_925, %dma_wait3A_942, %dma_wait3A_943] : memref<4x32x129xf32, #tpu.memory_space<vmem>> -> memref<1x8x128xf32, #tpu.memory_space<vmem>>
        %dma_wait3A_945 = tpu.memref_squeeze %dma_wait3A_944 : memref<1x8x128xf32, #tpu.memory_space<vmem>> -> memref<8x128xf32, #tpu.memory_space<vmem>>
        tpu.wait_dma2 semaphore(%dma_wait3A_937 : memref<!tpu.dma_semaphore, #tpu.memory_space<semaphore_mem>>) src(%dma_wait3A_945 : memref<8x128xf32, #tpu.memory_space<vmem>>) dst(%dma_wait3A_941 : memref<8x128xf32, #tpu.memory_space<hbm>>)
        %sub3A_946 = arith.constant 1 : i32
        %sub3A_947 = arith.subi %scan3A_459, %sub3A_946 : i32
        %dma_wait3A_948 = arith.constant 2 : i32
        %dma_wait3A_949 = arith.constant 1 : i32
        %dma_wait3A_950 = arith.constant 2 : i32
        %dma_wait3A_951 = arith.constant 8 : i32
        %dma_wait3A_952 = arith.constant 0 : i32
        %dma_wait3A_953 = tpu.memref_slice %arg8[%dma_wait3A_948, %dma_wait3A_951, %dma_wait3A_952] : memref<4x32x129xf32, #tpu.memory_space<vmem>> -> memref<1x8x128xf32, #tpu.memory_space<vmem>>
        %dma_wait3A_954 = tpu.memref_squeeze %dma_wait3A_953 : memref<1x8x128xf32, #tpu.memory_space<vmem>> -> memref<8x128xf32, #tpu.memory_space<vmem>>
        %dma_wait3A_955 = arith.constant 0 : i32
        %dma_wait3A_956 = arith.constant 0 : i32
        %dma_wait3A_957 = tpu.memref_slice %arg4[%sub3A_947, %dma_wait3A_949, %add3A_693, %dma_wait3A_955, %dma_wait3A_956] : memref<50x4x128x8x128xf32, #tpu.memory_space<hbm>> -> memref<1x1x1x8x128xf32, #tpu.memory_space<hbm>>
        %dma_wait3A_958 = tpu.memref_squeeze %dma_wait3A_957 : memref<1x1x1x8x128xf32, #tpu.memory_space<hbm>> -> memref<8x128xf32, #tpu.memory_space<hbm>>
        %dma_wait3A_959 = tpu.memref_slice %arg10[%dma_wait3A_950] : memref<4x!tpu.dma_semaphore, #tpu.memory_space<semaphore_mem>> -> memref<1x!tpu.dma_semaphore, #tpu.memory_space<semaphore_mem>>
        %dma_wait3A_960 = tpu.memref_squeeze %dma_wait3A_959 : memref<1x!tpu.dma_semaphore, #tpu.memory_space<semaphore_mem>> -> memref<!tpu.dma_semaphore, #tpu.memory_space<semaphore_mem>>
        %dma_wait3A_961 = arith.constant 0 : i32
        %dma_wait3A_962 = arith.constant 0 : i32
        %dma_wait3A_963 = tpu.memref_slice %arg4[%sub3A_947, %dma_wait3A_949, %add3A_693, %dma_wait3A_961, %dma_wait3A_962] : memref<50x4x128x8x128xf32, #tpu.memory_space<hbm>> -> memref<1x1x1x8x128xf32, #tpu.memory_space<hbm>>
        %dma_wait3A_964 = tpu.memref_squeeze %dma_wait3A_963 : memref<1x1x1x8x128xf32, #tpu.memory_space<hbm>> -> memref<8x128xf32, #tpu.memory_space<hbm>>
        %dma_wait3A_965 = arith.constant 8 : i32
        %dma_wait3A_966 = arith.constant 0 : i32
        %dma_wait3A_967 = tpu.memref_slice %arg8[%dma_wait3A_948, %dma_wait3A_965, %dma_wait3A_966] : memref<4x32x129xf32, #tpu.memory_space<vmem>> -> memref<1x8x128xf32, #tpu.memory_space<vmem>>
        %dma_wait3A_968 = tpu.memref_squeeze %dma_wait3A_967 : memref<1x8x128xf32, #tpu.memory_space<vmem>> -> memref<8x128xf32, #tpu.memory_space<vmem>>
        tpu.wait_dma2 semaphore(%dma_wait3A_960 : memref<!tpu.dma_semaphore, #tpu.memory_space<semaphore_mem>>) src(%dma_wait3A_968 : memref<8x128xf32, #tpu.memory_space<vmem>>) dst(%dma_wait3A_964 : memref<8x128xf32, #tpu.memory_space<hbm>>)
        %sub3A_969 = arith.constant 1 : i32
        %sub3A_970 = arith.subi %scan3A_459, %sub3A_969 : i32
        %dma_wait3A_971 = arith.constant 2 : i32
        %dma_wait3A_972 = arith.constant 2 : i32
        %dma_wait3A_973 = arith.constant 2 : i32
        %dma_wait3A_974 = arith.constant 16 : i32
        %dma_wait3A_975 = arith.constant 0 : i32
        %dma_wait3A_976 = tpu.memref_slice %arg8[%dma_wait3A_971, %dma_wait3A_974, %dma_wait3A_975] : memref<4x32x129xf32, #tpu.memory_space<vmem>> -> memref<1x8x128xf32, #tpu.memory_space<vmem>>
        %dma_wait3A_977 = tpu.memref_squeeze %dma_wait3A_976 : memref<1x8x128xf32, #tpu.memory_space<vmem>> -> memref<8x128xf32, #tpu.memory_space<vmem>>
        %dma_wait3A_978 = arith.constant 0 : i32
        %dma_wait3A_979 = arith.constant 0 : i32
        %dma_wait3A_980 = tpu.memref_slice %arg4[%sub3A_970, %dma_wait3A_972, %add3A_693, %dma_wait3A_978, %dma_wait3A_979] : memref<50x4x128x8x128xf32, #tpu.memory_space<hbm>> -> memref<1x1x1x8x128xf32, #tpu.memory_space<hbm>>
        %dma_wait3A_981 = tpu.memref_squeeze %dma_wait3A_980 : memref<1x1x1x8x128xf32, #tpu.memory_space<hbm>> -> memref<8x128xf32, #tpu.memory_space<hbm>>
        %dma_wait3A_982 = tpu.memref_slice %arg10[%dma_wait3A_973] : memref<4x!tpu.dma_semaphore, #tpu.memory_space<semaphore_mem>> -> memref<1x!tpu.dma_semaphore, #tpu.memory_space<semaphore_mem>>
        %dma_wait3A_983 = tpu.memref_squeeze %dma_wait3A_982 : memref<1x!tpu.dma_semaphore, #tpu.memory_space<semaphore_mem>> -> memref<!tpu.dma_semaphore, #tpu.memory_space<semaphore_mem>>
        %dma_wait3A_984 = arith.constant 0 : i32
        %dma_wait3A_985 = arith.constant 0 : i32
        %dma_wait3A_986 = tpu.memref_slice %arg4[%sub3A_970, %dma_wait3A_972, %add3A_693, %dma_wait3A_984, %dma_wait3A_985] : memref<50x4x128x8x128xf32, #tpu.memory_space<hbm>> -> memref<1x1x1x8x128xf32, #tpu.memory_space<hbm>>
        %dma_wait3A_987 = tpu.memref_squeeze %dma_wait3A_986 : memref<1x1x1x8x128xf32, #tpu.memory_space<hbm>> -> memref<8x128xf32, #tpu.memory_space<hbm>>
        %dma_wait3A_988 = arith.constant 16 : i32
        %dma_wait3A_989 = arith.constant 0 : i32
        %dma_wait3A_990 = tpu.memref_slice %arg8[%dma_wait3A_971, %dma_wait3A_988, %dma_wait3A_989] : memref<4x32x129xf32, #tpu.memory_space<vmem>> -> memref<1x8x128xf32, #tpu.memory_space<vmem>>
        %dma_wait3A_991 = tpu.memref_squeeze %dma_wait3A_990 : memref<1x8x128xf32, #tpu.memory_space<vmem>> -> memref<8x128xf32, #tpu.memory_space<vmem>>
        tpu.wait_dma2 semaphore(%dma_wait3A_983 : memref<!tpu.dma_semaphore, #tpu.memory_space<semaphore_mem>>) src(%dma_wait3A_991 : memref<8x128xf32, #tpu.memory_space<vmem>>) dst(%dma_wait3A_987 : memref<8x128xf32, #tpu.memory_space<hbm>>)
        %sub3A_992 = arith.constant 1 : i32
        %sub3A_993 = arith.subi %scan3A_459, %sub3A_992 : i32
        %dma_wait3A_994 = arith.constant 2 : i32
        %dma_wait3A_995 = arith.constant 3 : i32
        %dma_wait3A_996 = arith.constant 2 : i32
        %dma_wait3A_997 = arith.constant 24 : i32
        %dma_wait3A_998 = arith.constant 0 : i32
        %dma_wait3A_999 = tpu.memref_slice %arg8[%dma_wait3A_994, %dma_wait3A_997, %dma_wait3A_998] : memref<4x32x129xf32, #tpu.memory_space<vmem>> -> memref<1x8x128xf32, #tpu.memory_space<vmem>>
        %dma_wait3A_1000 = tpu.memref_squeeze %dma_wait3A_999 : memref<1x8x128xf32, #tpu.memory_space<vmem>> -> memref<8x128xf32, #tpu.memory_space<vmem>>
        %dma_wait3A_1001 = arith.constant 0 : i32
        %dma_wait3A_1002 = arith.constant 0 : i32
        %dma_wait3A_1003 = tpu.memref_slice %arg4[%sub3A_993, %dma_wait3A_995, %add3A_693, %dma_wait3A_1001, %dma_wait3A_1002] : memref<50x4x128x8x128xf32, #tpu.memory_space<hbm>> -> memref<1x1x1x8x128xf32, #tpu.memory_space<hbm>>
        %dma_wait3A_1004 = tpu.memref_squeeze %dma_wait3A_1003 : memref<1x1x1x8x128xf32, #tpu.memory_space<hbm>> -> memref<8x128xf32, #tpu.memory_space<hbm>>
        %dma_wait3A_1005 = tpu.memref_slice %arg10[%dma_wait3A_996] : memref<4x!tpu.dma_semaphore, #tpu.memory_space<semaphore_mem>> -> memref<1x!tpu.dma_semaphore, #tpu.memory_space<semaphore_mem>>
        %dma_wait3A_1006 = tpu.memref_squeeze %dma_wait3A_1005 : memref<1x!tpu.dma_semaphore, #tpu.memory_space<semaphore_mem>> -> memref<!tpu.dma_semaphore, #tpu.memory_space<semaphore_mem>>
        %dma_wait3A_1007 = arith.constant 0 : i32
        %dma_wait3A_1008 = arith.constant 0 : i32
        %dma_wait3A_1009 = tpu.memref_slice %arg4[%sub3A_993, %dma_wait3A_995, %add3A_693, %dma_wait3A_1007, %dma_wait3A_1008] : memref<50x4x128x8x128xf32, #tpu.memory_space<hbm>> -> memref<1x1x1x8x128xf32, #tpu.memory_space<hbm>>
        %dma_wait3A_1010 = tpu.memref_squeeze %dma_wait3A_1009 : memref<1x1x1x8x128xf32, #tpu.memory_space<hbm>> -> memref<8x128xf32, #tpu.memory_space<hbm>>
        %dma_wait3A_1011 = arith.constant 24 : i32
        %dma_wait3A_1012 = arith.constant 0 : i32
        %dma_wait3A_1013 = tpu.memref_slice %arg8[%dma_wait3A_994, %dma_wait3A_1011, %dma_wait3A_1012] : memref<4x32x129xf32, #tpu.memory_space<vmem>> -> memref<1x8x128xf32, #tpu.memory_space<vmem>>
        %dma_wait3A_1014 = tpu.memref_squeeze %dma_wait3A_1013 : memref<1x8x128xf32, #tpu.memory_space<vmem>> -> memref<8x128xf32, #tpu.memory_space<vmem>>
        tpu.wait_dma2 semaphore(%dma_wait3A_1006 : memref<!tpu.dma_semaphore, #tpu.memory_space<semaphore_mem>>) src(%dma_wait3A_1014 : memref<8x128xf32, #tpu.memory_space<vmem>>) dst(%dma_wait3A_1010 : memref<8x128xf32, #tpu.memory_space<hbm>>)
      } else {
      }
      %parallel_loop3A_720 = arith.constant 0 : i32
      %parallel_loop3A_721 = arith.constant 128 : i32
      %parallel_loop3A_722 = arith.constant 1 : i32
      scf.for %parallel_loop3A_924 = %parallel_loop3A_720 to %parallel_loop3A_721 step %parallel_loop3A_722  : i32 {
        %parallel_loop3A_925 = vector.broadcast %parallel_loop3A_924 : i32 to vector<16xi32>
        %parallel_loop3A_926 = arith.constant 2 : i32
        %parallel_loop3A_927 = arith.index_cast %parallel_loop3A_926 : i32 to index
        %parallel_loop3A_928 = arith.index_cast %parallel_loop3A_924 : i32 to index
        %parallel_loop3A_929 = arith.constant 0 : index
        %parallel_loop3A_930 = tpu.vector_load %arg7[%parallel_loop3A_927, %parallel_loop3A_928, %parallel_loop3A_929] {strides = array<i32>} : memref<4x128x32xf32, #tpu.memory_space<vmem>>, vector<16xf32>,
        %parallel_loop3A_931 = arith.constant -2.000000e+00 : f32
        %parallel_loop3A_932 = vector.broadcast %parallel_loop3A_931 : f32 to vector<16xf32>
        %parallel_loop3A_933 = arith.mulf %parallel_loop3A_932, %parallel_loop3A_930 : vector<16xf32>
        %parallel_loop3A_934 = arith.constant 2.000000e+01 : f32
        %parallel_loop3A_935 = vector.broadcast %parallel_loop3A_934 : f32 to vector<16xf32>
        %parallel_loop3A_936 = arith.minimumf %parallel_loop3A_933, %parallel_loop3A_935 : vector<16xf32>
        %parallel_loop3A_937 = math.exp %parallel_loop3A_936 : vector<16xf32>
        %parallel_loop3A_938 = arith.constant 1.000000e+00 : f32
        %parallel_loop3A_939 = vector.broadcast %parallel_loop3A_938 : f32 to vector<16xf32>
        %parallel_loop3A_940 = arith.subf %parallel_loop3A_939, %parallel_loop3A_937 : vector<16xf32>
        %parallel_loop3A_941 = arith.constant 1.000000e+00 : f32
        %parallel_loop3A_942 = vector.broadcast %parallel_loop3A_941 : f32 to vector<16xf32>
        %parallel_loop3A_943 = arith.addf %parallel_loop3A_942, %parallel_loop3A_937 : vector<16xf32>
        %parallel_loop3A_944 = arith.divf %parallel_loop3A_940, %parallel_loop3A_943 : vector<16xf32>
        %parallel_loop3A_945 = arith.constant 2 : i32
        %parallel_loop3A_946 = arith.constant 0 : i32
        %parallel_loop3A_947 = arith.constant 0 : i32
        %parallel_loop3A_948 = tpu.memref_slice %arg8[%parallel_loop3A_945, %parallel_loop3A_946, %parallel_loop3A_947] : memref<4x32x129xf32, #tpu.memory_space<vmem>> -> memref<1x32x129xf32, #tpu.memory_space<vmem>>
        %parallel_loop3A_949 = tpu.memref_squeeze %parallel_loop3A_948 : memref<1x32x129xf32, #tpu.memory_space<vmem>> -> memref<32x129xf32, #tpu.memory_space<vmem>>
        tpu.vector_store_idx %parallel_loop3A_949[%add3A_6, %parallel_loop3A_925], %parallel_loop3A_944 : memref<32x129xf32, #tpu.memory_space<vmem>>[vector<16xi32>, vector<16xi32>], vector<16xf32>,
        %parallel_loop3A_950 = arith.constant 2 : i32
        %parallel_loop3A_951 = arith.index_cast %parallel_loop3A_950 : i32 to index
        %parallel_loop3A_952 = arith.index_cast %parallel_loop3A_924 : i32 to index
        %parallel_loop3A_953 = arith.constant 16 : index
        %parallel_loop3A_954 = tpu.vector_load %arg7[%parallel_loop3A_951, %parallel_loop3A_952, %parallel_loop3A_953] {strides = array<i32>} : memref<4x128x32xf32, #tpu.memory_space<vmem>>, vector<16xf32>,
        %parallel_loop3A_955 = arith.constant -2.000000e+00 : f32
        %parallel_loop3A_956 = vector.broadcast %parallel_loop3A_955 : f32 to vector<16xf32>
        %parallel_loop3A_957 = arith.mulf %parallel_loop3A_956, %parallel_loop3A_954 : vector<16xf32>
        %parallel_loop3A_958 = arith.constant 2.000000e+01 : f32
        %parallel_loop3A_959 = vector.broadcast %parallel_loop3A_958 : f32 to vector<16xf32>
        %parallel_loop3A_960 = arith.minimumf %parallel_loop3A_957, %parallel_loop3A_959 : vector<16xf32>
        %parallel_loop3A_961 = math.exp %parallel_loop3A_960 : vector<16xf32>
        %parallel_loop3A_962 = arith.constant 1.000000e+00 : f32
        %parallel_loop3A_963 = vector.broadcast %parallel_loop3A_962 : f32 to vector<16xf32>
        %parallel_loop3A_964 = arith.subf %parallel_loop3A_963, %parallel_loop3A_961 : vector<16xf32>
        %parallel_loop3A_965 = arith.constant 1.000000e+00 : f32
        %parallel_loop3A_966 = vector.broadcast %parallel_loop3A_965 : f32 to vector<16xf32>
        %parallel_loop3A_967 = arith.addf %parallel_loop3A_966, %parallel_loop3A_961 : vector<16xf32>
        %parallel_loop3A_968 = arith.divf %parallel_loop3A_964, %parallel_loop3A_967 : vector<16xf32>
        %parallel_loop3A_969 = arith.constant 2 : i32
        %parallel_loop3A_970 = arith.constant 0 : i32
        %parallel_loop3A_971 = arith.constant 0 : i32
        %parallel_loop3A_972 = tpu.memref_slice %arg8[%parallel_loop3A_969, %parallel_loop3A_970, %parallel_loop3A_971] : memref<4x32x129xf32, #tpu.memory_space<vmem>> -> memref<1x32x129xf32, #tpu.memory_space<vmem>>
        %parallel_loop3A_973 = tpu.memref_squeeze %parallel_loop3A_972 : memref<1x32x129xf32, #tpu.memory_space<vmem>> -> memref<32x129xf32, #tpu.memory_space<vmem>>
        tpu.vector_store_idx %parallel_loop3A_973[%add3A_9, %parallel_loop3A_925], %parallel_loop3A_968 : memref<32x129xf32, #tpu.memory_space<vmem>>[vector<16xi32>, vector<16xi32>], vector<16xf32>,
      } {sc.loop_unroll_factor = 4 : i64, sc.parallel_access}
      %dma_start3A_723 = arith.constant 2 : i32
      %dma_start3A_724 = arith.constant 0 : i32
      %dma_start3A_725 = arith.constant 2 : i32
      %dma_start3A_726 = arith.constant 0 : i32
      %dma_start3A_727 = arith.constant 0 : i32
      %dma_start3A_728 = tpu.memref_slice %arg8[%dma_start3A_723, %dma_start3A_726, %dma_start3A_727] : memref<4x32x129xf32, #tpu.memory_space<vmem>> -> memref<1x8x128xf32, #tpu.memory_space<vmem>>
      %dma_start3A_729 = tpu.memref_squeeze %dma_start3A_728 : memref<1x8x128xf32, #tpu.memory_space<vmem>> -> memref<8x128xf32, #tpu.memory_space<vmem>>
      %dma_start3A_730 = arith.constant 0 : i32
      %dma_start3A_731 = arith.constant 0 : i32
      %dma_start3A_732 = tpu.memref_slice %arg4[%scan3A_459, %dma_start3A_724, %add3A_693, %dma_start3A_730, %dma_start3A_731] : memref<50x4x128x8x128xf32, #tpu.memory_space<hbm>> -> memref<1x1x1x8x128xf32, #tpu.memory_space<hbm>>
      %dma_start3A_733 = tpu.memref_squeeze %dma_start3A_732 : memref<1x1x1x8x128xf32, #tpu.memory_space<hbm>> -> memref<8x128xf32, #tpu.memory_space<hbm>>
      %dma_start3A_734 = tpu.memref_slice %arg10[%dma_start3A_725] : memref<4x!tpu.dma_semaphore, #tpu.memory_space<semaphore_mem>> -> memref<1x!tpu.dma_semaphore, #tpu.memory_space<semaphore_mem>>
      %dma_start3A_735 = tpu.memref_squeeze %dma_start3A_734 : memref<1x!tpu.dma_semaphore, #tpu.memory_space<semaphore_mem>> -> memref<!tpu.dma_semaphore, #tpu.memory_space<semaphore_mem>>
      %dma_start3A_736 = arith.constant 0 : i32
      %dma_start3A_737 = arith.constant 0 : i32
      %dma_start3A_738 = tpu.memref_slice %arg4[%scan3A_459, %dma_start3A_724, %add3A_693, %dma_start3A_736, %dma_start3A_737] : memref<50x4x128x8x128xf32, #tpu.memory_space<hbm>> -> memref<1x1x1x8x128xf32, #tpu.memory_space<hbm>>
      %dma_start3A_739 = tpu.memref_squeeze %dma_start3A_738 : memref<1x1x1x8x128xf32, #tpu.memory_space<hbm>> -> memref<8x128xf32, #tpu.memory_space<hbm>>
      %dma_start3A_740 = arith.constant 0 : i32
      %dma_start3A_741 = arith.constant 0 : i32
      %dma_start3A_742 = tpu.memref_slice %arg8[%dma_start3A_723, %dma_start3A_740, %dma_start3A_741] : memref<4x32x129xf32, #tpu.memory_space<vmem>> -> memref<1x8x128xf32, #tpu.memory_space<vmem>>
      %dma_start3A_743 = tpu.memref_squeeze %dma_start3A_742 : memref<1x8x128xf32, #tpu.memory_space<vmem>> -> memref<8x128xf32, #tpu.memory_space<vmem>>
      tpu.enqueue_dma source(%dma_start3A_743 : memref<8x128xf32, #tpu.memory_space<vmem>>) target(%dma_start3A_739 : memref<8x128xf32, #tpu.memory_space<hbm>>) target_semaphore(%dma_start3A_735 : memref<!tpu.dma_semaphore, #tpu.memory_space<semaphore_mem>>)
      %dma_start3A_744 = arith.constant 2 : i32
      %dma_start3A_745 = arith.constant 1 : i32
      %dma_start3A_746 = arith.constant 2 : i32
      %dma_start3A_747 = arith.constant 8 : i32
      %dma_start3A_748 = arith.constant 0 : i32
      %dma_start3A_749 = tpu.memref_slice %arg8[%dma_start3A_744, %dma_start3A_747, %dma_start3A_748] : memref<4x32x129xf32, #tpu.memory_space<vmem>> -> memref<1x8x128xf32, #tpu.memory_space<vmem>>
      %dma_start3A_750 = tpu.memref_squeeze %dma_start3A_749 : memref<1x8x128xf32, #tpu.memory_space<vmem>> -> memref<8x128xf32, #tpu.memory_space<vmem>>
      %dma_start3A_751 = arith.constant 0 : i32
      %dma_start3A_752 = arith.constant 0 : i32
      %dma_start3A_753 = tpu.memref_slice %arg4[%scan3A_459, %dma_start3A_745, %add3A_693, %dma_start3A_751, %dma_start3A_752] : memref<50x4x128x8x128xf32, #tpu.memory_space<hbm>> -> memref<1x1x1x8x128xf32, #tpu.memory_space<hbm>>
      %dma_start3A_754 = tpu.memref_squeeze %dma_start3A_753 : memref<1x1x1x8x128xf32, #tpu.memory_space<hbm>> -> memref<8x128xf32, #tpu.memory_space<hbm>>
      %dma_start3A_755 = tpu.memref_slice %arg10[%dma_start3A_746] : memref<4x!tpu.dma_semaphore, #tpu.memory_space<semaphore_mem>> -> memref<1x!tpu.dma_semaphore, #tpu.memory_space<semaphore_mem>>
      %dma_start3A_756 = tpu.memref_squeeze %dma_start3A_755 : memref<1x!tpu.dma_semaphore, #tpu.memory_space<semaphore_mem>> -> memref<!tpu.dma_semaphore, #tpu.memory_space<semaphore_mem>>
      %dma_start3A_757 = arith.constant 0 : i32
      %dma_start3A_758 = arith.constant 0 : i32
      %dma_start3A_759 = tpu.memref_slice %arg4[%scan3A_459, %dma_start3A_745, %add3A_693, %dma_start3A_757, %dma_start3A_758] : memref<50x4x128x8x128xf32, #tpu.memory_space<hbm>> -> memref<1x1x1x8x128xf32, #tpu.memory_space<hbm>>
      %dma_start3A_760 = tpu.memref_squeeze %dma_start3A_759 : memref<1x1x1x8x128xf32, #tpu.memory_space<hbm>> -> memref<8x128xf32, #tpu.memory_space<hbm>>
      %dma_start3A_761 = arith.constant 8 : i32
      %dma_start3A_762 = arith.constant 0 : i32
      %dma_start3A_763 = tpu.memref_slice %arg8[%dma_start3A_744, %dma_start3A_761, %dma_start3A_762] : memref<4x32x129xf32, #tpu.memory_space<vmem>> -> memref<1x8x128xf32, #tpu.memory_space<vmem>>
      %dma_start3A_764 = tpu.memref_squeeze %dma_start3A_763 : memref<1x8x128xf32, #tpu.memory_space<vmem>> -> memref<8x128xf32, #tpu.memory_space<vmem>>
      tpu.enqueue_dma source(%dma_start3A_764 : memref<8x128xf32, #tpu.memory_space<vmem>>) target(%dma_start3A_760 : memref<8x128xf32, #tpu.memory_space<hbm>>) target_semaphore(%dma_start3A_756 : memref<!tpu.dma_semaphore, #tpu.memory_space<semaphore_mem>>)
      %dma_start3A_765 = arith.constant 2 : i32
      %dma_start3A_766 = arith.constant 2 : i32
      %dma_start3A_767 = arith.constant 2 : i32
      %dma_start3A_768 = arith.constant 16 : i32
      %dma_start3A_769 = arith.constant 0 : i32
      %dma_start3A_770 = tpu.memref_slice %arg8[%dma_start3A_765, %dma_start3A_768, %dma_start3A_769] : memref<4x32x129xf32, #tpu.memory_space<vmem>> -> memref<1x8x128xf32, #tpu.memory_space<vmem>>
      %dma_start3A_771 = tpu.memref_squeeze %dma_start3A_770 : memref<1x8x128xf32, #tpu.memory_space<vmem>> -> memref<8x128xf32, #tpu.memory_space<vmem>>
      %dma_start3A_772 = arith.constant 0 : i32
      %dma_start3A_773 = arith.constant 0 : i32
      %dma_start3A_774 = tpu.memref_slice %arg4[%scan3A_459, %dma_start3A_766, %add3A_693, %dma_start3A_772, %dma_start3A_773] : memref<50x4x128x8x128xf32, #tpu.memory_space<hbm>> -> memref<1x1x1x8x128xf32, #tpu.memory_space<hbm>>
      %dma_start3A_775 = tpu.memref_squeeze %dma_start3A_774 : memref<1x1x1x8x128xf32, #tpu.memory_space<hbm>> -> memref<8x128xf32, #tpu.memory_space<hbm>>
      %dma_start3A_776 = tpu.memref_slice %arg10[%dma_start3A_767] : memref<4x!tpu.dma_semaphore, #tpu.memory_space<semaphore_mem>> -> memref<1x!tpu.dma_semaphore, #tpu.memory_space<semaphore_mem>>
      %dma_start3A_777 = tpu.memref_squeeze %dma_start3A_776 : memref<1x!tpu.dma_semaphore, #tpu.memory_space<semaphore_mem>> -> memref<!tpu.dma_semaphore, #tpu.memory_space<semaphore_mem>>
      %dma_start3A_778 = arith.constant 0 : i32
      %dma_start3A_779 = arith.constant 0 : i32
      %dma_start3A_780 = tpu.memref_slice %arg4[%scan3A_459, %dma_start3A_766, %add3A_693, %dma_start3A_778, %dma_start3A_779] : memref<50x4x128x8x128xf32, #tpu.memory_space<hbm>> -> memref<1x1x1x8x128xf32, #tpu.memory_space<hbm>>
      %dma_start3A_781 = tpu.memref_squeeze %dma_start3A_780 : memref<1x1x1x8x128xf32, #tpu.memory_space<hbm>> -> memref<8x128xf32, #tpu.memory_space<hbm>>
      %dma_start3A_782 = arith.constant 16 : i32
      %dma_start3A_783 = arith.constant 0 : i32
      %dma_start3A_784 = tpu.memref_slice %arg8[%dma_start3A_765, %dma_start3A_782, %dma_start3A_783] : memref<4x32x129xf32, #tpu.memory_space<vmem>> -> memref<1x8x128xf32, #tpu.memory_space<vmem>>
      %dma_start3A_785 = tpu.memref_squeeze %dma_start3A_784 : memref<1x8x128xf32, #tpu.memory_space<vmem>> -> memref<8x128xf32, #tpu.memory_space<vmem>>
      tpu.enqueue_dma source(%dma_start3A_785 : memref<8x128xf32, #tpu.memory_space<vmem>>) target(%dma_start3A_781 : memref<8x128xf32, #tpu.memory_space<hbm>>) target_semaphore(%dma_start3A_777 : memref<!tpu.dma_semaphore, #tpu.memory_space<semaphore_mem>>)
      %dma_start3A_786 = arith.constant 2 : i32
      %dma_start3A_787 = arith.constant 3 : i32
      %dma_start3A_788 = arith.constant 2 : i32
      %dma_start3A_789 = arith.constant 24 : i32
      %dma_start3A_790 = arith.constant 0 : i32
      %dma_start3A_791 = tpu.memref_slice %arg8[%dma_start3A_786, %dma_start3A_789, %dma_start3A_790] : memref<4x32x129xf32, #tpu.memory_space<vmem>> -> memref<1x8x128xf32, #tpu.memory_space<vmem>>
      %dma_start3A_792 = tpu.memref_squeeze %dma_start3A_791 : memref<1x8x128xf32, #tpu.memory_space<vmem>> -> memref<8x128xf32, #tpu.memory_space<vmem>>
      %dma_start3A_793 = arith.constant 0 : i32
      %dma_start3A_794 = arith.constant 0 : i32
      %dma_start3A_795 = tpu.memref_slice %arg4[%scan3A_459, %dma_start3A_787, %add3A_693, %dma_start3A_793, %dma_start3A_794] : memref<50x4x128x8x128xf32, #tpu.memory_space<hbm>> -> memref<1x1x1x8x128xf32, #tpu.memory_space<hbm>>
      %dma_start3A_796 = tpu.memref_squeeze %dma_start3A_795 : memref<1x1x1x8x128xf32, #tpu.memory_space<hbm>> -> memref<8x128xf32, #tpu.memory_space<hbm>>
      %dma_start3A_797 = tpu.memref_slice %arg10[%dma_start3A_788] : memref<4x!tpu.dma_semaphore, #tpu.memory_space<semaphore_mem>> -> memref<1x!tpu.dma_semaphore, #tpu.memory_space<semaphore_mem>>
      %dma_start3A_798 = tpu.memref_squeeze %dma_start3A_797 : memref<1x!tpu.dma_semaphore, #tpu.memory_space<semaphore_mem>> -> memref<!tpu.dma_semaphore, #tpu.memory_space<semaphore_mem>>
      %dma_start3A_799 = arith.constant 0 : i32
      %dma_start3A_800 = arith.constant 0 : i32
      %dma_start3A_801 = tpu.memref_slice %arg4[%scan3A_459, %dma_start3A_787, %add3A_693, %dma_start3A_799, %dma_start3A_800] : memref<50x4x128x8x128xf32, #tpu.memory_space<hbm>> -> memref<1x1x1x8x128xf32, #tpu.memory_space<hbm>>
      %dma_start3A_802 = tpu.memref_squeeze %dma_start3A_801 : memref<1x1x1x8x128xf32, #tpu.memory_space<hbm>> -> memref<8x128xf32, #tpu.memory_space<hbm>>
      %dma_start3A_803 = arith.constant 24 : i32
      %dma_start3A_804 = arith.constant 0 : i32
      %dma_start3A_805 = tpu.memref_slice %arg8[%dma_start3A_786, %dma_start3A_803, %dma_start3A_804] : memref<4x32x129xf32, #tpu.memory_space<vmem>> -> memref<1x8x128xf32, #tpu.memory_space<vmem>>
      %dma_start3A_806 = tpu.memref_squeeze %dma_start3A_805 : memref<1x8x128xf32, #tpu.memory_space<vmem>> -> memref<8x128xf32, #tpu.memory_space<vmem>>
      tpu.enqueue_dma source(%dma_start3A_806 : memref<8x128xf32, #tpu.memory_space<vmem>>) target(%dma_start3A_802 : memref<8x128xf32, #tpu.memory_space<hbm>>) target_semaphore(%dma_start3A_798 : memref<!tpu.dma_semaphore, #tpu.memory_space<semaphore_mem>>)
      %mul3A_807 = arith.constant 4 : i32
      %mul3A_808 = arith.muli %add3A, %mul3A_807 : i32
      %add3A_809 = arith.constant 3 : i32
      %add3A_810 = arith.addi %mul3A_808, %add3A_809 : i32
      %add3A_811 = arith.constant 1 : i32
      %add3A_812 = arith.addi %scan3A_459, %add3A_811 : i32
      %lt3A_813 = arith.constant 50 : i32
      %lt3A_814 = arith.cmpi slt, %add3A_812, %lt3A_813 : i32
      %convert_element_type3A_815 = arith.extui %lt3A_814 : i1 to i32
      %cond3A_816 = arith.constant 0 : i32
      %cond3A_817 = arith.cmpi ne, %convert_element_type3A_815, %cond3A_816 : i32
      scf.if %cond3A_817 {
        %dma_start3A_924 = arith.constant 1 : i32
        %dma_start3A_925 = arith.constant 1 : i32
        %dma_start3A_926 = arith.constant 0 : i32
        %dma_start3A_927 = arith.constant 0 : i32
        %dma_start3A_928 = tpu.memref_slice %arg7[%dma_start3A_924, %dma_start3A_926, %dma_start3A_927] : memref<4x128x32xf32, #tpu.memory_space<vmem>> -> memref<1x128x32xf32, #tpu.memory_space<vmem>>
        %dma_start3A_929 = tpu.memref_squeeze %dma_start3A_928 : memref<1x128x32xf32, #tpu.memory_space<vmem>> -> memref<128x32xf32, #tpu.memory_space<vmem>>
        %dma_start3A_930 = arith.constant 128 : i32
        %dma_start3A_931 = tpu.memref_slice %arg6[%add3A_812, %dma_start3A_930] : memref<50x512xi32, #tpu.memory_space<vmem>> -> memref<1x128xi32, #tpu.memory_space<vmem>>
        %dma_start3A_932 = tpu.memref_squeeze %dma_start3A_931 : memref<1x128xi32, #tpu.memory_space<vmem>> -> memref<128xi32, #tpu.memory_space<vmem>>
        %dma_start3A_933 = arith.constant 0 : i32
        %dma_start3A_934 = arith.constant 0 : i32
        %dma_start3A_935 = tpu.memref_slice %arg3[%dma_start3A_933, %dma_start3A_934] : memref<1015808x32xf32, #tpu.memory_space<hbm>> -> memref<1015808x32xf32, #tpu.memory_space<hbm>>
        %dma_start3A_936 = tpu.memref_slice %arg9[%dma_start3A_925] : memref<4x!tpu.dma_semaphore, #tpu.memory_space<semaphore_mem>> -> memref<1x!tpu.dma_semaphore, #tpu.memory_space<semaphore_mem>>
        %dma_start3A_937 = tpu.memref_squeeze %dma_start3A_936 : memref<1x!tpu.dma_semaphore, #tpu.memory_space<semaphore_mem>> -> memref<!tpu.dma_semaphore, #tpu.memory_space<semaphore_mem>>
        tpu.enqueue_indirect_dma source(%dma_start3A_935 : memref<1015808x32xf32, #tpu.memory_space<hbm>>) target(%dma_start3A_929 : memref<128x32xf32, #tpu.memory_space<vmem>>) offsets(%dma_start3A_932 : memref<128xi32, #tpu.memory_space<vmem>>) semaphore(%dma_start3A_937 : memref<!tpu.dma_semaphore, #tpu.memory_space<semaphore_mem>>)
      } else {
      }
      %dma_wait3A_818 = arith.constant 3 : i32
      %dma_wait3A_819 = arith.constant 3 : i32
      %dma_wait3A_820 = arith.constant 0 : i32
      %dma_wait3A_821 = arith.constant 0 : i32
      %dma_wait3A_822 = tpu.memref_slice %arg7[%dma_wait3A_818, %dma_wait3A_820, %dma_wait3A_821] : memref<4x128x32xf32, #tpu.memory_space<vmem>> -> memref<1x128x32xf32, #tpu.memory_space<vmem>>
      %dma_wait3A_823 = tpu.memref_squeeze %dma_wait3A_822 : memref<1x128x32xf32, #tpu.memory_space<vmem>> -> memref<128x32xf32, #tpu.memory_space<vmem>>
      %dma_wait3A_824 = arith.constant 384 : i32
      %dma_wait3A_825 = tpu.memref_slice %arg6[%scan3A_459, %dma_wait3A_824] : memref<50x512xi32, #tpu.memory_space<vmem>> -> memref<1x128xi32, #tpu.memory_space<vmem>>
      %dma_wait3A_826 = tpu.memref_squeeze %dma_wait3A_825 : memref<1x128xi32, #tpu.memory_space<vmem>> -> memref<128xi32, #tpu.memory_space<vmem>>
      %dma_wait3A_827 = arith.constant 0 : i32
      %dma_wait3A_828 = arith.constant 0 : i32
      %dma_wait3A_829 = tpu.memref_slice %arg3[%dma_wait3A_827, %dma_wait3A_828] : memref<1015808x32xf32, #tpu.memory_space<hbm>> -> memref<1015808x32xf32, #tpu.memory_space<hbm>>
      %dma_wait3A_830 = tpu.memref_slice %arg9[%dma_wait3A_819] : memref<4x!tpu.dma_semaphore, #tpu.memory_space<semaphore_mem>> -> memref<1x!tpu.dma_semaphore, #tpu.memory_space<semaphore_mem>>
      %dma_wait3A_831 = tpu.memref_squeeze %dma_wait3A_830 : memref<1x!tpu.dma_semaphore, #tpu.memory_space<semaphore_mem>> -> memref<!tpu.dma_semaphore, #tpu.memory_space<semaphore_mem>>
      tpu.wait_indirect_dma semaphore(%dma_wait3A_831 : memref<!tpu.dma_semaphore, #tpu.memory_space<semaphore_mem>>) src(%dma_wait3A_829 : memref<1015808x32xf32, #tpu.memory_space<hbm>>) dst(%dma_wait3A_823 : memref<128x32xf32, #tpu.memory_space<vmem>>)
      %gt3A_832 = arith.constant 0 : i32
      %gt3A_833 = arith.cmpi sgt, %scan3A_459, %gt3A_832 : i32
      %convert_element_type3A_834 = arith.extui %gt3A_833 : i1 to i32
      %cond3A_835 = arith.constant 0 : i32
      %cond3A_836 = arith.cmpi ne, %convert_element_type3A_834, %cond3A_835 : i32
      scf.if %cond3A_836 {
        %sub3A = arith.constant 1 : i32
        %sub3A_924 = arith.subi %scan3A_459, %sub3A : i32
        %dma_wait3A_925 = arith.constant 3 : i32
        %dma_wait3A_926 = arith.constant 0 : i32
        %dma_wait3A_927 = arith.constant 3 : i32
        %dma_wait3A_928 = arith.constant 0 : i32
        %dma_wait3A_929 = arith.constant 0 : i32
        %dma_wait3A_930 = tpu.memref_slice %arg8[%dma_wait3A_925, %dma_wait3A_928, %dma_wait3A_929] : memref<4x32x129xf32, #tpu.memory_space<vmem>> -> memref<1x8x128xf32, #tpu.memory_space<vmem>>
        %dma_wait3A_931 = tpu.memref_squeeze %dma_wait3A_930 : memref<1x8x128xf32, #tpu.memory_space<vmem>> -> memref<8x128xf32, #tpu.memory_space<vmem>>
        %dma_wait3A_932 = arith.constant 0 : i32
        %dma_wait3A_933 = arith.constant 0 : i32
        %dma_wait3A_934 = tpu.memref_slice %arg4[%sub3A_924, %dma_wait3A_926, %add3A_810, %dma_wait3A_932, %dma_wait3A_933] : memref<50x4x128x8x128xf32, #tpu.memory_space<hbm>> -> memref<1x1x1x8x128xf32, #tpu.memory_space<hbm>>
        %dma_wait3A_935 = tpu.memref_squeeze %dma_wait3A_934 : memref<1x1x1x8x128xf32, #tpu.memory_space<hbm>> -> memref<8x128xf32, #tpu.memory_space<hbm>>
        %dma_wait3A_936 = tpu.memref_slice %arg10[%dma_wait3A_927] : memref<4x!tpu.dma_semaphore, #tpu.memory_space<semaphore_mem>> -> memref<1x!tpu.dma_semaphore, #tpu.memory_space<semaphore_mem>>
        %dma_wait3A_937 = tpu.memref_squeeze %dma_wait3A_936 : memref<1x!tpu.dma_semaphore, #tpu.memory_space<semaphore_mem>> -> memref<!tpu.dma_semaphore, #tpu.memory_space<semaphore_mem>>
        %dma_wait3A_938 = arith.constant 0 : i32
        %dma_wait3A_939 = arith.constant 0 : i32
        %dma_wait3A_940 = tpu.memref_slice %arg4[%sub3A_924, %dma_wait3A_926, %add3A_810, %dma_wait3A_938, %dma_wait3A_939] : memref<50x4x128x8x128xf32, #tpu.memory_space<hbm>> -> memref<1x1x1x8x128xf32, #tpu.memory_space<hbm>>
        %dma_wait3A_941 = tpu.memref_squeeze %dma_wait3A_940 : memref<1x1x1x8x128xf32, #tpu.memory_space<hbm>> -> memref<8x128xf32, #tpu.memory_space<hbm>>
        %dma_wait3A_942 = arith.constant 0 : i32
        %dma_wait3A_943 = arith.constant 0 : i32
        %dma_wait3A_944 = tpu.memref_slice %arg8[%dma_wait3A_925, %dma_wait3A_942, %dma_wait3A_943] : memref<4x32x129xf32, #tpu.memory_space<vmem>> -> memref<1x8x128xf32, #tpu.memory_space<vmem>>
        %dma_wait3A_945 = tpu.memref_squeeze %dma_wait3A_944 : memref<1x8x128xf32, #tpu.memory_space<vmem>> -> memref<8x128xf32, #tpu.memory_space<vmem>>
        tpu.wait_dma2 semaphore(%dma_wait3A_937 : memref<!tpu.dma_semaphore, #tpu.memory_space<semaphore_mem>>) src(%dma_wait3A_945 : memref<8x128xf32, #tpu.memory_space<vmem>>) dst(%dma_wait3A_941 : memref<8x128xf32, #tpu.memory_space<hbm>>)
        %sub3A_946 = arith.constant 1 : i32
        %sub3A_947 = arith.subi %scan3A_459, %sub3A_946 : i32
        %dma_wait3A_948 = arith.constant 3 : i32
        %dma_wait3A_949 = arith.constant 1 : i32
        %dma_wait3A_950 = arith.constant 3 : i32
        %dma_wait3A_951 = arith.constant 8 : i32
        %dma_wait3A_952 = arith.constant 0 : i32
        %dma_wait3A_953 = tpu.memref_slice %arg8[%dma_wait3A_948, %dma_wait3A_951, %dma_wait3A_952] : memref<4x32x129xf32, #tpu.memory_space<vmem>> -> memref<1x8x128xf32, #tpu.memory_space<vmem>>
        %dma_wait3A_954 = tpu.memref_squeeze %dma_wait3A_953 : memref<1x8x128xf32, #tpu.memory_space<vmem>> -> memref<8x128xf32, #tpu.memory_space<vmem>>
        %dma_wait3A_955 = arith.constant 0 : i32
        %dma_wait3A_956 = arith.constant 0 : i32
        %dma_wait3A_957 = tpu.memref_slice %arg4[%sub3A_947, %dma_wait3A_949, %add3A_810, %dma_wait3A_955, %dma_wait3A_956] : memref<50x4x128x8x128xf32, #tpu.memory_space<hbm>> -> memref<1x1x1x8x128xf32, #tpu.memory_space<hbm>>
        %dma_wait3A_958 = tpu.memref_squeeze %dma_wait3A_957 : memref<1x1x1x8x128xf32, #tpu.memory_space<hbm>> -> memref<8x128xf32, #tpu.memory_space<hbm>>
        %dma_wait3A_959 = tpu.memref_slice %arg10[%dma_wait3A_950] : memref<4x!tpu.dma_semaphore, #tpu.memory_space<semaphore_mem>> -> memref<1x!tpu.dma_semaphore, #tpu.memory_space<semaphore_mem>>
        %dma_wait3A_960 = tpu.memref_squeeze %dma_wait3A_959 : memref<1x!tpu.dma_semaphore, #tpu.memory_space<semaphore_mem>> -> memref<!tpu.dma_semaphore, #tpu.memory_space<semaphore_mem>>
        %dma_wait3A_961 = arith.constant 0 : i32
        %dma_wait3A_962 = arith.constant 0 : i32
        %dma_wait3A_963 = tpu.memref_slice %arg4[%sub3A_947, %dma_wait3A_949, %add3A_810, %dma_wait3A_961, %dma_wait3A_962] : memref<50x4x128x8x128xf32, #tpu.memory_space<hbm>> -> memref<1x1x1x8x128xf32, #tpu.memory_space<hbm>>
        %dma_wait3A_964 = tpu.memref_squeeze %dma_wait3A_963 : memref<1x1x1x8x128xf32, #tpu.memory_space<hbm>> -> memref<8x128xf32, #tpu.memory_space<hbm>>
        %dma_wait3A_965 = arith.constant 8 : i32
        %dma_wait3A_966 = arith.constant 0 : i32
        %dma_wait3A_967 = tpu.memref_slice %arg8[%dma_wait3A_948, %dma_wait3A_965, %dma_wait3A_966] : memref<4x32x129xf32, #tpu.memory_space<vmem>> -> memref<1x8x128xf32, #tpu.memory_space<vmem>>
        %dma_wait3A_968 = tpu.memref_squeeze %dma_wait3A_967 : memref<1x8x128xf32, #tpu.memory_space<vmem>> -> memref<8x128xf32, #tpu.memory_space<vmem>>
        tpu.wait_dma2 semaphore(%dma_wait3A_960 : memref<!tpu.dma_semaphore, #tpu.memory_space<semaphore_mem>>) src(%dma_wait3A_968 : memref<8x128xf32, #tpu.memory_space<vmem>>) dst(%dma_wait3A_964 : memref<8x128xf32, #tpu.memory_space<hbm>>)
        %sub3A_969 = arith.constant 1 : i32
        %sub3A_970 = arith.subi %scan3A_459, %sub3A_969 : i32
        %dma_wait3A_971 = arith.constant 3 : i32
        %dma_wait3A_972 = arith.constant 2 : i32
        %dma_wait3A_973 = arith.constant 3 : i32
        %dma_wait3A_974 = arith.constant 16 : i32
        %dma_wait3A_975 = arith.constant 0 : i32
        %dma_wait3A_976 = tpu.memref_slice %arg8[%dma_wait3A_971, %dma_wait3A_974, %dma_wait3A_975] : memref<4x32x129xf32, #tpu.memory_space<vmem>> -> memref<1x8x128xf32, #tpu.memory_space<vmem>>
        %dma_wait3A_977 = tpu.memref_squeeze %dma_wait3A_976 : memref<1x8x128xf32, #tpu.memory_space<vmem>> -> memref<8x128xf32, #tpu.memory_space<vmem>>
        %dma_wait3A_978 = arith.constant 0 : i32
        %dma_wait3A_979 = arith.constant 0 : i32
        %dma_wait3A_980 = tpu.memref_slice %arg4[%sub3A_970, %dma_wait3A_972, %add3A_810, %dma_wait3A_978, %dma_wait3A_979] : memref<50x4x128x8x128xf32, #tpu.memory_space<hbm>> -> memref<1x1x1x8x128xf32, #tpu.memory_space<hbm>>
        %dma_wait3A_981 = tpu.memref_squeeze %dma_wait3A_980 : memref<1x1x1x8x128xf32, #tpu.memory_space<hbm>> -> memref<8x128xf32, #tpu.memory_space<hbm>>
        %dma_wait3A_982 = tpu.memref_slice %arg10[%dma_wait3A_973] : memref<4x!tpu.dma_semaphore, #tpu.memory_space<semaphore_mem>> -> memref<1x!tpu.dma_semaphore, #tpu.memory_space<semaphore_mem>>
        %dma_wait3A_983 = tpu.memref_squeeze %dma_wait3A_982 : memref<1x!tpu.dma_semaphore, #tpu.memory_space<semaphore_mem>> -> memref<!tpu.dma_semaphore, #tpu.memory_space<semaphore_mem>>
        %dma_wait3A_984 = arith.constant 0 : i32
        %dma_wait3A_985 = arith.constant 0 : i32
        %dma_wait3A_986 = tpu.memref_slice %arg4[%sub3A_970, %dma_wait3A_972, %add3A_810, %dma_wait3A_984, %dma_wait3A_985] : memref<50x4x128x8x128xf32, #tpu.memory_space<hbm>> -> memref<1x1x1x8x128xf32, #tpu.memory_space<hbm>>
        %dma_wait3A_987 = tpu.memref_squeeze %dma_wait3A_986 : memref<1x1x1x8x128xf32, #tpu.memory_space<hbm>> -> memref<8x128xf32, #tpu.memory_space<hbm>>
        %dma_wait3A_988 = arith.constant 16 : i32
        %dma_wait3A_989 = arith.constant 0 : i32
        %dma_wait3A_990 = tpu.memref_slice %arg8[%dma_wait3A_971, %dma_wait3A_988, %dma_wait3A_989] : memref<4x32x129xf32, #tpu.memory_space<vmem>> -> memref<1x8x128xf32, #tpu.memory_space<vmem>>
        %dma_wait3A_991 = tpu.memref_squeeze %dma_wait3A_990 : memref<1x8x128xf32, #tpu.memory_space<vmem>> -> memref<8x128xf32, #tpu.memory_space<vmem>>
        tpu.wait_dma2 semaphore(%dma_wait3A_983 : memref<!tpu.dma_semaphore, #tpu.memory_space<semaphore_mem>>) src(%dma_wait3A_991 : memref<8x128xf32, #tpu.memory_space<vmem>>) dst(%dma_wait3A_987 : memref<8x128xf32, #tpu.memory_space<hbm>>)
        %sub3A_992 = arith.constant 1 : i32
        %sub3A_993 = arith.subi %scan3A_459, %sub3A_992 : i32
        %dma_wait3A_994 = arith.constant 3 : i32
        %dma_wait3A_995 = arith.constant 3 : i32
        %dma_wait3A_996 = arith.constant 3 : i32
        %dma_wait3A_997 = arith.constant 24 : i32
        %dma_wait3A_998 = arith.constant 0 : i32
        %dma_wait3A_999 = tpu.memref_slice %arg8[%dma_wait3A_994, %dma_wait3A_997, %dma_wait3A_998] : memref<4x32x129xf32, #tpu.memory_space<vmem>> -> memref<1x8x128xf32, #tpu.memory_space<vmem>>
        %dma_wait3A_1000 = tpu.memref_squeeze %dma_wait3A_999 : memref<1x8x128xf32, #tpu.memory_space<vmem>> -> memref<8x128xf32, #tpu.memory_space<vmem>>
        %dma_wait3A_1001 = arith.constant 0 : i32
        %dma_wait3A_1002 = arith.constant 0 : i32
        %dma_wait3A_1003 = tpu.memref_slice %arg4[%sub3A_993, %dma_wait3A_995, %add3A_810, %dma_wait3A_1001, %dma_wait3A_1002] : memref<50x4x128x8x128xf32, #tpu.memory_space<hbm>> -> memref<1x1x1x8x128xf32, #tpu.memory_space<hbm>>
        %dma_wait3A_1004 = tpu.memref_squeeze %dma_wait3A_1003 : memref<1x1x1x8x128xf32, #tpu.memory_space<hbm>> -> memref<8x128xf32, #tpu.memory_space<hbm>>
        %dma_wait3A_1005 = tpu.memref_slice %arg10[%dma_wait3A_996] : memref<4x!tpu.dma_semaphore, #tpu.memory_space<semaphore_mem>> -> memref<1x!tpu.dma_semaphore, #tpu.memory_space<semaphore_mem>>
        %dma_wait3A_1006 = tpu.memref_squeeze %dma_wait3A_1005 : memref<1x!tpu.dma_semaphore, #tpu.memory_space<semaphore_mem>> -> memref<!tpu.dma_semaphore, #tpu.memory_space<semaphore_mem>>
        %dma_wait3A_1007 = arith.constant 0 : i32
        %dma_wait3A_1008 = arith.constant 0 : i32
        %dma_wait3A_1009 = tpu.memref_slice %arg4[%sub3A_993, %dma_wait3A_995, %add3A_810, %dma_wait3A_1007, %dma_wait3A_1008] : memref<50x4x128x8x128xf32, #tpu.memory_space<hbm>> -> memref<1x1x1x8x128xf32, #tpu.memory_space<hbm>>
        %dma_wait3A_1010 = tpu.memref_squeeze %dma_wait3A_1009 : memref<1x1x1x8x128xf32, #tpu.memory_space<hbm>> -> memref<8x128xf32, #tpu.memory_space<hbm>>
        %dma_wait3A_1011 = arith.constant 24 : i32
        %dma_wait3A_1012 = arith.constant 0 : i32
        %dma_wait3A_1013 = tpu.memref_slice %arg8[%dma_wait3A_994, %dma_wait3A_1011, %dma_wait3A_1012] : memref<4x32x129xf32, #tpu.memory_space<vmem>> -> memref<1x8x128xf32, #tpu.memory_space<vmem>>
        %dma_wait3A_1014 = tpu.memref_squeeze %dma_wait3A_1013 : memref<1x8x128xf32, #tpu.memory_space<vmem>> -> memref<8x128xf32, #tpu.memory_space<vmem>>
        tpu.wait_dma2 semaphore(%dma_wait3A_1006 : memref<!tpu.dma_semaphore, #tpu.memory_space<semaphore_mem>>) src(%dma_wait3A_1014 : memref<8x128xf32, #tpu.memory_space<vmem>>) dst(%dma_wait3A_1010 : memref<8x128xf32, #tpu.memory_space<hbm>>)
      } else {
      }
      %parallel_loop3A_837 = arith.constant 0 : i32
      %parallel_loop3A_838 = arith.constant 128 : i32
      %parallel_loop3A_839 = arith.constant 1 : i32
      scf.for %parallel_loop3A_924 = %parallel_loop3A_837 to %parallel_loop3A_838 step %parallel_loop3A_839  : i32 {
        %parallel_loop3A_925 = vector.broadcast %parallel_loop3A_924 : i32 to vector<16xi32>
        %parallel_loop3A_926 = arith.constant 3 : i32
        %parallel_loop3A_927 = arith.index_cast %parallel_loop3A_926 : i32 to index
        %parallel_loop3A_928 = arith.index_cast %parallel_loop3A_924 : i32 to index
        %parallel_loop3A_929 = arith.constant 0 : index
        %parallel_loop3A_930 = tpu.vector_load %arg7[%parallel_loop3A_927, %parallel_loop3A_928, %parallel_loop3A_929] {strides = array<i32>} : memref<4x128x32xf32, #tpu.memory_space<vmem>>, vector<16xf32>,
        %parallel_loop3A_931 = arith.constant -2.000000e+00 : f32
        %parallel_loop3A_932 = vector.broadcast %parallel_loop3A_931 : f32 to vector<16xf32>
        %parallel_loop3A_933 = arith.mulf %parallel_loop3A_932, %parallel_loop3A_930 : vector<16xf32>
        %parallel_loop3A_934 = arith.constant 2.000000e+01 : f32
        %parallel_loop3A_935 = vector.broadcast %parallel_loop3A_934 : f32 to vector<16xf32>
        %parallel_loop3A_936 = arith.minimumf %parallel_loop3A_933, %parallel_loop3A_935 : vector<16xf32>
        %parallel_loop3A_937 = math.exp %parallel_loop3A_936 : vector<16xf32>
        %parallel_loop3A_938 = arith.constant 1.000000e+00 : f32
        %parallel_loop3A_939 = vector.broadcast %parallel_loop3A_938 : f32 to vector<16xf32>
        %parallel_loop3A_940 = arith.subf %parallel_loop3A_939, %parallel_loop3A_937 : vector<16xf32>
        %parallel_loop3A_941 = arith.constant 1.000000e+00 : f32
        %parallel_loop3A_942 = vector.broadcast %parallel_loop3A_941 : f32 to vector<16xf32>
        %parallel_loop3A_943 = arith.addf %parallel_loop3A_942, %parallel_loop3A_937 : vector<16xf32>
        %parallel_loop3A_944 = arith.divf %parallel_loop3A_940, %parallel_loop3A_943 : vector<16xf32>
        %parallel_loop3A_945 = arith.constant 3 : i32
        %parallel_loop3A_946 = arith.constant 0 : i32
        %parallel_loop3A_947 = arith.constant 0 : i32
        %parallel_loop3A_948 = tpu.memref_slice %arg8[%parallel_loop3A_945, %parallel_loop3A_946, %parallel_loop3A_947] : memref<4x32x129xf32, #tpu.memory_space<vmem>> -> memref<1x32x129xf32, #tpu.memory_space<vmem>>
        %parallel_loop3A_949 = tpu.memref_squeeze %parallel_loop3A_948 : memref<1x32x129xf32, #tpu.memory_space<vmem>> -> memref<32x129xf32, #tpu.memory_space<vmem>>
        tpu.vector_store_idx %parallel_loop3A_949[%add3A_6, %parallel_loop3A_925], %parallel_loop3A_944 : memref<32x129xf32, #tpu.memory_space<vmem>>[vector<16xi32>, vector<16xi32>], vector<16xf32>,
        %parallel_loop3A_950 = arith.constant 3 : i32
        %parallel_loop3A_951 = arith.index_cast %parallel_loop3A_950 : i32 to index
        %parallel_loop3A_952 = arith.index_cast %parallel_loop3A_924 : i32 to index
        %parallel_loop3A_953 = arith.constant 16 : index
        %parallel_loop3A_954 = tpu.vector_load %arg7[%parallel_loop3A_951, %parallel_loop3A_952, %parallel_loop3A_953] {strides = array<i32>} : memref<4x128x32xf32, #tpu.memory_space<vmem>>, vector<16xf32>,
        %parallel_loop3A_955 = arith.constant -2.000000e+00 : f32
        %parallel_loop3A_956 = vector.broadcast %parallel_loop3A_955 : f32 to vector<16xf32>
        %parallel_loop3A_957 = arith.mulf %parallel_loop3A_956, %parallel_loop3A_954 : vector<16xf32>
        %parallel_loop3A_958 = arith.constant 2.000000e+01 : f32
        %parallel_loop3A_959 = vector.broadcast %parallel_loop3A_958 : f32 to vector<16xf32>
        %parallel_loop3A_960 = arith.minimumf %parallel_loop3A_957, %parallel_loop3A_959 : vector<16xf32>
        %parallel_loop3A_961 = math.exp %parallel_loop3A_960 : vector<16xf32>
        %parallel_loop3A_962 = arith.constant 1.000000e+00 : f32
        %parallel_loop3A_963 = vector.broadcast %parallel_loop3A_962 : f32 to vector<16xf32>
        %parallel_loop3A_964 = arith.subf %parallel_loop3A_963, %parallel_loop3A_961 : vector<16xf32>
        %parallel_loop3A_965 = arith.constant 1.000000e+00 : f32
        %parallel_loop3A_966 = vector.broadcast %parallel_loop3A_965 : f32 to vector<16xf32>
        %parallel_loop3A_967 = arith.addf %parallel_loop3A_966, %parallel_loop3A_961 : vector<16xf32>
        %parallel_loop3A_968 = arith.divf %parallel_loop3A_964, %parallel_loop3A_967 : vector<16xf32>
        %parallel_loop3A_969 = arith.constant 3 : i32
        %parallel_loop3A_970 = arith.constant 0 : i32
        %parallel_loop3A_971 = arith.constant 0 : i32
        %parallel_loop3A_972 = tpu.memref_slice %arg8[%parallel_loop3A_969, %parallel_loop3A_970, %parallel_loop3A_971] : memref<4x32x129xf32, #tpu.memory_space<vmem>> -> memref<1x32x129xf32, #tpu.memory_space<vmem>>
        %parallel_loop3A_973 = tpu.memref_squeeze %parallel_loop3A_972 : memref<1x32x129xf32, #tpu.memory_space<vmem>> -> memref<32x129xf32, #tpu.memory_space<vmem>>
        tpu.vector_store_idx %parallel_loop3A_973[%add3A_9, %parallel_loop3A_925], %parallel_loop3A_968 : memref<32x129xf32, #tpu.memory_space<vmem>>[vector<16xi32>, vector<16xi32>], vector<16xf32>,
      } {sc.loop_unroll_factor = 4 : i64, sc.parallel_access}
      %dma_start3A_840 = arith.constant 3 : i32
      %dma_start3A_841 = arith.constant 0 : i32
      %dma_start3A_842 = arith.constant 3 : i32
      %dma_start3A_843 = arith.constant 0 : i32
      %dma_start3A_844 = arith.constant 0 : i32
      %dma_start3A_845 = tpu.memref_slice %arg8[%dma_start3A_840, %dma_start3A_843, %dma_start3A_844] : memref<4x32x129xf32, #tpu.memory_space<vmem>> -> memref<1x8x128xf32, #tpu.memory_space<vmem>>
      %dma_start3A_846 = tpu.memref_squeeze %dma_start3A_845 : memref<1x8x128xf32, #tpu.memory_space<vmem>> -> memref<8x128xf32, #tpu.memory_space<vmem>>
      %dma_start3A_847 = arith.constant 0 : i32
      %dma_start3A_848 = arith.constant 0 : i32
      %dma_start3A_849 = tpu.memref_slice %arg4[%scan3A_459, %dma_start3A_841, %add3A_810, %dma_start3A_847, %dma_start3A_848] : memref<50x4x128x8x128xf32, #tpu.memory_space<hbm>> -> memref<1x1x1x8x128xf32, #tpu.memory_space<hbm>>
      %dma_start3A_850 = tpu.memref_squeeze %dma_start3A_849 : memref<1x1x1x8x128xf32, #tpu.memory_space<hbm>> -> memref<8x128xf32, #tpu.memory_space<hbm>>
      %dma_start3A_851 = tpu.memref_slice %arg10[%dma_start3A_842] : memref<4x!tpu.dma_semaphore, #tpu.memory_space<semaphore_mem>> -> memref<1x!tpu.dma_semaphore, #tpu.memory_space<semaphore_mem>>
      %dma_start3A_852 = tpu.memref_squeeze %dma_start3A_851 : memref<1x!tpu.dma_semaphore, #tpu.memory_space<semaphore_mem>> -> memref<!tpu.dma_semaphore, #tpu.memory_space<semaphore_mem>>
      %dma_start3A_853 = arith.constant 0 : i32
      %dma_start3A_854 = arith.constant 0 : i32
      %dma_start3A_855 = tpu.memref_slice %arg4[%scan3A_459, %dma_start3A_841, %add3A_810, %dma_start3A_853, %dma_start3A_854] : memref<50x4x128x8x128xf32, #tpu.memory_space<hbm>> -> memref<1x1x1x8x128xf32, #tpu.memory_space<hbm>>
      %dma_start3A_856 = tpu.memref_squeeze %dma_start3A_855 : memref<1x1x1x8x128xf32, #tpu.memory_space<hbm>> -> memref<8x128xf32, #tpu.memory_space<hbm>>
      %dma_start3A_857 = arith.constant 0 : i32
      %dma_start3A_858 = arith.constant 0 : i32
      %dma_start3A_859 = tpu.memref_slice %arg8[%dma_start3A_840, %dma_start3A_857, %dma_start3A_858] : memref<4x32x129xf32, #tpu.memory_space<vmem>> -> memref<1x8x128xf32, #tpu.memory_space<vmem>>
      %dma_start3A_860 = tpu.memref_squeeze %dma_start3A_859 : memref<1x8x128xf32, #tpu.memory_space<vmem>> -> memref<8x128xf32, #tpu.memory_space<vmem>>
      tpu.enqueue_dma source(%dma_start3A_860 : memref<8x128xf32, #tpu.memory_space<vmem>>) target(%dma_start3A_856 : memref<8x128xf32, #tpu.memory_space<hbm>>) target_semaphore(%dma_start3A_852 : memref<!tpu.dma_semaphore, #tpu.memory_space<semaphore_mem>>)
      %dma_start3A_861 = arith.constant 3 : i32
      %dma_start3A_862 = arith.constant 1 : i32
      %dma_start3A_863 = arith.constant 3 : i32
      %dma_start3A_864 = arith.constant 8 : i32
      %dma_start3A_865 = arith.constant 0 : i32
      %dma_start3A_866 = tpu.memref_slice %arg8[%dma_start3A_861, %dma_start3A_864, %dma_start3A_865] : memref<4x32x129xf32, #tpu.memory_space<vmem>> -> memref<1x8x128xf32, #tpu.memory_space<vmem>>
      %dma_start3A_867 = tpu.memref_squeeze %dma_start3A_866 : memref<1x8x128xf32, #tpu.memory_space<vmem>> -> memref<8x128xf32, #tpu.memory_space<vmem>>
      %dma_start3A_868 = arith.constant 0 : i32
      %dma_start3A_869 = arith.constant 0 : i32
      %dma_start3A_870 = tpu.memref_slice %arg4[%scan3A_459, %dma_start3A_862, %add3A_810, %dma_start3A_868, %dma_start3A_869] : memref<50x4x128x8x128xf32, #tpu.memory_space<hbm>> -> memref<1x1x1x8x128xf32, #tpu.memory_space<hbm>>
      %dma_start3A_871 = tpu.memref_squeeze %dma_start3A_870 : memref<1x1x1x8x128xf32, #tpu.memory_space<hbm>> -> memref<8x128xf32, #tpu.memory_space<hbm>>
      %dma_start3A_872 = tpu.memref_slice %arg10[%dma_start3A_863] : memref<4x!tpu.dma_semaphore, #tpu.memory_space<semaphore_mem>> -> memref<1x!tpu.dma_semaphore, #tpu.memory_space<semaphore_mem>>
      %dma_start3A_873 = tpu.memref_squeeze %dma_start3A_872 : memref<1x!tpu.dma_semaphore, #tpu.memory_space<semaphore_mem>> -> memref<!tpu.dma_semaphore, #tpu.memory_space<semaphore_mem>>
      %dma_start3A_874 = arith.constant 0 : i32
      %dma_start3A_875 = arith.constant 0 : i32
      %dma_start3A_876 = tpu.memref_slice %arg4[%scan3A_459, %dma_start3A_862, %add3A_810, %dma_start3A_874, %dma_start3A_875] : memref<50x4x128x8x128xf32, #tpu.memory_space<hbm>> -> memref<1x1x1x8x128xf32, #tpu.memory_space<hbm>>
      %dma_start3A_877 = tpu.memref_squeeze %dma_start3A_876 : memref<1x1x1x8x128xf32, #tpu.memory_space<hbm>> -> memref<8x128xf32, #tpu.memory_space<hbm>>
      %dma_start3A_878 = arith.constant 8 : i32
      %dma_start3A_879 = arith.constant 0 : i32
      %dma_start3A_880 = tpu.memref_slice %arg8[%dma_start3A_861, %dma_start3A_878, %dma_start3A_879] : memref<4x32x129xf32, #tpu.memory_space<vmem>> -> memref<1x8x128xf32, #tpu.memory_space<vmem>>
      %dma_start3A_881 = tpu.memref_squeeze %dma_start3A_880 : memref<1x8x128xf32, #tpu.memory_space<vmem>> -> memref<8x128xf32, #tpu.memory_space<vmem>>
      tpu.enqueue_dma source(%dma_start3A_881 : memref<8x128xf32, #tpu.memory_space<vmem>>) target(%dma_start3A_877 : memref<8x128xf32, #tpu.memory_space<hbm>>) target_semaphore(%dma_start3A_873 : memref<!tpu.dma_semaphore, #tpu.memory_space<semaphore_mem>>)
      %dma_start3A_882 = arith.constant 3 : i32
      %dma_start3A_883 = arith.constant 2 : i32
      %dma_start3A_884 = arith.constant 3 : i32
      %dma_start3A_885 = arith.constant 16 : i32
      %dma_start3A_886 = arith.constant 0 : i32
      %dma_start3A_887 = tpu.memref_slice %arg8[%dma_start3A_882, %dma_start3A_885, %dma_start3A_886] : memref<4x32x129xf32, #tpu.memory_space<vmem>> -> memref<1x8x128xf32, #tpu.memory_space<vmem>>
      %dma_start3A_888 = tpu.memref_squeeze %dma_start3A_887 : memref<1x8x128xf32, #tpu.memory_space<vmem>> -> memref<8x128xf32, #tpu.memory_space<vmem>>
      %dma_start3A_889 = arith.constant 0 : i32
      %dma_start3A_890 = arith.constant 0 : i32
      %dma_start3A_891 = tpu.memref_slice %arg4[%scan3A_459, %dma_start3A_883, %add3A_810, %dma_start3A_889, %dma_start3A_890] : memref<50x4x128x8x128xf32, #tpu.memory_space<hbm>> -> memref<1x1x1x8x128xf32, #tpu.memory_space<hbm>>
      %dma_start3A_892 = tpu.memref_squeeze %dma_start3A_891 : memref<1x1x1x8x128xf32, #tpu.memory_space<hbm>> -> memref<8x128xf32, #tpu.memory_space<hbm>>
      %dma_start3A_893 = tpu.memref_slice %arg10[%dma_start3A_884] : memref<4x!tpu.dma_semaphore, #tpu.memory_space<semaphore_mem>> -> memref<1x!tpu.dma_semaphore, #tpu.memory_space<semaphore_mem>>
      %dma_start3A_894 = tpu.memref_squeeze %dma_start3A_893 : memref<1x!tpu.dma_semaphore, #tpu.memory_space<semaphore_mem>> -> memref<!tpu.dma_semaphore, #tpu.memory_space<semaphore_mem>>
      %dma_start3A_895 = arith.constant 0 : i32
      %dma_start3A_896 = arith.constant 0 : i32
      %dma_start3A_897 = tpu.memref_slice %arg4[%scan3A_459, %dma_start3A_883, %add3A_810, %dma_start3A_895, %dma_start3A_896] : memref<50x4x128x8x128xf32, #tpu.memory_space<hbm>> -> memref<1x1x1x8x128xf32, #tpu.memory_space<hbm>>
      %dma_start3A_898 = tpu.memref_squeeze %dma_start3A_897 : memref<1x1x1x8x128xf32, #tpu.memory_space<hbm>> -> memref<8x128xf32, #tpu.memory_space<hbm>>
      %dma_start3A_899 = arith.constant 16 : i32
      %dma_start3A_900 = arith.constant 0 : i32
      %dma_start3A_901 = tpu.memref_slice %arg8[%dma_start3A_882, %dma_start3A_899, %dma_start3A_900] : memref<4x32x129xf32, #tpu.memory_space<vmem>> -> memref<1x8x128xf32, #tpu.memory_space<vmem>>
      %dma_start3A_902 = tpu.memref_squeeze %dma_start3A_901 : memref<1x8x128xf32, #tpu.memory_space<vmem>> -> memref<8x128xf32, #tpu.memory_space<vmem>>
      tpu.enqueue_dma source(%dma_start3A_902 : memref<8x128xf32, #tpu.memory_space<vmem>>) target(%dma_start3A_898 : memref<8x128xf32, #tpu.memory_space<hbm>>) target_semaphore(%dma_start3A_894 : memref<!tpu.dma_semaphore, #tpu.memory_space<semaphore_mem>>)
      %dma_start3A_903 = arith.constant 3 : i32
      %dma_start3A_904 = arith.constant 3 : i32
      %dma_start3A_905 = arith.constant 3 : i32
      %dma_start3A_906 = arith.constant 24 : i32
      %dma_start3A_907 = arith.constant 0 : i32
      %dma_start3A_908 = tpu.memref_slice %arg8[%dma_start3A_903, %dma_start3A_906, %dma_start3A_907] : memref<4x32x129xf32, #tpu.memory_space<vmem>> -> memref<1x8x128xf32, #tpu.memory_space<vmem>>
      %dma_start3A_909 = tpu.memref_squeeze %dma_start3A_908 : memref<1x8x128xf32, #tpu.memory_space<vmem>> -> memref<8x128xf32, #tpu.memory_space<vmem>>
      %dma_start3A_910 = arith.constant 0 : i32
      %dma_start3A_911 = arith.constant 0 : i32
      %dma_start3A_912 = tpu.memref_slice %arg4[%scan3A_459, %dma_start3A_904, %add3A_810, %dma_start3A_910, %dma_start3A_911] : memref<50x4x128x8x128xf32, #tpu.memory_space<hbm>> -> memref<1x1x1x8x128xf32, #tpu.memory_space<hbm>>
      %dma_start3A_913 = tpu.memref_squeeze %dma_start3A_912 : memref<1x1x1x8x128xf32, #tpu.memory_space<hbm>> -> memref<8x128xf32, #tpu.memory_space<hbm>>
      %dma_start3A_914 = tpu.memref_slice %arg10[%dma_start3A_905] : memref<4x!tpu.dma_semaphore, #tpu.memory_space<semaphore_mem>> -> memref<1x!tpu.dma_semaphore, #tpu.memory_space<semaphore_mem>>
      %dma_start3A_915 = tpu.memref_squeeze %dma_start3A_914 : memref<1x!tpu.dma_semaphore, #tpu.memory_space<semaphore_mem>> -> memref<!tpu.dma_semaphore, #tpu.memory_space<semaphore_mem>>
      %dma_start3A_916 = arith.constant 0 : i32
      %dma_start3A_917 = arith.constant 0 : i32
      %dma_start3A_918 = tpu.memref_slice %arg4[%scan3A_459, %dma_start3A_904, %add3A_810, %dma_start3A_916, %dma_start3A_917] : memref<50x4x128x8x128xf32, #tpu.memory_space<hbm>> -> memref<1x1x1x8x128xf32, #tpu.memory_space<hbm>>
      %dma_start3A_919 = tpu.memref_squeeze %dma_start3A_918 : memref<1x1x1x8x128xf32, #tpu.memory_space<hbm>> -> memref<8x128xf32, #tpu.memory_space<hbm>>
      %dma_start3A_920 = arith.constant 24 : i32
      %dma_start3A_921 = arith.constant 0 : i32
      %dma_start3A_922 = tpu.memref_slice %arg8[%dma_start3A_903, %dma_start3A_920, %dma_start3A_921] : memref<4x32x129xf32, #tpu.memory_space<vmem>> -> memref<1x8x128xf32, #tpu.memory_space<vmem>>
      %dma_start3A_923 = tpu.memref_squeeze %dma_start3A_922 : memref<1x8x128xf32, #tpu.memory_space<vmem>> -> memref<8x128xf32, #tpu.memory_space<vmem>>
      tpu.enqueue_dma source(%dma_start3A_923 : memref<8x128xf32, #tpu.memory_space<vmem>>) target(%dma_start3A_919 : memref<8x128xf32, #tpu.memory_space<hbm>>) target_semaphore(%dma_start3A_915 : memref<!tpu.dma_semaphore, #tpu.memory_space<semaphore_mem>>)
    }
    %scan3A_43 = arith.constant 50 : i32
    %mul3A_44 = arith.constant 4 : i32
    %mul3A_45 = arith.muli %add3A, %mul3A_44 : i32
    %add3A_46 = arith.constant 0 : i32
    %add3A_47 = arith.addi %mul3A_45, %add3A_46 : i32
    %dma_wait3A = arith.constant 0 : i32
    %dma_wait3A_48 = arith.constant 49 : i32
    %dma_wait3A_49 = arith.constant 0 : i32
    %dma_wait3A_50 = arith.constant 0 : i32
    %dma_wait3A_51 = arith.constant 0 : i32
    %dma_wait3A_52 = arith.constant 0 : i32
    %dma_wait3A_53 = tpu.memref_slice %arg8[%dma_wait3A, %dma_wait3A_51, %dma_wait3A_52] : memref<4x32x129xf32, #tpu.memory_space<vmem>> -> memref<1x8x128xf32, #tpu.memory_space<vmem>>
    %dma_wait3A_54 = tpu.memref_squeeze %dma_wait3A_53 : memref<1x8x128xf32, #tpu.memory_space<vmem>> -> memref<8x128xf32, #tpu.memory_space<vmem>>
    %dma_wait3A_55 = arith.constant 0 : i32
    %dma_wait3A_56 = arith.constant 0 : i32
    %dma_wait3A_57 = tpu.memref_slice %arg4[%dma_wait3A_48, %dma_wait3A_49, %add3A_47, %dma_wait3A_55, %dma_wait3A_56] : memref<50x4x128x8x128xf32, #tpu.memory_space<hbm>> -> memref<1x1x1x8x128xf32, #tpu.memory_space<hbm>>
    %dma_wait3A_58 = tpu.memref_squeeze %dma_wait3A_57 : memref<1x1x1x8x128xf32, #tpu.memory_space<hbm>> -> memref<8x128xf32, #tpu.memory_space<hbm>>
    %dma_wait3A_59 = tpu.memref_slice %arg10[%dma_wait3A_50] : memref<4x!tpu.dma_semaphore, #tpu.memory_space<semaphore_mem>> -> memref<1x!tpu.dma_semaphore, #tpu.memory_space<semaphore_mem>>
    %dma_wait3A_60 = tpu.memref_squeeze %dma_wait3A_59 : memref<1x!tpu.dma_semaphore, #tpu.memory_space<semaphore_mem>> -> memref<!tpu.dma_semaphore, #tpu.memory_space<semaphore_mem>>
    %dma_wait3A_61 = arith.constant 0 : i32
    %dma_wait3A_62 = arith.constant 0 : i32
    %dma_wait3A_63 = tpu.memref_slice %arg4[%dma_wait3A_48, %dma_wait3A_49, %add3A_47, %dma_wait3A_61, %dma_wait3A_62] : memref<50x4x128x8x128xf32, #tpu.memory_space<hbm>> -> memref<1x1x1x8x128xf32, #tpu.memory_space<hbm>>
    %dma_wait3A_64 = tpu.memref_squeeze %dma_wait3A_63 : memref<1x1x1x8x128xf32, #tpu.memory_space<hbm>> -> memref<8x128xf32, #tpu.memory_space<hbm>>
    %dma_wait3A_65 = arith.constant 0 : i32
    %dma_wait3A_66 = arith.constant 0 : i32
    %dma_wait3A_67 = tpu.memref_slice %arg8[%dma_wait3A, %dma_wait3A_65, %dma_wait3A_66] : memref<4x32x129xf32, #tpu.memory_space<vmem>> -> memref<1x8x128xf32, #tpu.memory_space<vmem>>
    %dma_wait3A_68 = tpu.memref_squeeze %dma_wait3A_67 : memref<1x8x128xf32, #tpu.memory_space<vmem>> -> memref<8x128xf32, #tpu.memory_space<vmem>>
    tpu.wait_dma2 semaphore(%dma_wait3A_60 : memref<!tpu.dma_semaphore, #tpu.memory_space<semaphore_mem>>) src(%dma_wait3A_68 : memref<8x128xf32, #tpu.memory_space<vmem>>) dst(%dma_wait3A_64 : memref<8x128xf32, #tpu.memory_space<hbm>>)
    %mul3A_69 = arith.constant 4 : i32
    %mul3A_70 = arith.muli %add3A, %mul3A_69 : i32
    %add3A_71 = arith.constant 0 : i32
    %add3A_72 = arith.addi %mul3A_70, %add3A_71 : i32
    %dma_wait3A_73 = arith.constant 0 : i32
    %dma_wait3A_74 = arith.constant 49 : i32
    %dma_wait3A_75 = arith.constant 1 : i32
    %dma_wait3A_76 = arith.constant 0 : i32
    %dma_wait3A_77 = arith.constant 8 : i32
    %dma_wait3A_78 = arith.constant 0 : i32
    %dma_wait3A_79 = tpu.memref_slice %arg8[%dma_wait3A_73, %dma_wait3A_77, %dma_wait3A_78] : memref<4x32x129xf32, #tpu.memory_space<vmem>> -> memref<1x8x128xf32, #tpu.memory_space<vmem>>
    %dma_wait3A_80 = tpu.memref_squeeze %dma_wait3A_79 : memref<1x8x128xf32, #tpu.memory_space<vmem>> -> memref<8x128xf32, #tpu.memory_space<vmem>>
    %dma_wait3A_81 = arith.constant 0 : i32
    %dma_wait3A_82 = arith.constant 0 : i32
    %dma_wait3A_83 = tpu.memref_slice %arg4[%dma_wait3A_74, %dma_wait3A_75, %add3A_72, %dma_wait3A_81, %dma_wait3A_82] : memref<50x4x128x8x128xf32, #tpu.memory_space<hbm>> -> memref<1x1x1x8x128xf32, #tpu.memory_space<hbm>>
    %dma_wait3A_84 = tpu.memref_squeeze %dma_wait3A_83 : memref<1x1x1x8x128xf32, #tpu.memory_space<hbm>> -> memref<8x128xf32, #tpu.memory_space<hbm>>
    %dma_wait3A_85 = tpu.memref_slice %arg10[%dma_wait3A_76] : memref<4x!tpu.dma_semaphore, #tpu.memory_space<semaphore_mem>> -> memref<1x!tpu.dma_semaphore, #tpu.memory_space<semaphore_mem>>
    %dma_wait3A_86 = tpu.memref_squeeze %dma_wait3A_85 : memref<1x!tpu.dma_semaphore, #tpu.memory_space<semaphore_mem>> -> memref<!tpu.dma_semaphore, #tpu.memory_space<semaphore_mem>>
    %dma_wait3A_87 = arith.constant 0 : i32
    %dma_wait3A_88 = arith.constant 0 : i32
    %dma_wait3A_89 = tpu.memref_slice %arg4[%dma_wait3A_74, %dma_wait3A_75, %add3A_72, %dma_wait3A_87, %dma_wait3A_88] : memref<50x4x128x8x128xf32, #tpu.memory_space<hbm>> -> memref<1x1x1x8x128xf32, #tpu.memory_space<hbm>>
    %dma_wait3A_90 = tpu.memref_squeeze %dma_wait3A_89 : memref<1x1x1x8x128xf32, #tpu.memory_space<hbm>> -> memref<8x128xf32, #tpu.memory_space<hbm>>
    %dma_wait3A_91 = arith.constant 8 : i32
    %dma_wait3A_92 = arith.constant 0 : i32
    %dma_wait3A_93 = tpu.memref_slice %arg8[%dma_wait3A_73, %dma_wait3A_91, %dma_wait3A_92] : memref<4x32x129xf32, #tpu.memory_space<vmem>> -> memref<1x8x128xf32, #tpu.memory_space<vmem>>
    %dma_wait3A_94 = tpu.memref_squeeze %dma_wait3A_93 : memref<1x8x128xf32, #tpu.memory_space<vmem>> -> memref<8x128xf32, #tpu.memory_space<vmem>>
    tpu.wait_dma2 semaphore(%dma_wait3A_86 : memref<!tpu.dma_semaphore, #tpu.memory_space<semaphore_mem>>) src(%dma_wait3A_94 : memref<8x128xf32, #tpu.memory_space<vmem>>) dst(%dma_wait3A_90 : memref<8x128xf32, #tpu.memory_space<hbm>>)
    %mul3A_95 = arith.constant 4 : i32
    %mul3A_96 = arith.muli %add3A, %mul3A_95 : i32
    %add3A_97 = arith.constant 0 : i32
    %add3A_98 = arith.addi %mul3A_96, %add3A_97 : i32
    %dma_wait3A_99 = arith.constant 0 : i32
    %dma_wait3A_100 = arith.constant 49 : i32
    %dma_wait3A_101 = arith.constant 2 : i32
    %dma_wait3A_102 = arith.constant 0 : i32
    %dma_wait3A_103 = arith.constant 16 : i32
    %dma_wait3A_104 = arith.constant 0 : i32
    %dma_wait3A_105 = tpu.memref_slice %arg8[%dma_wait3A_99, %dma_wait3A_103, %dma_wait3A_104] : memref<4x32x129xf32, #tpu.memory_space<vmem>> -> memref<1x8x128xf32, #tpu.memory_space<vmem>>
    %dma_wait3A_106 = tpu.memref_squeeze %dma_wait3A_105 : memref<1x8x128xf32, #tpu.memory_space<vmem>> -> memref<8x128xf32, #tpu.memory_space<vmem>>
    %dma_wait3A_107 = arith.constant 0 : i32
    %dma_wait3A_108 = arith.constant 0 : i32
    %dma_wait3A_109 = tpu.memref_slice %arg4[%dma_wait3A_100, %dma_wait3A_101, %add3A_98, %dma_wait3A_107, %dma_wait3A_108] : memref<50x4x128x8x128xf32, #tpu.memory_space<hbm>> -> memref<1x1x1x8x128xf32, #tpu.memory_space<hbm>>
    %dma_wait3A_110 = tpu.memref_squeeze %dma_wait3A_109 : memref<1x1x1x8x128xf32, #tpu.memory_space<hbm>> -> memref<8x128xf32, #tpu.memory_space<hbm>>
    %dma_wait3A_111 = tpu.memref_slice %arg10[%dma_wait3A_102] : memref<4x!tpu.dma_semaphore, #tpu.memory_space<semaphore_mem>> -> memref<1x!tpu.dma_semaphore, #tpu.memory_space<semaphore_mem>>
    %dma_wait3A_112 = tpu.memref_squeeze %dma_wait3A_111 : memref<1x!tpu.dma_semaphore, #tpu.memory_space<semaphore_mem>> -> memref<!tpu.dma_semaphore, #tpu.memory_space<semaphore_mem>>
    %dma_wait3A_113 = arith.constant 0 : i32
    %dma_wait3A_114 = arith.constant 0 : i32
    %dma_wait3A_115 = tpu.memref_slice %arg4[%dma_wait3A_100, %dma_wait3A_101, %add3A_98, %dma_wait3A_113, %dma_wait3A_114] : memref<50x4x128x8x128xf32, #tpu.memory_space<hbm>> -> memref<1x1x1x8x128xf32, #tpu.memory_space<hbm>>
    %dma_wait3A_116 = tpu.memref_squeeze %dma_wait3A_115 : memref<1x1x1x8x128xf32, #tpu.memory_space<hbm>> -> memref<8x128xf32, #tpu.memory_space<hbm>>
    %dma_wait3A_117 = arith.constant 16 : i32
    %dma_wait3A_118 = arith.constant 0 : i32
    %dma_wait3A_119 = tpu.memref_slice %arg8[%dma_wait3A_99, %dma_wait3A_117, %dma_wait3A_118] : memref<4x32x129xf32, #tpu.memory_space<vmem>> -> memref<1x8x128xf32, #tpu.memory_space<vmem>>
    %dma_wait3A_120 = tpu.memref_squeeze %dma_wait3A_119 : memref<1x8x128xf32, #tpu.memory_space<vmem>> -> memref<8x128xf32, #tpu.memory_space<vmem>>
    tpu.wait_dma2 semaphore(%dma_wait3A_112 : memref<!tpu.dma_semaphore, #tpu.memory_space<semaphore_mem>>) src(%dma_wait3A_120 : memref<8x128xf32, #tpu.memory_space<vmem>>) dst(%dma_wait3A_116 : memref<8x128xf32, #tpu.memory_space<hbm>>)
    %mul3A_121 = arith.constant 4 : i32
    %mul3A_122 = arith.muli %add3A, %mul3A_121 : i32
    %add3A_123 = arith.constant 0 : i32
    %add3A_124 = arith.addi %mul3A_122, %add3A_123 : i32
    %dma_wait3A_125 = arith.constant 0 : i32
    %dma_wait3A_126 = arith.constant 49 : i32
    %dma_wait3A_127 = arith.constant 3 : i32
    %dma_wait3A_128 = arith.constant 0 : i32
    %dma_wait3A_129 = arith.constant 24 : i32
    %dma_wait3A_130 = arith.constant 0 : i32
    %dma_wait3A_131 = tpu.memref_slice %arg8[%dma_wait3A_125, %dma_wait3A_129, %dma_wait3A_130] : memref<4x32x129xf32, #tpu.memory_space<vmem>> -> memref<1x8x128xf32, #tpu.memory_space<vmem>>
    %dma_wait3A_132 = tpu.memref_squeeze %dma_wait3A_131 : memref<1x8x128xf32, #tpu.memory_space<vmem>> -> memref<8x128xf32, #tpu.memory_space<vmem>>
    %dma_wait3A_133 = arith.constant 0 : i32
    %dma_wait3A_134 = arith.constant 0 : i32
    %dma_wait3A_135 = tpu.memref_slice %arg4[%dma_wait3A_126, %dma_wait3A_127, %add3A_124, %dma_wait3A_133, %dma_wait3A_134] : memref<50x4x128x8x128xf32, #tpu.memory_space<hbm>> -> memref<1x1x1x8x128xf32, #tpu.memory_space<hbm>>
    %dma_wait3A_136 = tpu.memref_squeeze %dma_wait3A_135 : memref<1x1x1x8x128xf32, #tpu.memory_space<hbm>> -> memref<8x128xf32, #tpu.memory_space<hbm>>
    %dma_wait3A_137 = tpu.memref_slice %arg10[%dma_wait3A_128] : memref<4x!tpu.dma_semaphore, #tpu.memory_space<semaphore_mem>> -> memref<1x!tpu.dma_semaphore, #tpu.memory_space<semaphore_mem>>
    %dma_wait3A_138 = tpu.memref_squeeze %dma_wait3A_137 : memref<1x!tpu.dma_semaphore, #tpu.memory_space<semaphore_mem>> -> memref<!tpu.dma_semaphore, #tpu.memory_space<semaphore_mem>>
    %dma_wait3A_139 = arith.constant 0 : i32
    %dma_wait3A_140 = arith.constant 0 : i32
    %dma_wait3A_141 = tpu.memref_slice %arg4[%dma_wait3A_126, %dma_wait3A_127, %add3A_124, %dma_wait3A_139, %dma_wait3A_140] : memref<50x4x128x8x128xf32, #tpu.memory_space<hbm>> -> memref<1x1x1x8x128xf32, #tpu.memory_space<hbm>>
    %dma_wait3A_142 = tpu.memref_squeeze %dma_wait3A_141 : memref<1x1x1x8x128xf32, #tpu.memory_space<hbm>> -> memref<8x128xf32, #tpu.memory_space<hbm>>
    %dma_wait3A_143 = arith.constant 24 : i32
    %dma_wait3A_144 = arith.constant 0 : i32
    %dma_wait3A_145 = tpu.memref_slice %arg8[%dma_wait3A_125, %dma_wait3A_143, %dma_wait3A_144] : memref<4x32x129xf32, #tpu.memory_space<vmem>> -> memref<1x8x128xf32, #tpu.memory_space<vmem>>
    %dma_wait3A_146 = tpu.memref_squeeze %dma_wait3A_145 : memref<1x8x128xf32, #tpu.memory_space<vmem>> -> memref<8x128xf32, #tpu.memory_space<vmem>>
    tpu.wait_dma2 semaphore(%dma_wait3A_138 : memref<!tpu.dma_semaphore, #tpu.memory_space<semaphore_mem>>) src(%dma_wait3A_146 : memref<8x128xf32, #tpu.memory_space<vmem>>) dst(%dma_wait3A_142 : memref<8x128xf32, #tpu.memory_space<hbm>>)
    %mul3A_147 = arith.constant 4 : i32
    %mul3A_148 = arith.muli %add3A, %mul3A_147 : i32
    %add3A_149 = arith.constant 1 : i32
    %add3A_150 = arith.addi %mul3A_148, %add3A_149 : i32
    %dma_wait3A_151 = arith.constant 1 : i32
    %dma_wait3A_152 = arith.constant 49 : i32
    %dma_wait3A_153 = arith.constant 0 : i32
    %dma_wait3A_154 = arith.constant 1 : i32
    %dma_wait3A_155 = arith.constant 0 : i32
    %dma_wait3A_156 = arith.constant 0 : i32
    %dma_wait3A_157 = tpu.memref_slice %arg8[%dma_wait3A_151, %dma_wait3A_155, %dma_wait3A_156] : memref<4x32x129xf32, #tpu.memory_space<vmem>> -> memref<1x8x128xf32, #tpu.memory_space<vmem>>
    %dma_wait3A_158 = tpu.memref_squeeze %dma_wait3A_157 : memref<1x8x128xf32, #tpu.memory_space<vmem>> -> memref<8x128xf32, #tpu.memory_space<vmem>>
    %dma_wait3A_159 = arith.constant 0 : i32
    %dma_wait3A_160 = arith.constant 0 : i32
    %dma_wait3A_161 = tpu.memref_slice %arg4[%dma_wait3A_152, %dma_wait3A_153, %add3A_150, %dma_wait3A_159, %dma_wait3A_160] : memref<50x4x128x8x128xf32, #tpu.memory_space<hbm>> -> memref<1x1x1x8x128xf32, #tpu.memory_space<hbm>>
    %dma_wait3A_162 = tpu.memref_squeeze %dma_wait3A_161 : memref<1x1x1x8x128xf32, #tpu.memory_space<hbm>> -> memref<8x128xf32, #tpu.memory_space<hbm>>
    %dma_wait3A_163 = tpu.memref_slice %arg10[%dma_wait3A_154] : memref<4x!tpu.dma_semaphore, #tpu.memory_space<semaphore_mem>> -> memref<1x!tpu.dma_semaphore, #tpu.memory_space<semaphore_mem>>
    %dma_wait3A_164 = tpu.memref_squeeze %dma_wait3A_163 : memref<1x!tpu.dma_semaphore, #tpu.memory_space<semaphore_mem>> -> memref<!tpu.dma_semaphore, #tpu.memory_space<semaphore_mem>>
    %dma_wait3A_165 = arith.constant 0 : i32
    %dma_wait3A_166 = arith.constant 0 : i32
    %dma_wait3A_167 = tpu.memref_slice %arg4[%dma_wait3A_152, %dma_wait3A_153, %add3A_150, %dma_wait3A_165, %dma_wait3A_166] : memref<50x4x128x8x128xf32, #tpu.memory_space<hbm>> -> memref<1x1x1x8x128xf32, #tpu.memory_space<hbm>>
    %dma_wait3A_168 = tpu.memref_squeeze %dma_wait3A_167 : memref<1x1x1x8x128xf32, #tpu.memory_space<hbm>> -> memref<8x128xf32, #tpu.memory_space<hbm>>
    %dma_wait3A_169 = arith.constant 0 : i32
    %dma_wait3A_170 = arith.constant 0 : i32
    %dma_wait3A_171 = tpu.memref_slice %arg8[%dma_wait3A_151, %dma_wait3A_169, %dma_wait3A_170] : memref<4x32x129xf32, #tpu.memory_space<vmem>> -> memref<1x8x128xf32, #tpu.memory_space<vmem>>
    %dma_wait3A_172 = tpu.memref_squeeze %dma_wait3A_171 : memref<1x8x128xf32, #tpu.memory_space<vmem>> -> memref<8x128xf32, #tpu.memory_space<vmem>>
    tpu.wait_dma2 semaphore(%dma_wait3A_164 : memref<!tpu.dma_semaphore, #tpu.memory_space<semaphore_mem>>) src(%dma_wait3A_172 : memref<8x128xf32, #tpu.memory_space<vmem>>) dst(%dma_wait3A_168 : memref<8x128xf32, #tpu.memory_space<hbm>>)
    %mul3A_173 = arith.constant 4 : i32
    %mul3A_174 = arith.muli %add3A, %mul3A_173 : i32
    %add3A_175 = arith.constant 1 : i32
    %add3A_176 = arith.addi %mul3A_174, %add3A_175 : i32
    %dma_wait3A_177 = arith.constant 1 : i32
    %dma_wait3A_178 = arith.constant 49 : i32
    %dma_wait3A_179 = arith.constant 1 : i32
    %dma_wait3A_180 = arith.constant 1 : i32
    %dma_wait3A_181 = arith.constant 8 : i32
    %dma_wait3A_182 = arith.constant 0 : i32
    %dma_wait3A_183 = tpu.memref_slice %arg8[%dma_wait3A_177, %dma_wait3A_181, %dma_wait3A_182] : memref<4x32x129xf32, #tpu.memory_space<vmem>> -> memref<1x8x128xf32, #tpu.memory_space<vmem>>
    %dma_wait3A_184 = tpu.memref_squeeze %dma_wait3A_183 : memref<1x8x128xf32, #tpu.memory_space<vmem>> -> memref<8x128xf32, #tpu.memory_space<vmem>>
    %dma_wait3A_185 = arith.constant 0 : i32
    %dma_wait3A_186 = arith.constant 0 : i32
    %dma_wait3A_187 = tpu.memref_slice %arg4[%dma_wait3A_178, %dma_wait3A_179, %add3A_176, %dma_wait3A_185, %dma_wait3A_186] : memref<50x4x128x8x128xf32, #tpu.memory_space<hbm>> -> memref<1x1x1x8x128xf32, #tpu.memory_space<hbm>>
    %dma_wait3A_188 = tpu.memref_squeeze %dma_wait3A_187 : memref<1x1x1x8x128xf32, #tpu.memory_space<hbm>> -> memref<8x128xf32, #tpu.memory_space<hbm>>
    %dma_wait3A_189 = tpu.memref_slice %arg10[%dma_wait3A_180] : memref<4x!tpu.dma_semaphore, #tpu.memory_space<semaphore_mem>> -> memref<1x!tpu.dma_semaphore, #tpu.memory_space<semaphore_mem>>
    %dma_wait3A_190 = tpu.memref_squeeze %dma_wait3A_189 : memref<1x!tpu.dma_semaphore, #tpu.memory_space<semaphore_mem>> -> memref<!tpu.dma_semaphore, #tpu.memory_space<semaphore_mem>>
    %dma_wait3A_191 = arith.constant 0 : i32
    %dma_wait3A_192 = arith.constant 0 : i32
    %dma_wait3A_193 = tpu.memref_slice %arg4[%dma_wait3A_178, %dma_wait3A_179, %add3A_176, %dma_wait3A_191, %dma_wait3A_192] : memref<50x4x128x8x128xf32, #tpu.memory_space<hbm>> -> memref<1x1x1x8x128xf32, #tpu.memory_space<hbm>>
    %dma_wait3A_194 = tpu.memref_squeeze %dma_wait3A_193 : memref<1x1x1x8x128xf32, #tpu.memory_space<hbm>> -> memref<8x128xf32, #tpu.memory_space<hbm>>
    %dma_wait3A_195 = arith.constant 8 : i32
    %dma_wait3A_196 = arith.constant 0 : i32
    %dma_wait3A_197 = tpu.memref_slice %arg8[%dma_wait3A_177, %dma_wait3A_195, %dma_wait3A_196] : memref<4x32x129xf32, #tpu.memory_space<vmem>> -> memref<1x8x128xf32, #tpu.memory_space<vmem>>
    %dma_wait3A_198 = tpu.memref_squeeze %dma_wait3A_197 : memref<1x8x128xf32, #tpu.memory_space<vmem>> -> memref<8x128xf32, #tpu.memory_space<vmem>>
    tpu.wait_dma2 semaphore(%dma_wait3A_190 : memref<!tpu.dma_semaphore, #tpu.memory_space<semaphore_mem>>) src(%dma_wait3A_198 : memref<8x128xf32, #tpu.memory_space<vmem>>) dst(%dma_wait3A_194 : memref<8x128xf32, #tpu.memory_space<hbm>>)
    %mul3A_199 = arith.constant 4 : i32
    %mul3A_200 = arith.muli %add3A, %mul3A_199 : i32
    %add3A_201 = arith.constant 1 : i32
    %add3A_202 = arith.addi %mul3A_200, %add3A_201 : i32
    %dma_wait3A_203 = arith.constant 1 : i32
    %dma_wait3A_204 = arith.constant 49 : i32
    %dma_wait3A_205 = arith.constant 2 : i32
    %dma_wait3A_206 = arith.constant 1 : i32
    %dma_wait3A_207 = arith.constant 16 : i32
    %dma_wait3A_208 = arith.constant 0 : i32
    %dma_wait3A_209 = tpu.memref_slice %arg8[%dma_wait3A_203, %dma_wait3A_207, %dma_wait3A_208] : memref<4x32x129xf32, #tpu.memory_space<vmem>> -> memref<1x8x128xf32, #tpu.memory_space<vmem>>
    %dma_wait3A_210 = tpu.memref_squeeze %dma_wait3A_209 : memref<1x8x128xf32, #tpu.memory_space<vmem>> -> memref<8x128xf32, #tpu.memory_space<vmem>>
    %dma_wait3A_211 = arith.constant 0 : i32
    %dma_wait3A_212 = arith.constant 0 : i32
    %dma_wait3A_213 = tpu.memref_slice %arg4[%dma_wait3A_204, %dma_wait3A_205, %add3A_202, %dma_wait3A_211, %dma_wait3A_212] : memref<50x4x128x8x128xf32, #tpu.memory_space<hbm>> -> memref<1x1x1x8x128xf32, #tpu.memory_space<hbm>>
    %dma_wait3A_214 = tpu.memref_squeeze %dma_wait3A_213 : memref<1x1x1x8x128xf32, #tpu.memory_space<hbm>> -> memref<8x128xf32, #tpu.memory_space<hbm>>
    %dma_wait3A_215 = tpu.memref_slice %arg10[%dma_wait3A_206] : memref<4x!tpu.dma_semaphore, #tpu.memory_space<semaphore_mem>> -> memref<1x!tpu.dma_semaphore, #tpu.memory_space<semaphore_mem>>
    %dma_wait3A_216 = tpu.memref_squeeze %dma_wait3A_215 : memref<1x!tpu.dma_semaphore, #tpu.memory_space<semaphore_mem>> -> memref<!tpu.dma_semaphore, #tpu.memory_space<semaphore_mem>>
    %dma_wait3A_217 = arith.constant 0 : i32
    %dma_wait3A_218 = arith.constant 0 : i32
    %dma_wait3A_219 = tpu.memref_slice %arg4[%dma_wait3A_204, %dma_wait3A_205, %add3A_202, %dma_wait3A_217, %dma_wait3A_218] : memref<50x4x128x8x128xf32, #tpu.memory_space<hbm>> -> memref<1x1x1x8x128xf32, #tpu.memory_space<hbm>>
    %dma_wait3A_220 = tpu.memref_squeeze %dma_wait3A_219 : memref<1x1x1x8x128xf32, #tpu.memory_space<hbm>> -> memref<8x128xf32, #tpu.memory_space<hbm>>
    %dma_wait3A_221 = arith.constant 16 : i32
    %dma_wait3A_222 = arith.constant 0 : i32
    %dma_wait3A_223 = tpu.memref_slice %arg8[%dma_wait3A_203, %dma_wait3A_221, %dma_wait3A_222] : memref<4x32x129xf32, #tpu.memory_space<vmem>> -> memref<1x8x128xf32, #tpu.memory_space<vmem>>
    %dma_wait3A_224 = tpu.memref_squeeze %dma_wait3A_223 : memref<1x8x128xf32, #tpu.memory_space<vmem>> -> memref<8x128xf32, #tpu.memory_space<vmem>>
    tpu.wait_dma2 semaphore(%dma_wait3A_216 : memref<!tpu.dma_semaphore, #tpu.memory_space<semaphore_mem>>) src(%dma_wait3A_224 : memref<8x128xf32, #tpu.memory_space<vmem>>) dst(%dma_wait3A_220 : memref<8x128xf32, #tpu.memory_space<hbm>>)
    %mul3A_225 = arith.constant 4 : i32
    %mul3A_226 = arith.muli %add3A, %mul3A_225 : i32
    %add3A_227 = arith.constant 1 : i32
    %add3A_228 = arith.addi %mul3A_226, %add3A_227 : i32
    %dma_wait3A_229 = arith.constant 1 : i32
    %dma_wait3A_230 = arith.constant 49 : i32
    %dma_wait3A_231 = arith.constant 3 : i32
    %dma_wait3A_232 = arith.constant 1 : i32
    %dma_wait3A_233 = arith.constant 24 : i32
    %dma_wait3A_234 = arith.constant 0 : i32
    %dma_wait3A_235 = tpu.memref_slice %arg8[%dma_wait3A_229, %dma_wait3A_233, %dma_wait3A_234] : memref<4x32x129xf32, #tpu.memory_space<vmem>> -> memref<1x8x128xf32, #tpu.memory_space<vmem>>
    %dma_wait3A_236 = tpu.memref_squeeze %dma_wait3A_235 : memref<1x8x128xf32, #tpu.memory_space<vmem>> -> memref<8x128xf32, #tpu.memory_space<vmem>>
    %dma_wait3A_237 = arith.constant 0 : i32
    %dma_wait3A_238 = arith.constant 0 : i32
    %dma_wait3A_239 = tpu.memref_slice %arg4[%dma_wait3A_230, %dma_wait3A_231, %add3A_228, %dma_wait3A_237, %dma_wait3A_238] : memref<50x4x128x8x128xf32, #tpu.memory_space<hbm>> -> memref<1x1x1x8x128xf32, #tpu.memory_space<hbm>>
    %dma_wait3A_240 = tpu.memref_squeeze %dma_wait3A_239 : memref<1x1x1x8x128xf32, #tpu.memory_space<hbm>> -> memref<8x128xf32, #tpu.memory_space<hbm>>
    %dma_wait3A_241 = tpu.memref_slice %arg10[%dma_wait3A_232] : memref<4x!tpu.dma_semaphore, #tpu.memory_space<semaphore_mem>> -> memref<1x!tpu.dma_semaphore, #tpu.memory_space<semaphore_mem>>
    %dma_wait3A_242 = tpu.memref_squeeze %dma_wait3A_241 : memref<1x!tpu.dma_semaphore, #tpu.memory_space<semaphore_mem>> -> memref<!tpu.dma_semaphore, #tpu.memory_space<semaphore_mem>>
    %dma_wait3A_243 = arith.constant 0 : i32
    %dma_wait3A_244 = arith.constant 0 : i32
    %dma_wait3A_245 = tpu.memref_slice %arg4[%dma_wait3A_230, %dma_wait3A_231, %add3A_228, %dma_wait3A_243, %dma_wait3A_244] : memref<50x4x128x8x128xf32, #tpu.memory_space<hbm>> -> memref<1x1x1x8x128xf32, #tpu.memory_space<hbm>>
    %dma_wait3A_246 = tpu.memref_squeeze %dma_wait3A_245 : memref<1x1x1x8x128xf32, #tpu.memory_space<hbm>> -> memref<8x128xf32, #tpu.memory_space<hbm>>
    %dma_wait3A_247 = arith.constant 24 : i32
    %dma_wait3A_248 = arith.constant 0 : i32
    %dma_wait3A_249 = tpu.memref_slice %arg8[%dma_wait3A_229, %dma_wait3A_247, %dma_wait3A_248] : memref<4x32x129xf32, #tpu.memory_space<vmem>> -> memref<1x8x128xf32, #tpu.memory_space<vmem>>
    %dma_wait3A_250 = tpu.memref_squeeze %dma_wait3A_249 : memref<1x8x128xf32, #tpu.memory_space<vmem>> -> memref<8x128xf32, #tpu.memory_space<vmem>>
    tpu.wait_dma2 semaphore(%dma_wait3A_242 : memref<!tpu.dma_semaphore, #tpu.memory_space<semaphore_mem>>) src(%dma_wait3A_250 : memref<8x128xf32, #tpu.memory_space<vmem>>) dst(%dma_wait3A_246 : memref<8x128xf32, #tpu.memory_space<hbm>>)
    %mul3A_251 = arith.constant 4 : i32
    %mul3A_252 = arith.muli %add3A, %mul3A_251 : i32
    %add3A_253 = arith.constant 2 : i32
    %add3A_254 = arith.addi %mul3A_252, %add3A_253 : i32
    %dma_wait3A_255 = arith.constant 2 : i32
    %dma_wait3A_256 = arith.constant 49 : i32
    %dma_wait3A_257 = arith.constant 0 : i32
    %dma_wait3A_258 = arith.constant 2 : i32
    %dma_wait3A_259 = arith.constant 0 : i32
    %dma_wait3A_260 = arith.constant 0 : i32
    %dma_wait3A_261 = tpu.memref_slice %arg8[%dma_wait3A_255, %dma_wait3A_259, %dma_wait3A_260] : memref<4x32x129xf32, #tpu.memory_space<vmem>> -> memref<1x8x128xf32, #tpu.memory_space<vmem>>
    %dma_wait3A_262 = tpu.memref_squeeze %dma_wait3A_261 : memref<1x8x128xf32, #tpu.memory_space<vmem>> -> memref<8x128xf32, #tpu.memory_space<vmem>>
    %dma_wait3A_263 = arith.constant 0 : i32
    %dma_wait3A_264 = arith.constant 0 : i32
    %dma_wait3A_265 = tpu.memref_slice %arg4[%dma_wait3A_256, %dma_wait3A_257, %add3A_254, %dma_wait3A_263, %dma_wait3A_264] : memref<50x4x128x8x128xf32, #tpu.memory_space<hbm>> -> memref<1x1x1x8x128xf32, #tpu.memory_space<hbm>>
    %dma_wait3A_266 = tpu.memref_squeeze %dma_wait3A_265 : memref<1x1x1x8x128xf32, #tpu.memory_space<hbm>> -> memref<8x128xf32, #tpu.memory_space<hbm>>
    %dma_wait3A_267 = tpu.memref_slice %arg10[%dma_wait3A_258] : memref<4x!tpu.dma_semaphore, #tpu.memory_space<semaphore_mem>> -> memref<1x!tpu.dma_semaphore, #tpu.memory_space<semaphore_mem>>
    %dma_wait3A_268 = tpu.memref_squeeze %dma_wait3A_267 : memref<1x!tpu.dma_semaphore, #tpu.memory_space<semaphore_mem>> -> memref<!tpu.dma_semaphore, #tpu.memory_space<semaphore_mem>>
    %dma_wait3A_269 = arith.constant 0 : i32
    %dma_wait3A_270 = arith.constant 0 : i32
    %dma_wait3A_271 = tpu.memref_slice %arg4[%dma_wait3A_256, %dma_wait3A_257, %add3A_254, %dma_wait3A_269, %dma_wait3A_270] : memref<50x4x128x8x128xf32, #tpu.memory_space<hbm>> -> memref<1x1x1x8x128xf32, #tpu.memory_space<hbm>>
    %dma_wait3A_272 = tpu.memref_squeeze %dma_wait3A_271 : memref<1x1x1x8x128xf32, #tpu.memory_space<hbm>> -> memref<8x128xf32, #tpu.memory_space<hbm>>
    %dma_wait3A_273 = arith.constant 0 : i32
    %dma_wait3A_274 = arith.constant 0 : i32
    %dma_wait3A_275 = tpu.memref_slice %arg8[%dma_wait3A_255, %dma_wait3A_273, %dma_wait3A_274] : memref<4x32x129xf32, #tpu.memory_space<vmem>> -> memref<1x8x128xf32, #tpu.memory_space<vmem>>
    %dma_wait3A_276 = tpu.memref_squeeze %dma_wait3A_275 : memref<1x8x128xf32, #tpu.memory_space<vmem>> -> memref<8x128xf32, #tpu.memory_space<vmem>>
    tpu.wait_dma2 semaphore(%dma_wait3A_268 : memref<!tpu.dma_semaphore, #tpu.memory_space<semaphore_mem>>) src(%dma_wait3A_276 : memref<8x128xf32, #tpu.memory_space<vmem>>) dst(%dma_wait3A_272 : memref<8x128xf32, #tpu.memory_space<hbm>>)
    %mul3A_277 = arith.constant 4 : i32
    %mul3A_278 = arith.muli %add3A, %mul3A_277 : i32
    %add3A_279 = arith.constant 2 : i32
    %add3A_280 = arith.addi %mul3A_278, %add3A_279 : i32
    %dma_wait3A_281 = arith.constant 2 : i32
    %dma_wait3A_282 = arith.constant 49 : i32
    %dma_wait3A_283 = arith.constant 1 : i32
    %dma_wait3A_284 = arith.constant 2 : i32
    %dma_wait3A_285 = arith.constant 8 : i32
    %dma_wait3A_286 = arith.constant 0 : i32
    %dma_wait3A_287 = tpu.memref_slice %arg8[%dma_wait3A_281, %dma_wait3A_285, %dma_wait3A_286] : memref<4x32x129xf32, #tpu.memory_space<vmem>> -> memref<1x8x128xf32, #tpu.memory_space<vmem>>
    %dma_wait3A_288 = tpu.memref_squeeze %dma_wait3A_287 : memref<1x8x128xf32, #tpu.memory_space<vmem>> -> memref<8x128xf32, #tpu.memory_space<vmem>>
    %dma_wait3A_289 = arith.constant 0 : i32
    %dma_wait3A_290 = arith.constant 0 : i32
    %dma_wait3A_291 = tpu.memref_slice %arg4[%dma_wait3A_282, %dma_wait3A_283, %add3A_280, %dma_wait3A_289, %dma_wait3A_290] : memref<50x4x128x8x128xf32, #tpu.memory_space<hbm>> -> memref<1x1x1x8x128xf32, #tpu.memory_space<hbm>>
    %dma_wait3A_292 = tpu.memref_squeeze %dma_wait3A_291 : memref<1x1x1x8x128xf32, #tpu.memory_space<hbm>> -> memref<8x128xf32, #tpu.memory_space<hbm>>
    %dma_wait3A_293 = tpu.memref_slice %arg10[%dma_wait3A_284] : memref<4x!tpu.dma_semaphore, #tpu.memory_space<semaphore_mem>> -> memref<1x!tpu.dma_semaphore, #tpu.memory_space<semaphore_mem>>
    %dma_wait3A_294 = tpu.memref_squeeze %dma_wait3A_293 : memref<1x!tpu.dma_semaphore, #tpu.memory_space<semaphore_mem>> -> memref<!tpu.dma_semaphore, #tpu.memory_space<semaphore_mem>>
    %dma_wait3A_295 = arith.constant 0 : i32
    %dma_wait3A_296 = arith.constant 0 : i32
    %dma_wait3A_297 = tpu.memref_slice %arg4[%dma_wait3A_282, %dma_wait3A_283, %add3A_280, %dma_wait3A_295, %dma_wait3A_296] : memref<50x4x128x8x128xf32, #tpu.memory_space<hbm>> -> memref<1x1x1x8x128xf32, #tpu.memory_space<hbm>>
    %dma_wait3A_298 = tpu.memref_squeeze %dma_wait3A_297 : memref<1x1x1x8x128xf32, #tpu.memory_space<hbm>> -> memref<8x128xf32, #tpu.memory_space<hbm>>
    %dma_wait3A_299 = arith.constant 8 : i32
    %dma_wait3A_300 = arith.constant 0 : i32
    %dma_wait3A_301 = tpu.memref_slice %arg8[%dma_wait3A_281, %dma_wait3A_299, %dma_wait3A_300] : memref<4x32x129xf32, #tpu.memory_space<vmem>> -> memref<1x8x128xf32, #tpu.memory_space<vmem>>
    %dma_wait3A_302 = tpu.memref_squeeze %dma_wait3A_301 : memref<1x8x128xf32, #tpu.memory_space<vmem>> -> memref<8x128xf32, #tpu.memory_space<vmem>>
    tpu.wait_dma2 semaphore(%dma_wait3A_294 : memref<!tpu.dma_semaphore, #tpu.memory_space<semaphore_mem>>) src(%dma_wait3A_302 : memref<8x128xf32, #tpu.memory_space<vmem>>) dst(%dma_wait3A_298 : memref<8x128xf32, #tpu.memory_space<hbm>>)
    %mul3A_303 = arith.constant 4 : i32
    %mul3A_304 = arith.muli %add3A, %mul3A_303 : i32
    %add3A_305 = arith.constant 2 : i32
    %add3A_306 = arith.addi %mul3A_304, %add3A_305 : i32
    %dma_wait3A_307 = arith.constant 2 : i32
    %dma_wait3A_308 = arith.constant 49 : i32
    %dma_wait3A_309 = arith.constant 2 : i32
    %dma_wait3A_310 = arith.constant 2 : i32
    %dma_wait3A_311 = arith.constant 16 : i32
    %dma_wait3A_312 = arith.constant 0 : i32
    %dma_wait3A_313 = tpu.memref_slice %arg8[%dma_wait3A_307, %dma_wait3A_311, %dma_wait3A_312] : memref<4x32x129xf32, #tpu.memory_space<vmem>> -> memref<1x8x128xf32, #tpu.memory_space<vmem>>
    %dma_wait3A_314 = tpu.memref_squeeze %dma_wait3A_313 : memref<1x8x128xf32, #tpu.memory_space<vmem>> -> memref<8x128xf32, #tpu.memory_space<vmem>>
    %dma_wait3A_315 = arith.constant 0 : i32
    %dma_wait3A_316 = arith.constant 0 : i32
    %dma_wait3A_317 = tpu.memref_slice %arg4[%dma_wait3A_308, %dma_wait3A_309, %add3A_306, %dma_wait3A_315, %dma_wait3A_316] : memref<50x4x128x8x128xf32, #tpu.memory_space<hbm>> -> memref<1x1x1x8x128xf32, #tpu.memory_space<hbm>>
    %dma_wait3A_318 = tpu.memref_squeeze %dma_wait3A_317 : memref<1x1x1x8x128xf32, #tpu.memory_space<hbm>> -> memref<8x128xf32, #tpu.memory_space<hbm>>
    %dma_wait3A_319 = tpu.memref_slice %arg10[%dma_wait3A_310] : memref<4x!tpu.dma_semaphore, #tpu.memory_space<semaphore_mem>> -> memref<1x!tpu.dma_semaphore, #tpu.memory_space<semaphore_mem>>
    %dma_wait3A_320 = tpu.memref_squeeze %dma_wait3A_319 : memref<1x!tpu.dma_semaphore, #tpu.memory_space<semaphore_mem>> -> memref<!tpu.dma_semaphore, #tpu.memory_space<semaphore_mem>>
    %dma_wait3A_321 = arith.constant 0 : i32
    %dma_wait3A_322 = arith.constant 0 : i32
    %dma_wait3A_323 = tpu.memref_slice %arg4[%dma_wait3A_308, %dma_wait3A_309, %add3A_306, %dma_wait3A_321, %dma_wait3A_322] : memref<50x4x128x8x128xf32, #tpu.memory_space<hbm>> -> memref<1x1x1x8x128xf32, #tpu.memory_space<hbm>>
    %dma_wait3A_324 = tpu.memref_squeeze %dma_wait3A_323 : memref<1x1x1x8x128xf32, #tpu.memory_space<hbm>> -> memref<8x128xf32, #tpu.memory_space<hbm>>
    %dma_wait3A_325 = arith.constant 16 : i32
    %dma_wait3A_326 = arith.constant 0 : i32
    %dma_wait3A_327 = tpu.memref_slice %arg8[%dma_wait3A_307, %dma_wait3A_325, %dma_wait3A_326] : memref<4x32x129xf32, #tpu.memory_space<vmem>> -> memref<1x8x128xf32, #tpu.memory_space<vmem>>
    %dma_wait3A_328 = tpu.memref_squeeze %dma_wait3A_327 : memref<1x8x128xf32, #tpu.memory_space<vmem>> -> memref<8x128xf32, #tpu.memory_space<vmem>>
    tpu.wait_dma2 semaphore(%dma_wait3A_320 : memref<!tpu.dma_semaphore, #tpu.memory_space<semaphore_mem>>) src(%dma_wait3A_328 : memref<8x128xf32, #tpu.memory_space<vmem>>) dst(%dma_wait3A_324 : memref<8x128xf32, #tpu.memory_space<hbm>>)
    %mul3A_329 = arith.constant 4 : i32
    %mul3A_330 = arith.muli %add3A, %mul3A_329 : i32
    %add3A_331 = arith.constant 2 : i32
    %add3A_332 = arith.addi %mul3A_330, %add3A_331 : i32
    %dma_wait3A_333 = arith.constant 2 : i32
    %dma_wait3A_334 = arith.constant 49 : i32
    %dma_wait3A_335 = arith.constant 3 : i32
    %dma_wait3A_336 = arith.constant 2 : i32
    %dma_wait3A_337 = arith.constant 24 : i32
    %dma_wait3A_338 = arith.constant 0 : i32
    %dma_wait3A_339 = tpu.memref_slice %arg8[%dma_wait3A_333, %dma_wait3A_337, %dma_wait3A_338] : memref<4x32x129xf32, #tpu.memory_space<vmem>> -> memref<1x8x128xf32, #tpu.memory_space<vmem>>
    %dma_wait3A_340 = tpu.memref_squeeze %dma_wait3A_339 : memref<1x8x128xf32, #tpu.memory_space<vmem>> -> memref<8x128xf32, #tpu.memory_space<vmem>>
    %dma_wait3A_341 = arith.constant 0 : i32
    %dma_wait3A_342 = arith.constant 0 : i32
    %dma_wait3A_343 = tpu.memref_slice %arg4[%dma_wait3A_334, %dma_wait3A_335, %add3A_332, %dma_wait3A_341, %dma_wait3A_342] : memref<50x4x128x8x128xf32, #tpu.memory_space<hbm>> -> memref<1x1x1x8x128xf32, #tpu.memory_space<hbm>>
    %dma_wait3A_344 = tpu.memref_squeeze %dma_wait3A_343 : memref<1x1x1x8x128xf32, #tpu.memory_space<hbm>> -> memref<8x128xf32, #tpu.memory_space<hbm>>
    %dma_wait3A_345 = tpu.memref_slice %arg10[%dma_wait3A_336] : memref<4x!tpu.dma_semaphore, #tpu.memory_space<semaphore_mem>> -> memref<1x!tpu.dma_semaphore, #tpu.memory_space<semaphore_mem>>
    %dma_wait3A_346 = tpu.memref_squeeze %dma_wait3A_345 : memref<1x!tpu.dma_semaphore, #tpu.memory_space<semaphore_mem>> -> memref<!tpu.dma_semaphore, #tpu.memory_space<semaphore_mem>>
    %dma_wait3A_347 = arith.constant 0 : i32
    %dma_wait3A_348 = arith.constant 0 : i32
    %dma_wait3A_349 = tpu.memref_slice %arg4[%dma_wait3A_334, %dma_wait3A_335, %add3A_332, %dma_wait3A_347, %dma_wait3A_348] : memref<50x4x128x8x128xf32, #tpu.memory_space<hbm>> -> memref<1x1x1x8x128xf32, #tpu.memory_space<hbm>>
    %dma_wait3A_350 = tpu.memref_squeeze %dma_wait3A_349 : memref<1x1x1x8x128xf32, #tpu.memory_space<hbm>> -> memref<8x128xf32, #tpu.memory_space<hbm>>
    %dma_wait3A_351 = arith.constant 24 : i32
    %dma_wait3A_352 = arith.constant 0 : i32
    %dma_wait3A_353 = tpu.memref_slice %arg8[%dma_wait3A_333, %dma_wait3A_351, %dma_wait3A_352] : memref<4x32x129xf32, #tpu.memory_space<vmem>> -> memref<1x8x128xf32, #tpu.memory_space<vmem>>
    %dma_wait3A_354 = tpu.memref_squeeze %dma_wait3A_353 : memref<1x8x128xf32, #tpu.memory_space<vmem>> -> memref<8x128xf32, #tpu.memory_space<vmem>>
    tpu.wait_dma2 semaphore(%dma_wait3A_346 : memref<!tpu.dma_semaphore, #tpu.memory_space<semaphore_mem>>) src(%dma_wait3A_354 : memref<8x128xf32, #tpu.memory_space<vmem>>) dst(%dma_wait3A_350 : memref<8x128xf32, #tpu.memory_space<hbm>>)
    %mul3A_355 = arith.constant 4 : i32
    %mul3A_356 = arith.muli %add3A, %mul3A_355 : i32
    %add3A_357 = arith.constant 3 : i32
    %add3A_358 = arith.addi %mul3A_356, %add3A_357 : i32
    %dma_wait3A_359 = arith.constant 3 : i32
    %dma_wait3A_360 = arith.constant 49 : i32
    %dma_wait3A_361 = arith.constant 0 : i32
    %dma_wait3A_362 = arith.constant 3 : i32
    %dma_wait3A_363 = arith.constant 0 : i32
    %dma_wait3A_364 = arith.constant 0 : i32
    %dma_wait3A_365 = tpu.memref_slice %arg8[%dma_wait3A_359, %dma_wait3A_363, %dma_wait3A_364] : memref<4x32x129xf32, #tpu.memory_space<vmem>> -> memref<1x8x128xf32, #tpu.memory_space<vmem>>
    %dma_wait3A_366 = tpu.memref_squeeze %dma_wait3A_365 : memref<1x8x128xf32, #tpu.memory_space<vmem>> -> memref<8x128xf32, #tpu.memory_space<vmem>>
    %dma_wait3A_367 = arith.constant 0 : i32
    %dma_wait3A_368 = arith.constant 0 : i32
    %dma_wait3A_369 = tpu.memref_slice %arg4[%dma_wait3A_360, %dma_wait3A_361, %add3A_358, %dma_wait3A_367, %dma_wait3A_368] : memref<50x4x128x8x128xf32, #tpu.memory_space<hbm>> -> memref<1x1x1x8x128xf32, #tpu.memory_space<hbm>>
    %dma_wait3A_370 = tpu.memref_squeeze %dma_wait3A_369 : memref<1x1x1x8x128xf32, #tpu.memory_space<hbm>> -> memref<8x128xf32, #tpu.memory_space<hbm>>
    %dma_wait3A_371 = tpu.memref_slice %arg10[%dma_wait3A_362] : memref<4x!tpu.dma_semaphore, #tpu.memory_space<semaphore_mem>> -> memref<1x!tpu.dma_semaphore, #tpu.memory_space<semaphore_mem>>
    %dma_wait3A_372 = tpu.memref_squeeze %dma_wait3A_371 : memref<1x!tpu.dma_semaphore, #tpu.memory_space<semaphore_mem>> -> memref<!tpu.dma_semaphore, #tpu.memory_space<semaphore_mem>>
    %dma_wait3A_373 = arith.constant 0 : i32
    %dma_wait3A_374 = arith.constant 0 : i32
    %dma_wait3A_375 = tpu.memref_slice %arg4[%dma_wait3A_360, %dma_wait3A_361, %add3A_358, %dma_wait3A_373, %dma_wait3A_374] : memref<50x4x128x8x128xf32, #tpu.memory_space<hbm>> -> memref<1x1x1x8x128xf32, #tpu.memory_space<hbm>>
    %dma_wait3A_376 = tpu.memref_squeeze %dma_wait3A_375 : memref<1x1x1x8x128xf32, #tpu.memory_space<hbm>> -> memref<8x128xf32, #tpu.memory_space<hbm>>
    %dma_wait3A_377 = arith.constant 0 : i32
    %dma_wait3A_378 = arith.constant 0 : i32
    %dma_wait3A_379 = tpu.memref_slice %arg8[%dma_wait3A_359, %dma_wait3A_377, %dma_wait3A_378] : memref<4x32x129xf32, #tpu.memory_space<vmem>> -> memref<1x8x128xf32, #tpu.memory_space<vmem>>
    %dma_wait3A_380 = tpu.memref_squeeze %dma_wait3A_379 : memref<1x8x128xf32, #tpu.memory_space<vmem>> -> memref<8x128xf32, #tpu.memory_space<vmem>>
    tpu.wait_dma2 semaphore(%dma_wait3A_372 : memref<!tpu.dma_semaphore, #tpu.memory_space<semaphore_mem>>) src(%dma_wait3A_380 : memref<8x128xf32, #tpu.memory_space<vmem>>) dst(%dma_wait3A_376 : memref<8x128xf32, #tpu.memory_space<hbm>>)
    %mul3A_381 = arith.constant 4 : i32
    %mul3A_382 = arith.muli %add3A, %mul3A_381 : i32
    %add3A_383 = arith.constant 3 : i32
    %add3A_384 = arith.addi %mul3A_382, %add3A_383 : i32
    %dma_wait3A_385 = arith.constant 3 : i32
    %dma_wait3A_386 = arith.constant 49 : i32
    %dma_wait3A_387 = arith.constant 1 : i32
    %dma_wait3A_388 = arith.constant 3 : i32
    %dma_wait3A_389 = arith.constant 8 : i32
    %dma_wait3A_390 = arith.constant 0 : i32
    %dma_wait3A_391 = tpu.memref_slice %arg8[%dma_wait3A_385, %dma_wait3A_389, %dma_wait3A_390] : memref<4x32x129xf32, #tpu.memory_space<vmem>> -> memref<1x8x128xf32, #tpu.memory_space<vmem>>
    %dma_wait3A_392 = tpu.memref_squeeze %dma_wait3A_391 : memref<1x8x128xf32, #tpu.memory_space<vmem>> -> memref<8x128xf32, #tpu.memory_space<vmem>>
    %dma_wait3A_393 = arith.constant 0 : i32
    %dma_wait3A_394 = arith.constant 0 : i32
    %dma_wait3A_395 = tpu.memref_slice %arg4[%dma_wait3A_386, %dma_wait3A_387, %add3A_384, %dma_wait3A_393, %dma_wait3A_394] : memref<50x4x128x8x128xf32, #tpu.memory_space<hbm>> -> memref<1x1x1x8x128xf32, #tpu.memory_space<hbm>>
    %dma_wait3A_396 = tpu.memref_squeeze %dma_wait3A_395 : memref<1x1x1x8x128xf32, #tpu.memory_space<hbm>> -> memref<8x128xf32, #tpu.memory_space<hbm>>
    %dma_wait3A_397 = tpu.memref_slice %arg10[%dma_wait3A_388] : memref<4x!tpu.dma_semaphore, #tpu.memory_space<semaphore_mem>> -> memref<1x!tpu.dma_semaphore, #tpu.memory_space<semaphore_mem>>
    %dma_wait3A_398 = tpu.memref_squeeze %dma_wait3A_397 : memref<1x!tpu.dma_semaphore, #tpu.memory_space<semaphore_mem>> -> memref<!tpu.dma_semaphore, #tpu.memory_space<semaphore_mem>>
    %dma_wait3A_399 = arith.constant 0 : i32
    %dma_wait3A_400 = arith.constant 0 : i32
    %dma_wait3A_401 = tpu.memref_slice %arg4[%dma_wait3A_386, %dma_wait3A_387, %add3A_384, %dma_wait3A_399, %dma_wait3A_400] : memref<50x4x128x8x128xf32, #tpu.memory_space<hbm>> -> memref<1x1x1x8x128xf32, #tpu.memory_space<hbm>>
    %dma_wait3A_402 = tpu.memref_squeeze %dma_wait3A_401 : memref<1x1x1x8x128xf32, #tpu.memory_space<hbm>> -> memref<8x128xf32, #tpu.memory_space<hbm>>
    %dma_wait3A_403 = arith.constant 8 : i32
    %dma_wait3A_404 = arith.constant 0 : i32
    %dma_wait3A_405 = tpu.memref_slice %arg8[%dma_wait3A_385, %dma_wait3A_403, %dma_wait3A_404] : memref<4x32x129xf32, #tpu.memory_space<vmem>> -> memref<1x8x128xf32, #tpu.memory_space<vmem>>
    %dma_wait3A_406 = tpu.memref_squeeze %dma_wait3A_405 : memref<1x8x128xf32, #tpu.memory_space<vmem>> -> memref<8x128xf32, #tpu.memory_space<vmem>>
    tpu.wait_dma2 semaphore(%dma_wait3A_398 : memref<!tpu.dma_semaphore, #tpu.memory_space<semaphore_mem>>) src(%dma_wait3A_406 : memref<8x128xf32, #tpu.memory_space<vmem>>) dst(%dma_wait3A_402 : memref<8x128xf32, #tpu.memory_space<hbm>>)
    %mul3A_407 = arith.constant 4 : i32
    %mul3A_408 = arith.muli %add3A, %mul3A_407 : i32
    %add3A_409 = arith.constant 3 : i32
    %add3A_410 = arith.addi %mul3A_408, %add3A_409 : i32
    %dma_wait3A_411 = arith.constant 3 : i32
    %dma_wait3A_412 = arith.constant 49 : i32
    %dma_wait3A_413 = arith.constant 2 : i32
    %dma_wait3A_414 = arith.constant 3 : i32
    %dma_wait3A_415 = arith.constant 16 : i32
    %dma_wait3A_416 = arith.constant 0 : i32
    %dma_wait3A_417 = tpu.memref_slice %arg8[%dma_wait3A_411, %dma_wait3A_415, %dma_wait3A_416] : memref<4x32x129xf32, #tpu.memory_space<vmem>> -> memref<1x8x128xf32, #tpu.memory_space<vmem>>
    %dma_wait3A_418 = tpu.memref_squeeze %dma_wait3A_417 : memref<1x8x128xf32, #tpu.memory_space<vmem>> -> memref<8x128xf32, #tpu.memory_space<vmem>>
    %dma_wait3A_419 = arith.constant 0 : i32
    %dma_wait3A_420 = arith.constant 0 : i32
    %dma_wait3A_421 = tpu.memref_slice %arg4[%dma_wait3A_412, %dma_wait3A_413, %add3A_410, %dma_wait3A_419, %dma_wait3A_420] : memref<50x4x128x8x128xf32, #tpu.memory_space<hbm>> -> memref<1x1x1x8x128xf32, #tpu.memory_space<hbm>>
    %dma_wait3A_422 = tpu.memref_squeeze %dma_wait3A_421 : memref<1x1x1x8x128xf32, #tpu.memory_space<hbm>> -> memref<8x128xf32, #tpu.memory_space<hbm>>
    %dma_wait3A_423 = tpu.memref_slice %arg10[%dma_wait3A_414] : memref<4x!tpu.dma_semaphore, #tpu.memory_space<semaphore_mem>> -> memref<1x!tpu.dma_semaphore, #tpu.memory_space<semaphore_mem>>
    %dma_wait3A_424 = tpu.memref_squeeze %dma_wait3A_423 : memref<1x!tpu.dma_semaphore, #tpu.memory_space<semaphore_mem>> -> memref<!tpu.dma_semaphore, #tpu.memory_space<semaphore_mem>>
    %dma_wait3A_425 = arith.constant 0 : i32
    %dma_wait3A_426 = arith.constant 0 : i32
    %dma_wait3A_427 = tpu.memref_slice %arg4[%dma_wait3A_412, %dma_wait3A_413, %add3A_410, %dma_wait3A_425, %dma_wait3A_426] : memref<50x4x128x8x128xf32, #tpu.memory_space<hbm>> -> memref<1x1x1x8x128xf32, #tpu.memory_space<hbm>>
    %dma_wait3A_428 = tpu.memref_squeeze %dma_wait3A_427 : memref<1x1x1x8x128xf32, #tpu.memory_space<hbm>> -> memref<8x128xf32, #tpu.memory_space<hbm>>
    %dma_wait3A_429 = arith.constant 16 : i32
    %dma_wait3A_430 = arith.constant 0 : i32
    %dma_wait3A_431 = tpu.memref_slice %arg8[%dma_wait3A_411, %dma_wait3A_429, %dma_wait3A_430] : memref<4x32x129xf32, #tpu.memory_space<vmem>> -> memref<1x8x128xf32, #tpu.memory_space<vmem>>
    %dma_wait3A_432 = tpu.memref_squeeze %dma_wait3A_431 : memref<1x8x128xf32, #tpu.memory_space<vmem>> -> memref<8x128xf32, #tpu.memory_space<vmem>>
    tpu.wait_dma2 semaphore(%dma_wait3A_424 : memref<!tpu.dma_semaphore, #tpu.memory_space<semaphore_mem>>) src(%dma_wait3A_432 : memref<8x128xf32, #tpu.memory_space<vmem>>) dst(%dma_wait3A_428 : memref<8x128xf32, #tpu.memory_space<hbm>>)
    %mul3A_433 = arith.constant 4 : i32
    %mul3A_434 = arith.muli %add3A, %mul3A_433 : i32
    %add3A_435 = arith.constant 3 : i32
    %add3A_436 = arith.addi %mul3A_434, %add3A_435 : i32
    %dma_wait3A_437 = arith.constant 3 : i32
    %dma_wait3A_438 = arith.constant 49 : i32
    %dma_wait3A_439 = arith.constant 3 : i32
    %dma_wait3A_440 = arith.constant 3 : i32
    %dma_wait3A_441 = arith.constant 24 : i32
    %dma_wait3A_442 = arith.constant 0 : i32
    %dma_wait3A_443 = tpu.memref_slice %arg8[%dma_wait3A_437, %dma_wait3A_441, %dma_wait3A_442] : memref<4x32x129xf32, #tpu.memory_space<vmem>> -> memref<1x8x128xf32, #tpu.memory_space<vmem>>
    %dma_wait3A_444 = tpu.memref_squeeze %dma_wait3A_443 : memref<1x8x128xf32, #tpu.memory_space<vmem>> -> memref<8x128xf32, #tpu.memory_space<vmem>>
    %dma_wait3A_445 = arith.constant 0 : i32
    %dma_wait3A_446 = arith.constant 0 : i32
    %dma_wait3A_447 = tpu.memref_slice %arg4[%dma_wait3A_438, %dma_wait3A_439, %add3A_436, %dma_wait3A_445, %dma_wait3A_446] : memref<50x4x128x8x128xf32, #tpu.memory_space<hbm>> -> memref<1x1x1x8x128xf32, #tpu.memory_space<hbm>>
    %dma_wait3A_448 = tpu.memref_squeeze %dma_wait3A_447 : memref<1x1x1x8x128xf32, #tpu.memory_space<hbm>> -> memref<8x128xf32, #tpu.memory_space<hbm>>
    %dma_wait3A_449 = tpu.memref_slice %arg10[%dma_wait3A_440] : memref<4x!tpu.dma_semaphore, #tpu.memory_space<semaphore_mem>> -> memref<1x!tpu.dma_semaphore, #tpu.memory_space<semaphore_mem>>
    %dma_wait3A_450 = tpu.memref_squeeze %dma_wait3A_449 : memref<1x!tpu.dma_semaphore, #tpu.memory_space<semaphore_mem>> -> memref<!tpu.dma_semaphore, #tpu.memory_space<semaphore_mem>>
    %dma_wait3A_451 = arith.constant 0 : i32
    %dma_wait3A_452 = arith.constant 0 : i32
    %dma_wait3A_453 = tpu.memref_slice %arg4[%dma_wait3A_438, %dma_wait3A_439, %add3A_436, %dma_wait3A_451, %dma_wait3A_452] : memref<50x4x128x8x128xf32, #tpu.memory_space<hbm>> -> memref<1x1x1x8x128xf32, #tpu.memory_space<hbm>>
    %dma_wait3A_454 = tpu.memref_squeeze %dma_wait3A_453 : memref<1x1x1x8x128xf32, #tpu.memory_space<hbm>> -> memref<8x128xf32, #tpu.memory_space<hbm>>
    %dma_wait3A_455 = arith.constant 24 : i32
    %dma_wait3A_456 = arith.constant 0 : i32
    %dma_wait3A_457 = tpu.memref_slice %arg8[%dma_wait3A_437, %dma_wait3A_455, %dma_wait3A_456] : memref<4x32x129xf32, #tpu.memory_space<vmem>> -> memref<1x8x128xf32, #tpu.memory_space<vmem>>
    %dma_wait3A_458 = tpu.memref_squeeze %dma_wait3A_457 : memref<1x8x128xf32, #tpu.memory_space<vmem>> -> memref<8x128xf32, #tpu.memory_space<vmem>>
    tpu.wait_dma2 semaphore(%dma_wait3A_450 : memref<!tpu.dma_semaphore, #tpu.memory_space<semaphore_mem>>) src(%dma_wait3A_458 : memref<8x128xf32, #tpu.memory_space<vmem>>) dst(%dma_wait3A_454 : memref<8x128xf32, #tpu.memory_space<hbm>>)
    return
  }
}

module attributes {stable_mosaic.version = 14 : i64} {
  func.func @_untile_body(%arg0: i32, %arg1: memref<32x16384xf32, #tpu.memory_space<vmem>>, %arg2: memref<4096x128xf32, #tpu.memory_space<vmem>>) attributes {dimension_semantics = [#tpu.dimension_semantics<arbitrary>], iteration_bounds = array<i64: 62>, scalar_prefetch = 0 : i64, scratch_operands = 0 : i64, tpu.core_type = #tpu.core_type<tc>, window_params = [{transform_indices = @transform_0, window_bounds = array<i64: 32, 16384>}, {transform_indices = @transform_1, window_bounds = array<i64: 4096, 128>}]} {
    %get3A = arith.constant 0 : index
    %get3A_0 = arith.constant 0 : index
    %get3A_1 = vector.load %arg1[%get3A, %get3A_0] : memref<32x16384xf32, #tpu.memory_space<vmem>>, vector<32x4096xf32>
    %transpose3A = tpu.transpose %get3A_1, [1, 0] : vector<32x4096xf32> -> vector<4096x32xf32>
    %get3A_2 = arith.constant 0 : index
    %get3A_3 = arith.constant 4096 : index
    %get3A_4 = vector.load %arg1[%get3A_2, %get3A_3] : memref<32x16384xf32, #tpu.memory_space<vmem>>, vector<32x4096xf32>
    %transpose3A_5 = tpu.transpose %get3A_4, [1, 0] : vector<32x4096xf32> -> vector<4096x32xf32>
    %get3A_6 = arith.constant 0 : index
    %get3A_7 = arith.constant 8192 : index
    %get3A_8 = vector.load %arg1[%get3A_6, %get3A_7] : memref<32x16384xf32, #tpu.memory_space<vmem>>, vector<32x4096xf32>
    %transpose3A_9 = tpu.transpose %get3A_8, [1, 0] : vector<32x4096xf32> -> vector<4096x32xf32>
    %get3A_10 = arith.constant 0 : index
    %get3A_11 = arith.constant 12288 : index
    %get3A_12 = vector.load %arg1[%get3A_10, %get3A_11] : memref<32x16384xf32, #tpu.memory_space<vmem>>, vector<32x4096xf32>
    %transpose3A_13 = tpu.transpose %get3A_12, [1, 0] : vector<32x4096xf32> -> vector<4096x32xf32>
    %concatenate3A = tpu.concatenate %transpose3A, %transpose3A_5, %transpose3A_9, %transpose3A_13 in 1 : vector<4096x32xf32>, vector<4096x32xf32>, vector<4096x32xf32>, vector<4096x32xf32> -> vector<4096x128xf32>
    %swap3A = arith.constant 0 : index
    %swap3A_14 = arith.constant 0 : index
    %swap3A_15 = vector.load %arg2[%swap3A, %swap3A_14] : memref<4096x128xf32, #tpu.memory_space<vmem>>, vector<4096x128xf32>
    tpu.vector_store %arg2[%swap3A, %swap3A_14], %concatenate3A {strides = array<i32>} : memref<4096x128xf32, #tpu.memory_space<vmem>>, vector<4096x128xf32>,
    return
  }
  func.func @transform_0(%arg0: i32) -> (i32, i32) {
    %c0_i32 = arith.constant 0 : i32
    %c0_i32_0 = arith.constant 0 : i32
    return %c0_i32, %arg0 : i32, i32
  }
  func.func @transform_1(%arg0: i32) -> (i32, i32) {
    %c0_i32 = arith.constant 0 : i32
    %c0_i32_0 = arith.constant 0 : i32
    return %arg0, %c0_i32 : i32, i32
  }
}

</mosaic_0001>

<sc_bundles>
// kernel: kernel.4.cloned.1.call-start
scs
__scs_entry_jumppad:
0x0: {  	(pc) =	sbr.rel $0x88, $3  }
0x1: {  	(tag) =	ssettag $0x0;
	lr =	simm.s32 $0x1  }
0x2: {  	[smem:$0x3F9F] =	sst lr;
	_ =	strace $0xD0000000  }
0x3: {  	_ = 	snop  }
0x4: {  	_ = 	snop  }
0x5: {  	_ = 	snop  }
0x6: {  	_ = 	snop  }
0x7: {  	_ = 	snop  }
__scs_overlays_trampoline_lowered:
0x8: {  	[smem:$0x3FAE] =	sst s0  }
0x9: {  	[smem:$0x3FAF] =	sst s1  }
0xa: {  	[smem:$0x3FB0] =	sst s2  }
0xb: {  	[smem:$0x3FB1] =	sst s3  }
0xc: {  	[smem:$0x3FB2] =	sst s4  }
0xd: {  	[smem:$0x3FB3] =	sst s5  }
0xe: {  	[smem:$0x3FB4] =	sst s6  }
0xf: {  	[smem:$0x3FB5] =	sst s7  }
0x10: {  	[smem:$0x3FB6] =	sst s8  }
0x11: {  	[smem:$0x3FB7] =	sst s9;
	s0 =	simm.s32 @!p0 $0x0  }
0x12: {  	s1 =	sld [smem:$0x3F9D];
	s0 =	simm.s32 @p0 $0x1  }
0x13: {  	[smem:$0x3FB8] =	sst s0;
	s0 =	simm.s32 @!p1 $0x0  }
0x14: {  	s2 =	sld [smem:$0x3F9C];
	s0 =	simm.s32 @p1 $0x1  }
0x15: {  	[smem:$0x3FB9] =	sst s0;
	s0 =	simm.s32 @!p2 $0x0  }
0x16: {  	s3 =	sld [smem:$0x3FDB];
	s0 =	simm.s32 @p2 $0x1  }
0x17: {  	s4 =	simm.s32 $0x1BF5;
	[smem:$0x3FBB] =	sst s0  }
0x18: {  	s0 =	sld [smem:$0x3F9E];
	_ =	swait.ge [sflag:s4], $0x0  }
0x19: {  	s7 =	sld [smem:$0x3F9F]  }
0x1a: {  	s8 =	sadd.s32 $0xFFFFE003, lr  }
0x1b: {  	s9 =	sadd.s32 $0xFFFFFEF7, lr;
	s5 =	simm.s32 $0xFFFFFFFF;
	p2 =	slt.u32 s8, $0xFFFFF086  }
0x1c: {  	p1 =	slt.u32 s9, $0xF7A;
	s5 =	simm.s32 @!p2 $0x0  }
0x1d: {  	s5 =	simm.s32 @p1 $0x1;
	p0 =	seq.s32 s7, s2  }
0x1e: {  	s7 =	smul.u32 @!p0 $0xF7A, s2;
	p2 =	seq.s32 @!p0 s5, $0x0  }
0x1f: {  	s9 =	smul.u32 $0xF7A, s1;
	s8 =	simm.s32 @!p0 $0x1BF5;
	p2 =	por !p2, p0  }
0x20: {  	[sflag:s8] =	ssyncset.s32 @!p0 $0xFFFFF086;
	s6 =	sadd.s32 @!p0 s3, s7;
	s7 =	simm.s32 @!p0 $0x108  }
0x21: {  	s3 =	sadd.s32 s3, s9;
	s6 =	sadd.s32 @!p0 $0x88, s6;
	s7 =	simm.s32 @p2 $0x1082  }
0x22: {  	[simem:s7], [sflag:s8] =	dma.local @!p0 [hbm:s6], $0xF7A  }
0x23: {  	s9 =	sor.u32 $0xD0000000, s2;
	s6 =	simm.s32 $0x108;
	_ =	swait.ge @!p0 [sflag:s8], $0x0  }
0x24: {  	s3 =	sadd.s32 $0x88, s3;
	s6 =	simm.s32 @!p1 $0x1082;
	[sflag:s4] =	ssyncset.s32 $0xFFFFF086  }
0x25: {  	[simem:s6], [sflag:s4] =	dma.local [hbm:s3], $0xF7A  }
0x26: {  	[smem:$0x3F9F] =	sst s1;
	(tag) =	ssettag s2;
	_ =	strace s9  }
0x27: {  	s1 =	sld [smem:$0x3FAF]  }
0x28: {  	s2 =	sld [smem:$0x3FB0]  }
0x29: {  	s4 =	sld [smem:$0x3FB2]  }
0x2a: {  	p0 =	seq.s32 s5, $0x0;
	s5 =	sld [smem:$0x3FB3]  }
0x2b: {  	s6 =	sld [smem:$0x3FB4]  }
0x2c: {  	s7 =	sld [smem:$0x3FB5]  }
0x2d: {  	s3 =	simm.s32 $0x108;
	s8 =	sld [smem:$0x3FB6]  }
0x2e: {  	s3 =	simm.s32 @!p0 $0x1082;
	s9 =	sld [smem:$0x3FB7]  }
0x2f: {  	lr =	sadd.s32 s0, s3;
	s0 =	sld [smem:$0x3FAE]  }
0x30: {  	s3 =	sld [smem:$0x3FB1]  }
0x31: {  	[smem:$0x3FBA] =	sst s10  }
0x32: {  	s10 =	sld [smem:$0x3FB8];
	_ =	sdelay $0x3  }
0x33: {  	p0 =	seq.s32 s10, $0x1;
	s10 =	sld [smem:$0x3FBA];
	_ =	sdelay $0x3  }
0x34: {  	[smem:$0x3FBA] =	sst s10  }
0x35: {  	s10 =	sld [smem:$0x3FB9];
	_ =	sdelay $0x3  }
0x36: {  	p1 =	seq.s32 s10, $0x1;
	s10 =	sld [smem:$0x3FBA];
	_ =	sdelay $0x3  }
0x37: {  	[smem:$0x3FBA] =	sst s10  }
0x38: {  	s10 =	sld [smem:$0x3FBB]  }
0x39: {  	_ = 	snop;
	(pc) =	sbr.ind lr, $3  }
0x3a: {  	_ = 	snop  }
0x3b: {  	_ = 	snop  }
0x3c: {  	p2 =	seq.s32 s10, $0x1;
	s10 =	sld [smem:$0x3FBA]  }
0x3d: {  	_ =	shalt  }
0x3e: {  	_ =	shalt  }
0x3f: {  	_ =	shalt  }
0x40: {  	_ =	shalt  }
0x41: {  	_ =	shalt  }
0x42: {  	_ =	shalt  }
0x43: {  	_ =	shalt  }
0x44: {  	_ =	shalt  }
0x45: {  	_ =	shalt  }
0x46: {  	_ =	shalt  }
0x47: {  	_ =	shalt  }
0x48: {  	_ =	shalt  }
0x49: {  	_ =	shalt  }
0x4a: {  	_ =	shalt  }
0x4b: {  	_ =	shalt  }
0x4c: {  	_ =	shalt  }
0x4d: {  	_ =	shalt  }
0x4e: {  	_ =	shalt  }
0x4f: {  	_ =	shalt  }
0x50: {  	_ =	shalt  }
0x51: {  	_ =	shalt  }
0x52: {  	_ =	shalt  }
0x53: {  	_ =	shalt  }
0x54: {  	_ =	shalt  }
0x55: {  	_ =	shalt  }
0x56: {  	_ =	shalt  }
0x57: {  	_ =	shalt  }
0x58: {  	_ =	shalt  }
0x59: {  	_ =	shalt  }
0x5a: {  	_ =	shalt  }
0x5b: {  	_ =	shalt  }
0x5c: {  	_ =	shalt  }
0x5d: {  	_ =	shalt  }
0x5e: {  	_ =	shalt  }
0x5f: {  	_ =	shalt  }
0x60: {  	_ =	shalt  }
0x61: {  	_ =	shalt  }
0x62: {  	_ =	shalt  }
0x63: {  	_ =	shalt  }
0x64: {  	_ =	shalt  }
0x65: {  	_ =	shalt  }
0x66: {  	_ =	shalt  }
0x67: {  	_ =	shalt  }
0x68: {  	_ =	shalt  }
0x69: {  	_ =	shalt  }
0x6a: {  	_ =	shalt  }
0x6b: {  	_ =	shalt  }
0x6c: {  	_ =	shalt  }
0x6d: {  	_ =	shalt  }
0x6e: {  	_ =	shalt  }
0x6f: {  	_ =	shalt  }
0x70: {  	_ =	shalt  }
0x71: {  	_ =	shalt  }
0x72: {  	_ =	shalt  }
0x73: {  	_ =	shalt  }
0x74: {  	_ =	shalt  }
0x75: {  	_ =	shalt  }
0x76: {  	_ =	shalt  }
0x77: {  	_ =	shalt  }
0x78: {  	_ =	shalt  }
0x79: {  	_ =	shalt  }
0x7a: {  	_ =	shalt  }
0x7b: {  	_ =	shalt  }
0x7c: {  	_ =	shalt  }
0x7d: {  	_ =	shalt  }
0x7e: {  	_ =	shalt  }
0x7f: {  	_ =	shalt  }
0x80: {  	_ =	shalt  }
0x81: {  	_ =	shalt  }
0x82: {  	_ =	shalt  }
0x83: {  	_ =	shalt  }
0x84: {  	_ =	shalt  }
0x85: {  	_ =	shalt  }
0x86: {  	_ =	shalt  }
0x87: {  	_ =	shalt  }
.Lfunc_end0:
.L_simem_size_0:
called_computation_lowered:
.L_overlay_start_0:
0x88: {  	s2 =	sld [smem:$0x3FD9]  }
0x89: {  	s3 =	sld [smem:$0x3FFE];
	_ =	sdelay $0x1  }
0x8a: {  	s1 =	srdreg.scid  }
0x8b: {  	s0 =	sand.u32 $0x1, s1  }
0x8c: {  	s17 =	sshll.u32 s0, $0xA;
	s2 =	sadd.s32 s3, s2  }
0x8d: {  	s2 =	sadd.s32 s2, s17  }
0x8e: {  	[smem:$0x3FC6] =	sst s2  }
0x8f: {  	_ = 	snop  }
0x90: {  	s2 =	sld [smem:$0x3FD0];
	(tm) =	ssettm $0x1  }
0x91: {  	s18 =	sld [smem:$0x3FFB];
	_ =	sdelay $0x3  }
0x92: {  	_ =	strace s18  }
0x93: {  	s3 =	sld [smem:$0x3FFC];
	_ =	sdelay $0x3  }
0x94: {  	_ =	strace s3  }
0x95: {  	s3 =	sld [smem:$0x3FFD];
	_ =	sdelay $0x3  }
0x96: {  	_ =	strace s3  }
0x97: {  	_ =	strace $0x8FFFFFFF  }
0x98: {  	s19 =	sld [smem:$0x3FDB];
	_ =	sdelay $0x1  }
0x99: {  	s4 =	simm.s32 $_scs_section_size  }
0x9a: {  	s5 =	simm.s32 $_size__tile_overlayer_lowered;
	s6 =	simm.s32 $_tile_overlayer_lowered  }
0x9b: {  	s22 =	simm.s32 $0x1BFF;
	s21 =	sshll.u32 s6, $0x1;
	s3 =	sadd.s32 s4, s19  }
0x9c: {  	s7 =	simm.s32 $0x0;
	s20 =	sshll.u32 s5, $0x1;
	s5 =	sadd.s32 s21, s3  }
0x9d: {  	[timem:s7], [sflag:s22] =	dma.local [hbm:s5], s20  }
0x9e: {  	_ =	swait.ge [sflag:s22], s20  }
0x9f: {  	s4 =	ssub.s32 $0x0, s20;
	[sflag:s22] =	ssyncset.done $0x0  }
0xa0: {  	[sflag:s22] =	ssyncadd.s32 s4;
	_ =	sdelay $0x1  }
0xa1: {  	s23 =	simm.s32 $0x1B8B  }
0xa2: {  	_ =	swait.ge [sflag:s23], $0x1  }
0xa3: {  	[sflag:s23] =	ssyncset.done $0x0  }
0xa4: {  	s25 =	simm.s32 $0x1B8E;
	s24 =	sld [smem:$0x3FFE];
	[sflag:s23] =	ssyncadd.s32 $0xFFFFFFFF  }
0xa5: {  	s26 =	simm.s32 $execute0_lowered;
	[smem:$0x3FD2] =	sst s25  }
0xa6: {  	s5 =	sshll.u32 s26, $0x1;
	_ =	strace $0x80000046;
	[dreg:$0x1] =	wrdreg $0xFFFFFFFF  }
0xa7: {  	s28 =	simm.s32 $_size_execute0_lowered;
	s3 =	sadd.s32 s3, s5;
	[dreg:$0x0] =	wrdreg $0x0  }
0xa8: {  	s5 =	sshll.u32 s28, $0x1;
	[dreg:$0x2] =	wrdreg s3  }
0xa9: {  	[dreg:$0x3] =	wrdreg s5  }
0xaa: {  	[dreg:$0x4] =	wrdreg $0xC0  }
0xab: {  	_ =	task [dreg:s7], $0x5FFFF  }
0xac: {  	[dreg:$0x1] =	wrdreg $0xFFFFFFFF  }
0xad: {  	[dreg:$0x0] =	wrdreg $0x60  }
0xae: {  	[dreg:$0x2] =	wrdreg s24  }
0xaf: {  	[dreg:$0x3] =	wrdreg s2  }
0xb0: {  	[dreg:$0x4] =	wrdreg $0x9  }
0xb1: {  	_ =	task.clear_ibuf [dreg:s7], $0x5FFFF;
	_ =	strace $0x90000046  }
0xb2: {  	s29 =	simm.s32 $0x9;
	_ =	strace $0x80000048  }
0xb3: {  	_ =	swait.ge [sflag:s29], $0x1  }
0xb4: {  	[sflag:s29] =	ssyncadd.s32 $0xFFFFFFFF  }
0xb5: {  	_ =	strace $0x90000048  }
0xb6: {  	_ =	sfence  }
0xb7: {  	s30 =	sld [smem:$0x0];
	_ =	sdelay $0x2  }
0xb8: {  	s31 =	sshll.u32 s1, $0xD;
	s1 =	sshrl.u32 s1, $0x2  }
0xb9: {  	s3 =	sand.u32 $0x4000, s31;
	s1 =	sadd.s32 s1, s30  }
0xba: {  	s0 =	sor.u32 s3, s0;
	s1 =	sshll.u32 s1, $0x11  }
0xbb: {  	s0 =	sor.u32 s1, s0  }
0xbc: {  	s0 =	sadd.s32 $0x8F2B, s0  }
0xbd: {  	[sflag:s0] =	ssyncadd.remote.s32 $0x1  }
0xbe: {  	_ =	sfence.sel $0xFFFF  }
0xbf: {  	[dreg:$0x0] =	wrdreg $0xFFFFFFFF;
	(pc) =	sbr.abs _section_cstart, $3  }
0xc0: {  	[dreg:$0x1] =	wrdreg $0xFFFFFFFF  }
0xc1: {  	_ =	task.clear_ibuf [dreg:s7], $0x2FFFF;
	_ =	strace $0x9FFFFFFF  }
0xc2: {  	(tm) =	ssettm $0x7FFFFFFF  }
0xc3: {  	_ =	shalt  }
tec
execute0_lowered:
.L_overlay_start_1:
0x0: {  	(tag) =	ssettag $0x1  }
0x1: {  	s0 =	srdreg.scid  }
0x2: {  	s2 =	stileid.u32;
	s1 =	rddreg [dreg:$0x0]  }
0x3: {  	s12 =	simm.s32 $0x80;
	s18 =	simm.s32 $0x1;
	s19 =	simm.s32 $0x11400  }
0x4: {  	s24 =	simm.s32 $0x3;
	s25 =	simm.s32 $0x7;
	s26 =	simm.s32 $0x13600  }
0x5: {  	s23 =	simm.s32 $0x4;
	s28 =	simm.s32 $0x8;
	s29 =	simm.s32 $0x14700  }
0x6: {  	s10 =	simm.s32 $0x0;
	s0 =	sand.u32 $0x1, s0;
	s3 =	sshll.u32 s2, $0x1  }
0x7: {  	s2 =	rddreg [dreg:$0x1];
	s5 =	sor.u32 s0, s3;
	s3 =	simm.s32 $0x0  }
0x8: {  	s0 =	ssub.s32 $0x2, s0;
	s8 =	sadd.s32 $0x8000, s2;
	s9 =	sadd.s32 $0xC000, s2  }
0x9: {  	s4 =	smul.u32 $0xE00, s5;
	[smem:$0x7FF] =	sst s3;
	s7 =	sshrl.u32 s0, $0x1  }
0xa: {  	v1 =	vlaneseq.u32;
	_ =	strace $0x80000047;
	s0 =	ssub.s32 s0, s7;
	s7 =	sadd.s32 $0x4000, s2  }
0xb: {  	v0 =	vmul.u32 $0x88, v1;
	s6 =	sadd.s32 s4, s1;
	s4 =	sadd.s32 $0x1C400, s1;
	s0 =	smax.u32 s0, $0x1  }
0xc: {  	s1 =	simm.s32 $0x2;
	s31 =	sadd.s32 $0x400, s6;
	[dreg:$0x4] =	wrdreg s0  }
0xd: {  	v1 =	vmul.u32 $0x38, v1;
	v2 =	vadd.s32 $0x880, v0;
	s6 =	sshll.u32 s5, $0xC;
	s0 =	simm.s32 $0x12500;
	[dreg:$0x3] =	wrdreg s31  }
.LBB2_1:
0xe: {  	s20 =	sand.u32 $0x1C0, s3  }
0xf: {  	s21 =	sor.u32 $0x30, s20  }
0x10: {  	s11 =	simm.s32 $0x0;
	v3 =	vmov s21  }
0x11: {  	v4 =	vmov s11;
	s22 =	sor.u32 $0x10, s20;
	v3 =	vmul.u32 $0x38, v3  }
0x12: {  	s31 =	sor.u32 $0x20, s20;
	v7 =	vmov s20;
	v4 =	vand.u32 $0x3F, v4;
	v5 =	vmov s22  }
0x13: {  	v6 =	vmov s31;
	v5 =	vmul.u32 $0x38, v5;
	v3 =	vbroadcast v3, $0x0  }
0x14: {  	[dreg:$0x5] =	wrdreg s10;
	v7 =	vmul.u32 $0x38, v7;
	v4 =	vadd.s32 v1, v4;
	v6 =	vmul.u32 $0x38, v6  }
0x15: {  	s5 =	rddreg [dreg:$0x3];
	s13 =	simm.s32 $0x9;
	v5 =	vbroadcast v5, $0x0;
	v3 =	vadd.s32 v3, v4  }
0x16: {  	[tilespmem:s3], [sflag:$0x9] =	stream.linear.gather [hbm4b:s5+s3], $0x7000, $0x38;
	v7 =	vbroadcast v7, $0x0;
	v6 =	vbroadcast v6, $0x0;
	[tilespmem:$0x15800] =	vst v63  }
0x17: {  	_ =	swait.ge [sflag:s13], $0x7000;
	v5 =	vadd.s32 v5, v4  }
0x18: {  	[sflag:s13] =	ssyncset.done $0x0;
	v6 =	vadd.s32 v6, v4;
	v4 =	vadd.s32 v7, v4  }
0x19: {  	s14 =	simm.s32 $0x40;
	[sflag:s13] =	ssyncadd.s32 $0xFFFF9000  }
0x1a: {  	s10 =	sand.u32 $0x1C0, s14;
	v3 =	vld.idx.msk [tilespmem:v3+s3+$0x0], $0xffff  }
0x1b: {  	s14 =	sor.u32 $0x10, s10;
	s16 =	sor.u32 $0x30, s10  }
0x1c: {  	s17 =	simm.s32 $0x0;
	v8 =	vmov s14;
	v10 =	vmov s16;
	v11 =	vld.idx.msk [tilespmem:v5+s3+$0x0], $0xffff  }
0x1d: {  	s11 =	sor.u32 $0x20, s10;
	v5 =	vmul.u32 $0x38, v8;
	v8 =	vmul.u32 $0x38, v10;
	v13 =	vld.idx.msk [tilespmem:v4+s3+$0x0], $0xffff;
	v4 =	vmov s17  }
0x1e: {  	v9 =	vmov s11;
	v7 =	vmov s10;
	v4 =	vand.u32 $0x3F, v4  }
0x1f: {  	v8 =	vbroadcast v8, $0x0;
	v4 =	vadd.s32 v1, v4;
	v10 =	vshll.u32 v3, $0x2  }
0x20: {  	v12 =	vld.idx.msk [tilespmem:v6+s3+$0x0], $0xffff;
	v6 =	vand.u32 $0xFFFFC000, v3;
	v3 =	vshrl.u32 v3, $0xC;
	v10 =	vand.u32 $0x3FFC, v10  }
0x21: {  	v5 =	vbroadcast v5, $0x0;
	v3 =	vand.u32 $0x3, v3;
	v6 =	vor.u32 v6, v10  }
0x22: {  	v3 =	vor.u32 v3, v6;
	v6 =	vmul.u32 $0x38, v7;
	v7 =	vmul.u32 $0x38, v9  }
0x23: {  	v8 =	vadd.s32 v8, v4;
	v14 =	vadd.s32 v5, v4  }
0x24: {  	v15 =	vshll.u32 v13, $0x2;
	v6 =	vbroadcast v6, $0x0;
	v7 =	vbroadcast v7, $0x0  }
0x25: {  	v17 =	vand.u32 $0xFFFFC000, v13;
	v15 =	vand.u32 $0x3FFC, v15;
	v10 =	vshll.u32 v12, $0x2  }
0x26: {  	s15 =	simm.s32 $0x0;
	v9 =	vshll.u32 v11, $0x2;
	v5 =	vadd.s32 v6, v4;
	v6 =	vadd.s32 v7, v4  }
0x27: {  	s17 =	sand.u32 $0x3FFFFE00, s15;
	v16 =	vand.u32 $0x3FFC, v10;
	v9 =	vand.u32 $0x3FFC, v9;
	v4 =	vand.u32 $0xFFFFC000, v11  }
0x28: {  	s13 =	sadd.s32 $0x7000, s17;
	v10 =	vshrl.u32 v13, $0xC;
	v11 =	vshrl.u32 v11, $0xC;
	v7 =	vor.u32 v4, v9  }
0x29: {  	s17 =	simm.s32 $0x4;
	s20 =	sor.u32 s20, s13;
	s21 =	sor.u32 s21, s13;
	v9 =	vand.u32 $0xFFFFC000, v12;
	v4 =	vld.idx.msk [tilespmem:v8+s3+$0x0], $0xffff;
	v12 =	vshrl.u32 v12, $0xC;
	v8 =	vor.u32 v17, v15  }
0x2a: {  	s30 =	sor.u32 s22, s13;
	s22 =	sor.u32 s31, s13;
	[tilespmem:s21+$0x0] =	vst v3;
	v3 =	vld.idx.msk [tilespmem:v14+s3+$0x0], $0xffff;
	s21 =	simm.s32 $0x80;
	v11 =	vand.u32 $0x3, v11;
	v9 =	vor.u32 v9, v16;
	v12 =	vand.u32 $0x3, v12  }
.LBB2_2:
0x2b: {  	s13 =	sand.u32 $0x1C0, s21;
	v13 =	vld.idx.msk [tilespmem:v6+s3+$0x0], $0xffff;
	v6 =	vand.u32 $0x3, v10;
	v7 =	vor.u32 v11, v7;
	v9 =	vor.u32 v12, v9  }
0x2c: {  	v10 =	vmov s13;
	s31 =	sor.u32 $0x10, s13;
	s15 =	sor.u32 $0x20, s13;
	s5 =	sor.u32 $0x30, s13;
	v11 =	vld.idx.msk [tilespmem:v5+s3+$0x0], $0xffff;
	v5 =	vor.u32 v6, v8;
	[tilespmem:s30+$0x0] =	vst v7  }
0x2d: {  	v6 =	vmov s31;
	v7 =	vmov s15;
	v8 =	vmov s5;
	[tilespmem:s22+$0x0] =	vst v9  }
0x2e: {  	s22 =	sshll.u32 s17, $0x4;
	s17 =	sadd.s32 $0x4, s17;
	v9 =	vshll.u32 v4, $0x2;
	v6 =	vmul.u32 $0x38, v6;
	v8 =	vmul.u32 $0x38, v8;
	[tilespmem:s20+$0x0] =	vst v5  }
0x2f: {  	s20 =	sshrl.u32 s17, $0x5;
	p0 =	slt.u32 s17, $0x63C;
	s22 =	sand.u32 $0x3FFFFE00, s22;
	v5 =	vand.u32 $0xFFFFC000, v4;
	v9 =	vand.u32 $0x3FFC, v9;
	v4 =	vshrl.u32 v4, $0xC  }
0x30: {  	v12 =	vmov s20;
	s22 =	sadd.s32 $0x7000, s22;
	v5 =	vor.u32 v5, v9;
	v4 =	vand.u32 $0x3, v4  }
0x31: {  	v9 =	vand.u32 $0x3F, v12;
	v8 =	vbroadcast v8, $0x0;
	s20 =	sor.u32 s10, s22;
	s30 =	sor.u32 s14, s22;
	v4 =	vor.u32 v4, v5;
	s10 =	sor.u32 s16, s22  }
0x32: {  	v7 =	vmul.u32 $0x38, v7;
	v5 =	vmul.u32 $0x38, v10;
	s22 =	sor.u32 s11, s22;
	s14 =	smov.u32 s31;
	v9 =	vadd.s32 v1, v9;
	[tilespmem:s10+$0x0] =	vst v4;
	s10 =	smov.u32 s13  }
0x33: {  	s11 =	smov.u32 s15;
	s16 =	smov.u32 s5;
	v4 =	vbroadcast v6, $0x0;
	v8 =	vadd.s32 v8, v9;
	v6 =	vshll.u32 v3, $0x2  }
0x34: {  	v7 =	vbroadcast v7, $0x0;
	v10 =	vshll.u32 v13, $0x2;
	v5 =	vbroadcast v5, $0x0  }
0x35: {  	v14 =	vand.u32 $0x3FFC, v6;
	v12 =	vadd.s32 v4, v9;
	v4 =	vshll.u32 v11, $0x2  }
.Ltmp0:
0x36: {  	v6 =	vadd.s32 v7, v9;
	v5 =	vadd.s32 v5, v9;
	v9 =	vand.u32 $0x3FFC, v10;
	(pc) =	sbr.rel @p0 .LBB2_2-.Ltmp0, $4  }
0x37: {  	v16 =	vshrl.u32 v3, $0xC;
	v7 =	vand.u32 $0xFFFFC000, v3;
	v15 =	vand.u32 $0x3FFC, v4  }
0x38: {  	v3 =	vand.u32 $0xFFFFC000, v13;
	v13 =	vshrl.u32 v13, $0xC;
	v4 =	vld.idx.msk [tilespmem:v8+s3+$0x0], $0xffff;
	v8 =	vand.u32 $0xFFFFC000, v11  }
0x39: {  	v10 =	vshrl.u32 v11, $0xC;
	v7 =	vor.u32 v7, v14;
	v9 =	vor.u32 v3, v9  }
0x3a: {  	s21 =	sadd.s32 $0x40, s21;
	v11 =	vand.u32 $0x3, v16;
	v8 =	vor.u32 v8, v15;
	v3 =	vld.idx.msk [tilespmem:v12+s3+$0x0], $0xffff;
	v12 =	vand.u32 $0x3, v13  }
0x3b: {  	_ =	sdelay $0x3  }
0x3c: {  	v6 =	vld.idx.msk [tilespmem:v6+s3+$0x0], $0xffff  }
0x3d: {  	v10 =	vand.u32 $0x3, v10;
	v5 =	vld.idx.msk [tilespmem:v5+s3+$0x0], $0xffff  }
0x3e: {  	v7 =	vor.u32 v11, v7;
	v9 =	vor.u32 v12, v9;
	v52 =	vshll.u32 v4, $0x2  }
0x3f: {  	v53 =	vand.u32 $0xFFFFC000, v4;
	v54 =	vshrl.u32 v4, $0xC;
	v11 =	vand.u32 $0x3FFC, v52  }
0x40: {  	v8 =	vor.u32 v10, v8;
	v4 =	vand.u32 $0x3, v54;
	v55 =	vor.u32 v53, v11  }
0x41: {  	v56 =	vshll.u32 v3, $0x2;
	v60 =	vand.u32 $0xFFFFC000, v3;
	v3 =	vshrl.u32 v3, $0xC  }
0x42: {  	s5 =	sshll.u32 s17, $0x4;
	v4 =	vor.u32 v4, v55;
	v57 =	vshll.u32 v6, $0x2;
	v58 =	vshll.u32 v5, $0x2  }
0x43: {  	[tilespmem:s30+$0x0] =	vst v7;
	s5 =	sand.u32 $0x3FFFFE00, s5;
	v10 =	vand.u32 $0x3FFC, v56;
	v61 =	vand.u32 $0xFFFFC000, v5;
	v13 =	vand.u32 $0xFFFFC000, v6  }
0x44: {  	[tilespmem:s22+$0x0] =	vst v9;
	s5 =	sadd.s32 $0x7000, s5;
	v6 =	vshrl.u32 v6, $0xC;
	v5 =	vshrl.u32 v5, $0xC;
	v3 =	vand.u32 $0x3, v3  }
0x45: {  	[tilespmem:s20+$0x0] =	vst v8;
	s13 =	sor.u32 s16, s5;
	v11 =	vand.u32 $0x3FFC, v57;
	v59 =	vand.u32 $0x3FFC, v58;
	v62 =	vor.u32 v60, v10  }
0x46: {  	s14 =	sor.u32 s14, s5;
	[tilespmem:s13+$0x0] =	vst v4;
	v6 =	vand.u32 $0x3, v6;
	v63 =	vor.u32 v13, v11;
	v3 =	vor.u32 v3, v62  }
0x47: {  	s11 =	sor.u32 s11, s5;
	v5 =	vand.u32 $0x3, v5;
	v7 =	vor.u32 v61, v59;
	v4 =	vor.u32 v6, v63;
	[tilespmem:s14+$0x0] =	vst v3  }
0x48: {  	s21 =	simm.s32 $0x7000;
	s5 =	sor.u32 s10, s5;
	v3 =	vor.u32 v5, v7;
	[tilespmem:s11+$0x0] =	vst v4  }
0x49: {  	s15 =	simm.s32 $0xD400;
	s31 =	simm.s32 $0xF400;
	s22 =	simm.s32 $0x7080;
	[tilespmem:s5+$0x0] =	vst v3  }
0x4a: {  	[tilespmem:s15], [sflag:$0x1] =	stream.indirect.gather [hbm4b:s4+s12], $0x20, s21, s12, $0xb8;
	[tilespmem:$0x15800] =	vst v63  }
0x4b: {  	s30 =	simm.s32 $0xE400;
	s10 =	simm.s32 $0x0;
	s16 =	simm.s32 $0x0  }
0x4c: {  	[tilespmem:s30], [sflag:$0x2] =	stream.indirect.gather [hbm4b:s4+s12], $0x20, s22, s12, $0xb8;
	[tilespmem:$0x15800] =	vst v63  }
.LBB2_4:
0x4d: {  	s5 =	sshll.u32 s16, $0x9  }
0x4e: {  	s14 =	sand.u32 $0x3FFFFE00, s5  }
0x4f: {  	s5 =	sadd.s32 $0x7100, s14  }
0x50: {  	[tilespmem:s31], [sflag:$0x3] =	stream.indirect.gather [hbm4b:s4+s12], $0x20, s5, s12, $0xb8;
	[tilespmem:$0x15800] =	vst v63  }
0x51: {  	_ =	swait.ge [sflag:s18], $0x1000  }
0x52: {  	p0 =	seq.s32 s16, $0x0;
	[sflag:s18] =	ssyncset.done $0x0  }
0x53: {  	s5 =	simm.s32 @!p0 $0x5;
	[sflag:s18] =	ssyncadd.s32 $0xFFFFF000  }
0x54: {  	_ =	swait.ge @!p0 [sflag:s5], $0x400  }
0x55: {  	[sflag:s5] =	ssyncset.done @!p0 $0x0  }
0x56: {  	[sflag:s5] =	ssyncadd.s32 @!p0 $0xFFFFFC00  }
0x57: {  	_ =	swait.ge @!p0 [sflag:s5], $0x400  }
0x58: {  	[sflag:s5] =	ssyncset.done @!p0 $0x0  }
0x59: {  	[sflag:s5] =	ssyncadd.s32 @!p0 $0xFFFFFC00  }
0x5a: {  	_ =	swait.ge @!p0 [sflag:s5], $0x400  }
0x5b: {  	[sflag:s5] =	ssyncset.done @!p0 $0x0  }
0x5c: {  	[sflag:s5] =	ssyncadd.s32 @!p0 $0xFFFFFC00  }
0x5d: {  	_ =	swait.ge @!p0 [sflag:s5], $0x400  }
0x5e: {  	[sflag:s5] =	ssyncset.done @!p0 $0x0  }
0x5f: {  	s11 =	simm.s32 $0xD440;
	[sflag:s5] =	ssyncadd.s32 @!p0 $0xFFFFFC00  }
0x60: {  	v3 =	vld [tilespmem:s11+$0x20];
	_ =	sdelay $0x1  }
0x61: {  	v4 =	vld [tilespmem:s11+$0xFFFFFFC0]  }
0x62: {  	v5 =	vld [tilespmem:s11+$0xFFFFFFE0];
	_ =	sdelay $0x1  }
0x63: {  	v3 =	vmul.f32 $-2.000000000e+00, v3;
	_ =	sdelay $0x1  }
0x64: {  	v6 =	vld [tilespmem:s11+$0x0];
	v4 =	vmul.f32 $-2.000000000e+00, v4;
	v3 =	vmin.f32 v3, $2.000000000e+01  }
0x65: {  	v5 =	vmul.f32 $-2.000000000e+00, v5;
	v3 =	vmul.f32 $1.442695020e+00, v3  }
0x66: {  	v4 =	vmin.f32 v4, $2.000000000e+01  }
0x67: {  	(erf) = vpow2.f32 v3;
	v3 =	vmul.f32 $1.442695020e+00, v4;
	v4 =	vmin.f32 v5, $2.000000000e+01  }
0x68: {  	v4 =	vmul.f32 $1.442695020e+00, v4  }
0x69: {  	(erf) = vpow2.f32 v3;
	v3 =	vmul.f32 $-2.000000000e+00, v6;
	_ =	sdelay $0x1  }
0x6a: {  	(erf) = vpow2.f32 v4;
	v3 =	vmin.f32 v3, $2.000000000e+01  }
0x6b: {  	v3 =	vmul.f32 $1.442695020e+00, v3;
	_ =	sdelay $0x1  }
0x6c: {  	(erf) = vpow2.f32 v3;
	_ =	sdelay $0x1  }
0x6d: {  	v3 =	vpop (erf)  }
0x6e: {  	v4 =	vadd.f32 $1.000000000e+00, v3  }
0x6f: {  	v5 =	vpop (erf)  }
0x70: {  	(erf) = vrcp.f32 v4;
	v4 =	vadd.f32 $1.000000000e+00, v5  }
0x71: {  	v6 =	vpop (erf)  }
0x72: {  	s17 =	simm.s32 $0xD4C0;
	v7 =	vadd.f32 $1.000000000e+00, v6;
	(erf) = vrcp.f32 v4  }
0x73: {  	v4 =	vld [tilespmem:s17+$0x20]  }
0x74: {  	s21 =	simm.s32 $0x3;
	(erf) = vrcp.f32 v7;
	v11 =	vpop (erf)  }
0x75: {  	v7 =	vmov s21;
	v8 =	vadd.f32 $1.000000000e+00, v11  }
0x76: {  	s22 =	simm.s32 $0x1;
	v9 =	vld [tilespmem:s17+$0xFFFFFFC0];
	v10 =	vand.u32 $0x7F, v7  }
0x77: {  	v14 =	vmov s22;
	v12 =	vld [tilespmem:s17+$0xFFFFFFE0];
	v7 =	vmov s10;
	v13 =	vadd.s32 v0, v10  }
0x78: {  	v15 =	vld [tilespmem:s17+$0x0];
	v3 =	vsub.f32 $1.000000000e+00, v3;
	v7 =	vand.u32 $0x7C, v7;
	v4 =	vmul.f32 $-2.000000000e+00, v4  }
0x79: {  	v5 =	vsub.f32 $1.000000000e+00, v5;
	v16 =	vadd.s32 v0, v7;
	(erf) = vrcp.f32 v8;
	v8 =	vpop (erf)  }
0x7a: {  	v4 =	vmin.f32 v4, $2.000000000e+01;
	v3 =	vmul.f32 v8, v3;
	v8 =	vand.u32 $0x7D, v14  }
0x7b: {  	v9 =	vmul.f32 $-2.000000000e+00, v9;
	v4 =	vmul.f32 $1.442695020e+00, v4;
	v14 =	vadd.s32 v0, v8;
	v17 =	vpop (erf)  }
0x7c: {  	v12 =	vmul.f32 $-2.000000000e+00, v12;
	v6 =	vsub.f32 $1.000000000e+00, v6;
	[tilespmem:v13+s19+$0x0] =	vst.idx.msk $0xffff, v3;
	v3 =	vmul.f32 v17, v5  }
0x7d: {  	v15 =	vmul.f32 $-2.000000000e+00, v15;
	v5 =	vmin.f32 v9, $2.000000000e+01;
	v17 =	vpop (erf);
	(erf) = vpow2.f32 v4;
	v13 =	vld [tilespmem:s11+$0x30]  }
0x7e: {  	s13 =	simm.s32 $0x2;
	v5 =	vmul.f32 $1.442695020e+00, v5;
	[tilespmem:v16+s19+$0x0] =	vst.idx.msk $0xffff, v3;
	v3 =	vmul.f32 v17, v6  }
0x7f: {  	v9 =	vmov s13;
	v6 =	vmin.f32 v12, $2.000000000e+01;
	v12 =	vld [tilespmem:s11+$0xFFFFFFD0]  }
0x80: {  	v15 =	vmin.f32 v15, $2.000000000e+01;
	v9 =	vand.u32 $0x7E, v9;
	(erf) = vpow2.f32 v5;
	[tilespmem:v14+s19+$0x0] =	vst.idx.msk $0xffff, v3  }
0x81: {  	v4 =	vadd.s32 v0, v9;
	v6 =	vmul.f32 $1.442695020e+00, v6;
	v3 =	vsub.f32 $1.000000000e+00, v11;
	v11 =	vld [tilespmem:s11+$0xFFFFFFF0]  }
0x82: {  	v5 =	vmul.f32 $1.442695020e+00, v15;
	v14 =	vpop (erf);
	v13 =	vmul.f32 $-2.000000000e+00, v13  }
0x83: {  	(erf) = vpow2.f32 v6;
	v3 =	vmul.f32 v14, v3  }
0x84: {  	(erf) = vpow2.f32 v5;
	v5 =	vmin.f32 v13, $2.000000000e+01;
	v6 =	vmul.f32 $-2.000000000e+00, v12  }
0x85: {  	v5 =	vmul.f32 $1.442695020e+00, v5  }
0x86: {  	[tilespmem:v4+s19+$0x0] =	vst.idx.msk $0xffff, v3;
	v3 =	vmin.f32 v6, $2.000000000e+01;
	v6 =	vmul.f32 $-2.000000000e+00, v11  }
0x87: {  	v11 =	vpop (erf);
	(erf) = vpow2.f32 v5;
	v3 =	vmul.f32 $1.442695020e+00, v3  }
0x88: {  	v4 =	vld [tilespmem:s11+$0x10];
	v5 =	vmin.f32 v6, $2.000000000e+01;
	v6 =	vadd.f32 $1.000000000e+00, v11  }
0x89: {  	v12 =	vpop (erf);
	v5 =	vmul.f32 $1.442695020e+00, v5;
	(erf) = vpow2.f32 v3  }
0x8a: {  	v13 =	vadd.f32 $1.000000000e+00, v12;
	(erf) = vrcp.f32 v6  }
0x8b: {  	s13 =	simm.s32 $0x7;
	(erf) = vpow2.f32 v5  }
0x8c: {  	v17 =	vmov s13;
	v11 =	vsub.f32 $1.000000000e+00, v11;
	v6 =	vpop (erf);
	(erf) = vrcp.f32 v13  }
0x8d: {  	s20 =	simm.s32 $0x4;
	s11 =	simm.s32 $0xD540;
	v4 =	vmul.f32 $-2.000000000e+00, v4;
	v14 =	vadd.f32 $1.000000000e+00, v6;
	v13 =	vsub.f32 $1.000000000e+00, v6;
	v6 =	vpop (erf)  }
0x8e: {  	s22 =	simm.s32 $0x6;
	v16 =	vld [tilespmem:s11+$0x20];
	v3 =	vmov s20;
	v15 =	vsub.f32 $1.000000000e+00, v6;
	v6 =	vadd.f32 $1.000000000e+00, v6  }
0x8f: {  	v19 =	vld [tilespmem:s11+$0xFFFFFFC0];
	v4 =	vmin.f32 v4, $2.000000000e+01;
	(erf) = vrcp.f32 v14;
	v14 =	vmov s22  }
0x90: {  	s21 =	simm.s32 $0x5;
	v20 =	vld [tilespmem:s11+$0xFFFFFFE0];
	v4 =	vmul.f32 $1.442695020e+00, v4;
	v18 =	vpop (erf);
	(erf) = vrcp.f32 v6;
	v6 =	vand.u32 $0x7F, v17  }
0x91: {  	v3 =	vand.u32 $0x7C, v3;
	v5 =	vmov s21;
	v22 =	vadd.s32 v0, v6  }
0x92: {  	(erf) = vpow2.f32 v4;
	v4 =	vand.u32 $0x7D, v5;
	v5 =	vand.u32 $0x7E, v14;
	v14 =	vpop (erf)  }
0x93: {  	v23 =	vld [tilespmem:s11+$0x0];
	v21 =	vadd.s32 v0, v3;
	v24 =	vpop (erf)  }
0x94: {  	v12 =	vsub.f32 $1.000000000e+00, v12;
	v16 =	vmul.f32 $-2.000000000e+00, v16;
	v11 =	vmul.f32 v24, v11;
	v60 =	vpop (erf)  }
0x95: {  	v19 =	vmul.f32 $-2.000000000e+00, v19;
	v20 =	vmul.f32 $-2.000000000e+00, v20;
	v17 =	vadd.f32 $1.000000000e+00, v18;
	v27 =	vpop (erf)  }
0x96: {  	v16 =	vmin.f32 v16, $2.000000000e+01;
	v25 =	vadd.f32 $1.000000000e+00, v14;
	v12 =	vmul.f32 v27, v12;
	[tilespmem:v22+s19+$0x0] =	vst.idx.msk $0xffff, v11  }
0x97: {  	v16 =	vmul.f32 $1.442695020e+00, v16;
	(erf) = vrcp.f32 v17;
	v17 =	vadd.s32 v0, v4;
	v22 =	vld [tilespmem:s17+$0x30]  }
0x98: {  	(erf) = vrcp.f32 v25;
	v11 =	vmin.f32 v19, $2.000000000e+01;
	v19 =	vmul.f32 $-2.000000000e+00, v23;
	[tilespmem:v21+s19+$0x0] =	vst.idx.msk $0xffff, v12  }
0x99: {  	(erf) = vpow2.f32 v16;
	v11 =	vmul.f32 $1.442695020e+00, v11;
	v23 =	vpop (erf);
	v16 =	vld [tilespmem:s17+$0xFFFFFFD0]  }
0x9a: {  	v10 =	vadd.s32 v2, v10;
	v8 =	vadd.s32 v2, v8;
	v12 =	vmul.f32 v23, v13  }
0x9b: {  	v26 =	vadd.s32 v0, v5;
	v13 =	vmin.f32 v20, $2.000000000e+01;
	(erf) = vpow2.f32 v11  }
0x9c: {  	v19 =	vmin.f32 v19, $2.000000000e+01;
	v13 =	vmul.f32 $1.442695020e+00, v13;
	[tilespmem:v17+s19+$0x0] =	vst.idx.msk $0xffff, v12;
	v21 =	vmul.f32 $-2.000000000e+00, v22  }
0x9d: {  	v9 =	vadd.s32 v2, v9;
	v61 =	vadd.f32 $1.000000000e+00, v60;
	v19 =	vmul.f32 $1.442695020e+00, v19;
	v11 =	vld [tilespmem:s17+$0xFFFFFFF0]  }
0x9e: {  	v20 =	vpop (erf);
	(erf) = vpow2.f32 v13;
	v13 =	vmul.f32 $-2.000000000e+00, v16;
	v16 =	vmin.f32 v21, $2.000000000e+01  }
0x9f: {  	v15 =	vmul.f32 v20, v15;
	v17 =	vsub.f32 $1.000000000e+00, v18;
	v12 =	vpop (erf);
	v16 =	vmul.f32 $1.442695020e+00, v16  }
0xa0: {  	v14 =	vsub.f32 $1.000000000e+00, v14;
	(erf) = vpow2.f32 v19;
	v18 =	vadd.f32 $1.000000000e+00, v12;
	v20 =	vpop (erf)  }
0xa1: {  	[tilespmem:v26+s19+$0x0] =	vst.idx.msk $0xffff, v15;
	v21 =	vadd.s32 v2, v7;
	(erf) = vrcp.f32 v61;
	v20 =	vmul.f32 v20, v17  }
0xa2: {  	v15 =	vld [tilespmem:s17+$0x10];
	s17 =	simm.s32 $0x8;
	v7 =	vmin.f32 v13, $2.000000000e+01;
	(erf) = vrcp.f32 v18;
	v11 =	vmul.f32 $-2.000000000e+00, v11;
	v13 =	vpop (erf)  }
0xa3: {  	v17 =	vmov s17;
	v18 =	vmul.f32 $1.442695020e+00, v7;
	(erf) = vpow2.f32 v16;
	v16 =	vpop (erf)  }
0xa4: {  	v22 =	vsub.f32 $1.000000000e+00, v60;
	v7 =	vand.u32 $0x7C, v17;
	v11 =	vmin.f32 v11, $2.000000000e+01;
	v23 =	vpop (erf)  }
0xa5: {  	s21 =	simm.s32 $0xA;
	(erf) = vpow2.f32 v18;
	v17 =	vadd.f32 $1.000000000e+00, v16;
	v18 =	vadd.f32 $1.000000000e+00, v23  }
0xa6: {  	v12 =	vsub.f32 $1.000000000e+00, v12;
	[tilespmem:v10+s19+$0x0] =	vst.idx.msk $0xffff, v20;
	v20 =	vmov s21;
	v11 =	vmul.f32 $1.442695020e+00, v11  }
0xa7: {  	v15 =	vmul.f32 $-2.000000000e+00, v15;
	v19 =	vsub.f32 $1.000000000e+00, v23;
	v23 =	vpop (erf);
	(erf) = vrcp.f32 v17  }
0xa8: {  	s20 =	simm.s32 $0x9;
	v14 =	vmul.f32 v13, v14;
	(erf) = vpow2.f32 v11;
	v11 =	vadd.f32 $1.000000000e+00, v23  }
0xa9: {  	v13 =	vmov s20;
	v62 =	vmin.f32 v15, $2.000000000e+01;
	(erf) = vrcp.f32 v18;
	v18 =	vpop (erf)  }
0xaa: {  	v17 =	vsub.f32 $1.000000000e+00, v23;
	(erf) = vrcp.f32 v11;
	v23 =	vadd.f32 $1.000000000e+00, v18;
	v63 =	vpop (erf)  }
0xab: {  	s22 =	simm.s32 $0xB;
	s17 =	simm.s32 $0xD5C0;
	v15 =	vsub.f32 $1.000000000e+00, v18;
	v18 =	vmul.f32 $1.442695020e+00, v62;
	v11 =	vmul.f32 v63, v22;
	v22 =	vpop (erf)  }
0xac: {  	s21 =	simm.s32 $0x10;
	s20 =	simm.s32 $0xC;
	[tilespmem:v21+s19+$0x0] =	vst.idx.msk $0xffff, v14;
	v21 =	vld [tilespmem:s17+$0x20];
	v14 =	vmov s22;
	(erf) = vrcp.f32 v23;
	v10 =	vpop (erf);
	v12 =	vmul.f32 v22, v12  }
.LBB2_5:
0xad: {  	p1 =	slt.u32 s21, $0x7C;
	v22 =	vld [tilespmem:s17+$0xFFFFFFC0];
	v14 =	vand.u32 $0x7F, v14;
	v25 =	vadd.f32 $1.000000000e+00, v10;
	(erf) = vpow2.f32 v18;
	[tilespmem:v8+s19+$0x0] =	vst.idx.msk $0xffff, v11;
	v11 =	vmovc v5  }
0xae: {  	v18 =	vadd.s32 v0, v7;
	v24 =	vand.u32 $0x7D, v13;
	v8 =	vld [tilespmem:s17+$0xFFFFFFE0];
	v13 =	vadd.s32 v0, v14;
	[tilespmem:v9+s19+$0x0] =	vst.idx.msk $0xffff, v12  }
0xaf: {  	v5 =	vand.u32 $0x7E, v20;
	v12 =	vsub.f32 $1.000000000e+00, v16;
	v9 =	vld [tilespmem:s17+$0x0];
	v16 =	vpop (erf);
	(erf) = vrcp.f32 v25  }
0xb0: {  	v20 =	vadd.s32 v0, v24;
	v23 =	vpop (erf);
	v25 =	vsub.f32 $1.000000000e+00, v16;
	v16 =	vadd.f32 $1.000000000e+00, v16  }
0xb1: {  	v26 =	vadd.s32 v0, v5;
	v29 =	vmul.f32 $-2.000000000e+00, v21;
	v12 =	vmul.f32 v23, v12;
	v23 =	vpop (erf)  }
0xb2: {  	v22 =	vmul.f32 $-2.000000000e+00, v22;
	v27 =	vpop (erf);
	v28 =	vadd.f32 $1.000000000e+00, v23;
	(erf) = vrcp.f32 v16  }
0xb3: {  	v8 =	vmul.f32 $-2.000000000e+00, v8;
	v16 =	vmin.f32 v29, $2.000000000e+01;
	v19 =	vmul.f32 v27, v19;
	[tilespmem:v13+s19+$0x0] =	vst.idx.msk $0xffff, v12  }
0xb4: {  	v12 =	vmin.f32 v22, $2.000000000e+01;
	v9 =	vmul.f32 $-2.000000000e+00, v9;
	v13 =	vmul.f32 $1.442695020e+00, v16;
	v16 =	vld [tilespmem:s11+$0x30];
	v21 =	vpop (erf)  }
0xb5: {  	v12 =	vmul.f32 $1.442695020e+00, v12;
	v8 =	vmin.f32 v8, $2.000000000e+01;
	[tilespmem:v18+s19+$0x0] =	vst.idx.msk $0xffff, v19;
	v22 =	vmul.f32 v21, v17;
	v18 =	vpop (erf)  }
0xb6: {  	v19 =	vadd.s32 v2, v6;
	v9 =	vmin.f32 v9, $2.000000000e+01;
	(erf) = vpow2.f32 v13;
	v13 =	vld [tilespmem:s11+$0xFFFFFFD0];
	v21 =	vpop (erf)  }
0xb7: {  	v10 =	vsub.f32 $1.000000000e+00, v10;
	v6 =	vmovc v14;
	v8 =	vmul.f32 $1.442695020e+00, v8;
	v9 =	vmul.f32 $1.442695020e+00, v9;
	[tilespmem:v20+s19+$0x0] =	vst.idx.msk $0xffff, v22  }
0xb8: {  	v14 =	vmul.f32 v18, v15;
	v15 =	vadd.f32 $1.000000000e+00, v21;
	(erf) = vpow2.f32 v12;
	v12 =	vld [tilespmem:s11+$0xFFFFFFF0];
	v17 =	vpop (erf)  }
0xb9: {  	v22 =	vsub.f32 $1.000000000e+00, v23;
	v16 =	vmul.f32 $-2.000000000e+00, v16;
	v17 =	vmul.f32 v17, v10  }
0xba: {  	v23 =	vsub.f32 $1.000000000e+00, v21;
	(erf) = vpow2.f32 v8;
	[tilespmem:v26+s19+$0x0] =	vst.idx.msk $0xffff, v14  }
0xbb: {  	(erf) = vpow2.f32 v9;
	v8 =	vmul.f32 $-2.000000000e+00, v13;
	v9 =	vld [tilespmem:s11+$0x10];
	v13 =	vmin.f32 v16, $2.000000000e+01;
	[tilespmem:v19+s19+$0x0] =	vst.idx.msk $0xffff, v17;
	v10 =	vpop (erf);
	s11 =	smov.u32 s17  }
0xbc: {  	v14 =	vadd.s32 v2, v3;
	v3 =	vmovc v7;
	v13 =	vmul.f32 $1.442695020e+00, v13;
	(erf) = vrcp.f32 v28  }
0xbd: {  	v7 =	vmin.f32 v8, $2.000000000e+01;
	v8 =	vmul.f32 $-2.000000000e+00, v12;
	(erf) = vrcp.f32 v15  }
0xbe: {  	v12 =	vmov s20;
	v15 =	vmul.f32 $1.442695020e+00, v7;
	(erf) = vpow2.f32 v13  }
0xbf: {  	v10 =	vmul.f32 v10, v25;
	v7 =	vand.u32 $0x7C, v12;
	v16 =	vpop (erf);
	v8 =	vmin.f32 v8, $2.000000000e+01  }
0xc0: {  	s5 =	sadd.s32 $0x1, s20;
	v20 =	vadd.f32 $1.000000000e+00, v16;
	v17 =	vmul.f32 $1.442695020e+00, v8;
	v9 =	vmul.f32 $-2.000000000e+00, v9  }
0xc1: {  	v13 =	vmov s5;
	v8 =	vadd.s32 v2, v4;
	v18 =	vpop (erf);
	(erf) = vpow2.f32 v15;
	[tilespmem:v14+s19+$0x0] =	vst.idx.msk $0xffff, v10  }
0xc2: {  	v4 =	vmovc v24;
	v19 =	vsub.f32 $1.000000000e+00, v18;
	v15 =	vadd.f32 $1.000000000e+00, v18;
	(erf) = vrcp.f32 v20  }
.Ltmp1:
0xc3: {  	v14 =	vmin.f32 v9, $2.000000000e+01;
	v9 =	vadd.s32 v2, v11;
	v12 =	vpop (erf);
	(erf) = vpow2.f32 v17;
	(pc) =	sbr.rel @p1 .LBB2_5-.Ltmp1, $4  }
0xc4: {  	v17 =	vsub.f32 $1.000000000e+00, v12;
	v11 =	vadd.f32 $1.000000000e+00, v12;
	(erf) = vrcp.f32 v15;
	v10 =	vpop (erf)  }
0xc5: {  	s5 =	sadd.s32 $0x2, s20;
	v18 =	vmul.f32 $1.442695020e+00, v14;
	v15 =	vsub.f32 $1.000000000e+00, v10;
	v24 =	vadd.f32 $1.000000000e+00, v10;
	v12 =	vpop (erf)  }
0xc6: {  	s17 =	sadd.s32 $0x80, s17;
	v20 =	vmov s5;
	s5 =	sadd.s32 $0x3, s20;
	s20 =	smov.u32 s21;
	(erf) = vrcp.f32 v11;
	v11 =	vmul.f32 v12, v22;
	v12 =	vpop (erf)  }
0xc7: {  	s21 =	sadd.s32 $0x4, s21;
	v14 =	vmov s5;
	v21 =	vld [tilespmem:s17+$0x20];
	(erf) = vrcp.f32 v24;
	v10 =	vpop (erf);
	v12 =	vmul.f32 v12, v23  }
0xc8: {  	v22 =	vld [tilespmem:s17+$0xFFFFFFC0]  }
0xc9: {  	v23 =	vld [tilespmem:s17+$0xFFFFFFE0];
	v16 =	vsub.f32 $1.000000000e+00, v16  }
0xca: {  	v24 =	vadd.f32 $1.000000000e+00, v10  }
0xcb: {  	v14 =	vand.u32 $0x7F, v14;
	(erf) = vpow2.f32 v18;
	v26 =	vadd.s32 v0, v7;
	v18 =	vpop (erf)  }
0xcc: {  	v13 =	vand.u32 $0x7D, v13;
	v25 =	vadd.s32 v0, v14;
	(erf) = vrcp.f32 v24;
	v58 =	vpop (erf)  }
0xcd: {  	v28 =	vadd.f32 $1.000000000e+00, v18;
	v21 =	vmul.f32 $-2.000000000e+00, v21;
	v24 =	vmul.f32 v58, v16;
	v16 =	vpop (erf)  }
0xce: {  	v27 =	vld [tilespmem:s17+$0x0];
	v29 =	vadd.s32 v0, v13;
	v22 =	vmul.f32 $-2.000000000e+00, v22;
	v30 =	vpop (erf);
	v23 =	vmul.f32 $-2.000000000e+00, v23  }
0xcf: {  	(erf) = vrcp.f32 v28;
	v21 =	vmin.f32 v21, $2.000000000e+01;
	v19 =	vmul.f32 v30, v19  }
0xd0: {  	v22 =	vmin.f32 v22, $2.000000000e+01;
	v21 =	vmul.f32 $1.442695020e+00, v21;
	v23 =	vmin.f32 v23, $2.000000000e+01  }
0xd1: {  	[tilespmem:v25+s19+$0x0] =	vst.idx.msk $0xffff, v24;
	v60 =	vpop (erf);
	v22 =	vmul.f32 $1.442695020e+00, v22;
	v23 =	vmul.f32 $1.442695020e+00, v23  }
0xd2: {  	v25 =	vld [tilespmem:s11+$0x30];
	v17 =	vmul.f32 v60, v17;
	(erf) = vpow2.f32 v21  }
0xd3: {  	v59 =	vmul.f32 $-2.000000000e+00, v27;
	[tilespmem:v26+s19+$0x0] =	vst.idx.msk $0xffff, v19  }
0xd4: {  	v21 =	vld [tilespmem:s11+$0xFFFFFFD0];
	[tilespmem:v29+s19+$0x0] =	vst.idx.msk $0xffff, v17;
	(erf) = vpow2.f32 v22  }
0xd5: {  	v19 =	vmin.f32 v59, $2.000000000e+01;
	v22 =	vld [tilespmem:s11+$0xFFFFFFF0];
	(erf) = vpow2.f32 v23;
	v23 =	vpop (erf)  }
0xd6: {  	v61 =	vadd.f32 $1.000000000e+00, v16;
	v19 =	vmul.f32 $1.442695020e+00, v19;
	v17 =	vand.u32 $0x7E, v20;
	v62 =	vpop (erf)  }
0xd7: {  	v20 =	vmul.f32 $-2.000000000e+00, v25;
	v15 =	vmul.f32 v23, v15;
	v23 =	vadd.f32 $1.000000000e+00, v62  }
0xd8: {  	(erf) = vpow2.f32 v19  }
0xd9: {  	(erf) = vrcp.f32 v61;
	v21 =	vmul.f32 $-2.000000000e+00, v21;
	v20 =	vmin.f32 v20, $2.000000000e+01;
	v63 =	vpop (erf)  }
0xda: {  	v19 =	vadd.s32 v0, v17;
	v20 =	vmul.f32 $1.442695020e+00, v20;
	v40 =	vpop (erf);
	v22 =	vmul.f32 $-2.000000000e+00, v22  }
0xdb: {  	v21 =	vmin.f32 v21, $2.000000000e+01;
	(erf) = vrcp.f32 v23;
	v23 =	vpop (erf)  }
0xdc: {  	(erf) = vpow2.f32 v20;
	v20 =	vmin.f32 v22, $2.000000000e+01;
	v22 =	vadd.f32 $1.000000000e+00, v23  }
0xdd: {  	v21 =	vmul.f32 $1.442695020e+00, v21;
	_ =	sdelay $0x1  }
0xde: {  	[tilespmem:v19+s19+$0x0] =	vst.idx.msk $0xffff, v15;
	v15 =	vmul.f32 $1.442695020e+00, v20;
	v19 =	vpop (erf);
	(erf) = vpow2.f32 v21  }
0xdf: {  	(erf) = vrcp.f32 v22;
	v22 =	vpop (erf)  }
0xe0: {  	(erf) = vpow2.f32 v15;
	v15 =	vadd.f32 $1.000000000e+00, v22  }
0xe1: {  	v21 =	vadd.f32 $1.000000000e+00, v19  }
0xe2: {  	v20 =	vld [tilespmem:s11+$0x10];
	v41 =	vpop (erf)  }
0xe3: {  	(erf) = vrcp.f32 v21;
	v21 =	vadd.f32 $1.000000000e+00, v41  }
0xe4: {  	(erf) = vrcp.f32 v15;
	v15 =	vpop (erf)  }
0xe5: {  	s5 =	sadd.s32 $0x3, s20;
	s13 =	sadd.s32 $0x2, s20;
	(erf) = vrcp.f32 v21;
	v43 =	vpop (erf)  }
0xe6: {  	v42 =	vmov s5;
	v34 =	vmov s13;
	v31 =	vpop (erf)  }
0xe7: {  	v28 =	vand.u32 $0x7F, v42;
	s11 =	sadd.s32 $0x1, s20;
	v23 =	vsub.f32 $1.000000000e+00, v23;
	v20 =	vmul.f32 $-2.000000000e+00, v20;
	v33 =	vpop (erf)  }
0xe8: {  	v32 =	vadd.s32 v0, v28;
	v44 =	vmov s11;
	v21 =	vmov s20;
	v36 =	vpop (erf)  }
0xe9: {  	v20 =	vmin.f32 v20, $2.000000000e+01;
	v21 =	vand.u32 $0x7C, v21;
	v23 =	vmul.f32 v36, v23  }
0xea: {  	v30 =	vand.u32 $0x7D, v44;
	v20 =	vmul.f32 $1.442695020e+00, v20;
	v35 =	vadd.s32 v0, v21  }
0xeb: {  	v34 =	vand.u32 $0x7E, v34;
	v19 =	vsub.f32 $1.000000000e+00, v19;
	v37 =	vadd.s32 v0, v30;
	v45 =	vpop (erf)  }
0xec: {  	v22 =	vsub.f32 $1.000000000e+00, v22;
	(erf) = vpow2.f32 v20;
	v20 =	vadd.s32 v0, v34;
	v38 =	vpop (erf)  }
0xed: {  	v24 =	vsub.f32 $1.000000000e+00, v41;
	v19 =	vmul.f32 v38, v19;
	[tilespmem:v32+s19+$0x0] =	vst.idx.msk $0xffff, v23;
	v23 =	vpop (erf)  }
0xee: {  	v32 =	vld [tilespmem:s17+$0x30];
	v22 =	vmul.f32 v23, v22;
	v23 =	vpop (erf)  }
0xef: {  	[tilespmem:v35+s19+$0x0] =	vst.idx.msk $0xffff, v19;
	v19 =	vmul.f32 v23, v24  }
0xf0: {  	v23 =	vld [tilespmem:s17+$0xFFFFFFD0];
	[tilespmem:v37+s19+$0x0] =	vst.idx.msk $0xffff, v22  }
0xf1: {  	v22 =	vld [tilespmem:s17+$0xFFFFFFF0];
	[tilespmem:v20+s19+$0x0] =	vst.idx.msk $0xffff, v19  }
0xf2: {  	v19 =	vadd.f32 $1.000000000e+00, v31;
	v20 =	vld [tilespmem:s17+$0x10]  }
0xf3: {  	v46 =	vadd.f32 $1.000000000e+00, v33;
	v32 =	vmul.f32 $-2.000000000e+00, v32  }
0xf4: {  	(erf) = vrcp.f32 v19;
	v19 =	vadd.f32 $1.000000000e+00, v45  }
0xf5: {  	v47 =	vpop (erf);
	v32 =	vmin.f32 v32, $2.000000000e+01;
	(erf) = vrcp.f32 v46;
	v23 =	vmul.f32 $-2.000000000e+00, v23  }
0xf6: {  	v48 =	vadd.f32 $1.000000000e+00, v47;
	v32 =	vmul.f32 $1.442695020e+00, v32;
	(erf) = vrcp.f32 v19  }
0xf7: {  	v22 =	vmul.f32 $-2.000000000e+00, v22;
	v19 =	vmin.f32 v23, $2.000000000e+01;
	v20 =	vmul.f32 $-2.000000000e+00, v20  }
0xf8: {  	(erf) = vrcp.f32 v48;
	v19 =	vmul.f32 $1.442695020e+00, v19  }
0xf9: {  	(erf) = vpow2.f32 v32;
	v20 =	vmin.f32 v20, $2.000000000e+01  }
0xfa: {  	v22 =	vmin.f32 v22, $2.000000000e+01;
	(erf) = vpow2.f32 v19;
	v19 =	vmul.f32 $1.442695020e+00, v20  }
0xfb: {  	v22 =	vmul.f32 $1.442695020e+00, v22;
	_ =	sdelay $0x1  }
0xfc: {  	(erf) = vpow2.f32 v22  }
0xfd: {  	(erf) = vpow2.f32 v19;
	v19 =	vpop (erf)  }
0xfe: {  	v20 =	vpop (erf)  }
0xff: {  	v22 =	vpop (erf)  }
0x100: {  	v23 =	vpop (erf)  }
0x101: {  	v32 =	vpop (erf)  }
0x102: {  	v10 =	vsub.f32 $1.000000000e+00, v10;
	v6 =	vadd.s32 v2, v6;
	v49 =	vadd.f32 $1.000000000e+00, v32  }
0x103: {  	v3 =	vadd.s32 v2, v3;
	v4 =	vadd.s32 v2, v4;
	v5 =	vadd.s32 v2, v5  }
0x104: {  	v7 =	vadd.s32 v2, v7;
	v18 =	vsub.f32 $1.000000000e+00, v18;
	v50 =	vpop (erf);
	(erf) = vrcp.f32 v49  }
0x105: {  	[tilespmem:v8+s19+$0x0] =	vst.idx.msk $0xffff, v11;
	v11 =	vadd.s32 v2, v14;
	v8 =	vsub.f32 $1.000000000e+00, v16;
	v51 =	vadd.f32 $1.000000000e+00, v50;
	v52 =	vpop (erf)  }
0x106: {  	[tilespmem:v9+s19+$0x0] =	vst.idx.msk $0xffff, v12;
	v9 =	vsub.f32 $1.000000000e+00, v62;
	v10 =	vmul.f32 v63, v10;
	v53 =	vadd.f32 $1.000000000e+00, v52;
	v54 =	vpop (erf)  }
0x107: {  	v18 =	vmul.f32 v40, v18;
	(erf) = vrcp.f32 v51;
	v55 =	vadd.f32 $1.000000000e+00, v54  }
0x108: {  	[tilespmem:v6+s19+$0x0] =	vst.idx.msk $0xffff, v10;
	v6 =	vmul.f32 v15, v8;
	v8 =	vsub.f32 $1.000000000e+00, v31;
	(erf) = vrcp.f32 v53  }
0x109: {  	[tilespmem:v3+s19+$0x0] =	vst.idx.msk $0xffff, v18;
	v3 =	vmul.f32 v43, v9;
	v9 =	vsub.f32 $1.000000000e+00, v33;
	(erf) = vrcp.f32 v55  }
0x10a: {  	[tilespmem:v4+s19+$0x0] =	vst.idx.msk $0xffff, v6;
	v6 =	vmul.f32 v19, v8  }
0x10b: {  	v10 =	vadd.s32 v2, v13;
	[tilespmem:v5+s19+$0x0] =	vst.idx.msk $0xffff, v3;
	v5 =	vmul.f32 v20, v9  }
0x10c: {  	v4 =	vsub.f32 $1.000000000e+00, v45;
	v8 =	vadd.s32 v2, v17;
	[tilespmem:v11+s19+$0x0] =	vst.idx.msk $0xffff, v6;
	v6 =	vsub.f32 $1.000000000e+00, v32  }
0x10d: {  	v3 =	vsub.f32 $1.000000000e+00, v47;
	v9 =	vadd.s32 v2, v28;
	[tilespmem:v7+s19+$0x0] =	vst.idx.msk $0xffff, v5;
	v7 =	vpop (erf)  }
0x10e: {  	v4 =	vmul.f32 v22, v4;
	v11 =	vadd.s32 v2, v21;
	v6 =	vmul.f32 v7, v6  }
0x10f: {  	v12 =	vadd.s32 v2, v30;
	v3 =	vmul.f32 v23, v3;
	v5 =	vsub.f32 $1.000000000e+00, v50  }
0x110: {  	[tilespmem:v10+s19+$0x0] =	vst.idx.msk $0xffff, v4;
	v10 =	vadd.s32 v2, v34;
	v4 =	vsub.f32 $1.000000000e+00, v52;
	v7 =	vpop (erf)  }
0x111: {  	[tilespmem:v8+s19+$0x0] =	vst.idx.msk $0xffff, v3;
	v3 =	vsub.f32 $1.000000000e+00, v54;
	v5 =	vmul.f32 v7, v5;
	v7 =	vpop (erf)  }
0x112: {  	s17 =	sshll.u32 s16, $0x13;
	[tilespmem:v9+s19+$0x0] =	vst.idx.msk $0xffff, v6;
	v4 =	vmul.f32 v7, v4;
	v6 =	vpop (erf)  }
0x113: {  	s5 =	sor.u32 s6, s17;
	[tilespmem:v11+s19+$0x0] =	vst.idx.msk $0xffff, v5;
	v3 =	vmul.f32 v6, v3  }
0x114: {  	s11 =	sshrl.u32 s5, $0x3;
	[tilespmem:v12+s19+$0x0] =	vst.idx.msk $0xffff, v4  }
0x115: {  	s5 =	sadd.s32 s2, s11;
	[tilespmem:v10+s19+$0x0] =	vst.idx.msk $0xffff, v3  }
0x116: {  	[hbm4b:s5+s3] =	stream.linear.scatter [tilespmem:s19], [sflag:$0x5], $0x80, $0x38;
	[tilespmem:$0x15800] =	vst v63  }
0x117: {  	s20 =	simm.s32 $0x11488;
	s13 =	sadd.s32 $0x10, s5  }
0x118: {  	[hbm4b:s13+s3] =	stream.linear.scatter [tilespmem:s20], [sflag:$0x5], $0x80, $0x38;
	[tilespmem:$0x15800] =	vst v63  }
0x119: {  	s22 =	simm.s32 $0x11510;
	s21 =	sadd.s32 $0x20, s5  }
0x11a: {  	[hbm4b:s21+s3] =	stream.linear.scatter [tilespmem:s22], [sflag:$0x5], $0x80, $0x38;
	[tilespmem:$0x15800] =	vst v63  }
0x11b: {  	s17 =	sadd.s32 $0x30, s5;
	s20 =	simm.s32 $0x11598  }
0x11c: {  	[hbm4b:s17+s3] =	stream.linear.scatter [tilespmem:s20], [sflag:$0x5], $0x80, $0x38;
	[tilespmem:$0x15800] =	vst v63  }
0x11d: {  	s21 =	sadd.s32 $0x40, s5;
	s22 =	simm.s32 $0x11620  }
0x11e: {  	[hbm4b:s21+s3] =	stream.linear.scatter [tilespmem:s22], [sflag:$0x5], $0x80, $0x38;
	[tilespmem:$0x15800] =	vst v63  }
0x11f: {  	s17 =	sadd.s32 $0x50, s5;
	s20 =	simm.s32 $0x116A8  }
0x120: {  	[hbm4b:s17+s3] =	stream.linear.scatter [tilespmem:s20], [sflag:$0x5], $0x80, $0x38;
	[tilespmem:$0x15800] =	vst v63  }
0x121: {  	s21 =	sadd.s32 $0x60, s5;
	s22 =	simm.s32 $0x11730  }
0x122: {  	[hbm4b:s21+s3] =	stream.linear.scatter [tilespmem:s22], [sflag:$0x5], $0x80, $0x38;
	[tilespmem:$0x15800] =	vst v63  }
0x123: {  	s5 =	sadd.s32 $0x70, s5;
	s17 =	simm.s32 $0x117B8  }
0x124: {  	[hbm4b:s5+s3] =	stream.linear.scatter [tilespmem:s17], [sflag:$0x5], $0x80, $0x38;
	[tilespmem:$0x15800] =	vst v63  }
0x125: {  	s20 =	simm.s32 $0x11840;
	s5 =	sadd.s32 s11, s7  }
0x126: {  	[hbm4b:s5+s3] =	stream.linear.scatter [tilespmem:s20], [sflag:$0x5], $0x80, $0x38;
	[tilespmem:$0x15800] =	vst v63  }
0x127: {  	s22 =	simm.s32 $0x118C8;
	s21 =	sadd.s32 $0x10, s5  }
0x128: {  	[hbm4b:s21+s3] =	stream.linear.scatter [tilespmem:s22], [sflag:$0x5], $0x80, $0x38;
	[tilespmem:$0x15800] =	vst v63  }
0x129: {  	s17 =	sadd.s32 $0x20, s5;
	s20 =	simm.s32 $0x11950  }
0x12a: {  	[hbm4b:s17+s3] =	stream.linear.scatter [tilespmem:s20], [sflag:$0x5], $0x80, $0x38;
	[tilespmem:$0x15800] =	vst v63  }
0x12b: {  	s21 =	sadd.s32 $0x30, s5;
	s22 =	simm.s32 $0x119D8  }
0x12c: {  	[hbm4b:s21+s3] =	stream.linear.scatter [tilespmem:s22], [sflag:$0x5], $0x80, $0x38;
	[tilespmem:$0x15800] =	vst v63  }
0x12d: {  	s17 =	sadd.s32 $0x40, s5;
	s20 =	simm.s32 $0x11A60  }
0x12e: {  	[hbm4b:s17+s3] =	stream.linear.scatter [tilespmem:s20], [sflag:$0x5], $0x80, $0x38;
	[tilespmem:$0x15800] =	vst v63  }
0x12f: {  	s21 =	sadd.s32 $0x50, s5;
	s22 =	simm.s32 $0x11AE8  }
0x130: {  	[hbm4b:s21+s3] =	stream.linear.scatter [tilespmem:s22], [sflag:$0x5], $0x80, $0x38;
	[tilespmem:$0x15800] =	vst v63  }
0x131: {  	s17 =	sadd.s32 $0x60, s5;
	s20 =	simm.s32 $0x11B70  }
0x132: {  	[hbm4b:s17+s3] =	stream.linear.scatter [tilespmem:s20], [sflag:$0x5], $0x80, $0x38;
	[tilespmem:$0x15800] =	vst v63  }
0x133: {  	s5 =	sadd.s32 $0x70, s5;
	s21 =	simm.s32 $0x11BF8  }
0x134: {  	[hbm4b:s5+s3] =	stream.linear.scatter [tilespmem:s21], [sflag:$0x5], $0x80, $0x38;
	[tilespmem:$0x15800] =	vst v63  }
0x135: {  	s22 =	simm.s32 $0x11C80;
	s5 =	sadd.s32 s11, s8  }
0x136: {  	[hbm4b:s5+s3] =	stream.linear.scatter [tilespmem:s22], [sflag:$0x5], $0x80, $0x38;
	[tilespmem:$0x15800] =	vst v63  }
0x137: {  	s20 =	simm.s32 $0x11D08;
	s17 =	sadd.s32 $0x10, s5  }
0x138: {  	[hbm4b:s17+s3] =	stream.linear.scatter [tilespmem:s20], [sflag:$0x5], $0x80, $0x38;
	[tilespmem:$0x15800] =	vst v63  }
0x139: {  	s21 =	sadd.s32 $0x20, s5;
	s22 =	simm.s32 $0x11D90  }
0x13a: {  	[hbm4b:s21+s3] =	stream.linear.scatter [tilespmem:s22], [sflag:$0x5], $0x80, $0x38;
	[tilespmem:$0x15800] =	vst v63  }
0x13b: {  	s17 =	sadd.s32 $0x30, s5;
	s20 =	simm.s32 $0x11E18  }
0x13c: {  	[hbm4b:s17+s3] =	stream.linear.scatter [tilespmem:s20], [sflag:$0x5], $0x80, $0x38;
	[tilespmem:$0x15800] =	vst v63  }
0x13d: {  	s21 =	sadd.s32 $0x40, s5;
	s22 =	simm.s32 $0x11EA0  }
0x13e: {  	[hbm4b:s21+s3] =	stream.linear.scatter [tilespmem:s22], [sflag:$0x5], $0x80, $0x38;
	[tilespmem:$0x15800] =	vst v63  }
0x13f: {  	s17 =	sadd.s32 $0x50, s5;
	s20 =	simm.s32 $0x11F28  }
0x140: {  	[hbm4b:s17+s3] =	stream.linear.scatter [tilespmem:s20], [sflag:$0x5], $0x80, $0x38;
	[tilespmem:$0x15800] =	vst v63  }
0x141: {  	s21 =	sadd.s32 $0x60, s5;
	s22 =	simm.s32 $0x11FB0  }
0x142: {  	[hbm4b:s21+s3] =	stream.linear.scatter [tilespmem:s22], [sflag:$0x5], $0x80, $0x38;
	[tilespmem:$0x15800] =	vst v63  }
0x143: {  	s5 =	sadd.s32 $0x70, s5;
	s17 =	simm.s32 $0x12038  }
0x144: {  	[hbm4b:s5+s3] =	stream.linear.scatter [tilespmem:s17], [sflag:$0x5], $0x80, $0x38;
	[tilespmem:$0x15800] =	vst v63  }
0x145: {  	s20 =	simm.s32 $0x120C0;
	s5 =	sadd.s32 s11, s9  }
0x146: {  	[hbm4b:s5+s3] =	stream.linear.scatter [tilespmem:s20], [sflag:$0x5], $0x80, $0x38;
	[tilespmem:$0x15800] =	vst v63  }
0x147: {  	s22 =	simm.s32 $0x12148;
	s21 =	sadd.s32 $0x10, s5  }
0x148: {  	[hbm4b:s21+s3] =	stream.linear.scatter [tilespmem:s22], [sflag:$0x5], $0x80, $0x38;
	[tilespmem:$0x15800] =	vst v63  }
0x149: {  	s17 =	sadd.s32 $0x20, s5;
	s20 =	simm.s32 $0x121D0  }
0x14a: {  	[hbm4b:s17+s3] =	stream.linear.scatter [tilespmem:s20], [sflag:$0x5], $0x80, $0x38;
	[tilespmem:$0x15800] =	vst v63  }
0x14b: {  	s21 =	sadd.s32 $0x30, s5;
	s22 =	simm.s32 $0x12258  }
0x14c: {  	[hbm4b:s21+s3] =	stream.linear.scatter [tilespmem:s22], [sflag:$0x5], $0x80, $0x38;
	[tilespmem:$0x15800] =	vst v63  }
0x14d: {  	s17 =	sadd.s32 $0x40, s5;
	s20 =	simm.s32 $0x122E0  }
0x14e: {  	[hbm4b:s17+s3] =	stream.linear.scatter [tilespmem:s20], [sflag:$0x5], $0x80, $0x38;
	[tilespmem:$0x15800] =	vst v63  }
0x14f: {  	s21 =	sadd.s32 $0x50, s5;
	s22 =	simm.s32 $0x12368  }
0x150: {  	[hbm4b:s21+s3] =	stream.linear.scatter [tilespmem:s22], [sflag:$0x5], $0x80, $0x38;
	[tilespmem:$0x15800] =	vst v63  }
0x151: {  	s20 =	sadd.s32 $0x60, s5;
	s21 =	simm.s32 $0x123F0  }
0x152: {  	[hbm4b:s20+s3] =	stream.linear.scatter [tilespmem:s21], [sflag:$0x5], $0x80, $0x38;
	[tilespmem:$0x15800] =	vst v63  }
0x153: {  	s5 =	sadd.s32 $0x70, s5;
	s22 =	simm.s32 $0x12478  }
0x154: {  	[hbm4b:s5+s3] =	stream.linear.scatter [tilespmem:s22], [sflag:$0x5], $0x80, $0x38;
	[tilespmem:$0x15800] =	vst v63  }
0x155: {  	s14 =	sadd.s32 $0x7180, s14;
	s17 =	simm.s32 $0x10400  }
0x156: {  	[tilespmem:s17], [sflag:$0x4] =	stream.indirect.gather [hbm4b:s4+s12], $0x20, s14, s12, $0xb8;
	[tilespmem:$0x15800] =	vst v63  }
0x157: {  	_ =	swait.ge [sflag:s1], $0x1000  }
0x158: {  	[sflag:s1] =	ssyncset.done $0x0  }
0x159: {  	s5 =	simm.s32 @!p0 $0x6;
	[sflag:s1] =	ssyncadd.s32 $0xFFFFF000  }
0x15a: {  	_ =	swait.ge @!p0 [sflag:s5], $0x400  }
0x15b: {  	[sflag:s5] =	ssyncset.done @!p0 $0x0  }
0x15c: {  	[sflag:s5] =	ssyncadd.s32 @!p0 $0xFFFFFC00  }
0x15d: {  	_ =	swait.ge @!p0 [sflag:s5], $0x400  }
0x15e: {  	[sflag:s5] =	ssyncset.done @!p0 $0x0  }
0x15f: {  	[sflag:s5] =	ssyncadd.s32 @!p0 $0xFFFFFC00  }
0x160: {  	_ =	swait.ge @!p0 [sflag:s5], $0x400  }
0x161: {  	[sflag:s5] =	ssyncset.done @!p0 $0x0  }
0x162: {  	[sflag:s5] =	ssyncadd.s32 @!p0 $0xFFFFFC00  }
0x163: {  	_ =	swait.ge @!p0 [sflag:s5], $0x400  }
0x164: {  	[sflag:s5] =	ssyncset.done @!p0 $0x0  }
0x165: {  	s14 =	simm.s32 $0xE470;
	[sflag:s5] =	ssyncadd.s32 @!p0 $0xFFFFFC00  }
0x166: {  	v3 =	vld [tilespmem:s14+$0xFFFFFFF0];
	_ =	sdelay $0x1  }
0x167: {  	v4 =	vld [tilespmem:s14+$0xFFFFFF90]  }
0x168: {  	v5 =	vld [tilespmem:s14+$0xFFFFFFB0];
	_ =	sdelay $0x1  }
0x169: {  	v3 =	vmul.f32 $-2.000000000e+00, v3;
	_ =	sdelay $0x1  }
0x16a: {  	v6 =	vld [tilespmem:s14+$0xFFFFFFD0];
	v4 =	vmul.f32 $-2.000000000e+00, v4;
	v3 =	vmin.f32 v3, $2.000000000e+01  }
0x16b: {  	v5 =	vmul.f32 $-2.000000000e+00, v5;
	v3 =	vmul.f32 $1.442695020e+00, v3  }
0x16c: {  	v4 =	vmin.f32 v4, $2.000000000e+01  }
0x16d: {  	(erf) = vpow2.f32 v3;
	v3 =	vmul.f32 $1.442695020e+00, v4;
	v4 =	vmin.f32 v5, $2.000000000e+01  }
0x16e: {  	v4 =	vmul.f32 $1.442695020e+00, v4  }
0x16f: {  	(erf) = vpow2.f32 v3;
	v3 =	vmul.f32 $-2.000000000e+00, v6;
	_ =	sdelay $0x1  }
0x170: {  	(erf) = vpow2.f32 v4;
	v3 =	vmin.f32 v3, $2.000000000e+01  }
0x171: {  	v3 =	vmul.f32 $1.442695020e+00, v3;
	_ =	sdelay $0x1  }
0x172: {  	(erf) = vpow2.f32 v3;
	_ =	sdelay $0x1  }
0x173: {  	v3 =	vpop (erf)  }
0x174: {  	v4 =	vadd.f32 $1.000000000e+00, v3  }
0x175: {  	v5 =	vpop (erf)  }
0x176: {  	(erf) = vrcp.f32 v4;
	v4 =	vadd.f32 $1.000000000e+00, v5  }
0x177: {  	v6 =	vpop (erf)  }
0x178: {  	s17 =	simm.s32 $0xE4F0;
	v7 =	vadd.f32 $1.000000000e+00, v6;
	(erf) = vrcp.f32 v4  }
0x179: {  	v4 =	vld [tilespmem:s17+$0xFFFFFFF0]  }
0x17a: {  	s20 =	simm.s32 $0x3;
	(erf) = vrcp.f32 v7;
	v11 =	vpop (erf)  }
0x17b: {  	v7 =	vmov s20;
	v8 =	vadd.f32 $1.000000000e+00, v11  }
0x17c: {  	s21 =	simm.s32 $0x0;
	s22 =	simm.s32 $0x1;
	v9 =	vld [tilespmem:s17+$0xFFFFFF90];
	v10 =	vand.u32 $0x7F, v7  }
0x17d: {  	v14 =	vmov s22;
	v7 =	vmov s21;
	v13 =	vadd.s32 v0, v10  }
0x17e: {  	v12 =	vld [tilespmem:s17+$0xFFFFFFB0];
	v3 =	vsub.f32 $1.000000000e+00, v3;
	v7 =	vand.u32 $0x7C, v7;
	v4 =	vmul.f32 $-2.000000000e+00, v4  }
0x17f: {  	v5 =	vsub.f32 $1.000000000e+00, v5;
	v16 =	vadd.s32 v0, v7;
	(erf) = vrcp.f32 v8;
	v8 =	vpop (erf)  }
0x180: {  	v15 =	vld [tilespmem:s17+$0xFFFFFFD0];
	v4 =	vmin.f32 v4, $2.000000000e+01;
	v3 =	vmul.f32 v8, v3;
	v8 =	vand.u32 $0x7D, v14  }
0x181: {  	v9 =	vmul.f32 $-2.000000000e+00, v9;
	v4 =	vmul.f32 $1.442695020e+00, v4;
	v14 =	vadd.s32 v0, v8;
	v17 =	vpop (erf)  }
0x182: {  	v6 =	vsub.f32 $1.000000000e+00, v6;
	[tilespmem:v13+s0+$0x0] =	vst.idx.msk $0xffff, v3;
	v3 =	vmul.f32 v17, v5  }
0x183: {  	v12 =	vmul.f32 $-2.000000000e+00, v12;
	v5 =	vmin.f32 v9, $2.000000000e+01;
	v17 =	vpop (erf);
	(erf) = vpow2.f32 v4  }
0x184: {  	s13 =	simm.s32 $0x2;
	v13 =	vld [tilespmem:s14+$0x0];
	v5 =	vmul.f32 $1.442695020e+00, v5;
	[tilespmem:v16+s0+$0x0] =	vst.idx.msk $0xffff, v3;
	v3 =	vmul.f32 v17, v6  }
0x185: {  	v15 =	vmul.f32 $-2.000000000e+00, v15;
	v9 =	vmov s13;
	v6 =	vmin.f32 v12, $2.000000000e+01;
	v12 =	vld [tilespmem:s14+$0xFFFFFFA0]  }
0x186: {  	v9 =	vand.u32 $0x7E, v9;
	v6 =	vmul.f32 $1.442695020e+00, v6;
	(erf) = vpow2.f32 v5;
	[tilespmem:v14+s0+$0x0] =	vst.idx.msk $0xffff, v3  }
0x187: {  	v15 =	vmin.f32 v15, $2.000000000e+01;
	v4 =	vadd.s32 v0, v9;
	v3 =	vsub.f32 $1.000000000e+00, v11;
	v11 =	vld [tilespmem:s14+$0xFFFFFFC0]  }
0x188: {  	v5 =	vmul.f32 $1.442695020e+00, v15;
	v14 =	vpop (erf);
	(erf) = vpow2.f32 v6  }
0x189: {  	v13 =	vmul.f32 $-2.000000000e+00, v13;
	v3 =	vmul.f32 v14, v3  }
0x18a: {  	(erf) = vpow2.f32 v5;
	v6 =	vmul.f32 $-2.000000000e+00, v12  }
0x18b: {  	v5 =	vmin.f32 v13, $2.000000000e+01  }
0x18c: {  	[tilespmem:v4+s0+$0x0] =	vst.idx.msk $0xffff, v3;
	v5 =	vmul.f32 $1.442695020e+00, v5;
	v3 =	vmin.f32 v6, $2.000000000e+01;
	v6 =	vmul.f32 $-2.000000000e+00, v11  }
0x18d: {  	v11 =	vpop (erf);
	v3 =	vmul.f32 $1.442695020e+00, v3  }
0x18e: {  	v4 =	vld [tilespmem:s14+$0xFFFFFFE0];
	(erf) = vpow2.f32 v5;
	v5 =	vmin.f32 v6, $2.000000000e+01;
	v6 =	vadd.f32 $1.000000000e+00, v11  }
0x18f: {  	v12 =	vpop (erf);
	v5 =	vmul.f32 $1.442695020e+00, v5;
	(erf) = vpow2.f32 v3  }
0x190: {  	v13 =	vadd.f32 $1.000000000e+00, v12;
	(erf) = vrcp.f32 v6  }
0x191: {  	s14 =	simm.s32 $0x4;
	(erf) = vpow2.f32 v5  }
0x192: {  	v11 =	vsub.f32 $1.000000000e+00, v11;
	v3 =	vmov s14;
	v6 =	vpop (erf);
	(erf) = vrcp.f32 v13  }
0x193: {  	s22 =	simm.s32 $0x7;
	s14 =	simm.s32 $0xE570;
	v4 =	vmul.f32 $-2.000000000e+00, v4;
	v14 =	vadd.f32 $1.000000000e+00, v6;
	v13 =	vsub.f32 $1.000000000e+00, v6;
	v6 =	vpop (erf)  }
0x194: {  	s21 =	simm.s32 $0x6;
	v17 =	vmov s22;
	v16 =	vld [tilespmem:s14+$0xFFFFFFF0];
	v15 =	vsub.f32 $1.000000000e+00, v6;
	v6 =	vadd.f32 $1.000000000e+00, v6  }
0x195: {  	v19 =	vld [tilespmem:s14+$0xFFFFFF90];
	v4 =	vmin.f32 v4, $2.000000000e+01;
	(erf) = vrcp.f32 v14;
	v14 =	vmov s21  }
0x196: {  	s20 =	simm.s32 $0x5;
	v20 =	vld [tilespmem:s14+$0xFFFFFFB0];
	v4 =	vmul.f32 $1.442695020e+00, v4;
	(erf) = vrcp.f32 v6;
	v6 =	vand.u32 $0x7F, v17  }
0x197: {  	v3 =	vand.u32 $0x7C, v3;
	v5 =	vmov s20;
	v18 =	vpop (erf);
	v22 =	vadd.s32 v0, v6  }
0x198: {  	(erf) = vpow2.f32 v4;
	v4 =	vand.u32 $0x7D, v5;
	v5 =	vand.u32 $0x7E, v14;
	v14 =	vpop (erf)  }
0x199: {  	v23 =	vld [tilespmem:s14+$0xFFFFFFD0];
	v21 =	vadd.s32 v0, v3;
	v56 =	vpop (erf)  }
0x19a: {  	v12 =	vsub.f32 $1.000000000e+00, v12;
	v16 =	vmul.f32 $-2.000000000e+00, v16;
	v11 =	vmul.f32 v56, v11;
	v58 =	vpop (erf)  }
0x19b: {  	v19 =	vmul.f32 $-2.000000000e+00, v19;
	v20 =	vmul.f32 $-2.000000000e+00, v20;
	v17 =	vadd.f32 $1.000000000e+00, v18;
	v60 =	vpop (erf)  }
0x19c: {  	v16 =	vmin.f32 v16, $2.000000000e+01;
	v57 =	vadd.f32 $1.000000000e+00, v14;
	v12 =	vmul.f32 v60, v12;
	[tilespmem:v22+s0+$0x0] =	vst.idx.msk $0xffff, v11  }
0x19d: {  	v16 =	vmul.f32 $1.442695020e+00, v16;
	(erf) = vrcp.f32 v17;
	v17 =	vadd.s32 v0, v4;
	v22 =	vld [tilespmem:s17+$0x0]  }
0x19e: {  	(erf) = vrcp.f32 v57;
	v11 =	vmin.f32 v19, $2.000000000e+01;
	v19 =	vmul.f32 $-2.000000000e+00, v23;
	[tilespmem:v21+s0+$0x0] =	vst.idx.msk $0xffff, v12  }
0x19f: {  	(erf) = vpow2.f32 v16;
	v11 =	vmul.f32 $1.442695020e+00, v11;
	v23 =	vpop (erf);
	v16 =	vld [tilespmem:s17+$0xFFFFFFA0]  }
0x1a0: {  	v10 =	vadd.s32 v2, v10;
	v8 =	vadd.s32 v2, v8;
	v12 =	vmul.f32 v23, v13  }
0x1a1: {  	v59 =	vadd.s32 v0, v5;
	v13 =	vmin.f32 v20, $2.000000000e+01;
	(erf) = vpow2.f32 v11  }
0x1a2: {  	v19 =	vmin.f32 v19, $2.000000000e+01;
	v13 =	vmul.f32 $1.442695020e+00, v13;
	[tilespmem:v17+s0+$0x0] =	vst.idx.msk $0xffff, v12;
	v21 =	vmul.f32 $-2.000000000e+00, v22  }
0x1a3: {  	v9 =	vadd.s32 v2, v9;
	v61 =	vadd.f32 $1.000000000e+00, v58;
	v19 =	vmul.f32 $1.442695020e+00, v19;
	v11 =	vld [tilespmem:s17+$0xFFFFFFC0]  }
0x1a4: {  	v20 =	vpop (erf);
	(erf) = vpow2.f32 v13;
	v13 =	vmul.f32 $-2.000000000e+00, v16;
	v16 =	vmin.f32 v21, $2.000000000e+01  }
0x1a5: {  	v15 =	vmul.f32 v20, v15;
	v17 =	vsub.f32 $1.000000000e+00, v18;
	v12 =	vpop (erf);
	v16 =	vmul.f32 $1.442695020e+00, v16  }
0x1a6: {  	v14 =	vsub.f32 $1.000000000e+00, v14;
	(erf) = vpow2.f32 v19;
	v18 =	vadd.f32 $1.000000000e+00, v12;
	v20 =	vpop (erf)  }
0x1a7: {  	[tilespmem:v59+s0+$0x0] =	vst.idx.msk $0xffff, v15;
	v21 =	vadd.s32 v2, v7;
	(erf) = vrcp.f32 v61;
	v20 =	vmul.f32 v20, v17  }
0x1a8: {  	v15 =	vld [tilespmem:s17+$0xFFFFFFE0];
	s17 =	simm.s32 $0x8;
	v7 =	vmin.f32 v13, $2.000000000e+01;
	(erf) = vrcp.f32 v18;
	v11 =	vmul.f32 $-2.000000000e+00, v11;
	v13 =	vpop (erf)  }
0x1a9: {  	v17 =	vmov s17;
	v18 =	vmul.f32 $1.442695020e+00, v7;
	(erf) = vpow2.f32 v16;
	v16 =	vpop (erf)  }
0x1aa: {  	v22 =	vsub.f32 $1.000000000e+00, v58;
	v7 =	vand.u32 $0x7C, v17;
	v11 =	vmin.f32 v11, $2.000000000e+01;
	v23 =	vpop (erf)  }
0x1ab: {  	s21 =	simm.s32 $0xA;
	(erf) = vpow2.f32 v18;
	v17 =	vadd.f32 $1.000000000e+00, v16;
	v18 =	vadd.f32 $1.000000000e+00, v23  }
0x1ac: {  	v12 =	vsub.f32 $1.000000000e+00, v12;
	[tilespmem:v10+s0+$0x0] =	vst.idx.msk $0xffff, v20;
	v20 =	vmov s21;
	v11 =	vmul.f32 $1.442695020e+00, v11  }
0x1ad: {  	v15 =	vmul.f32 $-2.000000000e+00, v15;
	v19 =	vsub.f32 $1.000000000e+00, v23;
	v23 =	vpop (erf);
	(erf) = vrcp.f32 v17  }
0x1ae: {  	s20 =	simm.s32 $0x9;
	v14 =	vmul.f32 v13, v14;
	(erf) = vpow2.f32 v11;
	v11 =	vadd.f32 $1.000000000e+00, v23  }
0x1af: {  	v13 =	vmov s20;
	v62 =	vmin.f32 v15, $2.000000000e+01;
	(erf) = vrcp.f32 v18;
	v18 =	vpop (erf)  }
0x1b0: {  	v17 =	vsub.f32 $1.000000000e+00, v23;
	(erf) = vrcp.f32 v11;
	v23 =	vadd.f32 $1.000000000e+00, v18;
	v63 =	vpop (erf)  }
0x1b1: {  	s22 =	simm.s32 $0xB;
	s17 =	simm.s32 $0xE5F0;
	v15 =	vsub.f32 $1.000000000e+00, v18;
	v18 =	vmul.f32 $1.442695020e+00, v62;
	v11 =	vmul.f32 v63, v22;
	v22 =	vpop (erf)  }
0x1b2: {  	s21 =	simm.s32 $0x10;
	s20 =	simm.s32 $0xC;
	[tilespmem:v21+s0+$0x0] =	vst.idx.msk $0xffff, v14;
	v21 =	vld [tilespmem:s17+$0xFFFFFFF0];
	v14 =	vmov s22;
	(erf) = vrcp.f32 v23;
	v10 =	vpop (erf);
	v12 =	vmul.f32 v22, v12  }
.LBB2_7:
0x1b3: {  	p1 =	slt.u32 s21, $0x7C;
	v22 =	vld [tilespmem:s17+$0xFFFFFF90];
	v14 =	vand.u32 $0x7F, v14;
	v25 =	vadd.f32 $1.000000000e+00, v10;
	(erf) = vpow2.f32 v18;
	[tilespmem:v8+s0+$0x0] =	vst.idx.msk $0xffff, v11;
	v11 =	vmovc v5  }
0x1b4: {  	v18 =	vadd.s32 v0, v7;
	v24 =	vand.u32 $0x7D, v13;
	v8 =	vld [tilespmem:s17+$0xFFFFFFB0];
	v13 =	vadd.s32 v0, v14;
	[tilespmem:v9+s0+$0x0] =	vst.idx.msk $0xffff, v12  }
0x1b5: {  	v5 =	vand.u32 $0x7E, v20;
	v12 =	vsub.f32 $1.000000000e+00, v16;
	v9 =	vld [tilespmem:s17+$0xFFFFFFD0];
	v16 =	vpop (erf);
	(erf) = vrcp.f32 v25  }
0x1b6: {  	v20 =	vadd.s32 v0, v24;
	v23 =	vpop (erf);
	v25 =	vsub.f32 $1.000000000e+00, v16;
	v16 =	vadd.f32 $1.000000000e+00, v16  }
0x1b7: {  	v26 =	vadd.s32 v0, v5;
	v29 =	vmul.f32 $-2.000000000e+00, v21;
	v12 =	vmul.f32 v23, v12;
	v23 =	vpop (erf)  }
0x1b8: {  	v22 =	vmul.f32 $-2.000000000e+00, v22;
	v27 =	vpop (erf);
	v28 =	vadd.f32 $1.000000000e+00, v23;
	(erf) = vrcp.f32 v16  }
0x1b9: {  	v8 =	vmul.f32 $-2.000000000e+00, v8;
	v16 =	vmin.f32 v29, $2.000000000e+01;
	v19 =	vmul.f32 v27, v19;
	[tilespmem:v13+s0+$0x0] =	vst.idx.msk $0xffff, v12  }
0x1ba: {  	v12 =	vmin.f32 v22, $2.000000000e+01;
	v9 =	vmul.f32 $-2.000000000e+00, v9;
	v13 =	vmul.f32 $1.442695020e+00, v16;
	v16 =	vld [tilespmem:s14+$0x0];
	v21 =	vpop (erf)  }
0x1bb: {  	v12 =	vmul.f32 $1.442695020e+00, v12;
	v8 =	vmin.f32 v8, $2.000000000e+01;
	[tilespmem:v18+s0+$0x0] =	vst.idx.msk $0xffff, v19;
	v22 =	vmul.f32 v21, v17;
	v18 =	vpop (erf)  }
0x1bc: {  	v19 =	vadd.s32 v2, v6;
	v9 =	vmin.f32 v9, $2.000000000e+01;
	(erf) = vpow2.f32 v13;
	v13 =	vld [tilespmem:s14+$0xFFFFFFA0];
	v21 =	vpop (erf)  }
0x1bd: {  	v10 =	vsub.f32 $1.000000000e+00, v10;
	v6 =	vmovc v14;
	v8 =	vmul.f32 $1.442695020e+00, v8;
	v9 =	vmul.f32 $1.442695020e+00, v9;
	[tilespmem:v20+s0+$0x0] =	vst.idx.msk $0xffff, v22  }
0x1be: {  	v14 =	vmul.f32 v18, v15;
	v15 =	vadd.f32 $1.000000000e+00, v21;
	(erf) = vpow2.f32 v12;
	v12 =	vld [tilespmem:s14+$0xFFFFFFC0];
	v17 =	vpop (erf)  }
0x1bf: {  	v22 =	vsub.f32 $1.000000000e+00, v23;
	v16 =	vmul.f32 $-2.000000000e+00, v16;
	v17 =	vmul.f32 v17, v10  }
0x1c0: {  	v23 =	vsub.f32 $1.000000000e+00, v21;
	(erf) = vpow2.f32 v8;
	[tilespmem:v26+s0+$0x0] =	vst.idx.msk $0xffff, v14  }
0x1c1: {  	(erf) = vpow2.f32 v9;
	v8 =	vmul.f32 $-2.000000000e+00, v13;
	v9 =	vld [tilespmem:s14+$0xFFFFFFE0];
	v13 =	vmin.f32 v16, $2.000000000e+01;
	[tilespmem:v19+s0+$0x0] =	vst.idx.msk $0xffff, v17;
	v10 =	vpop (erf);
	s14 =	smov.u32 s17  }
0x1c2: {  	v14 =	vadd.s32 v2, v3;
	v3 =	vmovc v7;
	v13 =	vmul.f32 $1.442695020e+00, v13;
	(erf) = vrcp.f32 v28  }
0x1c3: {  	v7 =	vmin.f32 v8, $2.000000000e+01;
	v8 =	vmul.f32 $-2.000000000e+00, v12;
	(erf) = vrcp.f32 v15  }
0x1c4: {  	v12 =	vmov s20;
	v15 =	vmul.f32 $1.442695020e+00, v7;
	(erf) = vpow2.f32 v13  }
0x1c5: {  	v10 =	vmul.f32 v10, v25;
	v7 =	vand.u32 $0x7C, v12;
	v16 =	vpop (erf);
	v8 =	vmin.f32 v8, $2.000000000e+01  }
0x1c6: {  	s5 =	sadd.s32 $0x1, s20;
	v20 =	vadd.f32 $1.000000000e+00, v16;
	v17 =	vmul.f32 $1.442695020e+00, v8;
	v9 =	vmul.f32 $-2.000000000e+00, v9  }
0x1c7: {  	v13 =	vmov s5;
	v8 =	vadd.s32 v2, v4;
	v18 =	vpop (erf);
	(erf) = vpow2.f32 v15;
	[tilespmem:v14+s0+$0x0] =	vst.idx.msk $0xffff, v10  }
0x1c8: {  	v4 =	vmovc v24;
	v19 =	vsub.f32 $1.000000000e+00, v18;
	v15 =	vadd.f32 $1.000000000e+00, v18;
	(erf) = vrcp.f32 v20  }
.Ltmp2:
0x1c9: {  	v14 =	vmin.f32 v9, $2.000000000e+01;
	v9 =	vadd.s32 v2, v11;
	v12 =	vpop (erf);
	(erf) = vpow2.f32 v17;
	(pc) =	sbr.rel @p1 .LBB2_7-.Ltmp2, $4  }
0x1ca: {  	v17 =	vsub.f32 $1.000000000e+00, v12;
	v11 =	vadd.f32 $1.000000000e+00, v12;
	(erf) = vrcp.f32 v15;
	v10 =	vpop (erf)  }
0x1cb: {  	s5 =	sadd.s32 $0x2, s20;
	v18 =	vmul.f32 $1.442695020e+00, v14;
	v15 =	vsub.f32 $1.000000000e+00, v10;
	v24 =	vadd.f32 $1.000000000e+00, v10;
	v12 =	vpop (erf)  }
0x1cc: {  	s17 =	sadd.s32 $0x80, s17;
	v20 =	vmov s5;
	s5 =	sadd.s32 $0x3, s20;
	s20 =	smov.u32 s21;
	(erf) = vrcp.f32 v11;
	v11 =	vmul.f32 v12, v22;
	v12 =	vpop (erf)  }
0x1cd: {  	s21 =	sadd.s32 $0x4, s21;
	v14 =	vmov s5;
	v21 =	vld [tilespmem:s17+$0xFFFFFFF0];
	(erf) = vrcp.f32 v24;
	v10 =	vpop (erf);
	v12 =	vmul.f32 v12, v23  }
0x1ce: {  	v22 =	vld [tilespmem:s17+$0xFFFFFF90]  }
0x1cf: {  	v23 =	vld [tilespmem:s17+$0xFFFFFFB0];
	v16 =	vsub.f32 $1.000000000e+00, v16  }
0x1d0: {  	v14 =	vand.u32 $0x7F, v14;
	v24 =	vadd.f32 $1.000000000e+00, v10;
	(erf) = vpow2.f32 v18  }
0x1d1: {  	v26 =	vadd.s32 v0, v7;
	v13 =	vand.u32 $0x7D, v13;
	v27 =	vld [tilespmem:s17+$0xFFFFFFD0];
	v25 =	vadd.s32 v0, v14;
	v18 =	vpop (erf)  }
0x1d2: {  	(erf) = vrcp.f32 v24;
	v43 =	vpop (erf);
	v28 =	vadd.f32 $1.000000000e+00, v18;
	v21 =	vmul.f32 $-2.000000000e+00, v21  }
0x1d3: {  	v29 =	vadd.s32 v0, v13;
	v24 =	vmul.f32 v43, v16;
	v16 =	vpop (erf);
	v22 =	vmul.f32 $-2.000000000e+00, v22  }
0x1d4: {  	v30 =	vpop (erf);
	(erf) = vrcp.f32 v28;
	v23 =	vmul.f32 $-2.000000000e+00, v23;
	v21 =	vmin.f32 v21, $2.000000000e+01  }
0x1d5: {  	v19 =	vmul.f32 v30, v19;
	v22 =	vmin.f32 v22, $2.000000000e+01;
	v21 =	vmul.f32 $1.442695020e+00, v21  }
0x1d6: {  	v44 =	vmul.f32 $-2.000000000e+00, v27;
	[tilespmem:v25+s0+$0x0] =	vst.idx.msk $0xffff, v24;
	v45 =	vpop (erf);
	v22 =	vmul.f32 $1.442695020e+00, v22  }
0x1d7: {  	v25 =	vld [tilespmem:s14+$0x0];
	v23 =	vmin.f32 v23, $2.000000000e+01;
	[tilespmem:v26+s0+$0x0] =	vst.idx.msk $0xffff, v19;
	v17 =	vmul.f32 v45, v17;
	(erf) = vpow2.f32 v21  }
0x1d8: {  	v46 =	vmin.f32 v44, $2.000000000e+01;
	v23 =	vmul.f32 $1.442695020e+00, v23;
	v47 =	vld [tilespmem:s14+$0xFFFFFFA0]  }
0x1d9: {  	v19 =	vmul.f32 $1.442695020e+00, v46;
	[tilespmem:v29+s0+$0x0] =	vst.idx.msk $0xffff, v17;
	(erf) = vpow2.f32 v22  }
0x1da: {  	v48 =	vld [tilespmem:s14+$0xFFFFFFC0];
	(erf) = vpow2.f32 v23  }
0x1db: {  	(erf) = vpow2.f32 v19  }
0x1dc: {  	v52 =	vadd.f32 $1.000000000e+00, v16;
	v51 =	vpop (erf);
	v17 =	vand.u32 $0x7E, v20;
	v49 =	vmul.f32 $-2.000000000e+00, v25  }
0x1dd: {  	v15 =	vmul.f32 v51, v15;
	v50 =	vadd.s32 v0, v17;
	v25 =	vpop (erf);
	v21 =	vmul.f32 $-2.000000000e+00, v47  }
0x1de: {  	v53 =	vadd.f32 $1.000000000e+00, v25;
	v26 =	vpop (erf);
	(erf) = vrcp.f32 v52;
	v20 =	vmin.f32 v49, $2.000000000e+01  }
0x1df: {  	v27 =	vpop (erf);
	v20 =	vmul.f32 $1.442695020e+00, v20;
	v21 =	vmin.f32 v21, $2.000000000e+01;
	v22 =	vmul.f32 $-2.000000000e+00, v48  }
0x1e0: {  	(erf) = vrcp.f32 v53;
	v21 =	vmul.f32 $1.442695020e+00, v21;
	v54 =	vpop (erf)  }
0x1e1: {  	(erf) = vpow2.f32 v20;
	v55 =	vmin.f32 v22, $2.000000000e+01;
	v56 =	vadd.f32 $1.000000000e+00, v54  }
0x1e2: {  	v57 =	vmul.f32 $1.442695020e+00, v55;
	v58 =	vpop (erf);
	(erf) = vpow2.f32 v21  }
0x1e3: {  	[tilespmem:v50+s0+$0x0] =	vst.idx.msk $0xffff, v15;
	v60 =	vadd.f32 $1.000000000e+00, v58;
	v61 =	vpop (erf);
	(erf) = vrcp.f32 v56  }
0x1e4: {  	v59 =	vld [tilespmem:s14+$0xFFFFFFE0];
	v62 =	vadd.f32 $1.000000000e+00, v61;
	v63 =	vpop (erf);
	(erf) = vpow2.f32 v57  }
0x1e5: {  	v39 =	vadd.f32 $1.000000000e+00, v63;
	(erf) = vrcp.f32 v60  }
0x1e6: {  	s5 =	sadd.s32 $0x3, s20;
	(erf) = vrcp.f32 v62  }
0x1e7: {  	v41 =	vmov s5;
	(erf) = vrcp.f32 v39  }
0x1e8: {  	v28 =	vand.u32 $0x7F, v41;
	v15 =	vpop (erf)  }
0x1e9: {  	v40 =	vmov s20;
	v32 =	vadd.s32 v0, v28;
	s14 =	sadd.s32 $0x1, s20;
	s20 =	sadd.s32 $0x2, s20;
	v20 =	vmul.f32 $-2.000000000e+00, v59;
	v29 =	vpop (erf)  }
0x1ea: {  	v42 =	vmov s14;
	v34 =	vmov s20;
	v21 =	vand.u32 $0x7C, v40;
	v31 =	vpop (erf)  }
0x1eb: {  	v23 =	vsub.f32 $1.000000000e+00, v54;
	v30 =	vand.u32 $0x7D, v42;
	v20 =	vmin.f32 v20, $2.000000000e+01;
	v33 =	vpop (erf)  }
0x1ec: {  	v34 =	vand.u32 $0x7E, v34;
	v35 =	vadd.s32 v0, v21;
	v20 =	vmul.f32 $1.442695020e+00, v20;
	v36 =	vpop (erf)  }
0x1ed: {  	v19 =	vsub.f32 $1.000000000e+00, v58;
	v37 =	vadd.s32 v0, v30;
	v23 =	vmul.f32 v36, v23;
	v36 =	vpop (erf)  }
0x1ee: {  	v43 =	vadd.s32 v0, v34;
	v22 =	vsub.f32 $1.000000000e+00, v61;
	(erf) = vpow2.f32 v20;
	v38 =	vpop (erf)  }
0x1ef: {  	v24 =	vsub.f32 $1.000000000e+00, v63;
	v19 =	vmul.f32 v38, v19;
	v44 =	vpop (erf)  }
0x1f0: {  	[tilespmem:v32+s0+$0x0] =	vst.idx.msk $0xffff, v23;
	v22 =	vmul.f32 v44, v22;
	v45 =	vpop (erf)  }
0x1f1: {  	v32 =	vld [tilespmem:s17+$0x0];
	[tilespmem:v35+s0+$0x0] =	vst.idx.msk $0xffff, v19;
	v46 =	vmul.f32 v45, v24  }
0x1f2: {  	v47 =	vld [tilespmem:s17+$0xFFFFFFA0];
	[tilespmem:v37+s0+$0x0] =	vst.idx.msk $0xffff, v22  }
0x1f3: {  	v48 =	vadd.f32 $1.000000000e+00, v31;
	v22 =	vld [tilespmem:s17+$0xFFFFFFC0];
	[tilespmem:v43+s0+$0x0] =	vst.idx.msk $0xffff, v46  }
0x1f4: {  	v49 =	vadd.f32 $1.000000000e+00, v33;
	v20 =	vld [tilespmem:s17+$0xFFFFFFE0]  }
0x1f5: {  	(erf) = vrcp.f32 v48;
	v50 =	vadd.f32 $1.000000000e+00, v36  }
0x1f6: {  	(erf) = vrcp.f32 v49;
	v32 =	vmul.f32 $-2.000000000e+00, v32  }
0x1f7: {  	(erf) = vrcp.f32 v50;
	v24 =	vpop (erf);
	v23 =	vmul.f32 $-2.000000000e+00, v47  }
0x1f8: {  	v32 =	vmin.f32 v32, $2.000000000e+01;
	v51 =	vadd.f32 $1.000000000e+00, v24;
	v22 =	vmul.f32 $-2.000000000e+00, v22  }
0x1f9: {  	v32 =	vmul.f32 $1.442695020e+00, v32;
	v52 =	vmin.f32 v23, $2.000000000e+01;
	v20 =	vmul.f32 $-2.000000000e+00, v20  }
0x1fa: {  	(erf) = vrcp.f32 v51;
	v19 =	vmul.f32 $1.442695020e+00, v52;
	v22 =	vmin.f32 v22, $2.000000000e+01  }
0x1fb: {  	(erf) = vpow2.f32 v32;
	v22 =	vmul.f32 $1.442695020e+00, v22;
	v20 =	vmin.f32 v20, $2.000000000e+01  }
0x1fc: {  	(erf) = vpow2.f32 v19;
	v53 =	vmul.f32 $1.442695020e+00, v20  }
0x1fd: {  	(erf) = vpow2.f32 v22  }
0x1fe: {  	(erf) = vpow2.f32 v53;
	_ =	sdelay $0x1  }
0x1ff: {  	v54 =	vpop (erf)  }
0x200: {  	v55 =	vpop (erf)  }
0x201: {  	v56 =	vpop (erf)  }
0x202: {  	v57 =	vpop (erf)  }
0x203: {  	v6 =	vadd.s32 v2, v6;
	v32 =	vpop (erf)  }
0x204: {  	v3 =	vadd.s32 v2, v3;
	v4 =	vadd.s32 v2, v4;
	v59 =	vadd.f32 $1.000000000e+00, v32;
	v60 =	vpop (erf)  }
0x205: {  	v5 =	vadd.s32 v2, v5;
	v18 =	vsub.f32 $1.000000000e+00, v18;
	v61 =	vadd.f32 $1.000000000e+00, v60;
	v62 =	vpop (erf)  }
0x206: {  	v41 =	vsub.f32 $1.000000000e+00, v16;
	(erf) = vrcp.f32 v59;
	v63 =	vadd.f32 $1.000000000e+00, v62;
	v39 =	vpop (erf)  }
0x207: {  	v58 =	vsub.f32 $1.000000000e+00, v10;
	(erf) = vrcp.f32 v61;
	v40 =	vadd.f32 $1.000000000e+00, v39  }
0x208: {  	[tilespmem:v8+s0+$0x0] =	vst.idx.msk $0xffff, v11;
	v18 =	vmul.f32 v27, v18;
	v42 =	vsub.f32 $1.000000000e+00, v25;
	(erf) = vrcp.f32 v63  }
0x209: {  	[tilespmem:v9+s0+$0x0] =	vst.idx.msk $0xffff, v12;
	v10 =	vmul.f32 v26, v58;
	v43 =	vadd.s32 v2, v14;
	(erf) = vrcp.f32 v40  }
0x20a: {  	[tilespmem:v3+s0+$0x0] =	vst.idx.msk $0xffff, v18;
	v3 =	vmul.f32 v29, v42;
	v45 =	vsub.f32 $1.000000000e+00, v31;
	v46 =	vadd.s32 v2, v7  }
0x20b: {  	[tilespmem:v6+s0+$0x0] =	vst.idx.msk $0xffff, v10;
	v48 =	vadd.s32 v2, v13;
	v44 =	vmul.f32 v15, v41;
	v47 =	vsub.f32 $1.000000000e+00, v33  }
0x20c: {  	[tilespmem:v5+s0+$0x0] =	vst.idx.msk $0xffff, v3;
	v49 =	vsub.f32 $1.000000000e+00, v36;
	v50 =	vmul.f32 v54, v45;
	v51 =	vadd.s32 v2, v17  }
0x20d: {  	[tilespmem:v4+s0+$0x0] =	vst.idx.msk $0xffff, v44;
	v3 =	vsub.f32 $1.000000000e+00, v24;
	v52 =	vmul.f32 v55, v47;
	v53 =	vadd.s32 v2, v28  }
0x20e: {  	[tilespmem:v43+s0+$0x0] =	vst.idx.msk $0xffff, v50;
	v4 =	vmul.f32 v56, v49;
	v55 =	vadd.s32 v2, v21;
	v54 =	vsub.f32 $1.000000000e+00, v32  }
0x20f: {  	v58 =	vadd.s32 v2, v30;
	[tilespmem:v46+s0+$0x0] =	vst.idx.msk $0xffff, v52;
	v3 =	vmul.f32 v57, v3;
	v56 =	vsub.f32 $1.000000000e+00, v60;
	v57 =	vpop (erf)  }
0x210: {  	[tilespmem:v48+s0+$0x0] =	vst.idx.msk $0xffff, v4;
	v59 =	vsub.f32 $1.000000000e+00, v62;
	v61 =	vadd.s32 v2, v34;
	v6 =	vmul.f32 v57, v54;
	v60 =	vpop (erf)  }
0x211: {  	[tilespmem:v51+s0+$0x0] =	vst.idx.msk $0xffff, v3;
	v3 =	vsub.f32 $1.000000000e+00, v39;
	v5 =	vmul.f32 v60, v56;
	v62 =	vpop (erf)  }
0x212: {  	[tilespmem:v53+s0+$0x0] =	vst.idx.msk $0xffff, v6;
	v4 =	vmul.f32 v62, v59;
	v63 =	vpop (erf)  }
0x213: {  	[tilespmem:v55+s0+$0x0] =	vst.idx.msk $0xffff, v5;
	v3 =	vmul.f32 v63, v3  }
0x214: {  	s14 =	sadd.s32 s11, s2;
	[tilespmem:v58+s0+$0x0] =	vst.idx.msk $0xffff, v4  }
0x215: {  	s21 =	sadd.s32 $0x80, s14;
	[tilespmem:v61+s0+$0x0] =	vst.idx.msk $0xffff, v3  }
0x216: {  	[hbm4b:s21+s3] =	stream.linear.scatter [tilespmem:s0], [sflag:$0x6], $0x80, $0x38;
	[tilespmem:$0x15800] =	vst v63  }
0x217: {  	s13 =	simm.s32 $0x12588;
	s22 =	sadd.s32 $0x90, s14  }
0x218: {  	[hbm4b:s22+s3] =	stream.linear.scatter [tilespmem:s13], [sflag:$0x6], $0x80, $0x38;
	[tilespmem:$0x15800] =	vst v63  }
0x219: {  	s20 =	simm.s32 $0x12610;
	s17 =	sadd.s32 $0xA0, s14  }
0x21a: {  	[hbm4b:s17+s3] =	stream.linear.scatter [tilespmem:s20], [sflag:$0x6], $0x80, $0x38;
	[tilespmem:$0x15800] =	vst v63  }
0x21b: {  	s21 =	sadd.s32 $0xB0, s14;
	s22 =	simm.s32 $0x12698  }
0x21c: {  	[hbm4b:s21+s3] =	stream.linear.scatter [tilespmem:s22], [sflag:$0x6], $0x80, $0x38;
	[tilespmem:$0x15800] =	vst v63  }
0x21d: {  	s17 =	sadd.s32 $0xC0, s14;
	s20 =	simm.s32 $0x12720  }
0x21e: {  	[hbm4b:s17+s3] =	stream.linear.scatter [tilespmem:s20], [sflag:$0x6], $0x80, $0x38;
	[tilespmem:$0x15800] =	vst v63  }
0x21f: {  	s21 =	sadd.s32 $0xD0, s14;
	s22 =	simm.s32 $0x127A8  }
0x220: {  	[hbm4b:s21+s3] =	stream.linear.scatter [tilespmem:s22], [sflag:$0x6], $0x80, $0x38;
	[tilespmem:$0x15800] =	vst v63  }
0x221: {  	s17 =	sadd.s32 $0xE0, s14;
	s20 =	simm.s32 $0x12830  }
0x222: {  	[hbm4b:s17+s3] =	stream.linear.scatter [tilespmem:s20], [sflag:$0x6], $0x80, $0x38;
	[tilespmem:$0x15800] =	vst v63  }
0x223: {  	s21 =	sadd.s32 $0xF0, s14;
	s22 =	simm.s32 $0x128B8;
	s17 =	sor.u32 $0x4080, s11  }
0x224: {  	[hbm4b:s21+s3] =	stream.linear.scatter [tilespmem:s22], [sflag:$0x6], $0x80, $0x38;
	[tilespmem:$0x15800] =	vst v63  }
0x225: {  	s20 =	simm.s32 $0x12940;
	s5 =	sadd.s32 s2, s17  }
0x226: {  	[hbm4b:s5+s3] =	stream.linear.scatter [tilespmem:s20], [sflag:$0x6], $0x80, $0x38;
	[tilespmem:$0x15800] =	vst v63  }
0x227: {  	s21 =	sadd.s32 $0x10, s5;
	s22 =	simm.s32 $0x129C8  }
0x228: {  	[hbm4b:s21+s3] =	stream.linear.scatter [tilespmem:s22], [sflag:$0x6], $0x80, $0x38;
	[tilespmem:$0x15800] =	vst v63  }
0x229: {  	s17 =	sadd.s32 $0x20, s5;
	s20 =	simm.s32 $0x12A50  }
0x22a: {  	[hbm4b:s17+s3] =	stream.linear.scatter [tilespmem:s20], [sflag:$0x6], $0x80, $0x38;
	[tilespmem:$0x15800] =	vst v63  }
0x22b: {  	s21 =	sadd.s32 $0x30, s5;
	s22 =	simm.s32 $0x12AD8  }
0x22c: {  	[hbm4b:s21+s3] =	stream.linear.scatter [tilespmem:s22], [sflag:$0x6], $0x80, $0x38;
	[tilespmem:$0x15800] =	vst v63  }
0x22d: {  	s17 =	sadd.s32 $0x40, s5;
	s20 =	simm.s32 $0x12B60  }
0x22e: {  	[hbm4b:s17+s3] =	stream.linear.scatter [tilespmem:s20], [sflag:$0x6], $0x80, $0x38;
	[tilespmem:$0x15800] =	vst v63  }
0x22f: {  	s21 =	sadd.s32 $0x50, s5;
	s22 =	simm.s32 $0x12BE8  }
0x230: {  	[hbm4b:s21+s3] =	stream.linear.scatter [tilespmem:s22], [sflag:$0x6], $0x80, $0x38;
	[tilespmem:$0x15800] =	vst v63  }
0x231: {  	s20 =	sadd.s32 $0x60, s5;
	s21 =	simm.s32 $0x12C70  }
0x232: {  	[hbm4b:s20+s3] =	stream.linear.scatter [tilespmem:s21], [sflag:$0x6], $0x80, $0x38;
	[tilespmem:$0x15800] =	vst v63  }
0x233: {  	s5 =	sadd.s32 $0x70, s5;
	s17 =	sor.u32 $0x8080, s11;
	s22 =	simm.s32 $0x12CF8  }
0x234: {  	[hbm4b:s5+s3] =	stream.linear.scatter [tilespmem:s22], [sflag:$0x6], $0x80, $0x38;
	[tilespmem:$0x15800] =	vst v63  }
0x235: {  	s20 =	simm.s32 $0x12D80;
	s5 =	sadd.s32 s2, s17  }
0x236: {  	[hbm4b:s5+s3] =	stream.linear.scatter [tilespmem:s20], [sflag:$0x6], $0x80, $0x38;
	[tilespmem:$0x15800] =	vst v63  }
0x237: {  	s22 =	simm.s32 $0x12E08;
	s21 =	sadd.s32 $0x10, s5  }
0x238: {  	[hbm4b:s21+s3] =	stream.linear.scatter [tilespmem:s22], [sflag:$0x6], $0x80, $0x38;
	[tilespmem:$0x15800] =	vst v63  }
0x239: {  	s17 =	sadd.s32 $0x20, s5;
	s20 =	simm.s32 $0x12E90  }
0x23a: {  	[hbm4b:s17+s3] =	stream.linear.scatter [tilespmem:s20], [sflag:$0x6], $0x80, $0x38;
	[tilespmem:$0x15800] =	vst v63  }
0x23b: {  	s21 =	sadd.s32 $0x30, s5;
	s22 =	simm.s32 $0x12F18  }
0x23c: {  	[hbm4b:s21+s3] =	stream.linear.scatter [tilespmem:s22], [sflag:$0x6], $0x80, $0x38;
	[tilespmem:$0x15800] =	vst v63  }
0x23d: {  	s17 =	sadd.s32 $0x40, s5;
	s20 =	simm.s32 $0x12FA0  }
0x23e: {  	[hbm4b:s17+s3] =	stream.linear.scatter [tilespmem:s20], [sflag:$0x6], $0x80, $0x38;
	[tilespmem:$0x15800] =	vst v63  }
0x23f: {  	s21 =	sadd.s32 $0x50, s5;
	s22 =	simm.s32 $0x13028  }
0x240: {  	[hbm4b:s21+s3] =	stream.linear.scatter [tilespmem:s22], [sflag:$0x6], $0x80, $0x38;
	[tilespmem:$0x15800] =	vst v63  }
0x241: {  	s20 =	sadd.s32 $0x60, s5;
	s21 =	simm.s32 $0x130B0  }
0x242: {  	[hbm4b:s20+s3] =	stream.linear.scatter [tilespmem:s21], [sflag:$0x6], $0x80, $0x38;
	[tilespmem:$0x15800] =	vst v63  }
0x243: {  	s5 =	sadd.s32 $0x70, s5;
	s17 =	sor.u32 $0xC080, s11;
	s22 =	simm.s32 $0x13138  }
0x244: {  	[hbm4b:s5+s3] =	stream.linear.scatter [tilespmem:s22], [sflag:$0x6], $0x80, $0x38;
	[tilespmem:$0x15800] =	vst v63  }
0x245: {  	s20 =	simm.s32 $0x131C0;
	s5 =	sadd.s32 s2, s17  }
0x246: {  	[hbm4b:s5+s3] =	stream.linear.scatter [tilespmem:s20], [sflag:$0x6], $0x80, $0x38;
	[tilespmem:$0x15800] =	vst v63  }
0x247: {  	s22 =	simm.s32 $0x13248;
	s21 =	sadd.s32 $0x10, s5  }
0x248: {  	[hbm4b:s21+s3] =	stream.linear.scatter [tilespmem:s22], [sflag:$0x6], $0x80, $0x38;
	[tilespmem:$0x15800] =	vst v63  }
0x249: {  	s17 =	sadd.s32 $0x20, s5;
	s20 =	simm.s32 $0x132D0  }
0x24a: {  	[hbm4b:s17+s3] =	stream.linear.scatter [tilespmem:s20], [sflag:$0x6], $0x80, $0x38;
	[tilespmem:$0x15800] =	vst v63  }
0x24b: {  	s21 =	sadd.s32 $0x30, s5;
	s22 =	simm.s32 $0x13358  }
0x24c: {  	[hbm4b:s21+s3] =	stream.linear.scatter [tilespmem:s22], [sflag:$0x6], $0x80, $0x38;
	[tilespmem:$0x15800] =	vst v63  }
0x24d: {  	s17 =	sadd.s32 $0x40, s5;
	s20 =	simm.s32 $0x133E0  }
0x24e: {  	[hbm4b:s17+s3] =	stream.linear.scatter [tilespmem:s20], [sflag:$0x6], $0x80, $0x38;
	[tilespmem:$0x15800] =	vst v63  }
0x24f: {  	p1 =	sne.s32 s16, $0x31;
	s21 =	sadd.s32 $0x50, s5;
	s22 =	simm.s32 $0x13468  }
0x250: {  	[hbm4b:s21+s3] =	stream.linear.scatter [tilespmem:s22], [sflag:$0x6], $0x80, $0x38;
	[tilespmem:$0x15800] =	vst v63  }
.Ltmp3:
0x251: {  	_ = 	snop;
	(pc) =	sbr.rel @p1 .LBB2_10-.Ltmp3, $4  }
0x252: {  	s20 =	sadd.s32 $0x60, s5;
	s21 =	simm.s32 $0x134F0  }
0x253: {  	[hbm4b:s20+s3] =	stream.linear.scatter [tilespmem:s21], [sflag:$0x6], $0x80, $0x38;
	[tilespmem:$0x15800] =	vst v63  }
0x254: {  	s16 =	sadd.s32 $0x1, s16;
	s5 =	sadd.s32 $0x70, s5;
	s22 =	simm.s32 $0x13578  }
0x255: {  	[hbm4b:s5+s3] =	stream.linear.scatter [tilespmem:s22], [sflag:$0x6], $0x80, $0x38;
	[tilespmem:$0x15800] =	vst v63  }
.Ltmp4:
0x256: {  	(pc) =	sbr.rel .LBB2_11-.Ltmp4, $4  }
0x257: {  	_ = 	snop  }
0x258: {  	_ =	swait.ge [sflag:s24], $0x1000  }
0x259: {  	[sflag:s24] =	ssyncset.done $0x0  }
0x25a: {  	[sflag:s24] =	ssyncadd.s32 $0xFFFFF000  }
.LBB2_10:
0x25b: {  	s5 =	sshll.u32 s16, $0x9  }
0x25c: {  	s5 =	sand.u32 $0x3FFFFE00, s5  }
.Ltmp5:
0x25d: {  	s5 =	sadd.s32 $0x7000, s5;
	(pc) =	sbr.rel @p0 .LBB2_12-.Ltmp5, $4  }
0x25e: {  	[tilespmem:s15], [sflag:$0x1] =	stream.indirect.gather [hbm4b:s4+s12], $0x20, s5, s12, $0xb8;
	[tilespmem:$0x15800] =	vst v63  }
0x25f: {  	_ =	swait.ge [sflag:s24], $0x1000  }
0x260: {  	[sflag:s24] =	ssyncset.done $0x0  }
0x261: {  	[sflag:s24] =	ssyncadd.s32 $0xFFFFF000  }
.LBB2_11:
0x262: {  	_ =	swait.ge [sflag:s25], $0x400  }
0x263: {  	[sflag:s25] =	ssyncset.done $0x0  }
0x264: {  	[sflag:s25] =	ssyncadd.s32 $0xFFFFFC00  }
0x265: {  	_ =	swait.ge [sflag:s25], $0x400  }
0x266: {  	[sflag:s25] =	ssyncset.done $0x0  }
0x267: {  	[sflag:s25] =	ssyncadd.s32 $0xFFFFFC00  }
0x268: {  	_ =	swait.ge [sflag:s25], $0x400  }
0x269: {  	[sflag:s25] =	ssyncset.done $0x0  }
0x26a: {  	[sflag:s25] =	ssyncadd.s32 $0xFFFFFC00  }
0x26b: {  	_ =	swait.ge [sflag:s25], $0x400  }
0x26c: {  	[sflag:s25] =	ssyncset.done $0x0  }
0x26d: {  	[sflag:s25] =	ssyncadd.s32 $0xFFFFFC00  }
.LBB2_12:
0x26e: {  	s17 =	simm.s32 $0xF470  }
0x26f: {  	v3 =	vld [tilespmem:s17+$0xFFFFFFF0];
	_ =	sdelay $0x1  }
0x270: {  	v4 =	vld [tilespmem:s17+$0xFFFFFF90]  }
0x271: {  	v5 =	vld [tilespmem:s17+$0xFFFFFFB0];
	_ =	sdelay $0x1  }
0x272: {  	v3 =	vmul.f32 $-2.000000000e+00, v3;
	_ =	sdelay $0x1  }
0x273: {  	v6 =	vld [tilespmem:s17+$0xFFFFFFD0];
	v4 =	vmul.f32 $-2.000000000e+00, v4;
	v3 =	vmin.f32 v3, $2.000000000e+01  }
0x274: {  	v5 =	vmul.f32 $-2.000000000e+00, v5;
	v3 =	vmul.f32 $1.442695020e+00, v3  }
0x275: {  	v4 =	vmin.f32 v4, $2.000000000e+01  }
0x276: {  	(erf) = vpow2.f32 v3;
	v3 =	vmul.f32 $1.442695020e+00, v4;
	v4 =	vmin.f32 v5, $2.000000000e+01  }
0x277: {  	v4 =	vmul.f32 $1.442695020e+00, v4  }
0x278: {  	(erf) = vpow2.f32 v3;
	v3 =	vmul.f32 $-2.000000000e+00, v6;
	_ =	sdelay $0x1  }
0x279: {  	(erf) = vpow2.f32 v4;
	v3 =	vmin.f32 v3, $2.000000000e+01  }
0x27a: {  	v3 =	vmul.f32 $1.442695020e+00, v3;
	_ =	sdelay $0x1  }
0x27b: {  	(erf) = vpow2.f32 v3;
	_ =	sdelay $0x1  }
0x27c: {  	v3 =	vpop (erf)  }
0x27d: {  	v4 =	vadd.f32 $1.000000000e+00, v3  }
0x27e: {  	v5 =	vpop (erf)  }
0x27f: {  	(erf) = vrcp.f32 v4;
	v4 =	vadd.f32 $1.000000000e+00, v5  }
0x280: {  	v6 =	vpop (erf)  }
0x281: {  	s20 =	simm.s32 $0xF4F0;
	v7 =	vadd.f32 $1.000000000e+00, v6;
	(erf) = vrcp.f32 v4  }
0x282: {  	v4 =	vld [tilespmem:s20+$0xFFFFFFF0]  }
0x283: {  	s5 =	simm.s32 $0x3;
	(erf) = vrcp.f32 v7;
	v11 =	vpop (erf)  }
0x284: {  	v7 =	vmov s5;
	v8 =	vadd.f32 $1.000000000e+00, v11  }
0x285: {  	s21 =	simm.s32 $0x0;
	s22 =	simm.s32 $0x1;
	v9 =	vld [tilespmem:s20+$0xFFFFFF90];
	v10 =	vand.u32 $0x7F, v7  }
0x286: {  	v12 =	vld [tilespmem:s20+$0xFFFFFFB0];
	v14 =	vmov s22;
	v7 =	vmov s21;
	v13 =	vadd.s32 v0, v10  }
0x287: {  	v15 =	vld [tilespmem:s20+$0xFFFFFFD0];
	v3 =	vsub.f32 $1.000000000e+00, v3;
	v7 =	vand.u32 $0x7C, v7;
	v4 =	vmul.f32 $-2.000000000e+00, v4  }
0x288: {  	v5 =	vsub.f32 $1.000000000e+00, v5;
	v16 =	vadd.s32 v0, v7;
	(erf) = vrcp.f32 v8;
	v8 =	vpop (erf)  }
0x289: {  	v4 =	vmin.f32 v4, $2.000000000e+01;
	v3 =	vmul.f32 v8, v3;
	v8 =	vand.u32 $0x7D, v14  }
0x28a: {  	v9 =	vmul.f32 $-2.000000000e+00, v9;
	v4 =	vmul.f32 $1.442695020e+00, v4;
	v14 =	vadd.s32 v0, v8;
	v17 =	vpop (erf)  }
0x28b: {  	v12 =	vmul.f32 $-2.000000000e+00, v12;
	v6 =	vsub.f32 $1.000000000e+00, v6;
	[tilespmem:v13+s26+$0x0] =	vst.idx.msk $0xffff, v3;
	v3 =	vmul.f32 v17, v5  }
0x28c: {  	v15 =	vmul.f32 $-2.000000000e+00, v15;
	v5 =	vmin.f32 v9, $2.000000000e+01;
	v17 =	vpop (erf);
	(erf) = vpow2.f32 v4;
	v13 =	vld [tilespmem:s17+$0x0]  }
0x28d: {  	s13 =	simm.s32 $0x2;
	v5 =	vmul.f32 $1.442695020e+00, v5;
	[tilespmem:v16+s26+$0x0] =	vst.idx.msk $0xffff, v3;
	v3 =	vmul.f32 v17, v6  }
0x28e: {  	v9 =	vmov s13;
	v6 =	vmin.f32 v12, $2.000000000e+01;
	v12 =	vld [tilespmem:s17+$0xFFFFFFA0]  }
0x28f: {  	v15 =	vmin.f32 v15, $2.000000000e+01;
	v9 =	vand.u32 $0x7E, v9;
	(erf) = vpow2.f32 v5;
	[tilespmem:v14+s26+$0x0] =	vst.idx.msk $0xffff, v3  }
0x290: {  	v4 =	vadd.s32 v0, v9;
	v6 =	vmul.f32 $1.442695020e+00, v6;
	v3 =	vsub.f32 $1.000000000e+00, v11;
	v11 =	vld [tilespmem:s17+$0xFFFFFFC0]  }
0x291: {  	v5 =	vmul.f32 $1.442695020e+00, v15;
	v14 =	vpop (erf);
	v13 =	vmul.f32 $-2.000000000e+00, v13  }
0x292: {  	(erf) = vpow2.f32 v6;
	v3 =	vmul.f32 v14, v3  }
0x293: {  	(erf) = vpow2.f32 v5;
	v5 =	vmin.f32 v13, $2.000000000e+01;
	v6 =	vmul.f32 $-2.000000000e+00, v12  }
0x294: {  	v5 =	vmul.f32 $1.442695020e+00, v5  }
0x295: {  	[tilespmem:v4+s26+$0x0] =	vst.idx.msk $0xffff, v3;
	v3 =	vmin.f32 v6, $2.000000000e+01;
	v6 =	vmul.f32 $-2.000000000e+00, v11  }
0x296: {  	v11 =	vpop (erf);
	(erf) = vpow2.f32 v5;
	v3 =	vmul.f32 $1.442695020e+00, v3  }
0x297: {  	v4 =	vld [tilespmem:s17+$0xFFFFFFE0];
	v5 =	vmin.f32 v6, $2.000000000e+01;
	v6 =	vadd.f32 $1.000000000e+00, v11  }
0x298: {  	v12 =	vpop (erf);
	v5 =	vmul.f32 $1.442695020e+00, v5;
	(erf) = vpow2.f32 v3  }
0x299: {  	v13 =	vadd.f32 $1.000000000e+00, v12;
	(erf) = vrcp.f32 v6  }
0x29a: {  	s17 =	simm.s32 $0x4;
	(erf) = vpow2.f32 v5  }
0x29b: {  	v11 =	vsub.f32 $1.000000000e+00, v11;
	v3 =	vmov s17;
	v6 =	vpop (erf);
	(erf) = vrcp.f32 v13  }
0x29c: {  	s13 =	simm.s32 $0x7;
	s17 =	simm.s32 $0xF570;
	v4 =	vmul.f32 $-2.000000000e+00, v4;
	v14 =	vadd.f32 $1.000000000e+00, v6;
	v13 =	vsub.f32 $1.000000000e+00, v6;
	v6 =	vpop (erf)  }
0x29d: {  	s22 =	simm.s32 $0x6;
	v17 =	vmov s13;
	v16 =	vld [tilespmem:s17+$0xFFFFFFF0];
	v15 =	vsub.f32 $1.000000000e+00, v6;
	v6 =	vadd.f32 $1.000000000e+00, v6  }
0x29e: {  	v19 =	vld [tilespmem:s17+$0xFFFFFF90];
	v4 =	vmin.f32 v4, $2.000000000e+01;
	(erf) = vrcp.f32 v14;
	v14 =	vmov s22  }
0x29f: {  	s21 =	simm.s32 $0x5;
	v20 =	vld [tilespmem:s17+$0xFFFFFFB0];
	v4 =	vmul.f32 $1.442695020e+00, v4;
	v18 =	vpop (erf);
	(erf) = vrcp.f32 v6;
	v6 =	vand.u32 $0x7F, v17  }
0x2a0: {  	v3 =	vand.u32 $0x7C, v3;
	v5 =	vmov s21;
	v22 =	vadd.s32 v0, v6  }
0x2a1: {  	(erf) = vpow2.f32 v4;
	v4 =	vand.u32 $0x7D, v5;
	v5 =	vand.u32 $0x7E, v14;
	v14 =	vpop (erf)  }
0x2a2: {  	v23 =	vld [tilespmem:s17+$0xFFFFFFD0];
	v21 =	vadd.s32 v0, v3;
	v24 =	vpop (erf)  }
0x2a3: {  	v12 =	vsub.f32 $1.000000000e+00, v12;
	v16 =	vmul.f32 $-2.000000000e+00, v16;
	v11 =	vmul.f32 v24, v11;
	v60 =	vpop (erf)  }
0x2a4: {  	v19 =	vmul.f32 $-2.000000000e+00, v19;
	v20 =	vmul.f32 $-2.000000000e+00, v20;
	v17 =	vadd.f32 $1.000000000e+00, v18;
	v27 =	vpop (erf)  }
0x2a5: {  	v16 =	vmin.f32 v16, $2.000000000e+01;
	v25 =	vadd.f32 $1.000000000e+00, v14;
	v12 =	vmul.f32 v27, v12;
	[tilespmem:v22+s26+$0x0] =	vst.idx.msk $0xffff, v11  }
0x2a6: {  	v16 =	vmul.f32 $1.442695020e+00, v16;
	(erf) = vrcp.f32 v17;
	v17 =	vadd.s32 v0, v4;
	v22 =	vld [tilespmem:s20+$0x0]  }
0x2a7: {  	(erf) = vrcp.f32 v25;
	v11 =	vmin.f32 v19, $2.000000000e+01;
	v19 =	vmul.f32 $-2.000000000e+00, v23;
	[tilespmem:v21+s26+$0x0] =	vst.idx.msk $0xffff, v12  }
0x2a8: {  	(erf) = vpow2.f32 v16;
	v11 =	vmul.f32 $1.442695020e+00, v11;
	v23 =	vpop (erf);
	v16 =	vld [tilespmem:s20+$0xFFFFFFA0]  }
0x2a9: {  	v10 =	vadd.s32 v2, v10;
	v8 =	vadd.s32 v2, v8;
	v12 =	vmul.f32 v23, v13  }
0x2aa: {  	v26 =	vadd.s32 v0, v5;
	v13 =	vmin.f32 v20, $2.000000000e+01;
	(erf) = vpow2.f32 v11  }
0x2ab: {  	v19 =	vmin.f32 v19, $2.000000000e+01;
	v13 =	vmul.f32 $1.442695020e+00, v13;
	[tilespmem:v17+s26+$0x0] =	vst.idx.msk $0xffff, v12;
	v21 =	vmul.f32 $-2.000000000e+00, v22  }
0x2ac: {  	v9 =	vadd.s32 v2, v9;
	v61 =	vadd.f32 $1.000000000e+00, v60;
	v19 =	vmul.f32 $1.442695020e+00, v19;
	v11 =	vld [tilespmem:s20+$0xFFFFFFC0]  }
0x2ad: {  	v20 =	vpop (erf);
	(erf) = vpow2.f32 v13;
	v13 =	vmul.f32 $-2.000000000e+00, v16;
	v16 =	vmin.f32 v21, $2.000000000e+01  }
0x2ae: {  	v15 =	vmul.f32 v20, v15;
	v17 =	vsub.f32 $1.000000000e+00, v18;
	v12 =	vpop (erf);
	v16 =	vmul.f32 $1.442695020e+00, v16  }
0x2af: {  	v14 =	vsub.f32 $1.000000000e+00, v14;
	(erf) = vpow2.f32 v19;
	v18 =	vadd.f32 $1.000000000e+00, v12;
	v20 =	vpop (erf)  }
0x2b0: {  	[tilespmem:v26+s26+$0x0] =	vst.idx.msk $0xffff, v15;
	v21 =	vadd.s32 v2, v7;
	(erf) = vrcp.f32 v61;
	v20 =	vmul.f32 v20, v17  }
0x2b1: {  	v15 =	vld [tilespmem:s20+$0xFFFFFFE0];
	s20 =	simm.s32 $0x8;
	v7 =	vmin.f32 v13, $2.000000000e+01;
	(erf) = vrcp.f32 v18;
	v11 =	vmul.f32 $-2.000000000e+00, v11;
	v13 =	vpop (erf)  }
0x2b2: {  	v17 =	vmov s20;
	v18 =	vmul.f32 $1.442695020e+00, v7;
	(erf) = vpow2.f32 v16;
	v16 =	vpop (erf)  }
0x2b3: {  	v22 =	vsub.f32 $1.000000000e+00, v60;
	v7 =	vand.u32 $0x7C, v17;
	v11 =	vmin.f32 v11, $2.000000000e+01;
	v23 =	vpop (erf)  }
0x2b4: {  	s22 =	simm.s32 $0xA;
	(erf) = vpow2.f32 v18;
	v17 =	vadd.f32 $1.000000000e+00, v16;
	v18 =	vadd.f32 $1.000000000e+00, v23  }
0x2b5: {  	v12 =	vsub.f32 $1.000000000e+00, v12;
	[tilespmem:v10+s26+$0x0] =	vst.idx.msk $0xffff, v20;
	v20 =	vmov s22;
	v11 =	vmul.f32 $1.442695020e+00, v11  }
0x2b6: {  	v15 =	vmul.f32 $-2.000000000e+00, v15;
	v19 =	vsub.f32 $1.000000000e+00, v23;
	v23 =	vpop (erf);
	(erf) = vrcp.f32 v17  }
0x2b7: {  	s21 =	simm.s32 $0x9;
	v14 =	vmul.f32 v13, v14;
	(erf) = vpow2.f32 v11;
	v11 =	vadd.f32 $1.000000000e+00, v23  }
0x2b8: {  	v13 =	vmov s21;
	v62 =	vmin.f32 v15, $2.000000000e+01;
	(erf) = vrcp.f32 v18;
	v18 =	vpop (erf)  }
0x2b9: {  	v17 =	vsub.f32 $1.000000000e+00, v23;
	(erf) = vrcp.f32 v11;
	v23 =	vadd.f32 $1.000000000e+00, v18;
	v63 =	vpop (erf)  }
0x2ba: {  	s13 =	simm.s32 $0xB;
	s20 =	simm.s32 $0xF5F0;
	v15 =	vsub.f32 $1.000000000e+00, v18;
	v18 =	vmul.f32 $1.442695020e+00, v62;
	v11 =	vmul.f32 v63, v22;
	v22 =	vpop (erf)  }
0x2bb: {  	s22 =	simm.s32 $0x10;
	s21 =	simm.s32 $0xC;
	[tilespmem:v21+s26+$0x0] =	vst.idx.msk $0xffff, v14;
	v21 =	vld [tilespmem:s20+$0xFFFFFFF0];
	v14 =	vmov s13;
	(erf) = vrcp.f32 v23;
	v10 =	vpop (erf);
	v12 =	vmul.f32 v22, v12  }
.LBB2_13:
0x2bc: {  	p2 =	slt.u32 s22, $0x7C;
	v22 =	vld [tilespmem:s20+$0xFFFFFF90];
	v14 =	vand.u32 $0x7F, v14;
	v25 =	vadd.f32 $1.000000000e+00, v10;
	(erf) = vpow2.f32 v18;
	[tilespmem:v8+s26+$0x0] =	vst.idx.msk $0xffff, v11;
	v11 =	vmovc v5  }
0x2bd: {  	v18 =	vadd.s32 v0, v7;
	v24 =	vand.u32 $0x7D, v13;
	v8 =	vld [tilespmem:s20+$0xFFFFFFB0];
	v13 =	vadd.s32 v0, v14;
	[tilespmem:v9+s26+$0x0] =	vst.idx.msk $0xffff, v12  }
0x2be: {  	v5 =	vand.u32 $0x7E, v20;
	v12 =	vsub.f32 $1.000000000e+00, v16;
	v9 =	vld [tilespmem:s20+$0xFFFFFFD0];
	v16 =	vpop (erf);
	(erf) = vrcp.f32 v25  }
0x2bf: {  	v20 =	vadd.s32 v0, v24;
	v23 =	vpop (erf);
	v25 =	vsub.f32 $1.000000000e+00, v16;
	v16 =	vadd.f32 $1.000000000e+00, v16  }
0x2c0: {  	v26 =	vadd.s32 v0, v5;
	v29 =	vmul.f32 $-2.000000000e+00, v21;
	v12 =	vmul.f32 v23, v12;
	v23 =	vpop (erf)  }
0x2c1: {  	v22 =	vmul.f32 $-2.000000000e+00, v22;
	v27 =	vpop (erf);
	v28 =	vadd.f32 $1.000000000e+00, v23;
	(erf) = vrcp.f32 v16  }
0x2c2: {  	v8 =	vmul.f32 $-2.000000000e+00, v8;
	v16 =	vmin.f32 v29, $2.000000000e+01;
	v19 =	vmul.f32 v27, v19;
	[tilespmem:v13+s26+$0x0] =	vst.idx.msk $0xffff, v12  }
0x2c3: {  	v12 =	vmin.f32 v22, $2.000000000e+01;
	v9 =	vmul.f32 $-2.000000000e+00, v9;
	v13 =	vmul.f32 $1.442695020e+00, v16;
	v16 =	vld [tilespmem:s17+$0x0];
	v21 =	vpop (erf)  }
0x2c4: {  	v12 =	vmul.f32 $1.442695020e+00, v12;
	v8 =	vmin.f32 v8, $2.000000000e+01;
	[tilespmem:v18+s26+$0x0] =	vst.idx.msk $0xffff, v19;
	v22 =	vmul.f32 v21, v17;
	v18 =	vpop (erf)  }
0x2c5: {  	v19 =	vadd.s32 v2, v6;
	v9 =	vmin.f32 v9, $2.000000000e+01;
	(erf) = vpow2.f32 v13;
	v13 =	vld [tilespmem:s17+$0xFFFFFFA0];
	v21 =	vpop (erf)  }
0x2c6: {  	v10 =	vsub.f32 $1.000000000e+00, v10;
	v6 =	vmovc v14;
	v8 =	vmul.f32 $1.442695020e+00, v8;
	v9 =	vmul.f32 $1.442695020e+00, v9;
	[tilespmem:v20+s26+$0x0] =	vst.idx.msk $0xffff, v22  }
0x2c7: {  	v14 =	vmul.f32 v18, v15;
	v15 =	vadd.f32 $1.000000000e+00, v21;
	(erf) = vpow2.f32 v12;
	v12 =	vld [tilespmem:s17+$0xFFFFFFC0];
	v17 =	vpop (erf)  }
0x2c8: {  	v22 =	vsub.f32 $1.000000000e+00, v23;
	v16 =	vmul.f32 $-2.000000000e+00, v16;
	v17 =	vmul.f32 v17, v10  }
0x2c9: {  	v23 =	vsub.f32 $1.000000000e+00, v21;
	(erf) = vpow2.f32 v8;
	[tilespmem:v26+s26+$0x0] =	vst.idx.msk $0xffff, v14  }
0x2ca: {  	(erf) = vpow2.f32 v9;
	v8 =	vmul.f32 $-2.000000000e+00, v13;
	v9 =	vld [tilespmem:s17+$0xFFFFFFE0];
	v13 =	vmin.f32 v16, $2.000000000e+01;
	[tilespmem:v19+s26+$0x0] =	vst.idx.msk $0xffff, v17;
	v10 =	vpop (erf);
	s17 =	smov.u32 s20  }
0x2cb: {  	v14 =	vadd.s32 v2, v3;
	v3 =	vmovc v7;
	v13 =	vmul.f32 $1.442695020e+00, v13;
	(erf) = vrcp.f32 v28  }
0x2cc: {  	v7 =	vmin.f32 v8, $2.000000000e+01;
	v8 =	vmul.f32 $-2.000000000e+00, v12;
	(erf) = vrcp.f32 v15  }
0x2cd: {  	v12 =	vmov s21;
	v15 =	vmul.f32 $1.442695020e+00, v7;
	(erf) = vpow2.f32 v13  }
0x2ce: {  	v10 =	vmul.f32 v10, v25;
	v7 =	vand.u32 $0x7C, v12;
	v16 =	vpop (erf);
	v8 =	vmin.f32 v8, $2.000000000e+01  }
0x2cf: {  	s5 =	sadd.s32 $0x1, s21;
	v20 =	vadd.f32 $1.000000000e+00, v16;
	v17 =	vmul.f32 $1.442695020e+00, v8;
	v9 =	vmul.f32 $-2.000000000e+00, v9  }
0x2d0: {  	v13 =	vmov s5;
	v8 =	vadd.s32 v2, v4;
	v18 =	vpop (erf);
	(erf) = vpow2.f32 v15;
	[tilespmem:v14+s26+$0x0] =	vst.idx.msk $0xffff, v10  }
0x2d1: {  	v4 =	vmovc v24;
	v19 =	vsub.f32 $1.000000000e+00, v18;
	v15 =	vadd.f32 $1.000000000e+00, v18;
	(erf) = vrcp.f32 v20  }
.Ltmp6:
0x2d2: {  	v14 =	vmin.f32 v9, $2.000000000e+01;
	v9 =	vadd.s32 v2, v11;
	v12 =	vpop (erf);
	(erf) = vpow2.f32 v17;
	(pc) =	sbr.rel @p2 .LBB2_13-.Ltmp6, $4  }
0x2d3: {  	v17 =	vsub.f32 $1.000000000e+00, v12;
	v11 =	vadd.f32 $1.000000000e+00, v12;
	(erf) = vrcp.f32 v15;
	v10 =	vpop (erf)  }
0x2d4: {  	s5 =	sadd.s32 $0x2, s21;
	v18 =	vmul.f32 $1.442695020e+00, v14;
	v15 =	vsub.f32 $1.000000000e+00, v10;
	v24 =	vadd.f32 $1.000000000e+00, v10;
	v12 =	vpop (erf)  }
0x2d5: {  	s20 =	sadd.s32 $0x80, s20;
	v20 =	vmov s5;
	s5 =	sadd.s32 $0x3, s21;
	s21 =	smov.u32 s22;
	(erf) = vrcp.f32 v11;
	v11 =	vmul.f32 v12, v22;
	v12 =	vpop (erf)  }
0x2d6: {  	s22 =	sadd.s32 $0x4, s22;
	v14 =	vmov s5;
	v21 =	vld [tilespmem:s20+$0xFFFFFFF0];
	(erf) = vrcp.f32 v24;
	v10 =	vpop (erf);
	v12 =	vmul.f32 v12, v23  }
0x2d7: {  	v22 =	vld [tilespmem:s20+$0xFFFFFF90]  }
0x2d8: {  	v23 =	vld [tilespmem:s20+$0xFFFFFFB0];
	v16 =	vsub.f32 $1.000000000e+00, v16  }
0x2d9: {  	v14 =	vand.u32 $0x7F, v14;
	v24 =	vadd.f32 $1.000000000e+00, v10;
	(erf) = vpow2.f32 v18  }
0x2da: {  	v26 =	vadd.s32 v0, v7;
	v13 =	vand.u32 $0x7D, v13;
	v27 =	vld [tilespmem:s20+$0xFFFFFFD0];
	v25 =	vadd.s32 v0, v14;
	v18 =	vpop (erf)  }
0x2db: {  	(erf) = vrcp.f32 v24;
	v43 =	vpop (erf);
	v28 =	vadd.f32 $1.000000000e+00, v18;
	v21 =	vmul.f32 $-2.000000000e+00, v21  }
0x2dc: {  	v29 =	vadd.s32 v0, v13;
	v24 =	vmul.f32 v43, v16;
	v16 =	vpop (erf);
	v22 =	vmul.f32 $-2.000000000e+00, v22  }
0x2dd: {  	v30 =	vpop (erf);
	(erf) = vrcp.f32 v28;
	v23 =	vmul.f32 $-2.000000000e+00, v23;
	v21 =	vmin.f32 v21, $2.000000000e+01  }
0x2de: {  	v19 =	vmul.f32 v30, v19;
	v22 =	vmin.f32 v22, $2.000000000e+01;
	v21 =	vmul.f32 $1.442695020e+00, v21  }
0x2df: {  	v44 =	vmul.f32 $-2.000000000e+00, v27;
	[tilespmem:v25+s26+$0x0] =	vst.idx.msk $0xffff, v24;
	v45 =	vpop (erf);
	v22 =	vmul.f32 $1.442695020e+00, v22  }
0x2e0: {  	v25 =	vld [tilespmem:s17+$0x0];
	v23 =	vmin.f32 v23, $2.000000000e+01;
	[tilespmem:v26+s26+$0x0] =	vst.idx.msk $0xffff, v19;
	v17 =	vmul.f32 v45, v17;
	(erf) = vpow2.f32 v21  }
0x2e1: {  	v46 =	vmin.f32 v44, $2.000000000e+01;
	v23 =	vmul.f32 $1.442695020e+00, v23;
	v47 =	vld [tilespmem:s17+$0xFFFFFFA0]  }
0x2e2: {  	v19 =	vmul.f32 $1.442695020e+00, v46;
	[tilespmem:v29+s26+$0x0] =	vst.idx.msk $0xffff, v17;
	(erf) = vpow2.f32 v22  }
0x2e3: {  	v48 =	vld [tilespmem:s17+$0xFFFFFFC0];
	(erf) = vpow2.f32 v23  }
0x2e4: {  	(erf) = vpow2.f32 v19  }
0x2e5: {  	v52 =	vadd.f32 $1.000000000e+00, v16;
	v51 =	vpop (erf);
	v17 =	vand.u32 $0x7E, v20;
	v49 =	vmul.f32 $-2.000000000e+00, v25  }
0x2e6: {  	v15 =	vmul.f32 v51, v15;
	v50 =	vadd.s32 v0, v17;
	v25 =	vpop (erf);
	v21 =	vmul.f32 $-2.000000000e+00, v47  }
0x2e7: {  	v53 =	vadd.f32 $1.000000000e+00, v25;
	v26 =	vpop (erf);
	(erf) = vrcp.f32 v52;
	v20 =	vmin.f32 v49, $2.000000000e+01  }
0x2e8: {  	v27 =	vpop (erf);
	v20 =	vmul.f32 $1.442695020e+00, v20;
	v21 =	vmin.f32 v21, $2.000000000e+01;
	v22 =	vmul.f32 $-2.000000000e+00, v48  }
0x2e9: {  	(erf) = vrcp.f32 v53;
	v21 =	vmul.f32 $1.442695020e+00, v21;
	v54 =	vpop (erf)  }
0x2ea: {  	(erf) = vpow2.f32 v20;
	v55 =	vmin.f32 v22, $2.000000000e+01;
	v56 =	vadd.f32 $1.000000000e+00, v54  }
0x2eb: {  	v57 =	vmul.f32 $1.442695020e+00, v55;
	v58 =	vpop (erf);
	(erf) = vpow2.f32 v21  }
0x2ec: {  	[tilespmem:v50+s26+$0x0] =	vst.idx.msk $0xffff, v15;
	v60 =	vadd.f32 $1.000000000e+00, v58;
	v61 =	vpop (erf);
	(erf) = vrcp.f32 v56  }
0x2ed: {  	v59 =	vld [tilespmem:s17+$0xFFFFFFE0];
	v62 =	vadd.f32 $1.000000000e+00, v61;
	v63 =	vpop (erf);
	(erf) = vpow2.f32 v57  }
0x2ee: {  	v39 =	vadd.f32 $1.000000000e+00, v63;
	(erf) = vrcp.f32 v60  }
0x2ef: {  	(erf) = vrcp.f32 v62  }
0x2f0: {  	s13 =	sadd.s32 $0x1, s21;
	(erf) = vrcp.f32 v39  }
0x2f1: {  	s5 =	sadd.s32 $0x3, s21;
	v42 =	vmov s21;
	v41 =	vmov s13;
	v15 =	vpop (erf)  }
0x2f2: {  	v40 =	vmov s5;
	v28 =	vand.u32 $0x7D, v41;
	v20 =	vmul.f32 $-2.000000000e+00, v59;
	v30 =	vpop (erf)  }
0x2f3: {  	v37 =	vadd.s32 v0, v28;
	v29 =	vand.u32 $0x7C, v42;
	v21 =	vand.u32 $0x7F, v40;
	v31 =	vpop (erf)  }
0x2f4: {  	s17 =	sadd.s32 $0x2, s21;
	v23 =	vsub.f32 $1.000000000e+00, v54;
	v32 =	vadd.s32 v0, v21;
	v20 =	vmin.f32 v20, $2.000000000e+01;
	v33 =	vpop (erf)  }
0x2f5: {  	v35 =	vadd.s32 v0, v29;
	v34 =	vmov s17;
	v20 =	vmul.f32 $1.442695020e+00, v20;
	v36 =	vpop (erf)  }
0x2f6: {  	v34 =	vand.u32 $0x7E, v34;
	v19 =	vsub.f32 $1.000000000e+00, v58;
	v23 =	vmul.f32 v36, v23;
	v36 =	vpop (erf)  }
0x2f7: {  	v43 =	vadd.s32 v0, v34;
	v22 =	vsub.f32 $1.000000000e+00, v61;
	(erf) = vpow2.f32 v20;
	v38 =	vpop (erf)  }
0x2f8: {  	v24 =	vsub.f32 $1.000000000e+00, v63;
	v19 =	vmul.f32 v38, v19;
	v44 =	vpop (erf)  }
0x2f9: {  	[tilespmem:v32+s26+$0x0] =	vst.idx.msk $0xffff, v23;
	v22 =	vmul.f32 v44, v22;
	v45 =	vpop (erf)  }
0x2fa: {  	v32 =	vld [tilespmem:s20+$0x0];
	[tilespmem:v35+s26+$0x0] =	vst.idx.msk $0xffff, v19;
	v46 =	vmul.f32 v45, v24  }
0x2fb: {  	v47 =	vld [tilespmem:s20+$0xFFFFFFA0];
	[tilespmem:v37+s26+$0x0] =	vst.idx.msk $0xffff, v22  }
0x2fc: {  	v48 =	vadd.f32 $1.000000000e+00, v31;
	v22 =	vld [tilespmem:s20+$0xFFFFFFC0];
	[tilespmem:v43+s26+$0x0] =	vst.idx.msk $0xffff, v46  }
0x2fd: {  	v49 =	vadd.f32 $1.000000000e+00, v33;
	v20 =	vld [tilespmem:s20+$0xFFFFFFE0]  }
0x2fe: {  	(erf) = vrcp.f32 v48;
	v50 =	vadd.f32 $1.000000000e+00, v36  }
0x2ff: {  	(erf) = vrcp.f32 v49;
	v32 =	vmul.f32 $-2.000000000e+00, v32  }
0x300: {  	(erf) = vrcp.f32 v50;
	v24 =	vpop (erf);
	v23 =	vmul.f32 $-2.000000000e+00, v47  }
0x301: {  	v32 =	vmin.f32 v32, $2.000000000e+01;
	v51 =	vadd.f32 $1.000000000e+00, v24;
	v22 =	vmul.f32 $-2.000000000e+00, v22  }
0x302: {  	v32 =	vmul.f32 $1.442695020e+00, v32;
	v52 =	vmin.f32 v23, $2.000000000e+01;
	v20 =	vmul.f32 $-2.000000000e+00, v20  }
0x303: {  	(erf) = vrcp.f32 v51;
	v19 =	vmul.f32 $1.442695020e+00, v52;
	v22 =	vmin.f32 v22, $2.000000000e+01  }
0x304: {  	(erf) = vpow2.f32 v32;
	v22 =	vmul.f32 $1.442695020e+00, v22;
	v20 =	vmin.f32 v20, $2.000000000e+01  }
0x305: {  	(erf) = vpow2.f32 v19;
	v53 =	vmul.f32 $1.442695020e+00, v20  }
0x306: {  	(erf) = vpow2.f32 v22  }
0x307: {  	(erf) = vpow2.f32 v53;
	_ =	sdelay $0x1  }
0x308: {  	v54 =	vpop (erf)  }
0x309: {  	v55 =	vpop (erf)  }
0x30a: {  	v56 =	vpop (erf)  }
0x30b: {  	v57 =	vpop (erf)  }
0x30c: {  	v6 =	vadd.s32 v2, v6;
	v32 =	vpop (erf)  }
0x30d: {  	v3 =	vadd.s32 v2, v3;
	v4 =	vadd.s32 v2, v4;
	v59 =	vadd.f32 $1.000000000e+00, v32;
	v60 =	vpop (erf)  }
0x30e: {  	v5 =	vadd.s32 v2, v5;
	v18 =	vsub.f32 $1.000000000e+00, v18;
	v61 =	vadd.f32 $1.000000000e+00, v60;
	v62 =	vpop (erf)  }
0x30f: {  	v41 =	vsub.f32 $1.000000000e+00, v16;
	(erf) = vrcp.f32 v59;
	v63 =	vadd.f32 $1.000000000e+00, v62;
	v39 =	vpop (erf)  }
0x310: {  	v58 =	vsub.f32 $1.000000000e+00, v10;
	(erf) = vrcp.f32 v61;
	v40 =	vadd.f32 $1.000000000e+00, v39  }
0x311: {  	[tilespmem:v8+s26+$0x0] =	vst.idx.msk $0xffff, v11;
	v42 =	vsub.f32 $1.000000000e+00, v25;
	v18 =	vmul.f32 v27, v18;
	(erf) = vrcp.f32 v63  }
0x312: {  	[tilespmem:v9+s26+$0x0] =	vst.idx.msk $0xffff, v12;
	v10 =	vmul.f32 v26, v58;
	v43 =	vadd.s32 v2, v14;
	(erf) = vrcp.f32 v40  }
0x313: {  	[tilespmem:v3+s26+$0x0] =	vst.idx.msk $0xffff, v18;
	v3 =	vmul.f32 v30, v42;
	v45 =	vsub.f32 $1.000000000e+00, v31;
	v46 =	vadd.s32 v2, v7  }
0x314: {  	[tilespmem:v6+s26+$0x0] =	vst.idx.msk $0xffff, v10;
	v48 =	vadd.s32 v2, v13;
	v44 =	vmul.f32 v15, v41;
	v47 =	vsub.f32 $1.000000000e+00, v33  }
0x315: {  	[tilespmem:v5+s26+$0x0] =	vst.idx.msk $0xffff, v3;
	v49 =	vsub.f32 $1.000000000e+00, v36;
	v50 =	vmul.f32 v54, v45;
	v51 =	vadd.s32 v2, v17  }
0x316: {  	[tilespmem:v4+s26+$0x0] =	vst.idx.msk $0xffff, v44;
	v3 =	vsub.f32 $1.000000000e+00, v24;
	v52 =	vmul.f32 v55, v47;
	v53 =	vadd.s32 v2, v21  }
0x317: {  	[tilespmem:v43+s26+$0x0] =	vst.idx.msk $0xffff, v50;
	v4 =	vmul.f32 v56, v49;
	v55 =	vadd.s32 v2, v29;
	v54 =	vsub.f32 $1.000000000e+00, v32  }
0x318: {  	v58 =	vadd.s32 v2, v28;
	[tilespmem:v46+s26+$0x0] =	vst.idx.msk $0xffff, v52;
	v3 =	vmul.f32 v57, v3;
	v56 =	vsub.f32 $1.000000000e+00, v60;
	v57 =	vpop (erf)  }
0x319: {  	[tilespmem:v48+s26+$0x0] =	vst.idx.msk $0xffff, v4;
	v59 =	vsub.f32 $1.000000000e+00, v62;
	v61 =	vadd.s32 v2, v34;
	v6 =	vmul.f32 v57, v54;
	v60 =	vpop (erf)  }
0x31a: {  	[tilespmem:v51+s26+$0x0] =	vst.idx.msk $0xffff, v3;
	v3 =	vsub.f32 $1.000000000e+00, v39;
	v5 =	vmul.f32 v60, v56;
	v62 =	vpop (erf)  }
0x31b: {  	[tilespmem:v53+s26+$0x0] =	vst.idx.msk $0xffff, v6;
	v4 =	vmul.f32 v62, v59;
	v63 =	vpop (erf)  }
0x31c: {  	[tilespmem:v55+s26+$0x0] =	vst.idx.msk $0xffff, v5;
	v3 =	vmul.f32 v63, v3  }
0x31d: {  	[tilespmem:v58+s26+$0x0] =	vst.idx.msk $0xffff, v4  }
0x31e: {  	s21 =	sadd.s32 $0x100, s14;
	[tilespmem:v61+s26+$0x0] =	vst.idx.msk $0xffff, v3  }
0x31f: {  	[hbm4b:s21+s3] =	stream.linear.scatter [tilespmem:s26], [sflag:$0x7], $0x80, $0x38;
	[tilespmem:$0x15800] =	vst v63  }
0x320: {  	s22 =	sadd.s32 $0x110, s14;
	s13 =	simm.s32 $0x13688  }
0x321: {  	[hbm4b:s22+s3] =	stream.linear.scatter [tilespmem:s13], [sflag:$0x7], $0x80, $0x38;
	[tilespmem:$0x15800] =	vst v63  }
0x322: {  	s17 =	sadd.s32 $0x120, s14;
	s20 =	simm.s32 $0x13710  }
0x323: {  	[hbm4b:s17+s3] =	stream.linear.scatter [tilespmem:s20], [sflag:$0x7], $0x80, $0x38;
	[tilespmem:$0x15800] =	vst v63  }
0x324: {  	s21 =	sadd.s32 $0x130, s14;
	s22 =	simm.s32 $0x13798  }
0x325: {  	[hbm4b:s21+s3] =	stream.linear.scatter [tilespmem:s22], [sflag:$0x7], $0x80, $0x38;
	[tilespmem:$0x15800] =	vst v63  }
0x326: {  	s17 =	sadd.s32 $0x140, s14;
	s20 =	simm.s32 $0x13820  }
0x327: {  	[hbm4b:s17+s3] =	stream.linear.scatter [tilespmem:s20], [sflag:$0x7], $0x80, $0x38;
	[tilespmem:$0x15800] =	vst v63  }
0x328: {  	s21 =	sadd.s32 $0x150, s14;
	s22 =	simm.s32 $0x138A8  }
0x329: {  	[hbm4b:s21+s3] =	stream.linear.scatter [tilespmem:s22], [sflag:$0x7], $0x80, $0x38;
	[tilespmem:$0x15800] =	vst v63  }
0x32a: {  	s17 =	sadd.s32 $0x160, s14;
	s20 =	simm.s32 $0x13930  }
0x32b: {  	[hbm4b:s17+s3] =	stream.linear.scatter [tilespmem:s20], [sflag:$0x7], $0x80, $0x38;
	[tilespmem:$0x15800] =	vst v63  }
0x32c: {  	s21 =	sadd.s32 $0x170, s14;
	s22 =	simm.s32 $0x139B8;
	s17 =	sor.u32 $0x4100, s11  }
0x32d: {  	[hbm4b:s21+s3] =	stream.linear.scatter [tilespmem:s22], [sflag:$0x7], $0x80, $0x38;
	[tilespmem:$0x15800] =	vst v63  }
0x32e: {  	s20 =	simm.s32 $0x13A40;
	s5 =	sadd.s32 s2, s17  }
0x32f: {  	[hbm4b:s5+s3] =	stream.linear.scatter [tilespmem:s20], [sflag:$0x7], $0x80, $0x38;
	[tilespmem:$0x15800] =	vst v63  }
0x330: {  	s21 =	sadd.s32 $0x10, s5;
	s22 =	simm.s32 $0x13AC8  }
0x331: {  	[hbm4b:s21+s3] =	stream.linear.scatter [tilespmem:s22], [sflag:$0x7], $0x80, $0x38;
	[tilespmem:$0x15800] =	vst v63  }
0x332: {  	s17 =	sadd.s32 $0x20, s5;
	s20 =	simm.s32 $0x13B50  }
0x333: {  	[hbm4b:s17+s3] =	stream.linear.scatter [tilespmem:s20], [sflag:$0x7], $0x80, $0x38;
	[tilespmem:$0x15800] =	vst v63  }
0x334: {  	s21 =	sadd.s32 $0x30, s5;
	s22 =	simm.s32 $0x13BD8  }
0x335: {  	[hbm4b:s21+s3] =	stream.linear.scatter [tilespmem:s22], [sflag:$0x7], $0x80, $0x38;
	[tilespmem:$0x15800] =	vst v63  }
0x336: {  	s17 =	sadd.s32 $0x40, s5;
	s20 =	simm.s32 $0x13C60  }
0x337: {  	[hbm4b:s17+s3] =	stream.linear.scatter [tilespmem:s20], [sflag:$0x7], $0x80, $0x38;
	[tilespmem:$0x15800] =	vst v63  }
0x338: {  	s21 =	sadd.s32 $0x50, s5;
	s22 =	simm.s32 $0x13CE8  }
0x339: {  	[hbm4b:s21+s3] =	stream.linear.scatter [tilespmem:s22], [sflag:$0x7], $0x80, $0x38;
	[tilespmem:$0x15800] =	vst v63  }
0x33a: {  	s20 =	sadd.s32 $0x60, s5;
	s21 =	simm.s32 $0x13D70  }
0x33b: {  	[hbm4b:s20+s3] =	stream.linear.scatter [tilespmem:s21], [sflag:$0x7], $0x80, $0x38;
	[tilespmem:$0x15800] =	vst v63  }
0x33c: {  	s5 =	sadd.s32 $0x70, s5;
	s17 =	sor.u32 $0x8100, s11;
	s22 =	simm.s32 $0x13DF8  }
0x33d: {  	[hbm4b:s5+s3] =	stream.linear.scatter [tilespmem:s22], [sflag:$0x7], $0x80, $0x38;
	[tilespmem:$0x15800] =	vst v63  }
0x33e: {  	s20 =	simm.s32 $0x13E80;
	s5 =	sadd.s32 s2, s17  }
0x33f: {  	[hbm4b:s5+s3] =	stream.linear.scatter [tilespmem:s20], [sflag:$0x7], $0x80, $0x38;
	[tilespmem:$0x15800] =	vst v63  }
0x340: {  	s22 =	simm.s32 $0x13F08;
	s21 =	sadd.s32 $0x10, s5  }
0x341: {  	[hbm4b:s21+s3] =	stream.linear.scatter [tilespmem:s22], [sflag:$0x7], $0x80, $0x38;
	[tilespmem:$0x15800] =	vst v63  }
0x342: {  	s17 =	sadd.s32 $0x20, s5;
	s20 =	simm.s32 $0x13F90  }
0x343: {  	[hbm4b:s17+s3] =	stream.linear.scatter [tilespmem:s20], [sflag:$0x7], $0x80, $0x38;
	[tilespmem:$0x15800] =	vst v63  }
0x344: {  	s21 =	sadd.s32 $0x30, s5;
	s22 =	simm.s32 $0x14018  }
0x345: {  	[hbm4b:s21+s3] =	stream.linear.scatter [tilespmem:s22], [sflag:$0x7], $0x80, $0x38;
	[tilespmem:$0x15800] =	vst v63  }
0x346: {  	s17 =	sadd.s32 $0x40, s5;
	s20 =	simm.s32 $0x140A0  }
0x347: {  	[hbm4b:s17+s3] =	stream.linear.scatter [tilespmem:s20], [sflag:$0x7], $0x80, $0x38;
	[tilespmem:$0x15800] =	vst v63  }
0x348: {  	s21 =	sadd.s32 $0x50, s5;
	s22 =	simm.s32 $0x14128  }
0x349: {  	[hbm4b:s21+s3] =	stream.linear.scatter [tilespmem:s22], [sflag:$0x7], $0x80, $0x38;
	[tilespmem:$0x15800] =	vst v63  }
0x34a: {  	s20 =	sadd.s32 $0x60, s5;
	s21 =	simm.s32 $0x141B0  }
0x34b: {  	[hbm4b:s20+s3] =	stream.linear.scatter [tilespmem:s21], [sflag:$0x7], $0x80, $0x38;
	[tilespmem:$0x15800] =	vst v63  }
0x34c: {  	s5 =	sadd.s32 $0x70, s5;
	s17 =	sor.u32 $0xC100, s11;
	s22 =	simm.s32 $0x14238  }
0x34d: {  	[hbm4b:s5+s3] =	stream.linear.scatter [tilespmem:s22], [sflag:$0x7], $0x80, $0x38;
	[tilespmem:$0x15800] =	vst v63  }
0x34e: {  	s20 =	simm.s32 $0x142C0;
	s5 =	sadd.s32 s2, s17  }
0x34f: {  	[hbm4b:s5+s3] =	stream.linear.scatter [tilespmem:s20], [sflag:$0x7], $0x80, $0x38;
	[tilespmem:$0x15800] =	vst v63  }
0x350: {  	s22 =	simm.s32 $0x14348;
	s21 =	sadd.s32 $0x10, s5  }
0x351: {  	[hbm4b:s21+s3] =	stream.linear.scatter [tilespmem:s22], [sflag:$0x7], $0x80, $0x38;
	[tilespmem:$0x15800] =	vst v63  }
0x352: {  	s17 =	sadd.s32 $0x20, s5;
	s20 =	simm.s32 $0x143D0  }
0x353: {  	[hbm4b:s17+s3] =	stream.linear.scatter [tilespmem:s20], [sflag:$0x7], $0x80, $0x38;
	[tilespmem:$0x15800] =	vst v63  }
0x354: {  	s21 =	sadd.s32 $0x30, s5;
	s22 =	simm.s32 $0x14458  }
0x355: {  	[hbm4b:s21+s3] =	stream.linear.scatter [tilespmem:s22], [sflag:$0x7], $0x80, $0x38;
	[tilespmem:$0x15800] =	vst v63  }
0x356: {  	s17 =	sadd.s32 $0x40, s5;
	s20 =	simm.s32 $0x144E0  }
0x357: {  	[hbm4b:s17+s3] =	stream.linear.scatter [tilespmem:s20], [sflag:$0x7], $0x80, $0x38;
	[tilespmem:$0x15800] =	vst v63  }
0x358: {  	s21 =	sadd.s32 $0x50, s5;
	s22 =	simm.s32 $0x14568  }
0x359: {  	[hbm4b:s21+s3] =	stream.linear.scatter [tilespmem:s22], [sflag:$0x7], $0x80, $0x38;
	[tilespmem:$0x15800] =	vst v63  }
.Ltmp7:
0x35a: {  	_ = 	snop;
	(pc) =	sbr.rel @p1 .LBB2_16-.Ltmp7, $4  }
0x35b: {  	s20 =	sadd.s32 $0x60, s5;
	s21 =	simm.s32 $0x145F0  }
0x35c: {  	[hbm4b:s20+s3] =	stream.linear.scatter [tilespmem:s21], [sflag:$0x7], $0x80, $0x38;
	[tilespmem:$0x15800] =	vst v63  }
0x35d: {  	s5 =	sadd.s32 $0x70, s5;
	s22 =	simm.s32 $0x14678  }
0x35e: {  	[hbm4b:s5+s3] =	stream.linear.scatter [tilespmem:s22], [sflag:$0x7], $0x80, $0x38;
	[tilespmem:$0x15800] =	vst v63  }
.Ltmp8:
0x35f: {  	(pc) =	sbr.rel .LBB2_17-.Ltmp8, $4  }
0x360: {  	_ = 	snop  }
0x361: {  	_ =	swait.ge [sflag:s23], $0x1000  }
0x362: {  	[sflag:s23] =	ssyncset.done $0x0  }
0x363: {  	[sflag:s23] =	ssyncadd.s32 $0xFFFFF000  }
.LBB2_16:
0x364: {  	s5 =	sshll.u32 s16, $0x9  }
0x365: {  	s5 =	sand.u32 $0x3FFFFE00, s5  }
.Ltmp9:
0x366: {  	s5 =	sadd.s32 $0x7080, s5;
	(pc) =	sbr.rel @p0 .LBB2_18-.Ltmp9, $4  }
0x367: {  	[tilespmem:s30], [sflag:$0x2] =	stream.indirect.gather [hbm4b:s4+s12], $0x20, s5, s12, $0xb8;
	[tilespmem:$0x15800] =	vst v63  }
0x368: {  	_ =	swait.ge [sflag:s23], $0x1000  }
0x369: {  	[sflag:s23] =	ssyncset.done $0x0  }
0x36a: {  	[sflag:s23] =	ssyncadd.s32 $0xFFFFF000  }
.LBB2_17:
0x36b: {  	_ =	swait.ge [sflag:s28], $0x400  }
0x36c: {  	[sflag:s28] =	ssyncset.done $0x0  }
0x36d: {  	[sflag:s28] =	ssyncadd.s32 $0xFFFFFC00  }
0x36e: {  	_ =	swait.ge [sflag:s28], $0x400  }
0x36f: {  	[sflag:s28] =	ssyncset.done $0x0  }
0x370: {  	[sflag:s28] =	ssyncadd.s32 $0xFFFFFC00  }
0x371: {  	_ =	swait.ge [sflag:s28], $0x400  }
0x372: {  	[sflag:s28] =	ssyncset.done $0x0  }
0x373: {  	[sflag:s28] =	ssyncadd.s32 $0xFFFFFC00  }
0x374: {  	_ =	swait.ge [sflag:s28], $0x400  }
0x375: {  	[sflag:s28] =	ssyncset.done $0x0  }
0x376: {  	[sflag:s28] =	ssyncadd.s32 $0xFFFFFC00  }
.LBB2_18:
0x377: {  	s17 =	simm.s32 $0x10470  }
0x378: {  	v3 =	vld [tilespmem:s17+$0xFFFFFFF0];
	_ =	sdelay $0x1  }
0x379: {  	v4 =	vld [tilespmem:s17+$0xFFFFFF90]  }
0x37a: {  	v5 =	vld [tilespmem:s17+$0xFFFFFFB0];
	_ =	sdelay $0x1  }
0x37b: {  	v3 =	vmul.f32 $-2.000000000e+00, v3;
	_ =	sdelay $0x1  }
0x37c: {  	v6 =	vld [tilespmem:s17+$0xFFFFFFD0];
	v4 =	vmul.f32 $-2.000000000e+00, v4;
	v3 =	vmin.f32 v3, $2.000000000e+01  }
0x37d: {  	v5 =	vmul.f32 $-2.000000000e+00, v5;
	v3 =	vmul.f32 $1.442695020e+00, v3  }
0x37e: {  	v4 =	vmin.f32 v4, $2.000000000e+01  }
0x37f: {  	(erf) = vpow2.f32 v3;
	v3 =	vmul.f32 $1.442695020e+00, v4;
	v4 =	vmin.f32 v5, $2.000000000e+01  }
0x380: {  	v4 =	vmul.f32 $1.442695020e+00, v4  }
0x381: {  	(erf) = vpow2.f32 v3;
	v3 =	vmul.f32 $-2.000000000e+00, v6;
	_ =	sdelay $0x1  }
0x382: {  	(erf) = vpow2.f32 v4;
	v3 =	vmin.f32 v3, $2.000000000e+01  }
0x383: {  	v3 =	vmul.f32 $1.442695020e+00, v3;
	_ =	sdelay $0x1  }
0x384: {  	(erf) = vpow2.f32 v3;
	_ =	sdelay $0x1  }
0x385: {  	v3 =	vpop (erf)  }
0x386: {  	v4 =	vadd.f32 $1.000000000e+00, v3  }
0x387: {  	v5 =	vpop (erf)  }
0x388: {  	(erf) = vrcp.f32 v4;
	v4 =	vadd.f32 $1.000000000e+00, v5  }
0x389: {  	v6 =	vpop (erf)  }
0x38a: {  	s20 =	simm.s32 $0x104F0;
	v7 =	vadd.f32 $1.000000000e+00, v6;
	(erf) = vrcp.f32 v4  }
0x38b: {  	v4 =	vld [tilespmem:s20+$0xFFFFFFF0]  }
0x38c: {  	s5 =	simm.s32 $0x3;
	(erf) = vrcp.f32 v7;
	v11 =	vpop (erf)  }
0x38d: {  	v7 =	vmov s5;
	v8 =	vadd.f32 $1.000000000e+00, v11  }
0x38e: {  	s21 =	simm.s32 $0x0;
	s22 =	simm.s32 $0x1;
	v9 =	vld [tilespmem:s20+$0xFFFFFF90];
	v10 =	vand.u32 $0x7F, v7  }
0x38f: {  	v12 =	vld [tilespmem:s20+$0xFFFFFFB0];
	v14 =	vmov s22;
	v7 =	vmov s21;
	v13 =	vadd.s32 v0, v10  }
0x390: {  	v15 =	vld [tilespmem:s20+$0xFFFFFFD0];
	v3 =	vsub.f32 $1.000000000e+00, v3;
	v7 =	vand.u32 $0x7C, v7;
	v4 =	vmul.f32 $-2.000000000e+00, v4  }
0x391: {  	v5 =	vsub.f32 $1.000000000e+00, v5;
	v16 =	vadd.s32 v0, v7;
	(erf) = vrcp.f32 v8;
	v8 =	vpop (erf)  }
0x392: {  	v4 =	vmin.f32 v4, $2.000000000e+01;
	v3 =	vmul.f32 v8, v3;
	v8 =	vand.u32 $0x7D, v14  }
0x393: {  	v9 =	vmul.f32 $-2.000000000e+00, v9;
	v4 =	vmul.f32 $1.442695020e+00, v4;
	v14 =	vadd.s32 v0, v8;
	v17 =	vpop (erf)  }
0x394: {  	v12 =	vmul.f32 $-2.000000000e+00, v12;
	v6 =	vsub.f32 $1.000000000e+00, v6;
	[tilespmem:v13+s29+$0x0] =	vst.idx.msk $0xffff, v3;
	v3 =	vmul.f32 v17, v5  }
0x395: {  	v15 =	vmul.f32 $-2.000000000e+00, v15;
	v5 =	vmin.f32 v9, $2.000000000e+01;
	v17 =	vpop (erf);
	(erf) = vpow2.f32 v4;
	v13 =	vld [tilespmem:s17+$0x0]  }
0x396: {  	s13 =	simm.s32 $0x2;
	v5 =	vmul.f32 $1.442695020e+00, v5;
	[tilespmem:v16+s29+$0x0] =	vst.idx.msk $0xffff, v3;
	v3 =	vmul.f32 v17, v6  }
0x397: {  	v9 =	vmov s13;
	v6 =	vmin.f32 v12, $2.000000000e+01;
	v12 =	vld [tilespmem:s17+$0xFFFFFFA0]  }
0x398: {  	v15 =	vmin.f32 v15, $2.000000000e+01;
	v9 =	vand.u32 $0x7E, v9;
	(erf) = vpow2.f32 v5;
	[tilespmem:v14+s29+$0x0] =	vst.idx.msk $0xffff, v3  }
0x399: {  	v4 =	vadd.s32 v0, v9;
	v6 =	vmul.f32 $1.442695020e+00, v6;
	v3 =	vsub.f32 $1.000000000e+00, v11;
	v11 =	vld [tilespmem:s17+$0xFFFFFFC0]  }
0x39a: {  	v5 =	vmul.f32 $1.442695020e+00, v15;
	v14 =	vpop (erf);
	v13 =	vmul.f32 $-2.000000000e+00, v13  }
0x39b: {  	(erf) = vpow2.f32 v6;
	v3 =	vmul.f32 v14, v3  }
0x39c: {  	(erf) = vpow2.f32 v5;
	v5 =	vmin.f32 v13, $2.000000000e+01;
	v6 =	vmul.f32 $-2.000000000e+00, v12  }
0x39d: {  	v5 =	vmul.f32 $1.442695020e+00, v5  }
0x39e: {  	[tilespmem:v4+s29+$0x0] =	vst.idx.msk $0xffff, v3;
	v3 =	vmin.f32 v6, $2.000000000e+01;
	v6 =	vmul.f32 $-2.000000000e+00, v11  }
0x39f: {  	v11 =	vpop (erf);
	(erf) = vpow2.f32 v5;
	v3 =	vmul.f32 $1.442695020e+00, v3  }
0x3a0: {  	v4 =	vld [tilespmem:s17+$0xFFFFFFE0];
	v5 =	vmin.f32 v6, $2.000000000e+01;
	v6 =	vadd.f32 $1.000000000e+00, v11  }
0x3a1: {  	v12 =	vpop (erf);
	v5 =	vmul.f32 $1.442695020e+00, v5;
	(erf) = vpow2.f32 v3  }
0x3a2: {  	v13 =	vadd.f32 $1.000000000e+00, v12;
	(erf) = vrcp.f32 v6  }
0x3a3: {  	s17 =	simm.s32 $0x4;
	(erf) = vpow2.f32 v5  }
0x3a4: {  	v11 =	vsub.f32 $1.000000000e+00, v11;
	v3 =	vmov s17;
	v6 =	vpop (erf);
	(erf) = vrcp.f32 v13  }
0x3a5: {  	s13 =	simm.s32 $0x7;
	s17 =	simm.s32 $0x10570;
	v4 =	vmul.f32 $-2.000000000e+00, v4;
	v14 =	vadd.f32 $1.000000000e+00, v6;
	v13 =	vsub.f32 $1.000000000e+00, v6;
	v6 =	vpop (erf)  }
0x3a6: {  	s22 =	simm.s32 $0x6;
	v17 =	vmov s13;
	v16 =	vld [tilespmem:s17+$0xFFFFFFF0];
	v15 =	vsub.f32 $1.000000000e+00, v6;
	v6 =	vadd.f32 $1.000000000e+00, v6  }
0x3a7: {  	v19 =	vld [tilespmem:s17+$0xFFFFFF90];
	v4 =	vmin.f32 v4, $2.000000000e+01;
	(erf) = vrcp.f32 v14;
	v14 =	vmov s22  }
0x3a8: {  	s21 =	simm.s32 $0x5;
	v20 =	vld [tilespmem:s17+$0xFFFFFFB0];
	v4 =	vmul.f32 $1.442695020e+00, v4;
	v18 =	vpop (erf);
	(erf) = vrcp.f32 v6;
	v6 =	vand.u32 $0x7F, v17  }
0x3a9: {  	v3 =	vand.u32 $0x7C, v3;
	v5 =	vmov s21;
	v22 =	vadd.s32 v0, v6  }
0x3aa: {  	(erf) = vpow2.f32 v4;
	v4 =	vand.u32 $0x7D, v5;
	v5 =	vand.u32 $0x7E, v14;
	v14 =	vpop (erf)  }
0x3ab: {  	v23 =	vld [tilespmem:s17+$0xFFFFFFD0];
	v21 =	vadd.s32 v0, v3;
	v24 =	vpop (erf)  }
0x3ac: {  	v12 =	vsub.f32 $1.000000000e+00, v12;
	v16 =	vmul.f32 $-2.000000000e+00, v16;
	v11 =	vmul.f32 v24, v11;
	v60 =	vpop (erf)  }
0x3ad: {  	v19 =	vmul.f32 $-2.000000000e+00, v19;
	v20 =	vmul.f32 $-2.000000000e+00, v20;
	v17 =	vadd.f32 $1.000000000e+00, v18;
	v27 =	vpop (erf)  }
0x3ae: {  	v16 =	vmin.f32 v16, $2.000000000e+01;
	v25 =	vadd.f32 $1.000000000e+00, v14;
	v12 =	vmul.f32 v27, v12;
	[tilespmem:v22+s29+$0x0] =	vst.idx.msk $0xffff, v11  }
0x3af: {  	v16 =	vmul.f32 $1.442695020e+00, v16;
	(erf) = vrcp.f32 v17;
	v17 =	vadd.s32 v0, v4;
	v22 =	vld [tilespmem:s20+$0x0]  }
0x3b0: {  	(erf) = vrcp.f32 v25;
	v11 =	vmin.f32 v19, $2.000000000e+01;
	v19 =	vmul.f32 $-2.000000000e+00, v23;
	[tilespmem:v21+s29+$0x0] =	vst.idx.msk $0xffff, v12  }
0x3b1: {  	(erf) = vpow2.f32 v16;
	v11 =	vmul.f32 $1.442695020e+00, v11;
	v23 =	vpop (erf);
	v16 =	vld [tilespmem:s20+$0xFFFFFFA0]  }
0x3b2: {  	v10 =	vadd.s32 v2, v10;
	v8 =	vadd.s32 v2, v8;
	v12 =	vmul.f32 v23, v13  }
0x3b3: {  	v26 =	vadd.s32 v0, v5;
	v13 =	vmin.f32 v20, $2.000000000e+01;
	(erf) = vpow2.f32 v11  }
0x3b4: {  	v19 =	vmin.f32 v19, $2.000000000e+01;
	v13 =	vmul.f32 $1.442695020e+00, v13;
	[tilespmem:v17+s29+$0x0] =	vst.idx.msk $0xffff, v12;
	v21 =	vmul.f32 $-2.000000000e+00, v22  }
0x3b5: {  	v9 =	vadd.s32 v2, v9;
	v61 =	vadd.f32 $1.000000000e+00, v60;
	v19 =	vmul.f32 $1.442695020e+00, v19;
	v11 =	vld [tilespmem:s20+$0xFFFFFFC0]  }
0x3b6: {  	v20 =	vpop (erf);
	(erf) = vpow2.f32 v13;
	v13 =	vmul.f32 $-2.000000000e+00, v16;
	v16 =	vmin.f32 v21, $2.000000000e+01  }
0x3b7: {  	v15 =	vmul.f32 v20, v15;
	v17 =	vsub.f32 $1.000000000e+00, v18;
	v12 =	vpop (erf);
	v16 =	vmul.f32 $1.442695020e+00, v16  }
0x3b8: {  	v14 =	vsub.f32 $1.000000000e+00, v14;
	(erf) = vpow2.f32 v19;
	v18 =	vadd.f32 $1.000000000e+00, v12;
	v20 =	vpop (erf)  }
0x3b9: {  	[tilespmem:v26+s29+$0x0] =	vst.idx.msk $0xffff, v15;
	v21 =	vadd.s32 v2, v7;
	(erf) = vrcp.f32 v61;
	v20 =	vmul.f32 v20, v17  }
0x3ba: {  	v15 =	vld [tilespmem:s20+$0xFFFFFFE0];
	s20 =	simm.s32 $0x8;
	v7 =	vmin.f32 v13, $2.000000000e+01;
	(erf) = vrcp.f32 v18;
	v11 =	vmul.f32 $-2.000000000e+00, v11;
	v13 =	vpop (erf)  }
0x3bb: {  	v17 =	vmov s20;
	v18 =	vmul.f32 $1.442695020e+00, v7;
	(erf) = vpow2.f32 v16;
	v16 =	vpop (erf)  }
0x3bc: {  	v22 =	vsub.f32 $1.000000000e+00, v60;
	v7 =	vand.u32 $0x7C, v17;
	v11 =	vmin.f32 v11, $2.000000000e+01;
	v23 =	vpop (erf)  }
0x3bd: {  	s22 =	simm.s32 $0xA;
	(erf) = vpow2.f32 v18;
	v17 =	vadd.f32 $1.000000000e+00, v16;
	v18 =	vadd.f32 $1.000000000e+00, v23  }
0x3be: {  	v12 =	vsub.f32 $1.000000000e+00, v12;
	[tilespmem:v10+s29+$0x0] =	vst.idx.msk $0xffff, v20;
	v20 =	vmov s22;
	v11 =	vmul.f32 $1.442695020e+00, v11  }
0x3bf: {  	v15 =	vmul.f32 $-2.000000000e+00, v15;
	v19 =	vsub.f32 $1.000000000e+00, v23;
	v23 =	vpop (erf);
	(erf) = vrcp.f32 v17  }
0x3c0: {  	s21 =	simm.s32 $0x9;
	v14 =	vmul.f32 v13, v14;
	(erf) = vpow2.f32 v11;
	v11 =	vadd.f32 $1.000000000e+00, v23  }
0x3c1: {  	v13 =	vmov s21;
	v62 =	vmin.f32 v15, $2.000000000e+01;
	(erf) = vrcp.f32 v18;
	v18 =	vpop (erf)  }
0x3c2: {  	v17 =	vsub.f32 $1.000000000e+00, v23;
	(erf) = vrcp.f32 v11;
	v23 =	vadd.f32 $1.000000000e+00, v18;
	v63 =	vpop (erf)  }
0x3c3: {  	s13 =	simm.s32 $0xB;
	s20 =	simm.s32 $0x105F0;
	v15 =	vsub.f32 $1.000000000e+00, v18;
	v18 =	vmul.f32 $1.442695020e+00, v62;
	v11 =	vmul.f32 v63, v22;
	v22 =	vpop (erf)  }
0x3c4: {  	s22 =	simm.s32 $0x10;
	s21 =	simm.s32 $0xC;
	[tilespmem:v21+s29+$0x0] =	vst.idx.msk $0xffff, v14;
	v21 =	vld [tilespmem:s20+$0xFFFFFFF0];
	v14 =	vmov s13;
	(erf) = vrcp.f32 v23;
	v10 =	vpop (erf);
	v12 =	vmul.f32 v22, v12  }
.LBB2_19:
0x3c5: {  	p0 =	slt.u32 s22, $0x7C;
	v22 =	vld [tilespmem:s20+$0xFFFFFF90];
	v14 =	vand.u32 $0x7F, v14;
	v25 =	vadd.f32 $1.000000000e+00, v10;
	(erf) = vpow2.f32 v18;
	[tilespmem:v8+s29+$0x0] =	vst.idx.msk $0xffff, v11;
	v11 =	vmovc v5  }
0x3c6: {  	v18 =	vadd.s32 v0, v7;
	v24 =	vand.u32 $0x7D, v13;
	v8 =	vld [tilespmem:s20+$0xFFFFFFB0];
	v13 =	vadd.s32 v0, v14;
	[tilespmem:v9+s29+$0x0] =	vst.idx.msk $0xffff, v12  }
0x3c7: {  	v5 =	vand.u32 $0x7E, v20;
	v12 =	vsub.f32 $1.000000000e+00, v16;
	v9 =	vld [tilespmem:s20+$0xFFFFFFD0];
	v16 =	vpop (erf);
	(erf) = vrcp.f32 v25  }
0x3c8: {  	v20 =	vadd.s32 v0, v24;
	v23 =	vpop (erf);
	v25 =	vsub.f32 $1.000000000e+00, v16;
	v16 =	vadd.f32 $1.000000000e+00, v16  }
0x3c9: {  	v26 =	vadd.s32 v0, v5;
	v29 =	vmul.f32 $-2.000000000e+00, v21;
	v12 =	vmul.f32 v23, v12;
	v23 =	vpop (erf)  }
0x3ca: {  	v22 =	vmul.f32 $-2.000000000e+00, v22;
	v27 =	vpop (erf);
	v28 =	vadd.f32 $1.000000000e+00, v23;
	(erf) = vrcp.f32 v16  }
0x3cb: {  	v8 =	vmul.f32 $-2.000000000e+00, v8;
	v16 =	vmin.f32 v29, $2.000000000e+01;
	v19 =	vmul.f32 v27, v19;
	[tilespmem:v13+s29+$0x0] =	vst.idx.msk $0xffff, v12  }
0x3cc: {  	v12 =	vmin.f32 v22, $2.000000000e+01;
	v9 =	vmul.f32 $-2.000000000e+00, v9;
	v13 =	vmul.f32 $1.442695020e+00, v16;
	v16 =	vld [tilespmem:s17+$0x0];
	v21 =	vpop (erf)  }
0x3cd: {  	v12 =	vmul.f32 $1.442695020e+00, v12;
	v8 =	vmin.f32 v8, $2.000000000e+01;
	[tilespmem:v18+s29+$0x0] =	vst.idx.msk $0xffff, v19;
	v22 =	vmul.f32 v21, v17;
	v18 =	vpop (erf)  }
0x3ce: {  	v19 =	vadd.s32 v2, v6;
	v9 =	vmin.f32 v9, $2.000000000e+01;
	(erf) = vpow2.f32 v13;
	v13 =	vld [tilespmem:s17+$0xFFFFFFA0];
	v21 =	vpop (erf)  }
0x3cf: {  	v10 =	vsub.f32 $1.000000000e+00, v10;
	v6 =	vmovc v14;
	v8 =	vmul.f32 $1.442695020e+00, v8;
	v9 =	vmul.f32 $1.442695020e+00, v9;
	[tilespmem:v20+s29+$0x0] =	vst.idx.msk $0xffff, v22  }
0x3d0: {  	v14 =	vmul.f32 v18, v15;
	v15 =	vadd.f32 $1.000000000e+00, v21;
	(erf) = vpow2.f32 v12;
	v12 =	vld [tilespmem:s17+$0xFFFFFFC0];
	v17 =	vpop (erf)  }
0x3d1: {  	v22 =	vsub.f32 $1.000000000e+00, v23;
	v16 =	vmul.f32 $-2.000000000e+00, v16;
	v17 =	vmul.f32 v17, v10  }
0x3d2: {  	v23 =	vsub.f32 $1.000000000e+00, v21;
	(erf) = vpow2.f32 v8;
	[tilespmem:v26+s29+$0x0] =	vst.idx.msk $0xffff, v14  }
0x3d3: {  	(erf) = vpow2.f32 v9;
	v8 =	vmul.f32 $-2.000000000e+00, v13;
	v9 =	vld [tilespmem:s17+$0xFFFFFFE0];
	v13 =	vmin.f32 v16, $2.000000000e+01;
	[tilespmem:v19+s29+$0x0] =	vst.idx.msk $0xffff, v17;
	v10 =	vpop (erf);
	s17 =	smov.u32 s20  }
0x3d4: {  	v14 =	vadd.s32 v2, v3;
	v3 =	vmovc v7;
	v13 =	vmul.f32 $1.442695020e+00, v13;
	(erf) = vrcp.f32 v28  }
0x3d5: {  	v7 =	vmin.f32 v8, $2.000000000e+01;
	v8 =	vmul.f32 $-2.000000000e+00, v12;
	(erf) = vrcp.f32 v15  }
0x3d6: {  	v12 =	vmov s21;
	v15 =	vmul.f32 $1.442695020e+00, v7;
	(erf) = vpow2.f32 v13  }
0x3d7: {  	v10 =	vmul.f32 v10, v25;
	v7 =	vand.u32 $0x7C, v12;
	v16 =	vpop (erf);
	v8 =	vmin.f32 v8, $2.000000000e+01  }
0x3d8: {  	s5 =	sadd.s32 $0x1, s21;
	v20 =	vadd.f32 $1.000000000e+00, v16;
	v17 =	vmul.f32 $1.442695020e+00, v8;
	v9 =	vmul.f32 $-2.000000000e+00, v9  }
0x3d9: {  	v13 =	vmov s5;
	v8 =	vadd.s32 v2, v4;
	v18 =	vpop (erf);
	(erf) = vpow2.f32 v15;
	[tilespmem:v14+s29+$0x0] =	vst.idx.msk $0xffff, v10  }
0x3da: {  	v4 =	vmovc v24;
	v19 =	vsub.f32 $1.000000000e+00, v18;
	v15 =	vadd.f32 $1.000000000e+00, v18;
	(erf) = vrcp.f32 v20  }
.Ltmp10:
0x3db: {  	v14 =	vmin.f32 v9, $2.000000000e+01;
	v9 =	vadd.s32 v2, v11;
	v12 =	vpop (erf);
	(erf) = vpow2.f32 v17;
	(pc) =	sbr.rel @p0 .LBB2_19-.Ltmp10, $4  }
0x3dc: {  	v17 =	vsub.f32 $1.000000000e+00, v12;
	v11 =	vadd.f32 $1.000000000e+00, v12;
	(erf) = vrcp.f32 v15;
	v10 =	vpop (erf)  }
0x3dd: {  	s5 =	sadd.s32 $0x2, s21;
	v18 =	vmul.f32 $1.442695020e+00, v14;
	v15 =	vsub.f32 $1.000000000e+00, v10;
	v24 =	vadd.f32 $1.000000000e+00, v10;
	v12 =	vpop (erf)  }
0x3de: {  	s20 =	sadd.s32 $0x80, s20;
	v20 =	vmov s5;
	s5 =	sadd.s32 $0x3, s21;
	s21 =	smov.u32 s22;
	(erf) = vrcp.f32 v11;
	v11 =	vmul.f32 v12, v22;
	v12 =	vpop (erf)  }
0x3df: {  	s22 =	sadd.s32 $0x4, s22;
	v14 =	vmov s5;
	v21 =	vld [tilespmem:s20+$0xFFFFFFF0];
	(erf) = vrcp.f32 v24;
	v10 =	vpop (erf);
	v12 =	vmul.f32 v12, v23  }
0x3e0: {  	v22 =	vld [tilespmem:s20+$0xFFFFFF90]  }
0x3e1: {  	v23 =	vld [tilespmem:s20+$0xFFFFFFB0];
	v16 =	vsub.f32 $1.000000000e+00, v16  }
0x3e2: {  	v14 =	vand.u32 $0x7F, v14;
	v24 =	vadd.f32 $1.000000000e+00, v10;
	(erf) = vpow2.f32 v18  }
0x3e3: {  	v26 =	vadd.s32 v0, v7;
	v13 =	vand.u32 $0x7D, v13;
	v27 =	vld [tilespmem:s20+$0xFFFFFFD0];
	v25 =	vadd.s32 v0, v14;
	v18 =	vpop (erf)  }
0x3e4: {  	(erf) = vrcp.f32 v24;
	v44 =	vpop (erf);
	v28 =	vadd.f32 $1.000000000e+00, v18;
	v21 =	vmul.f32 $-2.000000000e+00, v21  }
0x3e5: {  	v29 =	vadd.s32 v0, v13;
	v24 =	vmul.f32 v44, v16;
	v16 =	vpop (erf);
	v22 =	vmul.f32 $-2.000000000e+00, v22  }
0x3e6: {  	v30 =	vpop (erf);
	(erf) = vrcp.f32 v28;
	v23 =	vmul.f32 $-2.000000000e+00, v23;
	v21 =	vmin.f32 v21, $2.000000000e+01  }
0x3e7: {  	v19 =	vmul.f32 v30, v19;
	v22 =	vmin.f32 v22, $2.000000000e+01;
	v21 =	vmul.f32 $1.442695020e+00, v21  }
0x3e8: {  	v45 =	vmul.f32 $-2.000000000e+00, v27;
	[tilespmem:v25+s29+$0x0] =	vst.idx.msk $0xffff, v24;
	v46 =	vpop (erf);
	v22 =	vmul.f32 $1.442695020e+00, v22  }
0x3e9: {  	v25 =	vld [tilespmem:s17+$0x0];
	v23 =	vmin.f32 v23, $2.000000000e+01;
	[tilespmem:v26+s29+$0x0] =	vst.idx.msk $0xffff, v19;
	v17 =	vmul.f32 v46, v17;
	(erf) = vpow2.f32 v21  }
0x3ea: {  	v47 =	vmin.f32 v45, $2.000000000e+01;
	v23 =	vmul.f32 $1.442695020e+00, v23;
	v48 =	vld [tilespmem:s17+$0xFFFFFFA0]  }
0x3eb: {  	v19 =	vmul.f32 $1.442695020e+00, v47;
	[tilespmem:v29+s29+$0x0] =	vst.idx.msk $0xffff, v17;
	(erf) = vpow2.f32 v22  }
0x3ec: {  	v49 =	vld [tilespmem:s17+$0xFFFFFFC0];
	(erf) = vpow2.f32 v23  }
0x3ed: {  	(erf) = vpow2.f32 v19  }
0x3ee: {  	v53 =	vadd.f32 $1.000000000e+00, v16;
	v52 =	vpop (erf);
	v17 =	vand.u32 $0x7E, v20;
	v50 =	vmul.f32 $-2.000000000e+00, v25  }
0x3ef: {  	v15 =	vmul.f32 v52, v15;
	v51 =	vadd.s32 v0, v17;
	v25 =	vpop (erf);
	v21 =	vmul.f32 $-2.000000000e+00, v48  }
0x3f0: {  	v54 =	vadd.f32 $1.000000000e+00, v25;
	v26 =	vpop (erf);
	(erf) = vrcp.f32 v53;
	v20 =	vmin.f32 v50, $2.000000000e+01  }
0x3f1: {  	v27 =	vpop (erf);
	v20 =	vmul.f32 $1.442695020e+00, v20;
	v21 =	vmin.f32 v21, $2.000000000e+01;
	v22 =	vmul.f32 $-2.000000000e+00, v49  }
0x3f2: {  	(erf) = vrcp.f32 v54;
	v21 =	vmul.f32 $1.442695020e+00, v21;
	v55 =	vpop (erf)  }
0x3f3: {  	(erf) = vpow2.f32 v20;
	v56 =	vmin.f32 v22, $2.000000000e+01;
	v57 =	vadd.f32 $1.000000000e+00, v55  }
0x3f4: {  	v20 =	vmul.f32 $1.442695020e+00, v56;
	v58 =	vpop (erf);
	(erf) = vpow2.f32 v21  }
0x3f5: {  	[tilespmem:v51+s29+$0x0] =	vst.idx.msk $0xffff, v15;
	v59 =	vadd.f32 $1.000000000e+00, v58;
	v60 =	vpop (erf);
	(erf) = vrcp.f32 v57  }
0x3f6: {  	v61 =	vld [tilespmem:s17+$0xFFFFFFE0];
	v62 =	vadd.f32 $1.000000000e+00, v60;
	v63 =	vpop (erf);
	(erf) = vpow2.f32 v20  }
0x3f7: {  	v40 =	vadd.f32 $1.000000000e+00, v63;
	(erf) = vrcp.f32 v59  }
0x3f8: {  	(erf) = vrcp.f32 v62  }
0x3f9: {  	s5 =	sadd.s32 $0x1, s21;
	(erf) = vrcp.f32 v40  }
0x3fa: {  	s13 =	sadd.s32 $0x3, s21;
	v43 =	vmov s21;
	v41 =	vmov s5;
	v28 =	vpop (erf)  }
0x3fb: {  	v42 =	vmov s13;
	v29 =	vand.u32 $0x7C, v43;
	v21 =	vmul.f32 $-2.000000000e+00, v61;
	v30 =	vpop (erf)  }
0x3fc: {  	v35 =	vadd.s32 v0, v29;
	v15 =	vand.u32 $0x7D, v41;
	v20 =	vand.u32 $0x7F, v42;
	v32 =	vpop (erf)  }
0x3fd: {  	s17 =	sadd.s32 $0x2, s21;
	v23 =	vsub.f32 $1.000000000e+00, v55;
	v33 =	vadd.s32 v0, v20;
	v21 =	vmin.f32 v21, $2.000000000e+01;
	v34 =	vpop (erf)  }
0x3fe: {  	v37 =	vadd.s32 v0, v15;
	v31 =	vmov s17;
	v21 =	vmul.f32 $1.442695020e+00, v21;
	v36 =	vpop (erf)  }
0x3ff: {  	v31 =	vand.u32 $0x7E, v31;
	v24 =	vsub.f32 $1.000000000e+00, v58;
	v23 =	vmul.f32 v36, v23;
	v36 =	vpop (erf)  }
0x400: {  	v44 =	vadd.s32 v0, v31;
	v19 =	vsub.f32 $1.000000000e+00, v60;
	(erf) = vpow2.f32 v21;
	v38 =	vpop (erf)  }
0x401: {  	v22 =	vsub.f32 $1.000000000e+00, v63;
	v24 =	vmul.f32 v38, v24;
	v45 =	vpop (erf)  }
0x402: {  	[tilespmem:v33+s29+$0x0] =	vst.idx.msk $0xffff, v23;
	v19 =	vmul.f32 v45, v19;
	v46 =	vpop (erf)  }
0x403: {  	v33 =	vld [tilespmem:s20+$0x0];
	[tilespmem:v35+s29+$0x0] =	vst.idx.msk $0xffff, v24;
	v22 =	vmul.f32 v46, v22  }
0x404: {  	v47 =	vld [tilespmem:s20+$0xFFFFFFA0];
	[tilespmem:v37+s29+$0x0] =	vst.idx.msk $0xffff, v19  }
0x405: {  	v48 =	vadd.f32 $1.000000000e+00, v32;
	v19 =	vld [tilespmem:s20+$0xFFFFFFC0];
	[tilespmem:v44+s29+$0x0] =	vst.idx.msk $0xffff, v22  }
0x406: {  	v49 =	vadd.f32 $1.000000000e+00, v34;
	v22 =	vld [tilespmem:s20+$0xFFFFFFE0]  }
0x407: {  	(erf) = vrcp.f32 v48;
	v50 =	vadd.f32 $1.000000000e+00, v36  }
0x408: {  	(erf) = vrcp.f32 v49;
	v33 =	vmul.f32 $-2.000000000e+00, v33  }
0x409: {  	(erf) = vrcp.f32 v50;
	v24 =	vpop (erf);
	v23 =	vmul.f32 $-2.000000000e+00, v47  }
0x40a: {  	v33 =	vmin.f32 v33, $2.000000000e+01;
	v51 =	vadd.f32 $1.000000000e+00, v24;
	v19 =	vmul.f32 $-2.000000000e+00, v19  }
0x40b: {  	v33 =	vmul.f32 $1.442695020e+00, v33;
	v52 =	vmin.f32 v23, $2.000000000e+01;
	v22 =	vmul.f32 $-2.000000000e+00, v22  }
0x40c: {  	(erf) = vrcp.f32 v51;
	v21 =	vmul.f32 $1.442695020e+00, v52;
	v19 =	vmin.f32 v19, $2.000000000e+01  }
0x40d: {  	(erf) = vpow2.f32 v33;
	v19 =	vmul.f32 $1.442695020e+00, v19;
	v22 =	vmin.f32 v22, $2.000000000e+01  }
0x40e: {  	(erf) = vpow2.f32 v21;
	v53 =	vmul.f32 $1.442695020e+00, v22  }
0x40f: {  	(erf) = vpow2.f32 v19  }
0x410: {  	(erf) = vpow2.f32 v53;
	_ =	sdelay $0x1  }
0x411: {  	v54 =	vpop (erf)  }
0x412: {  	v55 =	vpop (erf)  }
0x413: {  	v56 =	vpop (erf)  }
0x414: {  	v57 =	vpop (erf)  }
0x415: {  	v6 =	vadd.s32 v2, v6;
	v33 =	vpop (erf)  }
0x416: {  	v3 =	vadd.s32 v2, v3;
	v4 =	vadd.s32 v2, v4;
	v59 =	vadd.f32 $1.000000000e+00, v33;
	v60 =	vpop (erf)  }
0x417: {  	v5 =	vadd.s32 v2, v5;
	v18 =	vsub.f32 $1.000000000e+00, v18;
	v61 =	vadd.f32 $1.000000000e+00, v60;
	v62 =	vpop (erf)  }
0x418: {  	v43 =	vadd.s32 v2, v14;
	(erf) = vrcp.f32 v59;
	v63 =	vadd.f32 $1.000000000e+00, v62;
	v39 =	vpop (erf)  }
0x419: {  	v58 =	vsub.f32 $1.000000000e+00, v10;
	(erf) = vrcp.f32 v61;
	v40 =	vadd.f32 $1.000000000e+00, v39  }
0x41a: {  	[tilespmem:v8+s29+$0x0] =	vst.idx.msk $0xffff, v11;
	v18 =	vmul.f32 v27, v18;
	v42 =	vsub.f32 $1.000000000e+00, v25;
	(erf) = vrcp.f32 v63  }
0x41b: {  	[tilespmem:v9+s29+$0x0] =	vst.idx.msk $0xffff, v12;
	v41 =	vsub.f32 $1.000000000e+00, v16;
	v10 =	vmul.f32 v26, v58;
	(erf) = vrcp.f32 v40  }
0x41c: {  	[tilespmem:v3+s29+$0x0] =	vst.idx.msk $0xffff, v18;
	v3 =	vmul.f32 v30, v42;
	v45 =	vsub.f32 $1.000000000e+00, v32;
	v46 =	vadd.s32 v2, v7  }
0x41d: {  	[tilespmem:v6+s29+$0x0] =	vst.idx.msk $0xffff, v10;
	v48 =	vadd.s32 v2, v13;
	v44 =	vmul.f32 v28, v41;
	v47 =	vsub.f32 $1.000000000e+00, v34  }
0x41e: {  	[tilespmem:v5+s29+$0x0] =	vst.idx.msk $0xffff, v3;
	v49 =	vsub.f32 $1.000000000e+00, v36;
	v50 =	vmul.f32 v54, v45;
	v51 =	vadd.s32 v2, v17  }
0x41f: {  	[tilespmem:v4+s29+$0x0] =	vst.idx.msk $0xffff, v44;
	v3 =	vsub.f32 $1.000000000e+00, v24;
	v52 =	vmul.f32 v55, v47;
	v53 =	vadd.s32 v2, v20  }
0x420: {  	[tilespmem:v43+s29+$0x0] =	vst.idx.msk $0xffff, v50;
	v4 =	vmul.f32 v56, v49;
	v55 =	vadd.s32 v2, v29;
	v54 =	vsub.f32 $1.000000000e+00, v33  }
0x421: {  	v58 =	vadd.s32 v2, v15;
	[tilespmem:v46+s29+$0x0] =	vst.idx.msk $0xffff, v52;
	v3 =	vmul.f32 v57, v3;
	v56 =	vsub.f32 $1.000000000e+00, v60;
	v57 =	vpop (erf)  }
0x422: {  	[tilespmem:v48+s29+$0x0] =	vst.idx.msk $0xffff, v4;
	v59 =	vsub.f32 $1.000000000e+00, v62;
	v61 =	vadd.s32 v2, v31;
	v6 =	vmul.f32 v57, v54;
	v60 =	vpop (erf)  }
0x423: {  	[tilespmem:v51+s29+$0x0] =	vst.idx.msk $0xffff, v3;
	v3 =	vsub.f32 $1.000000000e+00, v39;
	v5 =	vmul.f32 v60, v56;
	v62 =	vpop (erf)  }
0x424: {  	[tilespmem:v53+s29+$0x0] =	vst.idx.msk $0xffff, v6;
	v4 =	vmul.f32 v62, v59;
	v63 =	vpop (erf)  }
0x425: {  	[tilespmem:v55+s29+$0x0] =	vst.idx.msk $0xffff, v5;
	v3 =	vmul.f32 v63, v3  }
0x426: {  	[tilespmem:v58+s29+$0x0] =	vst.idx.msk $0xffff, v4  }
0x427: {  	s20 =	sadd.s32 $0x180, s14;
	[tilespmem:v61+s29+$0x0] =	vst.idx.msk $0xffff, v3  }
0x428: {  	[hbm4b:s20+s3] =	stream.linear.scatter [tilespmem:s29], [sflag:$0x8], $0x80, $0x38;
	[tilespmem:$0x15800] =	vst v63  }
0x429: {  	s22 =	simm.s32 $0x14788;
	s21 =	sadd.s32 $0x190, s14  }
0x42a: {  	[hbm4b:s21+s3] =	stream.linear.scatter [tilespmem:s22], [sflag:$0x8], $0x80, $0x38;
	[tilespmem:$0x15800] =	vst v63  }
0x42b: {  	s17 =	sadd.s32 $0x1A0, s14;
	s20 =	simm.s32 $0x14810  }
0x42c: {  	[hbm4b:s17+s3] =	stream.linear.scatter [tilespmem:s20], [sflag:$0x8], $0x80, $0x38;
	[tilespmem:$0x15800] =	vst v63  }
0x42d: {  	s21 =	sadd.s32 $0x1B0, s14;
	s22 =	simm.s32 $0x14898  }
0x42e: {  	[hbm4b:s21+s3] =	stream.linear.scatter [tilespmem:s22], [sflag:$0x8], $0x80, $0x38;
	[tilespmem:$0x15800] =	vst v63  }
0x42f: {  	s17 =	sadd.s32 $0x1C0, s14;
	s20 =	simm.s32 $0x14920  }
0x430: {  	[hbm4b:s17+s3] =	stream.linear.scatter [tilespmem:s20], [sflag:$0x8], $0x80, $0x38;
	[tilespmem:$0x15800] =	vst v63  }
0x431: {  	s21 =	sadd.s32 $0x1D0, s14;
	s22 =	simm.s32 $0x149A8  }
0x432: {  	[hbm4b:s21+s3] =	stream.linear.scatter [tilespmem:s22], [sflag:$0x8], $0x80, $0x38;
	[tilespmem:$0x15800] =	vst v63  }
0x433: {  	s17 =	sadd.s32 $0x1E0, s14;
	s20 =	simm.s32 $0x14A30  }
0x434: {  	[hbm4b:s17+s3] =	stream.linear.scatter [tilespmem:s20], [sflag:$0x8], $0x80, $0x38;
	[tilespmem:$0x15800] =	vst v63  }
0x435: {  	s13 =	sor.u32 $0x4180, s11;
	s21 =	sadd.s32 $0x1F0, s14;
	s22 =	simm.s32 $0x14AB8  }
0x436: {  	[hbm4b:s21+s3] =	stream.linear.scatter [tilespmem:s22], [sflag:$0x8], $0x80, $0x38;
	[tilespmem:$0x15800] =	vst v63  }
0x437: {  	s5 =	sadd.s32 s2, s13;
	s14 =	simm.s32 $0x14B40  }
0x438: {  	[hbm4b:s5+s3] =	stream.linear.scatter [tilespmem:s14], [sflag:$0x8], $0x80, $0x38;
	[tilespmem:$0x15800] =	vst v63  }
0x439: {  	s17 =	sadd.s32 $0x10, s5;
	s20 =	simm.s32 $0x14BC8  }
0x43a: {  	[hbm4b:s17+s3] =	stream.linear.scatter [tilespmem:s20], [sflag:$0x8], $0x80, $0x38;
	[tilespmem:$0x15800] =	vst v63  }
0x43b: {  	s21 =	sadd.s32 $0x20, s5;
	s22 =	simm.s32 $0x14C50  }
0x43c: {  	[hbm4b:s21+s3] =	stream.linear.scatter [tilespmem:s22], [sflag:$0x8], $0x80, $0x38;
	[tilespmem:$0x15800] =	vst v63  }
0x43d: {  	s17 =	sadd.s32 $0x30, s5;
	s20 =	simm.s32 $0x14CD8  }
0x43e: {  	[hbm4b:s17+s3] =	stream.linear.scatter [tilespmem:s20], [sflag:$0x8], $0x80, $0x38;
	[tilespmem:$0x15800] =	vst v63  }
0x43f: {  	s21 =	sadd.s32 $0x40, s5;
	s22 =	simm.s32 $0x14D60  }
0x440: {  	[hbm4b:s21+s3] =	stream.linear.scatter [tilespmem:s22], [sflag:$0x8], $0x80, $0x38;
	[tilespmem:$0x15800] =	vst v63  }
0x441: {  	s14 =	sadd.s32 $0x50, s5;
	s17 =	simm.s32 $0x14DE8  }
0x442: {  	[hbm4b:s14+s3] =	stream.linear.scatter [tilespmem:s17], [sflag:$0x8], $0x80, $0x38;
	[tilespmem:$0x15800] =	vst v63  }
0x443: {  	s20 =	sadd.s32 $0x60, s5;
	s21 =	simm.s32 $0x14E70  }
0x444: {  	[hbm4b:s20+s3] =	stream.linear.scatter [tilespmem:s21], [sflag:$0x8], $0x80, $0x38;
	[tilespmem:$0x15800] =	vst v63  }
0x445: {  	s13 =	sor.u32 $0x8180, s11;
	s5 =	sadd.s32 $0x70, s5;
	s22 =	simm.s32 $0x14EF8  }
0x446: {  	[hbm4b:s5+s3] =	stream.linear.scatter [tilespmem:s22], [sflag:$0x8], $0x80, $0x38;
	[tilespmem:$0x15800] =	vst v63  }
0x447: {  	s14 =	simm.s32 $0x14F80;
	s5 =	sadd.s32 s2, s13  }
0x448: {  	[hbm4b:s5+s3] =	stream.linear.scatter [tilespmem:s14], [sflag:$0x8], $0x80, $0x38;
	[tilespmem:$0x15800] =	vst v63  }
0x449: {  	s20 =	simm.s32 $0x15008;
	s17 =	sadd.s32 $0x10, s5  }
0x44a: {  	[hbm4b:s17+s3] =	stream.linear.scatter [tilespmem:s20], [sflag:$0x8], $0x80, $0x38;
	[tilespmem:$0x15800] =	vst v63  }
0x44b: {  	s22 =	simm.s32 $0x15090;
	s21 =	sadd.s32 $0x20, s5  }
0x44c: {  	[hbm4b:s21+s3] =	stream.linear.scatter [tilespmem:s22], [sflag:$0x8], $0x80, $0x38;
	[tilespmem:$0x15800] =	vst v63  }
0x44d: {  	s17 =	sadd.s32 $0x30, s5;
	s20 =	simm.s32 $0x15118  }
0x44e: {  	[hbm4b:s17+s3] =	stream.linear.scatter [tilespmem:s20], [sflag:$0x8], $0x80, $0x38;
	[tilespmem:$0x15800] =	vst v63  }
0x44f: {  	s21 =	sadd.s32 $0x40, s5;
	s22 =	simm.s32 $0x151A0  }
0x450: {  	[hbm4b:s21+s3] =	stream.linear.scatter [tilespmem:s22], [sflag:$0x8], $0x80, $0x38;
	[tilespmem:$0x15800] =	vst v63  }
0x451: {  	s17 =	sadd.s32 $0x50, s5;
	s20 =	simm.s32 $0x15228  }
0x452: {  	[hbm4b:s17+s3] =	stream.linear.scatter [tilespmem:s20], [sflag:$0x8], $0x80, $0x38;
	[tilespmem:$0x15800] =	vst v63  }
0x453: {  	s21 =	sadd.s32 $0x60, s5;
	s22 =	simm.s32 $0x152B0  }
0x454: {  	[hbm4b:s21+s3] =	stream.linear.scatter [tilespmem:s22], [sflag:$0x8], $0x80, $0x38;
	[tilespmem:$0x15800] =	vst v63  }
0x455: {  	s14 =	simm.s32 $0x15338;
	s5 =	sadd.s32 $0x70, s5;
	s17 =	sor.u32 $0xC180, s11  }
0x456: {  	[hbm4b:s5+s3] =	stream.linear.scatter [tilespmem:s14], [sflag:$0x8], $0x80, $0x38;
	[tilespmem:$0x15800] =	vst v63  }
0x457: {  	s20 =	simm.s32 $0x153C0;
	s5 =	sadd.s32 s2, s17  }
0x458: {  	[hbm4b:s5+s3] =	stream.linear.scatter [tilespmem:s20], [sflag:$0x8], $0x80, $0x38;
	[tilespmem:$0x15800] =	vst v63  }
0x459: {  	s22 =	simm.s32 $0x15448;
	s21 =	sadd.s32 $0x10, s5  }
0x45a: {  	[hbm4b:s21+s3] =	stream.linear.scatter [tilespmem:s22], [sflag:$0x8], $0x80, $0x38;
	[tilespmem:$0x15800] =	vst v63  }
0x45b: {  	s14 =	simm.s32 $0x154D0;
	s13 =	sadd.s32 $0x20, s5  }
0x45c: {  	[hbm4b:s13+s3] =	stream.linear.scatter [tilespmem:s14], [sflag:$0x8], $0x80, $0x38;
	[tilespmem:$0x15800] =	vst v63  }
0x45d: {  	s17 =	sadd.s32 $0x30, s5;
	s20 =	simm.s32 $0x15558  }
0x45e: {  	[hbm4b:s17+s3] =	stream.linear.scatter [tilespmem:s20], [sflag:$0x8], $0x80, $0x38;
	[tilespmem:$0x15800] =	vst v63  }
0x45f: {  	s21 =	sadd.s32 $0x40, s5;
	s22 =	simm.s32 $0x155E0  }
0x460: {  	[hbm4b:s21+s3] =	stream.linear.scatter [tilespmem:s22], [sflag:$0x8], $0x80, $0x38;
	[tilespmem:$0x15800] =	vst v63  }
0x461: {  	p0 =	sne.s32 s16, $0x32;
	s14 =	sadd.s32 $0x50, s5;
	s17 =	simm.s32 $0x15668  }
0x462: {  	[hbm4b:s14+s3] =	stream.linear.scatter [tilespmem:s17], [sflag:$0x8], $0x80, $0x38;
	[tilespmem:$0x15800] =	vst v63  }
.Ltmp11:
0x463: {  	_ = 	snop;
	(pc) =	sbr.rel @p0 .LBB2_4-.Ltmp11, $4  }
0x464: {  	s20 =	sadd.s32 $0x60, s5;
	s21 =	simm.s32 $0x156F0  }
0x465: {  	[hbm4b:s20+s3] =	stream.linear.scatter [tilespmem:s21], [sflag:$0x8], $0x80, $0x38;
	[tilespmem:$0x15800] =	vst v63  }
0x466: {  	s5 =	sadd.s32 $0x70, s5;
	s22 =	simm.s32 $0x15778  }
0x467: {  	[hbm4b:s5+s3] =	stream.linear.scatter [tilespmem:s22], [sflag:$0x8], $0x80, $0x38;
	[tilespmem:$0x15800] =	vst v63  }
0x468: {  	s5 =	simm.s32 $0x5  }
0x469: {  	_ =	swait.ge [sflag:s5], $0x400  }
0x46a: {  	[sflag:s5] =	ssyncset.done $0x0  }
0x46b: {  	[sflag:s5] =	ssyncadd.s32 $0xFFFFFC00  }
0x46c: {  	_ =	swait.ge [sflag:s5], $0x400  }
0x46d: {  	[sflag:s5] =	ssyncset.done $0x0  }
0x46e: {  	[sflag:s5] =	ssyncadd.s32 $0xFFFFFC00  }
0x46f: {  	_ =	swait.ge [sflag:s5], $0x400  }
0x470: {  	[sflag:s5] =	ssyncset.done $0x0  }
0x471: {  	[sflag:s5] =	ssyncadd.s32 $0xFFFFFC00  }
0x472: {  	_ =	swait.ge [sflag:s5], $0x400  }
0x473: {  	[sflag:s5] =	ssyncset.done $0x0  }
0x474: {  	s30 =	simm.s32 $0x6;
	[sflag:s5] =	ssyncadd.s32 $0xFFFFFC00  }
0x475: {  	_ =	swait.ge [sflag:s30], $0x400  }
0x476: {  	[sflag:s30] =	ssyncset.done $0x0  }
0x477: {  	[sflag:s30] =	ssyncadd.s32 $0xFFFFFC00  }
0x478: {  	_ =	swait.ge [sflag:s30], $0x400  }
0x479: {  	[sflag:s30] =	ssyncset.done $0x0  }
0x47a: {  	[sflag:s30] =	ssyncadd.s32 $0xFFFFFC00  }
0x47b: {  	_ =	swait.ge [sflag:s30], $0x400  }
0x47c: {  	[sflag:s30] =	ssyncset.done $0x0  }
0x47d: {  	[sflag:s30] =	ssyncadd.s32 $0xFFFFFC00  }
0x47e: {  	_ =	swait.ge [sflag:s30], $0x400  }
0x47f: {  	[sflag:s30] =	ssyncset.done $0x0  }
0x480: {  	[sflag:s30] =	ssyncadd.s32 $0xFFFFFC00  }
0x481: {  	_ =	swait.ge [sflag:s25], $0x400  }
0x482: {  	[sflag:s25] =	ssyncset.done $0x0  }
0x483: {  	[sflag:s25] =	ssyncadd.s32 $0xFFFFFC00  }
0x484: {  	_ =	swait.ge [sflag:s25], $0x400  }
0x485: {  	[sflag:s25] =	ssyncset.done $0x0  }
0x486: {  	[sflag:s25] =	ssyncadd.s32 $0xFFFFFC00  }
0x487: {  	_ =	swait.ge [sflag:s25], $0x400  }
0x488: {  	[sflag:s25] =	ssyncset.done $0x0  }
0x489: {  	[sflag:s25] =	ssyncadd.s32 $0xFFFFFC00  }
0x48a: {  	_ =	swait.ge [sflag:s25], $0x400  }
0x48b: {  	[sflag:s25] =	ssyncset.done $0x0  }
0x48c: {  	[sflag:s25] =	ssyncadd.s32 $0xFFFFFC00  }
0x48d: {  	_ =	swait.ge [sflag:s28], $0x400  }
0x48e: {  	[sflag:s28] =	ssyncset.done $0x0  }
0x48f: {  	[sflag:s28] =	ssyncadd.s32 $0xFFFFFC00  }
0x490: {  	_ =	swait.ge [sflag:s28], $0x400  }
0x491: {  	[sflag:s28] =	ssyncset.done $0x0  }
0x492: {  	[sflag:s28] =	ssyncadd.s32 $0xFFFFFC00  }
0x493: {  	_ =	swait.ge [sflag:s28], $0x400  }
0x494: {  	[sflag:s28] =	ssyncset.done $0x0  }
0x495: {  	[sflag:s28] =	ssyncadd.s32 $0xFFFFFC00  }
0x496: {  	_ =	swait.ge [sflag:s28], $0x400  }
0x497: {  	s10 =	rddreg [dreg:$0x5]  }
0x498: {  	s31 =	rddreg [dreg:$0x4];
	s10 =	sadd.s32 $0x1, s10  }
0x499: {  	p0 =	sne.s32 s10, s31  }
.Ltmp12:
0x49a: {  	_ = 	snop;
	(pc) =	sbr.rel @p0 .LBB2_1-.Ltmp12, $3  }
0x49b: {  	_ =	sdelay $0x1  }
0x49c: {  	[sflag:s28] =	ssyncset.done $0x0  }
0x49d: {  	[sflag:s28] =	ssyncadd.s32 $0xFFFFFC00  }
0x49e: {  	_ =	sfence.sel $0x180000  }
0x49f: {  	[bflag:$0x0] =	sbarrier.arrive $0xFFFF  }
0x4a0: {  	_ =	strace $0x90000047  }
0x4a1: {  	s0 =	stileid.u32;
	[bflag:$0x2] =	sbarrier.arrive $0xFFFF  }
0x4a2: {  	p0 =	sne.s32 s0, $0x0;
	s0 =	rddreg [dreg:$0x2]  }
0x4a3: {  	s0 =	sadd.s32 @!p0 $0x100000, s0  }
0x4a4: {  	[sflag:s0] =	ssyncadd.tile.s32 @!p0 $0x1;
	_ =	shalt  }
.Lfunc_end2:
_tile_overlayer_lowered:
.L_overlay_start_2:
0x4a5: {  	(tag) =	ssettag $0x2  }
0x4a6: {  	s0 =	rddreg [dreg:$0x0];
	s2 =	stileid.u32  }
0x4a7: {  	s1 =	rddreg [dreg:$0x1];
	p0 =	sne.s32 s2, $0x0  }
0x4a8: {  	s3 =	rddreg [dreg:$0x2];
	[bflag:$0x3] =	sbarrier.arrive $0xFFFF;
	s2 =	simm.s32 @!p0 $0x1C09  }
0x4a9: {  	[timem:s3], [sflag:s2] =	dma.local @!p0 [hbm:s0], s1  }
0x4aa: {  	s0 =	simm.s32 @!p0 $0x9  }
0x4ab: {  	_ =	swait.ge @!p0 [sflag:s0], s1  }
0x4ac: {  	s1 =	ssub.s32 @!p0 $0x0, s1;
	[sflag:s0] =	ssyncset.done @!p0 $0x0  }
0x4ad: {  	[sflag:s0] =	ssyncadd.s32 @!p0 s1  }
0x4ae: {  	[bflag:$0x3] =	sbarrier.arrive $0xFFFF  }
0x4af: {  	_ =	shalt  }

</sc_bundles>
